<compile_context>
chip_gen: v7x
topology: tpu7x:2x2x1
jax: 0.10.2.dev20260603
libtpu: 0.0.44.dev20260713+nightly
codegen_flags: <defaults>
</compile_context>

<pallas_src>
import functools

import jax
import jax.numpy as jnp
from jax import lax
from jax.experimental import pallas as pl
from jax.experimental.pallas import tpu as pltpu
from jax.experimental.pallas import tpu_sc as plsc

_NC = 2
_NS = 16
_L = 16
_NW = _NC * _NS


@functools.lru_cache(maxsize=None)
def _build_sc_add(B, S, D, CH):
    seq_per_w = S // _NW
    n_chunks = seq_per_w // CH
    n_col = D // _L
    G = 8
    mesh = plsc.VectorSubcoreMesh(
        core_axis_name="c", subcore_axis_name="s",
        num_cores=_NC, num_subcores=_NS)

    @functools.partial(
        pl.kernel,
        out_type=jax.ShapeDtypeStruct((B, S, D), jnp.float32),
        mesh=mesh,
        scratch_types=[
            pltpu.VMEM((12, B, CH, D), jnp.float32),
            pltpu.VMEM((4, CH, D), jnp.float32),
            pltpu.SemaphoreType.DMA((12,)),
            pltpu.SemaphoreType.DMA((12,)),
            pltpu.SemaphoreType.DMA((4,)),
        ],
    )
    def run(x_hbm, pe_hbm, out_hbm, x_sl, pe_sl, in_sems, out_sems,
            pe_sems):
        wid = lax.axis_index("s") * _NC + lax.axis_index("c")
        s_base = wid * seq_per_w

        def start_pe(t, p):
            pltpu.async_copy(pe_hbm.at[pl.ds(s_base + t * CH, CH)],
                             pe_sl.at[p], pe_sems.at[p])

        def wait_pe(t, p):
            pltpu.make_async_copy(pe_hbm.at[pl.ds(s_base + t * CH, CH)],
                                  pe_sl.at[p], pe_sems.at[p]).wait()

        def start_in(t, p):
            pltpu.async_copy(x_hbm.at[:, pl.ds(s_base + t * CH, CH)],
                             x_sl.at[p], in_sems.at[p])

        def wait_in(t, p):
            pltpu.make_async_copy(x_hbm.at[:, pl.ds(s_base + t * CH, CH)],
                                  x_sl.at[p], in_sems.at[p]).wait()

        def start_out(t, p):
            pltpu.async_copy(x_sl.at[p],
                             out_hbm.at[:, pl.ds(s_base + t * CH, CH)],
                             out_sems.at[p])

        def wait_out(t, p):
            pltpu.make_async_copy(x_sl.at[p],
                                  out_hbm.at[:, pl.ds(s_base + t * CH, CH)],
                                  out_sems.at[p]).wait()

        for t0 in range(4):
            start_pe(t0, t0)
            start_in(t0, t0)
        for t0 in range(4, 8):
            start_in(t0, t0)

        def body(t, carry):
            p = lax.rem(t, 12)
            pp = lax.rem(t, 4)
            q = lax.rem(t + 8, 12)
            wait_pe(t, pp)
            wait_in(t, p)

            @plsc.parallel_loop(0, CH)
            def _(r):
                for g in range(n_col // G):
                    cols = [(g * G + j) * _L for j in range(G)]
                    pe_vs = [pe_sl[pp, r, pl.ds(c, _L)] for c in cols]
                    for b in range(B):
                        for c, pv in zip(cols, pe_vs):
                            plsc.addupdate(x_sl.at[p, b, r, pl.ds(c, _L)],
                                           pv)

            start_out(t, p)

            @pl.when(t < n_chunks - 8)
            def _():
                @pl.when(t > 3)
                def _():
                    wait_out(t - 4, q)
                start_in(t + 8, q)

            @pl.when(t < n_chunks - 4)
            def _():
                start_pe(t + 4, pp)
            return carry

        lax.fori_loop(0, n_chunks, body, 0)

        for t in range(n_chunks - 12, n_chunks):
            wait_out(t, t % 12)

    return run


def kernel(x, pe):
    B, S, D = x.shape
    run = _build_sc_add(B, S, D, 2)
    return run(x, pe)

# --- scband reference (transcript-rebuilt; emitter-appended) ---
"""Pipeline reference for scband-positional-encoding-56667798503732 (READ-ONLY COPY).

The authoritative reference and input builder live on the scoring server;
editing this copy changes nothing except your own understanding.
"""

import jax, jax.numpy as jnp
import numpy as np

D_MODEL = 1024
MAX_LEN = 4096
BATCH = 4
SEQ_LEN = 4096

def _build_pe(max_len, d_model):
    position = np.arange(max_len, dtype=np.float64)[:, None]
    div_term = np.exp(np.arange(0, d_model, 2, dtype=np.float64) * (-np.log(10000.0) / d_model))
    pe = np.zeros((max_len, d_model), dtype=np.float32)
    pe[:, 0::2] = np.sin(position * div_term).astype(np.float32)
    pe[:, 1::2] = np.cos(position * div_term).astype(np.float32)
    return jnp.asarray(pe)

def setup_inputs(seed: int = 0) -> dict:
    key = jax.random.key(seed)
    x = jax.random.normal(key, (BATCH, SEQ_LEN, D_MODEL), dtype=jnp.float32)
    pe = _build_pe(MAX_LEN, D_MODEL)
    return {"x": x, "pe": pe}

def reference(x, pe):
    seq_len = x.shape[1]
    positions = jnp.arange(seq_len)
    # embedding lookup: gather rows of the position table, broadcast over batch
    pos_emb = jnp.take(pe, positions, axis=0)[None, :, :]
    # dropout p=0.0 -> identity
    return x + pos_emb

if __name__ == "__main__":
    import jax
    _d = setup_inputs()
    print(jax.jit(kernel)(*tuple(_d.values())))

</pallas_src>

<mosaic_0001>
#map = affine_map<(d0, d1) -> (0, 0, 0)>
#map1 = affine_map<(d0, d1) -> (0, 0)>
module attributes {stable_mosaic.version = 14 : i64} {
  func.func @run(%arg0: i32, %arg1: i32, %arg2: memref<4x4096x1024xf32, #tpu.memory_space<hbm>>, %arg3: memref<4096x1024xf32, #tpu.memory_space<hbm>>, %arg4: memref<4x4096x1024xf32, #tpu.memory_space<hbm>>, %arg5: memref<12x4x2x1024xf32, #tpu.memory_space<vmem>>, %arg6: memref<4x2x1024xf32, #tpu.memory_space<vmem>>, %arg7: memref<12x!tpu.dma_semaphore, #tpu.memory_space<semaphore_mem>>, %arg8: memref<12x!tpu.dma_semaphore, #tpu.memory_space<semaphore_mem>>, %arg9: memref<4x!tpu.dma_semaphore, #tpu.memory_space<semaphore_mem>>) attributes {dimension_semantics = [#tpu.dimension_semantics<core_parallel>, #tpu.dimension_semantics<subcore_parallel>], iteration_bounds = array<i64: 2, 16>, scalar_prefetch = 0 : i64, scratch_operands = 5 : i64, tpu.core_type = #tpu.core_type<sc_vector_subcore>, window_params = [{transform_indices = #map}, {transform_indices = #map1}, {transform_indices = #map}]} {
    %mul3A = arith.constant 2 : i32
    %mul3A_0 = arith.muli %arg1, %mul3A : i32
    %add3A = arith.addi %mul3A_0, %arg0 : i32
    %mul3A_1 = arith.constant 128 : i32
    %mul3A_2 = arith.muli %add3A, %mul3A_1 : i32
    %add3A_3 = arith.constant 0 : i32
    %add3A_4 = arith.addi %mul3A_2, %add3A_3 : i32
    %dma_start3A = arith.constant 0 : i32
    %dma_start3A_5 = arith.constant 0 : i32
    %dma_start3A_6 = arith.constant 0 : i32
    %dma_start3A_7 = arith.constant 0 : i32
    %dma_start3A_8 = tpu.memref_slice %arg6[%dma_start3A, %dma_start3A_6, %dma_start3A_7] : memref<4x2x1024xf32, #tpu.memory_space<vmem>> -> memref<1x2x1024xf32, #tpu.memory_space<vmem>>
    %dma_start3A_9 = tpu.memref_squeeze %dma_start3A_8 : memref<1x2x1024xf32, #tpu.memory_space<vmem>> -> memref<2x1024xf32, #tpu.memory_space<vmem>>
    %dma_start3A_10 = arith.constant 0 : i32
    %dma_start3A_11 = tpu.memref_slice %arg3[%add3A_4, %dma_start3A_10] : memref<4096x1024xf32, #tpu.memory_space<hbm>> -> memref<2x1024xf32, #tpu.memory_space<hbm>>
    %dma_start3A_12 = tpu.memref_slice %arg9[%dma_start3A_5] : memref<4x!tpu.dma_semaphore, #tpu.memory_space<semaphore_mem>> -> memref<1x!tpu.dma_semaphore, #tpu.memory_space<semaphore_mem>>
    %dma_start3A_13 = tpu.memref_squeeze %dma_start3A_12 : memref<1x!tpu.dma_semaphore, #tpu.memory_space<semaphore_mem>> -> memref<!tpu.dma_semaphore, #tpu.memory_space<semaphore_mem>>
    %dma_start3A_14 = arith.constant 0 : i32
    %dma_start3A_15 = arith.constant 0 : i32
    %dma_start3A_16 = tpu.memref_slice %arg6[%dma_start3A, %dma_start3A_14, %dma_start3A_15] : memref<4x2x1024xf32, #tpu.memory_space<vmem>> -> memref<1x2x1024xf32, #tpu.memory_space<vmem>>
    %dma_start3A_17 = tpu.memref_squeeze %dma_start3A_16 : memref<1x2x1024xf32, #tpu.memory_space<vmem>> -> memref<2x1024xf32, #tpu.memory_space<vmem>>
    %dma_start3A_18 = arith.constant 0 : i32
    %dma_start3A_19 = tpu.memref_slice %arg3[%add3A_4, %dma_start3A_18] : memref<4096x1024xf32, #tpu.memory_space<hbm>> -> memref<2x1024xf32, #tpu.memory_space<hbm>>
    tpu.enqueue_dma source(%dma_start3A_19 : memref<2x1024xf32, #tpu.memory_space<hbm>>) target(%dma_start3A_17 : memref<2x1024xf32, #tpu.memory_space<vmem>>) target_semaphore(%dma_start3A_13 : memref<!tpu.dma_semaphore, #tpu.memory_space<semaphore_mem>>)
    %add3A_20 = arith.constant 0 : i32
    %add3A_21 = arith.addi %mul3A_2, %add3A_20 : i32
    %dma_start3A_22 = arith.constant 0 : i32
    %dma_start3A_23 = arith.constant 0 : i32
    %dma_start3A_24 = arith.constant 0 : i32
    %dma_start3A_25 = arith.constant 0 : i32
    %dma_start3A_26 = arith.constant 0 : i32
    %dma_start3A_27 = tpu.memref_slice %arg5[%dma_start3A_22, %dma_start3A_24, %dma_start3A_25, %dma_start3A_26] : memref<12x4x2x1024xf32, #tpu.memory_space<vmem>> -> memref<1x4x2x1024xf32, #tpu.memory_space<vmem>>
    %dma_start3A_28 = tpu.memref_squeeze %dma_start3A_27 : memref<1x4x2x1024xf32, #tpu.memory_space<vmem>> -> memref<4x2x1024xf32, #tpu.memory_space<vmem>>
    %dma_start3A_29 = arith.constant 0 : i32
    %dma_start3A_30 = arith.constant 0 : i32
    %dma_start3A_31 = tpu.memref_slice %arg2[%dma_start3A_29, %add3A_21, %dma_start3A_30] : memref<4x4096x1024xf32, #tpu.memory_space<hbm>> -> memref<4x2x1024xf32, #tpu.memory_space<hbm>>
    %dma_start3A_32 = tpu.memref_slice %arg7[%dma_start3A_23] : memref<12x!tpu.dma_semaphore, #tpu.memory_space<semaphore_mem>> -> memref<1x!tpu.dma_semaphore, #tpu.memory_space<semaphore_mem>>
    %dma_start3A_33 = tpu.memref_squeeze %dma_start3A_32 : memref<1x!tpu.dma_semaphore, #tpu.memory_space<semaphore_mem>> -> memref<!tpu.dma_semaphore, #tpu.memory_space<semaphore_mem>>
    %dma_start3A_34 = arith.constant 0 : i32
    %dma_start3A_35 = arith.constant 0 : i32
    %dma_start3A_36 = arith.constant 0 : i32
    %dma_start3A_37 = tpu.memref_slice %arg5[%dma_start3A_22, %dma_start3A_34, %dma_start3A_35, %dma_start3A_36] : memref<12x4x2x1024xf32, #tpu.memory_space<vmem>> -> memref<1x4x2x1024xf32, #tpu.memory_space<vmem>>
    %dma_start3A_38 = tpu.memref_squeeze %dma_start3A_37 : memref<1x4x2x1024xf32, #tpu.memory_space<vmem>> -> memref<4x2x1024xf32, #tpu.memory_space<vmem>>
    %dma_start3A_39 = arith.constant 0 : i32
    %dma_start3A_40 = arith.constant 0 : i32
    %dma_start3A_41 = tpu.memref_slice %arg2[%dma_start3A_39, %add3A_21, %dma_start3A_40] : memref<4x4096x1024xf32, #tpu.memory_space<hbm>> -> memref<4x2x1024xf32, #tpu.memory_space<hbm>>
    tpu.enqueue_dma source(%dma_start3A_41 : memref<4x2x1024xf32, #tpu.memory_space<hbm>>) target(%dma_start3A_38 : memref<4x2x1024xf32, #tpu.memory_space<vmem>>) target_semaphore(%dma_start3A_33 : memref<!tpu.dma_semaphore, #tpu.memory_space<semaphore_mem>>)
    %add3A_42 = arith.constant 2 : i32
    %add3A_43 = arith.addi %mul3A_2, %add3A_42 : i32
    %dma_start3A_44 = arith.constant 1 : i32
    %dma_start3A_45 = arith.constant 1 : i32
    %dma_start3A_46 = arith.constant 0 : i32
    %dma_start3A_47 = arith.constant 0 : i32
    %dma_start3A_48 = tpu.memref_slice %arg6[%dma_start3A_44, %dma_start3A_46, %dma_start3A_47] : memref<4x2x1024xf32, #tpu.memory_space<vmem>> -> memref<1x2x1024xf32, #tpu.memory_space<vmem>>
    %dma_start3A_49 = tpu.memref_squeeze %dma_start3A_48 : memref<1x2x1024xf32, #tpu.memory_space<vmem>> -> memref<2x1024xf32, #tpu.memory_space<vmem>>
    %dma_start3A_50 = arith.constant 0 : i32
    %dma_start3A_51 = tpu.memref_slice %arg3[%add3A_43, %dma_start3A_50] : memref<4096x1024xf32, #tpu.memory_space<hbm>> -> memref<2x1024xf32, #tpu.memory_space<hbm>>
    %dma_start3A_52 = tpu.memref_slice %arg9[%dma_start3A_45] : memref<4x!tpu.dma_semaphore, #tpu.memory_space<semaphore_mem>> -> memref<1x!tpu.dma_semaphore, #tpu.memory_space<semaphore_mem>>
    %dma_start3A_53 = tpu.memref_squeeze %dma_start3A_52 : memref<1x!tpu.dma_semaphore, #tpu.memory_space<semaphore_mem>> -> memref<!tpu.dma_semaphore, #tpu.memory_space<semaphore_mem>>
    %dma_start3A_54 = arith.constant 0 : i32
    %dma_start3A_55 = arith.constant 0 : i32
    %dma_start3A_56 = tpu.memref_slice %arg6[%dma_start3A_44, %dma_start3A_54, %dma_start3A_55] : memref<4x2x1024xf32, #tpu.memory_space<vmem>> -> memref<1x2x1024xf32, #tpu.memory_space<vmem>>
    %dma_start3A_57 = tpu.memref_squeeze %dma_start3A_56 : memref<1x2x1024xf32, #tpu.memory_space<vmem>> -> memref<2x1024xf32, #tpu.memory_space<vmem>>
    %dma_start3A_58 = arith.constant 0 : i32
    %dma_start3A_59 = tpu.memref_slice %arg3[%add3A_43, %dma_start3A_58] : memref<4096x1024xf32, #tpu.memory_space<hbm>> -> memref<2x1024xf32, #tpu.memory_space<hbm>>
    tpu.enqueue_dma source(%dma_start3A_59 : memref<2x1024xf32, #tpu.memory_space<hbm>>) target(%dma_start3A_57 : memref<2x1024xf32, #tpu.memory_space<vmem>>) target_semaphore(%dma_start3A_53 : memref<!tpu.dma_semaphore, #tpu.memory_space<semaphore_mem>>)
    %add3A_60 = arith.constant 2 : i32
    %add3A_61 = arith.addi %mul3A_2, %add3A_60 : i32
    %dma_start3A_62 = arith.constant 1 : i32
    %dma_start3A_63 = arith.constant 1 : i32
    %dma_start3A_64 = arith.constant 0 : i32
    %dma_start3A_65 = arith.constant 0 : i32
    %dma_start3A_66 = arith.constant 0 : i32
    %dma_start3A_67 = tpu.memref_slice %arg5[%dma_start3A_62, %dma_start3A_64, %dma_start3A_65, %dma_start3A_66] : memref<12x4x2x1024xf32, #tpu.memory_space<vmem>> -> memref<1x4x2x1024xf32, #tpu.memory_space<vmem>>
    %dma_start3A_68 = tpu.memref_squeeze %dma_start3A_67 : memref<1x4x2x1024xf32, #tpu.memory_space<vmem>> -> memref<4x2x1024xf32, #tpu.memory_space<vmem>>
    %dma_start3A_69 = arith.constant 0 : i32
    %dma_start3A_70 = arith.constant 0 : i32
    %dma_start3A_71 = tpu.memref_slice %arg2[%dma_start3A_69, %add3A_61, %dma_start3A_70] : memref<4x4096x1024xf32, #tpu.memory_space<hbm>> -> memref<4x2x1024xf32, #tpu.memory_space<hbm>>
    %dma_start3A_72 = tpu.memref_slice %arg7[%dma_start3A_63] : memref<12x!tpu.dma_semaphore, #tpu.memory_space<semaphore_mem>> -> memref<1x!tpu.dma_semaphore, #tpu.memory_space<semaphore_mem>>
    %dma_start3A_73 = tpu.memref_squeeze %dma_start3A_72 : memref<1x!tpu.dma_semaphore, #tpu.memory_space<semaphore_mem>> -> memref<!tpu.dma_semaphore, #tpu.memory_space<semaphore_mem>>
    %dma_start3A_74 = arith.constant 0 : i32
    %dma_start3A_75 = arith.constant 0 : i32
    %dma_start3A_76 = arith.constant 0 : i32
    %dma_start3A_77 = tpu.memref_slice %arg5[%dma_start3A_62, %dma_start3A_74, %dma_start3A_75, %dma_start3A_76] : memref<12x4x2x1024xf32, #tpu.memory_space<vmem>> -> memref<1x4x2x1024xf32, #tpu.memory_space<vmem>>
    %dma_start3A_78 = tpu.memref_squeeze %dma_start3A_77 : memref<1x4x2x1024xf32, #tpu.memory_space<vmem>> -> memref<4x2x1024xf32, #tpu.memory_space<vmem>>
    %dma_start3A_79 = arith.constant 0 : i32
    %dma_start3A_80 = arith.constant 0 : i32
    %dma_start3A_81 = tpu.memref_slice %arg2[%dma_start3A_79, %add3A_61, %dma_start3A_80] : memref<4x4096x1024xf32, #tpu.memory_space<hbm>> -> memref<4x2x1024xf32, #tpu.memory_space<hbm>>
    tpu.enqueue_dma source(%dma_start3A_81 : memref<4x2x1024xf32, #tpu.memory_space<hbm>>) target(%dma_start3A_78 : memref<4x2x1024xf32, #tpu.memory_space<vmem>>) target_semaphore(%dma_start3A_73 : memref<!tpu.dma_semaphore, #tpu.memory_space<semaphore_mem>>)
    %add3A_82 = arith.constant 4 : i32
    %add3A_83 = arith.addi %mul3A_2, %add3A_82 : i32
    %dma_start3A_84 = arith.constant 2 : i32
    %dma_start3A_85 = arith.constant 2 : i32
    %dma_start3A_86 = arith.constant 0 : i32
    %dma_start3A_87 = arith.constant 0 : i32
    %dma_start3A_88 = tpu.memref_slice %arg6[%dma_start3A_84, %dma_start3A_86, %dma_start3A_87] : memref<4x2x1024xf32, #tpu.memory_space<vmem>> -> memref<1x2x1024xf32, #tpu.memory_space<vmem>>
    %dma_start3A_89 = tpu.memref_squeeze %dma_start3A_88 : memref<1x2x1024xf32, #tpu.memory_space<vmem>> -> memref<2x1024xf32, #tpu.memory_space<vmem>>
    %dma_start3A_90 = arith.constant 0 : i32
    %dma_start3A_91 = tpu.memref_slice %arg3[%add3A_83, %dma_start3A_90] : memref<4096x1024xf32, #tpu.memory_space<hbm>> -> memref<2x1024xf32, #tpu.memory_space<hbm>>
    %dma_start3A_92 = tpu.memref_slice %arg9[%dma_start3A_85] : memref<4x!tpu.dma_semaphore, #tpu.memory_space<semaphore_mem>> -> memref<1x!tpu.dma_semaphore, #tpu.memory_space<semaphore_mem>>
    %dma_start3A_93 = tpu.memref_squeeze %dma_start3A_92 : memref<1x!tpu.dma_semaphore, #tpu.memory_space<semaphore_mem>> -> memref<!tpu.dma_semaphore, #tpu.memory_space<semaphore_mem>>
    %dma_start3A_94 = arith.constant 0 : i32
    %dma_start3A_95 = arith.constant 0 : i32
    %dma_start3A_96 = tpu.memref_slice %arg6[%dma_start3A_84, %dma_start3A_94, %dma_start3A_95] : memref<4x2x1024xf32, #tpu.memory_space<vmem>> -> memref<1x2x1024xf32, #tpu.memory_space<vmem>>
    %dma_start3A_97 = tpu.memref_squeeze %dma_start3A_96 : memref<1x2x1024xf32, #tpu.memory_space<vmem>> -> memref<2x1024xf32, #tpu.memory_space<vmem>>
    %dma_start3A_98 = arith.constant 0 : i32
    %dma_start3A_99 = tpu.memref_slice %arg3[%add3A_83, %dma_start3A_98] : memref<4096x1024xf32, #tpu.memory_space<hbm>> -> memref<2x1024xf32, #tpu.memory_space<hbm>>
    tpu.enqueue_dma source(%dma_start3A_99 : memref<2x1024xf32, #tpu.memory_space<hbm>>) target(%dma_start3A_97 : memref<2x1024xf32, #tpu.memory_space<vmem>>) target_semaphore(%dma_start3A_93 : memref<!tpu.dma_semaphore, #tpu.memory_space<semaphore_mem>>)
    %add3A_100 = arith.constant 4 : i32
    %add3A_101 = arith.addi %mul3A_2, %add3A_100 : i32
    %dma_start3A_102 = arith.constant 2 : i32
    %dma_start3A_103 = arith.constant 2 : i32
    %dma_start3A_104 = arith.constant 0 : i32
    %dma_start3A_105 = arith.constant 0 : i32
    %dma_start3A_106 = arith.constant 0 : i32
    %dma_start3A_107 = tpu.memref_slice %arg5[%dma_start3A_102, %dma_start3A_104, %dma_start3A_105, %dma_start3A_106] : memref<12x4x2x1024xf32, #tpu.memory_space<vmem>> -> memref<1x4x2x1024xf32, #tpu.memory_space<vmem>>
    %dma_start3A_108 = tpu.memref_squeeze %dma_start3A_107 : memref<1x4x2x1024xf32, #tpu.memory_space<vmem>> -> memref<4x2x1024xf32, #tpu.memory_space<vmem>>
    %dma_start3A_109 = arith.constant 0 : i32
    %dma_start3A_110 = arith.constant 0 : i32
    %dma_start3A_111 = tpu.memref_slice %arg2[%dma_start3A_109, %add3A_101, %dma_start3A_110] : memref<4x4096x1024xf32, #tpu.memory_space<hbm>> -> memref<4x2x1024xf32, #tpu.memory_space<hbm>>
    %dma_start3A_112 = tpu.memref_slice %arg7[%dma_start3A_103] : memref<12x!tpu.dma_semaphore, #tpu.memory_space<semaphore_mem>> -> memref<1x!tpu.dma_semaphore, #tpu.memory_space<semaphore_mem>>
    %dma_start3A_113 = tpu.memref_squeeze %dma_start3A_112 : memref<1x!tpu.dma_semaphore, #tpu.memory_space<semaphore_mem>> -> memref<!tpu.dma_semaphore, #tpu.memory_space<semaphore_mem>>
    %dma_start3A_114 = arith.constant 0 : i32
    %dma_start3A_115 = arith.constant 0 : i32
    %dma_start3A_116 = arith.constant 0 : i32
    %dma_start3A_117 = tpu.memref_slice %arg5[%dma_start3A_102, %dma_start3A_114, %dma_start3A_115, %dma_start3A_116] : memref<12x4x2x1024xf32, #tpu.memory_space<vmem>> -> memref<1x4x2x1024xf32, #tpu.memory_space<vmem>>
    %dma_start3A_118 = tpu.memref_squeeze %dma_start3A_117 : memref<1x4x2x1024xf32, #tpu.memory_space<vmem>> -> memref<4x2x1024xf32, #tpu.memory_space<vmem>>
    %dma_start3A_119 = arith.constant 0 : i32
    %dma_start3A_120 = arith.constant 0 : i32
    %dma_start3A_121 = tpu.memref_slice %arg2[%dma_start3A_119, %add3A_101, %dma_start3A_120] : memref<4x4096x1024xf32, #tpu.memory_space<hbm>> -> memref<4x2x1024xf32, #tpu.memory_space<hbm>>
    tpu.enqueue_dma source(%dma_start3A_121 : memref<4x2x1024xf32, #tpu.memory_space<hbm>>) target(%dma_start3A_118 : memref<4x2x1024xf32, #tpu.memory_space<vmem>>) target_semaphore(%dma_start3A_113 : memref<!tpu.dma_semaphore, #tpu.memory_space<semaphore_mem>>)
    %add3A_122 = arith.constant 6 : i32
    %add3A_123 = arith.addi %mul3A_2, %add3A_122 : i32
    %dma_start3A_124 = arith.constant 3 : i32
    %dma_start3A_125 = arith.constant 3 : i32
    %dma_start3A_126 = arith.constant 0 : i32
    %dma_start3A_127 = arith.constant 0 : i32
    %dma_start3A_128 = tpu.memref_slice %arg6[%dma_start3A_124, %dma_start3A_126, %dma_start3A_127] : memref<4x2x1024xf32, #tpu.memory_space<vmem>> -> memref<1x2x1024xf32, #tpu.memory_space<vmem>>
    %dma_start3A_129 = tpu.memref_squeeze %dma_start3A_128 : memref<1x2x1024xf32, #tpu.memory_space<vmem>> -> memref<2x1024xf32, #tpu.memory_space<vmem>>
    %dma_start3A_130 = arith.constant 0 : i32
    %dma_start3A_131 = tpu.memref_slice %arg3[%add3A_123, %dma_start3A_130] : memref<4096x1024xf32, #tpu.memory_space<hbm>> -> memref<2x1024xf32, #tpu.memory_space<hbm>>
    %dma_start3A_132 = tpu.memref_slice %arg9[%dma_start3A_125] : memref<4x!tpu.dma_semaphore, #tpu.memory_space<semaphore_mem>> -> memref<1x!tpu.dma_semaphore, #tpu.memory_space<semaphore_mem>>
    %dma_start3A_133 = tpu.memref_squeeze %dma_start3A_132 : memref<1x!tpu.dma_semaphore, #tpu.memory_space<semaphore_mem>> -> memref<!tpu.dma_semaphore, #tpu.memory_space<semaphore_mem>>
    %dma_start3A_134 = arith.constant 0 : i32
    %dma_start3A_135 = arith.constant 0 : i32
    %dma_start3A_136 = tpu.memref_slice %arg6[%dma_start3A_124, %dma_start3A_134, %dma_start3A_135] : memref<4x2x1024xf32, #tpu.memory_space<vmem>> -> memref<1x2x1024xf32, #tpu.memory_space<vmem>>
    %dma_start3A_137 = tpu.memref_squeeze %dma_start3A_136 : memref<1x2x1024xf32, #tpu.memory_space<vmem>> -> memref<2x1024xf32, #tpu.memory_space<vmem>>
    %dma_start3A_138 = arith.constant 0 : i32
    %dma_start3A_139 = tpu.memref_slice %arg3[%add3A_123, %dma_start3A_138] : memref<4096x1024xf32, #tpu.memory_space<hbm>> -> memref<2x1024xf32, #tpu.memory_space<hbm>>
    tpu.enqueue_dma source(%dma_start3A_139 : memref<2x1024xf32, #tpu.memory_space<hbm>>) target(%dma_start3A_137 : memref<2x1024xf32, #tpu.memory_space<vmem>>) target_semaphore(%dma_start3A_133 : memref<!tpu.dma_semaphore, #tpu.memory_space<semaphore_mem>>)
    %add3A_140 = arith.constant 6 : i32
    %add3A_141 = arith.addi %mul3A_2, %add3A_140 : i32
    %dma_start3A_142 = arith.constant 3 : i32
    %dma_start3A_143 = arith.constant 3 : i32
    %dma_start3A_144 = arith.constant 0 : i32
    %dma_start3A_145 = arith.constant 0 : i32
    %dma_start3A_146 = arith.constant 0 : i32
    %dma_start3A_147 = tpu.memref_slice %arg5[%dma_start3A_142, %dma_start3A_144, %dma_start3A_145, %dma_start3A_146] : memref<12x4x2x1024xf32, #tpu.memory_space<vmem>> -> memref<1x4x2x1024xf32, #tpu.memory_space<vmem>>
    %dma_start3A_148 = tpu.memref_squeeze %dma_start3A_147 : memref<1x4x2x1024xf32, #tpu.memory_space<vmem>> -> memref<4x2x1024xf32, #tpu.memory_space<vmem>>
    %dma_start3A_149 = arith.constant 0 : i32
    %dma_start3A_150 = arith.constant 0 : i32
    %dma_start3A_151 = tpu.memref_slice %arg2[%dma_start3A_149, %add3A_141, %dma_start3A_150] : memref<4x4096x1024xf32, #tpu.memory_space<hbm>> -> memref<4x2x1024xf32, #tpu.memory_space<hbm>>
    %dma_start3A_152 = tpu.memref_slice %arg7[%dma_start3A_143] : memref<12x!tpu.dma_semaphore, #tpu.memory_space<semaphore_mem>> -> memref<1x!tpu.dma_semaphore, #tpu.memory_space<semaphore_mem>>
    %dma_start3A_153 = tpu.memref_squeeze %dma_start3A_152 : memref<1x!tpu.dma_semaphore, #tpu.memory_space<semaphore_mem>> -> memref<!tpu.dma_semaphore, #tpu.memory_space<semaphore_mem>>
    %dma_start3A_154 = arith.constant 0 : i32
    %dma_start3A_155 = arith.constant 0 : i32
    %dma_start3A_156 = arith.constant 0 : i32
    %dma_start3A_157 = tpu.memref_slice %arg5[%dma_start3A_142, %dma_start3A_154, %dma_start3A_155, %dma_start3A_156] : memref<12x4x2x1024xf32, #tpu.memory_space<vmem>> -> memref<1x4x2x1024xf32, #tpu.memory_space<vmem>>
    %dma_start3A_158 = tpu.memref_squeeze %dma_start3A_157 : memref<1x4x2x1024xf32, #tpu.memory_space<vmem>> -> memref<4x2x1024xf32, #tpu.memory_space<vmem>>
    %dma_start3A_159 = arith.constant 0 : i32
    %dma_start3A_160 = arith.constant 0 : i32
    %dma_start3A_161 = tpu.memref_slice %arg2[%dma_start3A_159, %add3A_141, %dma_start3A_160] : memref<4x4096x1024xf32, #tpu.memory_space<hbm>> -> memref<4x2x1024xf32, #tpu.memory_space<hbm>>
    tpu.enqueue_dma source(%dma_start3A_161 : memref<4x2x1024xf32, #tpu.memory_space<hbm>>) target(%dma_start3A_158 : memref<4x2x1024xf32, #tpu.memory_space<vmem>>) target_semaphore(%dma_start3A_153 : memref<!tpu.dma_semaphore, #tpu.memory_space<semaphore_mem>>)
    %add3A_162 = arith.constant 8 : i32
    %add3A_163 = arith.addi %mul3A_2, %add3A_162 : i32
    %dma_start3A_164 = arith.constant 4 : i32
    %dma_start3A_165 = arith.constant 4 : i32
    %dma_start3A_166 = arith.constant 0 : i32
    %dma_start3A_167 = arith.constant 0 : i32
    %dma_start3A_168 = arith.constant 0 : i32
    %dma_start3A_169 = tpu.memref_slice %arg5[%dma_start3A_164, %dma_start3A_166, %dma_start3A_167, %dma_start3A_168] : memref<12x4x2x1024xf32, #tpu.memory_space<vmem>> -> memref<1x4x2x1024xf32, #tpu.memory_space<vmem>>
    %dma_start3A_170 = tpu.memref_squeeze %dma_start3A_169 : memref<1x4x2x1024xf32, #tpu.memory_space<vmem>> -> memref<4x2x1024xf32, #tpu.memory_space<vmem>>
    %dma_start3A_171 = arith.constant 0 : i32
    %dma_start3A_172 = arith.constant 0 : i32
    %dma_start3A_173 = tpu.memref_slice %arg2[%dma_start3A_171, %add3A_163, %dma_start3A_172] : memref<4x4096x1024xf32, #tpu.memory_space<hbm>> -> memref<4x2x1024xf32, #tpu.memory_space<hbm>>
    %dma_start3A_174 = tpu.memref_slice %arg7[%dma_start3A_165] : memref<12x!tpu.dma_semaphore, #tpu.memory_space<semaphore_mem>> -> memref<1x!tpu.dma_semaphore, #tpu.memory_space<semaphore_mem>>
    %dma_start3A_175 = tpu.memref_squeeze %dma_start3A_174 : memref<1x!tpu.dma_semaphore, #tpu.memory_space<semaphore_mem>> -> memref<!tpu.dma_semaphore, #tpu.memory_space<semaphore_mem>>
    %dma_start3A_176 = arith.constant 0 : i32
    %dma_start3A_177 = arith.constant 0 : i32
    %dma_start3A_178 = arith.constant 0 : i32
    %dma_start3A_179 = tpu.memref_slice %arg5[%dma_start3A_164, %dma_start3A_176, %dma_start3A_177, %dma_start3A_178] : memref<12x4x2x1024xf32, #tpu.memory_space<vmem>> -> memref<1x4x2x1024xf32, #tpu.memory_space<vmem>>
    %dma_start3A_180 = tpu.memref_squeeze %dma_start3A_179 : memref<1x4x2x1024xf32, #tpu.memory_space<vmem>> -> memref<4x2x1024xf32, #tpu.memory_space<vmem>>
    %dma_start3A_181 = arith.constant 0 : i32
    %dma_start3A_182 = arith.constant 0 : i32
    %dma_start3A_183 = tpu.memref_slice %arg2[%dma_start3A_181, %add3A_163, %dma_start3A_182] : memref<4x4096x1024xf32, #tpu.memory_space<hbm>> -> memref<4x2x1024xf32, #tpu.memory_space<hbm>>
    tpu.enqueue_dma source(%dma_start3A_183 : memref<4x2x1024xf32, #tpu.memory_space<hbm>>) target(%dma_start3A_180 : memref<4x2x1024xf32, #tpu.memory_space<vmem>>) target_semaphore(%dma_start3A_175 : memref<!tpu.dma_semaphore, #tpu.memory_space<semaphore_mem>>)
    %add3A_184 = arith.constant 10 : i32
    %add3A_185 = arith.addi %mul3A_2, %add3A_184 : i32
    %dma_start3A_186 = arith.constant 5 : i32
    %dma_start3A_187 = arith.constant 5 : i32
    %dma_start3A_188 = arith.constant 0 : i32
    %dma_start3A_189 = arith.constant 0 : i32
    %dma_start3A_190 = arith.constant 0 : i32
    %dma_start3A_191 = tpu.memref_slice %arg5[%dma_start3A_186, %dma_start3A_188, %dma_start3A_189, %dma_start3A_190] : memref<12x4x2x1024xf32, #tpu.memory_space<vmem>> -> memref<1x4x2x1024xf32, #tpu.memory_space<vmem>>
    %dma_start3A_192 = tpu.memref_squeeze %dma_start3A_191 : memref<1x4x2x1024xf32, #tpu.memory_space<vmem>> -> memref<4x2x1024xf32, #tpu.memory_space<vmem>>
    %dma_start3A_193 = arith.constant 0 : i32
    %dma_start3A_194 = arith.constant 0 : i32
    %dma_start3A_195 = tpu.memref_slice %arg2[%dma_start3A_193, %add3A_185, %dma_start3A_194] : memref<4x4096x1024xf32, #tpu.memory_space<hbm>> -> memref<4x2x1024xf32, #tpu.memory_space<hbm>>
    %dma_start3A_196 = tpu.memref_slice %arg7[%dma_start3A_187] : memref<12x!tpu.dma_semaphore, #tpu.memory_space<semaphore_mem>> -> memref<1x!tpu.dma_semaphore, #tpu.memory_space<semaphore_mem>>
    %dma_start3A_197 = tpu.memref_squeeze %dma_start3A_196 : memref<1x!tpu.dma_semaphore, #tpu.memory_space<semaphore_mem>> -> memref<!tpu.dma_semaphore, #tpu.memory_space<semaphore_mem>>
    %dma_start3A_198 = arith.constant 0 : i32
    %dma_start3A_199 = arith.constant 0 : i32
    %dma_start3A_200 = arith.constant 0 : i32
    %dma_start3A_201 = tpu.memref_slice %arg5[%dma_start3A_186, %dma_start3A_198, %dma_start3A_199, %dma_start3A_200] : memref<12x4x2x1024xf32, #tpu.memory_space<vmem>> -> memref<1x4x2x1024xf32, #tpu.memory_space<vmem>>
    %dma_start3A_202 = tpu.memref_squeeze %dma_start3A_201 : memref<1x4x2x1024xf32, #tpu.memory_space<vmem>> -> memref<4x2x1024xf32, #tpu.memory_space<vmem>>
    %dma_start3A_203 = arith.constant 0 : i32
    %dma_start3A_204 = arith.constant 0 : i32
    %dma_start3A_205 = tpu.memref_slice %arg2[%dma_start3A_203, %add3A_185, %dma_start3A_204] : memref<4x4096x1024xf32, #tpu.memory_space<hbm>> -> memref<4x2x1024xf32, #tpu.memory_space<hbm>>
    tpu.enqueue_dma source(%dma_start3A_205 : memref<4x2x1024xf32, #tpu.memory_space<hbm>>) target(%dma_start3A_202 : memref<4x2x1024xf32, #tpu.memory_space<vmem>>) target_semaphore(%dma_start3A_197 : memref<!tpu.dma_semaphore, #tpu.memory_space<semaphore_mem>>)
    %add3A_206 = arith.constant 12 : i32
    %add3A_207 = arith.addi %mul3A_2, %add3A_206 : i32
    %dma_start3A_208 = arith.constant 6 : i32
    %dma_start3A_209 = arith.constant 6 : i32
    %dma_start3A_210 = arith.constant 0 : i32
    %dma_start3A_211 = arith.constant 0 : i32
    %dma_start3A_212 = arith.constant 0 : i32
    %dma_start3A_213 = tpu.memref_slice %arg5[%dma_start3A_208, %dma_start3A_210, %dma_start3A_211, %dma_start3A_212] : memref<12x4x2x1024xf32, #tpu.memory_space<vmem>> -> memref<1x4x2x1024xf32, #tpu.memory_space<vmem>>
    %dma_start3A_214 = tpu.memref_squeeze %dma_start3A_213 : memref<1x4x2x1024xf32, #tpu.memory_space<vmem>> -> memref<4x2x1024xf32, #tpu.memory_space<vmem>>
    %dma_start3A_215 = arith.constant 0 : i32
    %dma_start3A_216 = arith.constant 0 : i32
    %dma_start3A_217 = tpu.memref_slice %arg2[%dma_start3A_215, %add3A_207, %dma_start3A_216] : memref<4x4096x1024xf32, #tpu.memory_space<hbm>> -> memref<4x2x1024xf32, #tpu.memory_space<hbm>>
    %dma_start3A_218 = tpu.memref_slice %arg7[%dma_start3A_209] : memref<12x!tpu.dma_semaphore, #tpu.memory_space<semaphore_mem>> -> memref<1x!tpu.dma_semaphore, #tpu.memory_space<semaphore_mem>>
    %dma_start3A_219 = tpu.memref_squeeze %dma_start3A_218 : memref<1x!tpu.dma_semaphore, #tpu.memory_space<semaphore_mem>> -> memref<!tpu.dma_semaphore, #tpu.memory_space<semaphore_mem>>
    %dma_start3A_220 = arith.constant 0 : i32
    %dma_start3A_221 = arith.constant 0 : i32
    %dma_start3A_222 = arith.constant 0 : i32
    %dma_start3A_223 = tpu.memref_slice %arg5[%dma_start3A_208, %dma_start3A_220, %dma_start3A_221, %dma_start3A_222] : memref<12x4x2x1024xf32, #tpu.memory_space<vmem>> -> memref<1x4x2x1024xf32, #tpu.memory_space<vmem>>
    %dma_start3A_224 = tpu.memref_squeeze %dma_start3A_223 : memref<1x4x2x1024xf32, #tpu.memory_space<vmem>> -> memref<4x2x1024xf32, #tpu.memory_space<vmem>>
    %dma_start3A_225 = arith.constant 0 : i32
    %dma_start3A_226 = arith.constant 0 : i32
    %dma_start3A_227 = tpu.memref_slice %arg2[%dma_start3A_225, %add3A_207, %dma_start3A_226] : memref<4x4096x1024xf32, #tpu.memory_space<hbm>> -> memref<4x2x1024xf32, #tpu.memory_space<hbm>>
    tpu.enqueue_dma source(%dma_start3A_227 : memref<4x2x1024xf32, #tpu.memory_space<hbm>>) target(%dma_start3A_224 : memref<4x2x1024xf32, #tpu.memory_space<vmem>>) target_semaphore(%dma_start3A_219 : memref<!tpu.dma_semaphore, #tpu.memory_space<semaphore_mem>>)
    %add3A_228 = arith.constant 14 : i32
    %add3A_229 = arith.addi %mul3A_2, %add3A_228 : i32
    %dma_start3A_230 = arith.constant 7 : i32
    %dma_start3A_231 = arith.constant 7 : i32
    %dma_start3A_232 = arith.constant 0 : i32
    %dma_start3A_233 = arith.constant 0 : i32
    %dma_start3A_234 = arith.constant 0 : i32
    %dma_start3A_235 = tpu.memref_slice %arg5[%dma_start3A_230, %dma_start3A_232, %dma_start3A_233, %dma_start3A_234] : memref<12x4x2x1024xf32, #tpu.memory_space<vmem>> -> memref<1x4x2x1024xf32, #tpu.memory_space<vmem>>
    %dma_start3A_236 = tpu.memref_squeeze %dma_start3A_235 : memref<1x4x2x1024xf32, #tpu.memory_space<vmem>> -> memref<4x2x1024xf32, #tpu.memory_space<vmem>>
    %dma_start3A_237 = arith.constant 0 : i32
    %dma_start3A_238 = arith.constant 0 : i32
    %dma_start3A_239 = tpu.memref_slice %arg2[%dma_start3A_237, %add3A_229, %dma_start3A_238] : memref<4x4096x1024xf32, #tpu.memory_space<hbm>> -> memref<4x2x1024xf32, #tpu.memory_space<hbm>>
    %dma_start3A_240 = tpu.memref_slice %arg7[%dma_start3A_231] : memref<12x!tpu.dma_semaphore, #tpu.memory_space<semaphore_mem>> -> memref<1x!tpu.dma_semaphore, #tpu.memory_space<semaphore_mem>>
    %dma_start3A_241 = tpu.memref_squeeze %dma_start3A_240 : memref<1x!tpu.dma_semaphore, #tpu.memory_space<semaphore_mem>> -> memref<!tpu.dma_semaphore, #tpu.memory_space<semaphore_mem>>
    %dma_start3A_242 = arith.constant 0 : i32
    %dma_start3A_243 = arith.constant 0 : i32
    %dma_start3A_244 = arith.constant 0 : i32
    %dma_start3A_245 = tpu.memref_slice %arg5[%dma_start3A_230, %dma_start3A_242, %dma_start3A_243, %dma_start3A_244] : memref<12x4x2x1024xf32, #tpu.memory_space<vmem>> -> memref<1x4x2x1024xf32, #tpu.memory_space<vmem>>
    %dma_start3A_246 = tpu.memref_squeeze %dma_start3A_245 : memref<1x4x2x1024xf32, #tpu.memory_space<vmem>> -> memref<4x2x1024xf32, #tpu.memory_space<vmem>>
    %dma_start3A_247 = arith.constant 0 : i32
    %dma_start3A_248 = arith.constant 0 : i32
    %dma_start3A_249 = tpu.memref_slice %arg2[%dma_start3A_247, %add3A_229, %dma_start3A_248] : memref<4x4096x1024xf32, #tpu.memory_space<hbm>> -> memref<4x2x1024xf32, #tpu.memory_space<hbm>>
    tpu.enqueue_dma source(%dma_start3A_249 : memref<4x2x1024xf32, #tpu.memory_space<hbm>>) target(%dma_start3A_246 : memref<4x2x1024xf32, #tpu.memory_space<vmem>>) target_semaphore(%dma_start3A_241 : memref<!tpu.dma_semaphore, #tpu.memory_space<semaphore_mem>>)
    %scan3A = arith.constant 0 : i32
    %scan3A_250 = arith.constant 0 : i32
    %scan3A_251 = arith.constant 64 : i32
    %scan3A_252 = arith.addi %scan3A_250, %scan3A_251 : i32
    %scan3A_253 = arith.constant 1 : i32
    scf.for %scan3A_518 = %scan3A_250 to %scan3A_252 step %scan3A_253  : i32 {
      %rem3A = arith.constant 12 : i32
      %rem3A_519 = arith.remsi %scan3A_518, %rem3A : i32
      %rem3A_520 = arith.constant 4 : i32
      %rem3A_521 = arith.remsi %scan3A_518, %rem3A_520 : i32
      %add3A_522 = arith.constant 8 : i32
      %add3A_523 = arith.addi %scan3A_518, %add3A_522 : i32
      %rem3A_524 = arith.constant 12 : i32
      %rem3A_525 = arith.remsi %add3A_523, %rem3A_524 : i32
      %mul3A_526 = arith.constant 2 : i32
      %mul3A_527 = arith.muli %scan3A_518, %mul3A_526 : i32
      %add3A_528 = arith.addi %mul3A_2, %mul3A_527 : i32
      %dma_wait3A_529 = arith.constant 0 : i32
      %dma_wait3A_530 = arith.constant 0 : i32
      %dma_wait3A_531 = tpu.memref_slice %arg6[%rem3A_521, %dma_wait3A_529, %dma_wait3A_530] : memref<4x2x1024xf32, #tpu.memory_space<vmem>> -> memref<1x2x1024xf32, #tpu.memory_space<vmem>>
      %dma_wait3A_532 = tpu.memref_squeeze %dma_wait3A_531 : memref<1x2x1024xf32, #tpu.memory_space<vmem>> -> memref<2x1024xf32, #tpu.memory_space<vmem>>
      %dma_wait3A_533 = arith.constant 0 : i32
      %dma_wait3A_534 = tpu.memref_slice %arg3[%add3A_528, %dma_wait3A_533] : memref<4096x1024xf32, #tpu.memory_space<hbm>> -> memref<2x1024xf32, #tpu.memory_space<hbm>>
      %dma_wait3A_535 = tpu.memref_slice %arg9[%rem3A_521] : memref<4x!tpu.dma_semaphore, #tpu.memory_space<semaphore_mem>> -> memref<1x!tpu.dma_semaphore, #tpu.memory_space<semaphore_mem>>
      %dma_wait3A_536 = tpu.memref_squeeze %dma_wait3A_535 : memref<1x!tpu.dma_semaphore, #tpu.memory_space<semaphore_mem>> -> memref<!tpu.dma_semaphore, #tpu.memory_space<semaphore_mem>>
      %dma_wait3A_537 = arith.constant 0 : i32
      %dma_wait3A_538 = arith.constant 0 : i32
      %dma_wait3A_539 = tpu.memref_slice %arg6[%rem3A_521, %dma_wait3A_537, %dma_wait3A_538] : memref<4x2x1024xf32, #tpu.memory_space<vmem>> -> memref<1x2x1024xf32, #tpu.memory_space<vmem>>
      %dma_wait3A_540 = tpu.memref_squeeze %dma_wait3A_539 : memref<1x2x1024xf32, #tpu.memory_space<vmem>> -> memref<2x1024xf32, #tpu.memory_space<vmem>>
      %dma_wait3A_541 = arith.constant 0 : i32
      %dma_wait3A_542 = tpu.memref_slice %arg3[%add3A_528, %dma_wait3A_541] : memref<4096x1024xf32, #tpu.memory_space<hbm>> -> memref<2x1024xf32, #tpu.memory_space<hbm>>
      tpu.wait_dma2 semaphore(%dma_wait3A_536 : memref<!tpu.dma_semaphore, #tpu.memory_space<semaphore_mem>>) src(%dma_wait3A_542 : memref<2x1024xf32, #tpu.memory_space<hbm>>) dst(%dma_wait3A_540 : memref<2x1024xf32, #tpu.memory_space<vmem>>)
      %mul3A_543 = arith.constant 2 : i32
      %mul3A_544 = arith.muli %scan3A_518, %mul3A_543 : i32
      %add3A_545 = arith.addi %mul3A_2, %mul3A_544 : i32
      %dma_wait3A_546 = arith.constant 0 : i32
      %dma_wait3A_547 = arith.constant 0 : i32
      %dma_wait3A_548 = arith.constant 0 : i32
      %dma_wait3A_549 = tpu.memref_slice %arg5[%rem3A_519, %dma_wait3A_546, %dma_wait3A_547, %dma_wait3A_548] : memref<12x4x2x1024xf32, #tpu.memory_space<vmem>> -> memref<1x4x2x1024xf32, #tpu.memory_space<vmem>>
      %dma_wait3A_550 = tpu.memref_squeeze %dma_wait3A_549 : memref<1x4x2x1024xf32, #tpu.memory_space<vmem>> -> memref<4x2x1024xf32, #tpu.memory_space<vmem>>
      %dma_wait3A_551 = arith.constant 0 : i32
      %dma_wait3A_552 = arith.constant 0 : i32
      %dma_wait3A_553 = tpu.memref_slice %arg2[%dma_wait3A_551, %add3A_545, %dma_wait3A_552] : memref<4x4096x1024xf32, #tpu.memory_space<hbm>> -> memref<4x2x1024xf32, #tpu.memory_space<hbm>>
      %dma_wait3A_554 = tpu.memref_slice %arg7[%rem3A_519] : memref<12x!tpu.dma_semaphore, #tpu.memory_space<semaphore_mem>> -> memref<1x!tpu.dma_semaphore, #tpu.memory_space<semaphore_mem>>
      %dma_wait3A_555 = tpu.memref_squeeze %dma_wait3A_554 : memref<1x!tpu.dma_semaphore, #tpu.memory_space<semaphore_mem>> -> memref<!tpu.dma_semaphore, #tpu.memory_space<semaphore_mem>>
      %dma_wait3A_556 = arith.constant 0 : i32
      %dma_wait3A_557 = arith.constant 0 : i32
      %dma_wait3A_558 = arith.constant 0 : i32
      %dma_wait3A_559 = tpu.memref_slice %arg5[%rem3A_519, %dma_wait3A_556, %dma_wait3A_557, %dma_wait3A_558] : memref<12x4x2x1024xf32, #tpu.memory_space<vmem>> -> memref<1x4x2x1024xf32, #tpu.memory_space<vmem>>
      %dma_wait3A_560 = tpu.memref_squeeze %dma_wait3A_559 : memref<1x4x2x1024xf32, #tpu.memory_space<vmem>> -> memref<4x2x1024xf32, #tpu.memory_space<vmem>>
      %dma_wait3A_561 = arith.constant 0 : i32
      %dma_wait3A_562 = arith.constant 0 : i32
      %dma_wait3A_563 = tpu.memref_slice %arg2[%dma_wait3A_561, %add3A_545, %dma_wait3A_562] : memref<4x4096x1024xf32, #tpu.memory_space<hbm>> -> memref<4x2x1024xf32, #tpu.memory_space<hbm>>
      tpu.wait_dma2 semaphore(%dma_wait3A_555 : memref<!tpu.dma_semaphore, #tpu.memory_space<semaphore_mem>>) src(%dma_wait3A_563 : memref<4x2x1024xf32, #tpu.memory_space<hbm>>) dst(%dma_wait3A_560 : memref<4x2x1024xf32, #tpu.memory_space<vmem>>)
      %parallel_loop3A = arith.constant 0 : i32
      %parallel_loop3A_564 = arith.constant 2 : i32
      %parallel_loop3A_565 = arith.constant 1 : i32
      scf.for %parallel_loop3A_594 = %parallel_loop3A to %parallel_loop3A_564 step %parallel_loop3A_565  : i32 {
        %parallel_loop3A_595 = arith.index_cast %rem3A_521 : i32 to index
        %parallel_loop3A_596 = arith.index_cast %parallel_loop3A_594 : i32 to index
        %parallel_loop3A_597 = arith.constant 0 : index
        %parallel_loop3A_598 = tpu.vector_load %arg6[%parallel_loop3A_595, %parallel_loop3A_596, %parallel_loop3A_597] {strides = array<i32>} : memref<4x2x1024xf32, #tpu.memory_space<vmem>>, vector<1x1x16xf32>,
        %parallel_loop3A_599 = vector.shape_cast %parallel_loop3A_598 : vector<1x1x16xf32> to vector<16xf32>
        %parallel_loop3A_600 = arith.index_cast %rem3A_521 : i32 to index
        %parallel_loop3A_601 = arith.index_cast %parallel_loop3A_594 : i32 to index
        %parallel_loop3A_602 = arith.constant 16 : index
        %parallel_loop3A_603 = tpu.vector_load %arg6[%parallel_loop3A_600, %parallel_loop3A_601, %parallel_loop3A_602] {strides = array<i32>} : memref<4x2x1024xf32, #tpu.memory_space<vmem>>, vector<1x1x16xf32>,
        %parallel_loop3A_604 = vector.shape_cast %parallel_loop3A_603 : vector<1x1x16xf32> to vector<16xf32>
        %parallel_loop3A_605 = arith.index_cast %rem3A_521 : i32 to index
        %parallel_loop3A_606 = arith.index_cast %parallel_loop3A_594 : i32 to index
        %parallel_loop3A_607 = arith.constant 32 : index
        %parallel_loop3A_608 = tpu.vector_load %arg6[%parallel_loop3A_605, %parallel_loop3A_606, %parallel_loop3A_607] {strides = array<i32>} : memref<4x2x1024xf32, #tpu.memory_space<vmem>>, vector<1x1x16xf32>,
        %parallel_loop3A_609 = vector.shape_cast %parallel_loop3A_608 : vector<1x1x16xf32> to vector<16xf32>
        %parallel_loop3A_610 = arith.index_cast %rem3A_521 : i32 to index
        %parallel_loop3A_611 = arith.index_cast %parallel_loop3A_594 : i32 to index
        %parallel_loop3A_612 = arith.constant 48 : index
        %parallel_loop3A_613 = tpu.vector_load %arg6[%parallel_loop3A_610, %parallel_loop3A_611, %parallel_loop3A_612] {strides = array<i32>} : memref<4x2x1024xf32, #tpu.memory_space<vmem>>, vector<1x1x16xf32>,
        %parallel_loop3A_614 = vector.shape_cast %parallel_loop3A_613 : vector<1x1x16xf32> to vector<16xf32>
        %parallel_loop3A_615 = arith.index_cast %rem3A_521 : i32 to index
        %parallel_loop3A_616 = arith.index_cast %parallel_loop3A_594 : i32 to index
        %parallel_loop3A_617 = arith.constant 64 : index
        %parallel_loop3A_618 = tpu.vector_load %arg6[%parallel_loop3A_615, %parallel_loop3A_616, %parallel_loop3A_617] {strides = array<i32>} : memref<4x2x1024xf32, #tpu.memory_space<vmem>>, vector<1x1x16xf32>,
        %parallel_loop3A_619 = vector.shape_cast %parallel_loop3A_618 : vector<1x1x16xf32> to vector<16xf32>
        %parallel_loop3A_620 = arith.index_cast %rem3A_521 : i32 to index
        %parallel_loop3A_621 = arith.index_cast %parallel_loop3A_594 : i32 to index
        %parallel_loop3A_622 = arith.constant 80 : index
        %parallel_loop3A_623 = tpu.vector_load %arg6[%parallel_loop3A_620, %parallel_loop3A_621, %parallel_loop3A_622] {strides = array<i32>} : memref<4x2x1024xf32, #tpu.memory_space<vmem>>, vector<1x1x16xf32>,
        %parallel_loop3A_624 = vector.shape_cast %parallel_loop3A_623 : vector<1x1x16xf32> to vector<16xf32>
        %parallel_loop3A_625 = arith.index_cast %rem3A_521 : i32 to index
        %parallel_loop3A_626 = arith.index_cast %parallel_loop3A_594 : i32 to index
        %parallel_loop3A_627 = arith.constant 96 : index
        %parallel_loop3A_628 = tpu.vector_load %arg6[%parallel_loop3A_625, %parallel_loop3A_626, %parallel_loop3A_627] {strides = array<i32>} : memref<4x2x1024xf32, #tpu.memory_space<vmem>>, vector<1x1x16xf32>,
        %parallel_loop3A_629 = vector.shape_cast %parallel_loop3A_628 : vector<1x1x16xf32> to vector<16xf32>
        %parallel_loop3A_630 = arith.index_cast %rem3A_521 : i32 to index
        %parallel_loop3A_631 = arith.index_cast %parallel_loop3A_594 : i32 to index
        %parallel_loop3A_632 = arith.constant 112 : index
        %parallel_loop3A_633 = tpu.vector_load %arg6[%parallel_loop3A_630, %parallel_loop3A_631, %parallel_loop3A_632] {strides = array<i32>} : memref<4x2x1024xf32, #tpu.memory_space<vmem>>, vector<1x1x16xf32>,
        %parallel_loop3A_634 = vector.shape_cast %parallel_loop3A_633 : vector<1x1x16xf32> to vector<16xf32>
        %parallel_loop3A_635 = arith.constant 0 : i32
        %parallel_loop3A_636 = arith.index_cast %rem3A_519 : i32 to index
        %parallel_loop3A_637 = arith.index_cast %parallel_loop3A_635 : i32 to index
        %parallel_loop3A_638 = arith.index_cast %parallel_loop3A_594 : i32 to index
        %parallel_loop3A_639 = arith.constant 0 : index
        %parallel_loop3A_640 = tpu.vector_load %arg5[%parallel_loop3A_636, %parallel_loop3A_637, %parallel_loop3A_638, %parallel_loop3A_639] {strides = array<i32>} : memref<12x4x2x1024xf32, #tpu.memory_space<vmem>>, vector<1x1x1x16xf32>,
        %parallel_loop3A_641 = vector.shape_cast %parallel_loop3A_640 : vector<1x1x1x16xf32> to vector<16xf32>
        %parallel_loop3A_642 = vector.shape_cast %parallel_loop3A_599 : vector<16xf32> to vector<1x1x1x16xf32>
        tpu.vector_store %arg5[%parallel_loop3A_636, %parallel_loop3A_637, %parallel_loop3A_638, %parallel_loop3A_639], %parallel_loop3A_642 {add = true, strides = array<i32>} : memref<12x4x2x1024xf32, #tpu.memory_space<vmem>>, vector<1x1x1x16xf32>,
        %parallel_loop3A_643 = arith.constant 0 : i32
        %parallel_loop3A_644 = arith.index_cast %rem3A_519 : i32 to index
        %parallel_loop3A_645 = arith.index_cast %parallel_loop3A_643 : i32 to index
        %parallel_loop3A_646 = arith.index_cast %parallel_loop3A_594 : i32 to index
        %parallel_loop3A_647 = arith.constant 16 : index
        %parallel_loop3A_648 = tpu.vector_load %arg5[%parallel_loop3A_644, %parallel_loop3A_645, %parallel_loop3A_646, %parallel_loop3A_647] {strides = array<i32>} : memref<12x4x2x1024xf32, #tpu.memory_space<vmem>>, vector<1x1x1x16xf32>,
        %parallel_loop3A_649 = vector.shape_cast %parallel_loop3A_648 : vector<1x1x1x16xf32> to vector<16xf32>
        %parallel_loop3A_650 = vector.shape_cast %parallel_loop3A_604 : vector<16xf32> to vector<1x1x1x16xf32>
        tpu.vector_store %arg5[%parallel_loop3A_644, %parallel_loop3A_645, %parallel_loop3A_646, %parallel_loop3A_647], %parallel_loop3A_650 {add = true, strides = array<i32>} : memref<12x4x2x1024xf32, #tpu.memory_space<vmem>>, vector<1x1x1x16xf32>,
        %parallel_loop3A_651 = arith.constant 0 : i32
        %parallel_loop3A_652 = arith.index_cast %rem3A_519 : i32 to index
        %parallel_loop3A_653 = arith.index_cast %parallel_loop3A_651 : i32 to index
        %parallel_loop3A_654 = arith.index_cast %parallel_loop3A_594 : i32 to index
        %parallel_loop3A_655 = arith.constant 32 : index
        %parallel_loop3A_656 = tpu.vector_load %arg5[%parallel_loop3A_652, %parallel_loop3A_653, %parallel_loop3A_654, %parallel_loop3A_655] {strides = array<i32>} : memref<12x4x2x1024xf32, #tpu.memory_space<vmem>>, vector<1x1x1x16xf32>,
        %parallel_loop3A_657 = vector.shape_cast %parallel_loop3A_656 : vector<1x1x1x16xf32> to vector<16xf32>
        %parallel_loop3A_658 = vector.shape_cast %parallel_loop3A_609 : vector<16xf32> to vector<1x1x1x16xf32>
        tpu.vector_store %arg5[%parallel_loop3A_652, %parallel_loop3A_653, %parallel_loop3A_654, %parallel_loop3A_655], %parallel_loop3A_658 {add = true, strides = array<i32>} : memref<12x4x2x1024xf32, #tpu.memory_space<vmem>>, vector<1x1x1x16xf32>,
        %parallel_loop3A_659 = arith.constant 0 : i32
        %parallel_loop3A_660 = arith.index_cast %rem3A_519 : i32 to index
        %parallel_loop3A_661 = arith.index_cast %parallel_loop3A_659 : i32 to index
        %parallel_loop3A_662 = arith.index_cast %parallel_loop3A_594 : i32 to index
        %parallel_loop3A_663 = arith.constant 48 : index
        %parallel_loop3A_664 = tpu.vector_load %arg5[%parallel_loop3A_660, %parallel_loop3A_661, %parallel_loop3A_662, %parallel_loop3A_663] {strides = array<i32>} : memref<12x4x2x1024xf32, #tpu.memory_space<vmem>>, vector<1x1x1x16xf32>,
        %parallel_loop3A_665 = vector.shape_cast %parallel_loop3A_664 : vector<1x1x1x16xf32> to vector<16xf32>
        %parallel_loop3A_666 = vector.shape_cast %parallel_loop3A_614 : vector<16xf32> to vector<1x1x1x16xf32>
        tpu.vector_store %arg5[%parallel_loop3A_660, %parallel_loop3A_661, %parallel_loop3A_662, %parallel_loop3A_663], %parallel_loop3A_666 {add = true, strides = array<i32>} : memref<12x4x2x1024xf32, #tpu.memory_space<vmem>>, vector<1x1x1x16xf32>,
        %parallel_loop3A_667 = arith.constant 0 : i32
        %parallel_loop3A_668 = arith.index_cast %rem3A_519 : i32 to index
        %parallel_loop3A_669 = arith.index_cast %parallel_loop3A_667 : i32 to index
        %parallel_loop3A_670 = arith.index_cast %parallel_loop3A_594 : i32 to index
        %parallel_loop3A_671 = arith.constant 64 : index
        %parallel_loop3A_672 = tpu.vector_load %arg5[%parallel_loop3A_668, %parallel_loop3A_669, %parallel_loop3A_670, %parallel_loop3A_671] {strides = array<i32>} : memref<12x4x2x1024xf32, #tpu.memory_space<vmem>>, vector<1x1x1x16xf32>,
        %parallel_loop3A_673 = vector.shape_cast %parallel_loop3A_672 : vector<1x1x1x16xf32> to vector<16xf32>
        %parallel_loop3A_674 = vector.shape_cast %parallel_loop3A_619 : vector<16xf32> to vector<1x1x1x16xf32>
        tpu.vector_store %arg5[%parallel_loop3A_668, %parallel_loop3A_669, %parallel_loop3A_670, %parallel_loop3A_671], %parallel_loop3A_674 {add = true, strides = array<i32>} : memref<12x4x2x1024xf32, #tpu.memory_space<vmem>>, vector<1x1x1x16xf32>,
        %parallel_loop3A_675 = arith.constant 0 : i32
        %parallel_loop3A_676 = arith.index_cast %rem3A_519 : i32 to index
        %parallel_loop3A_677 = arith.index_cast %parallel_loop3A_675 : i32 to index
        %parallel_loop3A_678 = arith.index_cast %parallel_loop3A_594 : i32 to index
        %parallel_loop3A_679 = arith.constant 80 : index
        %parallel_loop3A_680 = tpu.vector_load %arg5[%parallel_loop3A_676, %parallel_loop3A_677, %parallel_loop3A_678, %parallel_loop3A_679] {strides = array<i32>} : memref<12x4x2x1024xf32, #tpu.memory_space<vmem>>, vector<1x1x1x16xf32>,
        %parallel_loop3A_681 = vector.shape_cast %parallel_loop3A_680 : vector<1x1x1x16xf32> to vector<16xf32>
        %parallel_loop3A_682 = vector.shape_cast %parallel_loop3A_624 : vector<16xf32> to vector<1x1x1x16xf32>
        tpu.vector_store %arg5[%parallel_loop3A_676, %parallel_loop3A_677, %parallel_loop3A_678, %parallel_loop3A_679], %parallel_loop3A_682 {add = true, strides = array<i32>} : memref<12x4x2x1024xf32, #tpu.memory_space<vmem>>, vector<1x1x1x16xf32>,
        %parallel_loop3A_683 = arith.constant 0 : i32
        %parallel_loop3A_684 = arith.index_cast %rem3A_519 : i32 to index
        %parallel_loop3A_685 = arith.index_cast %parallel_loop3A_683 : i32 to index
        %parallel_loop3A_686 = arith.index_cast %parallel_loop3A_594 : i32 to index
        %parallel_loop3A_687 = arith.constant 96 : index
        %parallel_loop3A_688 = tpu.vector_load %arg5[%parallel_loop3A_684, %parallel_loop3A_685, %parallel_loop3A_686, %parallel_loop3A_687] {strides = array<i32>} : memref<12x4x2x1024xf32, #tpu.memory_space<vmem>>, vector<1x1x1x16xf32>,
        %parallel_loop3A_689 = vector.shape_cast %parallel_loop3A_688 : vector<1x1x1x16xf32> to vector<16xf32>
        %parallel_loop3A_690 = vector.shape_cast %parallel_loop3A_629 : vector<16xf32> to vector<1x1x1x16xf32>
        tpu.vector_store %arg5[%parallel_loop3A_684, %parallel_loop3A_685, %parallel_loop3A_686, %parallel_loop3A_687], %parallel_loop3A_690 {add = true, strides = array<i32>} : memref<12x4x2x1024xf32, #tpu.memory_space<vmem>>, vector<1x1x1x16xf32>,
        %parallel_loop3A_691 = arith.constant 0 : i32
        %parallel_loop3A_692 = arith.index_cast %rem3A_519 : i32 to index
        %parallel_loop3A_693 = arith.index_cast %parallel_loop3A_691 : i32 to index
        %parallel_loop3A_694 = arith.index_cast %parallel_loop3A_594 : i32 to index
        %parallel_loop3A_695 = arith.constant 112 : index
        %parallel_loop3A_696 = tpu.vector_load %arg5[%parallel_loop3A_692, %parallel_loop3A_693, %parallel_loop3A_694, %parallel_loop3A_695] {strides = array<i32>} : memref<12x4x2x1024xf32, #tpu.memory_space<vmem>>, vector<1x1x1x16xf32>,
        %parallel_loop3A_697 = vector.shape_cast %parallel_loop3A_696 : vector<1x1x1x16xf32> to vector<16xf32>
        %parallel_loop3A_698 = vector.shape_cast %parallel_loop3A_634 : vector<16xf32> to vector<1x1x1x16xf32>
        tpu.vector_store %arg5[%parallel_loop3A_692, %parallel_loop3A_693, %parallel_loop3A_694, %parallel_loop3A_695], %parallel_loop3A_698 {add = true, strides = array<i32>} : memref<12x4x2x1024xf32, #tpu.memory_space<vmem>>, vector<1x1x1x16xf32>,
        %parallel_loop3A_699 = arith.constant 1 : i32
        %parallel_loop3A_700 = arith.index_cast %rem3A_519 : i32 to index
        %parallel_loop3A_701 = arith.index_cast %parallel_loop3A_699 : i32 to index
        %parallel_loop3A_702 = arith.index_cast %parallel_loop3A_594 : i32 to index
        %parallel_loop3A_703 = arith.constant 0 : index
        %parallel_loop3A_704 = tpu.vector_load %arg5[%parallel_loop3A_700, %parallel_loop3A_701, %parallel_loop3A_702, %parallel_loop3A_703] {strides = array<i32>} : memref<12x4x2x1024xf32, #tpu.memory_space<vmem>>, vector<1x1x1x16xf32>,
        %parallel_loop3A_705 = vector.shape_cast %parallel_loop3A_704 : vector<1x1x1x16xf32> to vector<16xf32>
        %parallel_loop3A_706 = vector.shape_cast %parallel_loop3A_599 : vector<16xf32> to vector<1x1x1x16xf32>
        tpu.vector_store %arg5[%parallel_loop3A_700, %parallel_loop3A_701, %parallel_loop3A_702, %parallel_loop3A_703], %parallel_loop3A_706 {add = true, strides = array<i32>} : memref<12x4x2x1024xf32, #tpu.memory_space<vmem>>, vector<1x1x1x16xf32>,
        %parallel_loop3A_707 = arith.constant 1 : i32
        %parallel_loop3A_708 = arith.index_cast %rem3A_519 : i32 to index
        %parallel_loop3A_709 = arith.index_cast %parallel_loop3A_707 : i32 to index
        %parallel_loop3A_710 = arith.index_cast %parallel_loop3A_594 : i32 to index
        %parallel_loop3A_711 = arith.constant 16 : index
        %parallel_loop3A_712 = tpu.vector_load %arg5[%parallel_loop3A_708, %parallel_loop3A_709, %parallel_loop3A_710, %parallel_loop3A_711] {strides = array<i32>} : memref<12x4x2x1024xf32, #tpu.memory_space<vmem>>, vector<1x1x1x16xf32>,
        %parallel_loop3A_713 = vector.shape_cast %parallel_loop3A_712 : vector<1x1x1x16xf32> to vector<16xf32>
        %parallel_loop3A_714 = vector.shape_cast %parallel_loop3A_604 : vector<16xf32> to vector<1x1x1x16xf32>
        tpu.vector_store %arg5[%parallel_loop3A_708, %parallel_loop3A_709, %parallel_loop3A_710, %parallel_loop3A_711], %parallel_loop3A_714 {add = true, strides = array<i32>} : memref<12x4x2x1024xf32, #tpu.memory_space<vmem>>, vector<1x1x1x16xf32>,
        %parallel_loop3A_715 = arith.constant 1 : i32
        %parallel_loop3A_716 = arith.index_cast %rem3A_519 : i32 to index
        %parallel_loop3A_717 = arith.index_cast %parallel_loop3A_715 : i32 to index
        %parallel_loop3A_718 = arith.index_cast %parallel_loop3A_594 : i32 to index
        %parallel_loop3A_719 = arith.constant 32 : index
        %parallel_loop3A_720 = tpu.vector_load %arg5[%parallel_loop3A_716, %parallel_loop3A_717, %parallel_loop3A_718, %parallel_loop3A_719] {strides = array<i32>} : memref<12x4x2x1024xf32, #tpu.memory_space<vmem>>, vector<1x1x1x16xf32>,
        %parallel_loop3A_721 = vector.shape_cast %parallel_loop3A_720 : vector<1x1x1x16xf32> to vector<16xf32>
        %parallel_loop3A_722 = vector.shape_cast %parallel_loop3A_609 : vector<16xf32> to vector<1x1x1x16xf32>
        tpu.vector_store %arg5[%parallel_loop3A_716, %parallel_loop3A_717, %parallel_loop3A_718, %parallel_loop3A_719], %parallel_loop3A_722 {add = true, strides = array<i32>} : memref<12x4x2x1024xf32, #tpu.memory_space<vmem>>, vector<1x1x1x16xf32>,
        %parallel_loop3A_723 = arith.constant 1 : i32
        %parallel_loop3A_724 = arith.index_cast %rem3A_519 : i32 to index
        %parallel_loop3A_725 = arith.index_cast %parallel_loop3A_723 : i32 to index
        %parallel_loop3A_726 = arith.index_cast %parallel_loop3A_594 : i32 to index
        %parallel_loop3A_727 = arith.constant 48 : index
        %parallel_loop3A_728 = tpu.vector_load %arg5[%parallel_loop3A_724, %parallel_loop3A_725, %parallel_loop3A_726, %parallel_loop3A_727] {strides = array<i32>} : memref<12x4x2x1024xf32, #tpu.memory_space<vmem>>, vector<1x1x1x16xf32>,
        %parallel_loop3A_729 = vector.shape_cast %parallel_loop3A_728 : vector<1x1x1x16xf32> to vector<16xf32>
        %parallel_loop3A_730 = vector.shape_cast %parallel_loop3A_614 : vector<16xf32> to vector<1x1x1x16xf32>
        tpu.vector_store %arg5[%parallel_loop3A_724, %parallel_loop3A_725, %parallel_loop3A_726, %parallel_loop3A_727], %parallel_loop3A_730 {add = true, strides = array<i32>} : memref<12x4x2x1024xf32, #tpu.memory_space<vmem>>, vector<1x1x1x16xf32>,
        %parallel_loop3A_731 = arith.constant 1 : i32
        %parallel_loop3A_732 = arith.index_cast %rem3A_519 : i32 to index
        %parallel_loop3A_733 = arith.index_cast %parallel_loop3A_731 : i32 to index
        %parallel_loop3A_734 = arith.index_cast %parallel_loop3A_594 : i32 to index
        %parallel_loop3A_735 = arith.constant 64 : index
        %parallel_loop3A_736 = tpu.vector_load %arg5[%parallel_loop3A_732, %parallel_loop3A_733, %parallel_loop3A_734, %parallel_loop3A_735] {strides = array<i32>} : memref<12x4x2x1024xf32, #tpu.memory_space<vmem>>, vector<1x1x1x16xf32>,
        %parallel_loop3A_737 = vector.shape_cast %parallel_loop3A_736 : vector<1x1x1x16xf32> to vector<16xf32>
        %parallel_loop3A_738 = vector.shape_cast %parallel_loop3A_619 : vector<16xf32> to vector<1x1x1x16xf32>
        tpu.vector_store %arg5[%parallel_loop3A_732, %parallel_loop3A_733, %parallel_loop3A_734, %parallel_loop3A_735], %parallel_loop3A_738 {add = true, strides = array<i32>} : memref<12x4x2x1024xf32, #tpu.memory_space<vmem>>, vector<1x1x1x16xf32>,
        %parallel_loop3A_739 = arith.constant 1 : i32
        %parallel_loop3A_740 = arith.index_cast %rem3A_519 : i32 to index
        %parallel_loop3A_741 = arith.index_cast %parallel_loop3A_739 : i32 to index
        %parallel_loop3A_742 = arith.index_cast %parallel_loop3A_594 : i32 to index
        %parallel_loop3A_743 = arith.constant 80 : index
        %parallel_loop3A_744 = tpu.vector_load %arg5[%parallel_loop3A_740, %parallel_loop3A_741, %parallel_loop3A_742, %parallel_loop3A_743] {strides = array<i32>} : memref<12x4x2x1024xf32, #tpu.memory_space<vmem>>, vector<1x1x1x16xf32>,
        %parallel_loop3A_745 = vector.shape_cast %parallel_loop3A_744 : vector<1x1x1x16xf32> to vector<16xf32>
        %parallel_loop3A_746 = vector.shape_cast %parallel_loop3A_624 : vector<16xf32> to vector<1x1x1x16xf32>
        tpu.vector_store %arg5[%parallel_loop3A_740, %parallel_loop3A_741, %parallel_loop3A_742, %parallel_loop3A_743], %parallel_loop3A_746 {add = true, strides = array<i32>} : memref<12x4x2x1024xf32, #tpu.memory_space<vmem>>, vector<1x1x1x16xf32>,
        %parallel_loop3A_747 = arith.constant 1 : i32
        %parallel_loop3A_748 = arith.index_cast %rem3A_519 : i32 to index
        %parallel_loop3A_749 = arith.index_cast %parallel_loop3A_747 : i32 to index
        %parallel_loop3A_750 = arith.index_cast %parallel_loop3A_594 : i32 to index
        %parallel_loop3A_751 = arith.constant 96 : index
        %parallel_loop3A_752 = tpu.vector_load %arg5[%parallel_loop3A_748, %parallel_loop3A_749, %parallel_loop3A_750, %parallel_loop3A_751] {strides = array<i32>} : memref<12x4x2x1024xf32, #tpu.memory_space<vmem>>, vector<1x1x1x16xf32>,
        %parallel_loop3A_753 = vector.shape_cast %parallel_loop3A_752 : vector<1x1x1x16xf32> to vector<16xf32>
        %parallel_loop3A_754 = vector.shape_cast %parallel_loop3A_629 : vector<16xf32> to vector<1x1x1x16xf32>
        tpu.vector_store %arg5[%parallel_loop3A_748, %parallel_loop3A_749, %parallel_loop3A_750, %parallel_loop3A_751], %parallel_loop3A_754 {add = true, strides = array<i32>} : memref<12x4x2x1024xf32, #tpu.memory_space<vmem>>, vector<1x1x1x16xf32>,
        %parallel_loop3A_755 = arith.constant 1 : i32
        %parallel_loop3A_756 = arith.index_cast %rem3A_519 : i32 to index
        %parallel_loop3A_757 = arith.index_cast %parallel_loop3A_755 : i32 to index
        %parallel_loop3A_758 = arith.index_cast %parallel_loop3A_594 : i32 to index
        %parallel_loop3A_759 = arith.constant 112 : index
        %parallel_loop3A_760 = tpu.vector_load %arg5[%parallel_loop3A_756, %parallel_loop3A_757, %parallel_loop3A_758, %parallel_loop3A_759] {strides = array<i32>} : memref<12x4x2x1024xf32, #tpu.memory_space<vmem>>, vector<1x1x1x16xf32>,
        %parallel_loop3A_761 = vector.shape_cast %parallel_loop3A_760 : vector<1x1x1x16xf32> to vector<16xf32>
        %parallel_loop3A_762 = vector.shape_cast %parallel_loop3A_634 : vector<16xf32> to vector<1x1x1x16xf32>
        tpu.vector_store %arg5[%parallel_loop3A_756, %parallel_loop3A_757, %parallel_loop3A_758, %parallel_loop3A_759], %parallel_loop3A_762 {add = true, strides = array<i32>} : memref<12x4x2x1024xf32, #tpu.memory_space<vmem>>, vector<1x1x1x16xf32>,
        %parallel_loop3A_763 = arith.constant 2 : i32
        %parallel_loop3A_764 = arith.index_cast %rem3A_519 : i32 to index
        %parallel_loop3A_765 = arith.index_cast %parallel_loop3A_763 : i32 to index
        %parallel_loop3A_766 = arith.index_cast %parallel_loop3A_594 : i32 to index
        %parallel_loop3A_767 = arith.constant 0 : index
        %parallel_loop3A_768 = tpu.vector_load %arg5[%parallel_loop3A_764, %parallel_loop3A_765, %parallel_loop3A_766, %parallel_loop3A_767] {strides = array<i32>} : memref<12x4x2x1024xf32, #tpu.memory_space<vmem>>, vector<1x1x1x16xf32>,
        %parallel_loop3A_769 = vector.shape_cast %parallel_loop3A_768 : vector<1x1x1x16xf32> to vector<16xf32>
        %parallel_loop3A_770 = vector.shape_cast %parallel_loop3A_599 : vector<16xf32> to vector<1x1x1x16xf32>
        tpu.vector_store %arg5[%parallel_loop3A_764, %parallel_loop3A_765, %parallel_loop3A_766, %parallel_loop3A_767], %parallel_loop3A_770 {add = true, strides = array<i32>} : memref<12x4x2x1024xf32, #tpu.memory_space<vmem>>, vector<1x1x1x16xf32>,
        %parallel_loop3A_771 = arith.constant 2 : i32
        %parallel_loop3A_772 = arith.index_cast %rem3A_519 : i32 to index
        %parallel_loop3A_773 = arith.index_cast %parallel_loop3A_771 : i32 to index
        %parallel_loop3A_774 = arith.index_cast %parallel_loop3A_594 : i32 to index
        %parallel_loop3A_775 = arith.constant 16 : index
        %parallel_loop3A_776 = tpu.vector_load %arg5[%parallel_loop3A_772, %parallel_loop3A_773, %parallel_loop3A_774, %parallel_loop3A_775] {strides = array<i32>} : memref<12x4x2x1024xf32, #tpu.memory_space<vmem>>, vector<1x1x1x16xf32>,
        %parallel_loop3A_777 = vector.shape_cast %parallel_loop3A_776 : vector<1x1x1x16xf32> to vector<16xf32>
        %parallel_loop3A_778 = vector.shape_cast %parallel_loop3A_604 : vector<16xf32> to vector<1x1x1x16xf32>
        tpu.vector_store %arg5[%parallel_loop3A_772, %parallel_loop3A_773, %parallel_loop3A_774, %parallel_loop3A_775], %parallel_loop3A_778 {add = true, strides = array<i32>} : memref<12x4x2x1024xf32, #tpu.memory_space<vmem>>, vector<1x1x1x16xf32>,
        %parallel_loop3A_779 = arith.constant 2 : i32
        %parallel_loop3A_780 = arith.index_cast %rem3A_519 : i32 to index
        %parallel_loop3A_781 = arith.index_cast %parallel_loop3A_779 : i32 to index
        %parallel_loop3A_782 = arith.index_cast %parallel_loop3A_594 : i32 to index
        %parallel_loop3A_783 = arith.constant 32 : index
        %parallel_loop3A_784 = tpu.vector_load %arg5[%parallel_loop3A_780, %parallel_loop3A_781, %parallel_loop3A_782, %parallel_loop3A_783] {strides = array<i32>} : memref<12x4x2x1024xf32, #tpu.memory_space<vmem>>, vector<1x1x1x16xf32>,
        %parallel_loop3A_785 = vector.shape_cast %parallel_loop3A_784 : vector<1x1x1x16xf32> to vector<16xf32>
        %parallel_loop3A_786 = vector.shape_cast %parallel_loop3A_609 : vector<16xf32> to vector<1x1x1x16xf32>
        tpu.vector_store %arg5[%parallel_loop3A_780, %parallel_loop3A_781, %parallel_loop3A_782, %parallel_loop3A_783], %parallel_loop3A_786 {add = true, strides = array<i32>} : memref<12x4x2x1024xf32, #tpu.memory_space<vmem>>, vector<1x1x1x16xf32>,
        %parallel_loop3A_787 = arith.constant 2 : i32
        %parallel_loop3A_788 = arith.index_cast %rem3A_519 : i32 to index
        %parallel_loop3A_789 = arith.index_cast %parallel_loop3A_787 : i32 to index
        %parallel_loop3A_790 = arith.index_cast %parallel_loop3A_594 : i32 to index
        %parallel_loop3A_791 = arith.constant 48 : index
        %parallel_loop3A_792 = tpu.vector_load %arg5[%parallel_loop3A_788, %parallel_loop3A_789, %parallel_loop3A_790, %parallel_loop3A_791] {strides = array<i32>} : memref<12x4x2x1024xf32, #tpu.memory_space<vmem>>, vector<1x1x1x16xf32>,
        %parallel_loop3A_793 = vector.shape_cast %parallel_loop3A_792 : vector<1x1x1x16xf32> to vector<16xf32>
        %parallel_loop3A_794 = vector.shape_cast %parallel_loop3A_614 : vector<16xf32> to vector<1x1x1x16xf32>
        tpu.vector_store %arg5[%parallel_loop3A_788, %parallel_loop3A_789, %parallel_loop3A_790, %parallel_loop3A_791], %parallel_loop3A_794 {add = true, strides = array<i32>} : memref<12x4x2x1024xf32, #tpu.memory_space<vmem>>, vector<1x1x1x16xf32>,
        %parallel_loop3A_795 = arith.constant 2 : i32
        %parallel_loop3A_796 = arith.index_cast %rem3A_519 : i32 to index
        %parallel_loop3A_797 = arith.index_cast %parallel_loop3A_795 : i32 to index
        %parallel_loop3A_798 = arith.index_cast %parallel_loop3A_594 : i32 to index
        %parallel_loop3A_799 = arith.constant 64 : index
        %parallel_loop3A_800 = tpu.vector_load %arg5[%parallel_loop3A_796, %parallel_loop3A_797, %parallel_loop3A_798, %parallel_loop3A_799] {strides = array<i32>} : memref<12x4x2x1024xf32, #tpu.memory_space<vmem>>, vector<1x1x1x16xf32>,
        %parallel_loop3A_801 = vector.shape_cast %parallel_loop3A_800 : vector<1x1x1x16xf32> to vector<16xf32>
        %parallel_loop3A_802 = vector.shape_cast %parallel_loop3A_619 : vector<16xf32> to vector<1x1x1x16xf32>
        tpu.vector_store %arg5[%parallel_loop3A_796, %parallel_loop3A_797, %parallel_loop3A_798, %parallel_loop3A_799], %parallel_loop3A_802 {add = true, strides = array<i32>} : memref<12x4x2x1024xf32, #tpu.memory_space<vmem>>, vector<1x1x1x16xf32>,
        %parallel_loop3A_803 = arith.constant 2 : i32
        %parallel_loop3A_804 = arith.index_cast %rem3A_519 : i32 to index
        %parallel_loop3A_805 = arith.index_cast %parallel_loop3A_803 : i32 to index
        %parallel_loop3A_806 = arith.index_cast %parallel_loop3A_594 : i32 to index
        %parallel_loop3A_807 = arith.constant 80 : index
        %parallel_loop3A_808 = tpu.vector_load %arg5[%parallel_loop3A_804, %parallel_loop3A_805, %parallel_loop3A_806, %parallel_loop3A_807] {strides = array<i32>} : memref<12x4x2x1024xf32, #tpu.memory_space<vmem>>, vector<1x1x1x16xf32>,
        %parallel_loop3A_809 = vector.shape_cast %parallel_loop3A_808 : vector<1x1x1x16xf32> to vector<16xf32>
        %parallel_loop3A_810 = vector.shape_cast %parallel_loop3A_624 : vector<16xf32> to vector<1x1x1x16xf32>
        tpu.vector_store %arg5[%parallel_loop3A_804, %parallel_loop3A_805, %parallel_loop3A_806, %parallel_loop3A_807], %parallel_loop3A_810 {add = true, strides = array<i32>} : memref<12x4x2x1024xf32, #tpu.memory_space<vmem>>, vector<1x1x1x16xf32>,
        %parallel_loop3A_811 = arith.constant 2 : i32
        %parallel_loop3A_812 = arith.index_cast %rem3A_519 : i32 to index
        %parallel_loop3A_813 = arith.index_cast %parallel_loop3A_811 : i32 to index
        %parallel_loop3A_814 = arith.index_cast %parallel_loop3A_594 : i32 to index
        %parallel_loop3A_815 = arith.constant 96 : index
        %parallel_loop3A_816 = tpu.vector_load %arg5[%parallel_loop3A_812, %parallel_loop3A_813, %parallel_loop3A_814, %parallel_loop3A_815] {strides = array<i32>} : memref<12x4x2x1024xf32, #tpu.memory_space<vmem>>, vector<1x1x1x16xf32>,
        %parallel_loop3A_817 = vector.shape_cast %parallel_loop3A_816 : vector<1x1x1x16xf32> to vector<16xf32>
        %parallel_loop3A_818 = vector.shape_cast %parallel_loop3A_629 : vector<16xf32> to vector<1x1x1x16xf32>
        tpu.vector_store %arg5[%parallel_loop3A_812, %parallel_loop3A_813, %parallel_loop3A_814, %parallel_loop3A_815], %parallel_loop3A_818 {add = true, strides = array<i32>} : memref<12x4x2x1024xf32, #tpu.memory_space<vmem>>, vector<1x1x1x16xf32>,
        %parallel_loop3A_819 = arith.constant 2 : i32
        %parallel_loop3A_820 = arith.index_cast %rem3A_519 : i32 to index
        %parallel_loop3A_821 = arith.index_cast %parallel_loop3A_819 : i32 to index
        %parallel_loop3A_822 = arith.index_cast %parallel_loop3A_594 : i32 to index
        %parallel_loop3A_823 = arith.constant 112 : index
        %parallel_loop3A_824 = tpu.vector_load %arg5[%parallel_loop3A_820, %parallel_loop3A_821, %parallel_loop3A_822, %parallel_loop3A_823] {strides = array<i32>} : memref<12x4x2x1024xf32, #tpu.memory_space<vmem>>, vector<1x1x1x16xf32>,
        %parallel_loop3A_825 = vector.shape_cast %parallel_loop3A_824 : vector<1x1x1x16xf32> to vector<16xf32>
        %parallel_loop3A_826 = vector.shape_cast %parallel_loop3A_634 : vector<16xf32> to vector<1x1x1x16xf32>
        tpu.vector_store %arg5[%parallel_loop3A_820, %parallel_loop3A_821, %parallel_loop3A_822, %parallel_loop3A_823], %parallel_loop3A_826 {add = true, strides = array<i32>} : memref<12x4x2x1024xf32, #tpu.memory_space<vmem>>, vector<1x1x1x16xf32>,
        %parallel_loop3A_827 = arith.constant 3 : i32
        %parallel_loop3A_828 = arith.index_cast %rem3A_519 : i32 to index
        %parallel_loop3A_829 = arith.index_cast %parallel_loop3A_827 : i32 to index
        %parallel_loop3A_830 = arith.index_cast %parallel_loop3A_594 : i32 to index
        %parallel_loop3A_831 = arith.constant 0 : index
        %parallel_loop3A_832 = tpu.vector_load %arg5[%parallel_loop3A_828, %parallel_loop3A_829, %parallel_loop3A_830, %parallel_loop3A_831] {strides = array<i32>} : memref<12x4x2x1024xf32, #tpu.memory_space<vmem>>, vector<1x1x1x16xf32>,
        %parallel_loop3A_833 = vector.shape_cast %parallel_loop3A_832 : vector<1x1x1x16xf32> to vector<16xf32>
        %parallel_loop3A_834 = vector.shape_cast %parallel_loop3A_599 : vector<16xf32> to vector<1x1x1x16xf32>
        tpu.vector_store %arg5[%parallel_loop3A_828, %parallel_loop3A_829, %parallel_loop3A_830, %parallel_loop3A_831], %parallel_loop3A_834 {add = true, strides = array<i32>} : memref<12x4x2x1024xf32, #tpu.memory_space<vmem>>, vector<1x1x1x16xf32>,
        %parallel_loop3A_835 = arith.constant 3 : i32
        %parallel_loop3A_836 = arith.index_cast %rem3A_519 : i32 to index
        %parallel_loop3A_837 = arith.index_cast %parallel_loop3A_835 : i32 to index
        %parallel_loop3A_838 = arith.index_cast %parallel_loop3A_594 : i32 to index
        %parallel_loop3A_839 = arith.constant 16 : index
        %parallel_loop3A_840 = tpu.vector_load %arg5[%parallel_loop3A_836, %parallel_loop3A_837, %parallel_loop3A_838, %parallel_loop3A_839] {strides = array<i32>} : memref<12x4x2x1024xf32, #tpu.memory_space<vmem>>, vector<1x1x1x16xf32>,
        %parallel_loop3A_841 = vector.shape_cast %parallel_loop3A_840 : vector<1x1x1x16xf32> to vector<16xf32>
        %parallel_loop3A_842 = vector.shape_cast %parallel_loop3A_604 : vector<16xf32> to vector<1x1x1x16xf32>
        tpu.vector_store %arg5[%parallel_loop3A_836, %parallel_loop3A_837, %parallel_loop3A_838, %parallel_loop3A_839], %parallel_loop3A_842 {add = true, strides = array<i32>} : memref<12x4x2x1024xf32, #tpu.memory_space<vmem>>, vector<1x1x1x16xf32>,
        %parallel_loop3A_843 = arith.constant 3 : i32
        %parallel_loop3A_844 = arith.index_cast %rem3A_519 : i32 to index
        %parallel_loop3A_845 = arith.index_cast %parallel_loop3A_843 : i32 to index
        %parallel_loop3A_846 = arith.index_cast %parallel_loop3A_594 : i32 to index
        %parallel_loop3A_847 = arith.constant 32 : index
        %parallel_loop3A_848 = tpu.vector_load %arg5[%parallel_loop3A_844, %parallel_loop3A_845, %parallel_loop3A_846, %parallel_loop3A_847] {strides = array<i32>} : memref<12x4x2x1024xf32, #tpu.memory_space<vmem>>, vector<1x1x1x16xf32>,
        %parallel_loop3A_849 = vector.shape_cast %parallel_loop3A_848 : vector<1x1x1x16xf32> to vector<16xf32>
        %parallel_loop3A_850 = vector.shape_cast %parallel_loop3A_609 : vector<16xf32> to vector<1x1x1x16xf32>
        tpu.vector_store %arg5[%parallel_loop3A_844, %parallel_loop3A_845, %parallel_loop3A_846, %parallel_loop3A_847], %parallel_loop3A_850 {add = true, strides = array<i32>} : memref<12x4x2x1024xf32, #tpu.memory_space<vmem>>, vector<1x1x1x16xf32>,
        %parallel_loop3A_851 = arith.constant 3 : i32
        %parallel_loop3A_852 = arith.index_cast %rem3A_519 : i32 to index
        %parallel_loop3A_853 = arith.index_cast %parallel_loop3A_851 : i32 to index
        %parallel_loop3A_854 = arith.index_cast %parallel_loop3A_594 : i32 to index
        %parallel_loop3A_855 = arith.constant 48 : index
        %parallel_loop3A_856 = tpu.vector_load %arg5[%parallel_loop3A_852, %parallel_loop3A_853, %parallel_loop3A_854, %parallel_loop3A_855] {strides = array<i32>} : memref<12x4x2x1024xf32, #tpu.memory_space<vmem>>, vector<1x1x1x16xf32>,
        %parallel_loop3A_857 = vector.shape_cast %parallel_loop3A_856 : vector<1x1x1x16xf32> to vector<16xf32>
        %parallel_loop3A_858 = vector.shape_cast %parallel_loop3A_614 : vector<16xf32> to vector<1x1x1x16xf32>
        tpu.vector_store %arg5[%parallel_loop3A_852, %parallel_loop3A_853, %parallel_loop3A_854, %parallel_loop3A_855], %parallel_loop3A_858 {add = true, strides = array<i32>} : memref<12x4x2x1024xf32, #tpu.memory_space<vmem>>, vector<1x1x1x16xf32>,
        %parallel_loop3A_859 = arith.constant 3 : i32
        %parallel_loop3A_860 = arith.index_cast %rem3A_519 : i32 to index
        %parallel_loop3A_861 = arith.index_cast %parallel_loop3A_859 : i32 to index
        %parallel_loop3A_862 = arith.index_cast %parallel_loop3A_594 : i32 to index
        %parallel_loop3A_863 = arith.constant 64 : index
        %parallel_loop3A_864 = tpu.vector_load %arg5[%parallel_loop3A_860, %parallel_loop3A_861, %parallel_loop3A_862, %parallel_loop3A_863] {strides = array<i32>} : memref<12x4x2x1024xf32, #tpu.memory_space<vmem>>, vector<1x1x1x16xf32>,
        %parallel_loop3A_865 = vector.shape_cast %parallel_loop3A_864 : vector<1x1x1x16xf32> to vector<16xf32>
        %parallel_loop3A_866 = vector.shape_cast %parallel_loop3A_619 : vector<16xf32> to vector<1x1x1x16xf32>
        tpu.vector_store %arg5[%parallel_loop3A_860, %parallel_loop3A_861, %parallel_loop3A_862, %parallel_loop3A_863], %parallel_loop3A_866 {add = true, strides = array<i32>} : memref<12x4x2x1024xf32, #tpu.memory_space<vmem>>, vector<1x1x1x16xf32>,
        %parallel_loop3A_867 = arith.constant 3 : i32
        %parallel_loop3A_868 = arith.index_cast %rem3A_519 : i32 to index
        %parallel_loop3A_869 = arith.index_cast %parallel_loop3A_867 : i32 to index
        %parallel_loop3A_870 = arith.index_cast %parallel_loop3A_594 : i32 to index
        %parallel_loop3A_871 = arith.constant 80 : index
        %parallel_loop3A_872 = tpu.vector_load %arg5[%parallel_loop3A_868, %parallel_loop3A_869, %parallel_loop3A_870, %parallel_loop3A_871] {strides = array<i32>} : memref<12x4x2x1024xf32, #tpu.memory_space<vmem>>, vector<1x1x1x16xf32>,
        %parallel_loop3A_873 = vector.shape_cast %parallel_loop3A_872 : vector<1x1x1x16xf32> to vector<16xf32>
        %parallel_loop3A_874 = vector.shape_cast %parallel_loop3A_624 : vector<16xf32> to vector<1x1x1x16xf32>
        tpu.vector_store %arg5[%parallel_loop3A_868, %parallel_loop3A_869, %parallel_loop3A_870, %parallel_loop3A_871], %parallel_loop3A_874 {add = true, strides = array<i32>} : memref<12x4x2x1024xf32, #tpu.memory_space<vmem>>, vector<1x1x1x16xf32>,
        %parallel_loop3A_875 = arith.constant 3 : i32
        %parallel_loop3A_876 = arith.index_cast %rem3A_519 : i32 to index
        %parallel_loop3A_877 = arith.index_cast %parallel_loop3A_875 : i32 to index
        %parallel_loop3A_878 = arith.index_cast %parallel_loop3A_594 : i32 to index
        %parallel_loop3A_879 = arith.constant 96 : index
        %parallel_loop3A_880 = tpu.vector_load %arg5[%parallel_loop3A_876, %parallel_loop3A_877, %parallel_loop3A_878, %parallel_loop3A_879] {strides = array<i32>} : memref<12x4x2x1024xf32, #tpu.memory_space<vmem>>, vector<1x1x1x16xf32>,
        %parallel_loop3A_881 = vector.shape_cast %parallel_loop3A_880 : vector<1x1x1x16xf32> to vector<16xf32>
        %parallel_loop3A_882 = vector.shape_cast %parallel_loop3A_629 : vector<16xf32> to vector<1x1x1x16xf32>
        tpu.vector_store %arg5[%parallel_loop3A_876, %parallel_loop3A_877, %parallel_loop3A_878, %parallel_loop3A_879], %parallel_loop3A_882 {add = true, strides = array<i32>} : memref<12x4x2x1024xf32, #tpu.memory_space<vmem>>, vector<1x1x1x16xf32>,
        %parallel_loop3A_883 = arith.constant 3 : i32
        %parallel_loop3A_884 = arith.index_cast %rem3A_519 : i32 to index
        %parallel_loop3A_885 = arith.index_cast %parallel_loop3A_883 : i32 to index
        %parallel_loop3A_886 = arith.index_cast %parallel_loop3A_594 : i32 to index
        %parallel_loop3A_887 = arith.constant 112 : index
        %parallel_loop3A_888 = tpu.vector_load %arg5[%parallel_loop3A_884, %parallel_loop3A_885, %parallel_loop3A_886, %parallel_loop3A_887] {strides = array<i32>} : memref<12x4x2x1024xf32, #tpu.memory_space<vmem>>, vector<1x1x1x16xf32>,
        %parallel_loop3A_889 = vector.shape_cast %parallel_loop3A_888 : vector<1x1x1x16xf32> to vector<16xf32>
        %parallel_loop3A_890 = vector.shape_cast %parallel_loop3A_634 : vector<16xf32> to vector<1x1x1x16xf32>
        tpu.vector_store %arg5[%parallel_loop3A_884, %parallel_loop3A_885, %parallel_loop3A_886, %parallel_loop3A_887], %parallel_loop3A_890 {add = true, strides = array<i32>} : memref<12x4x2x1024xf32, #tpu.memory_space<vmem>>, vector<1x1x1x16xf32>,
        %parallel_loop3A_891 = arith.index_cast %rem3A_521 : i32 to index
        %parallel_loop3A_892 = arith.index_cast %parallel_loop3A_594 : i32 to index
        %parallel_loop3A_893 = arith.constant 128 : index
        %parallel_loop3A_894 = tpu.vector_load %arg6[%parallel_loop3A_891, %parallel_loop3A_892, %parallel_loop3A_893] {strides = array<i32>} : memref<4x2x1024xf32, #tpu.memory_space<vmem>>, vector<1x1x16xf32>,
        %parallel_loop3A_895 = vector.shape_cast %parallel_loop3A_894 : vector<1x1x16xf32> to vector<16xf32>
        %parallel_loop3A_896 = arith.index_cast %rem3A_521 : i32 to index
        %parallel_loop3A_897 = arith.index_cast %parallel_loop3A_594 : i32 to index
        %parallel_loop3A_898 = arith.constant 144 : index
        %parallel_loop3A_899 = tpu.vector_load %arg6[%parallel_loop3A_896, %parallel_loop3A_897, %parallel_loop3A_898] {strides = array<i32>} : memref<4x2x1024xf32, #tpu.memory_space<vmem>>, vector<1x1x16xf32>,
        %parallel_loop3A_900 = vector.shape_cast %parallel_loop3A_899 : vector<1x1x16xf32> to vector<16xf32>
        %parallel_loop3A_901 = arith.index_cast %rem3A_521 : i32 to index
        %parallel_loop3A_902 = arith.index_cast %parallel_loop3A_594 : i32 to index
        %parallel_loop3A_903 = arith.constant 160 : index
        %parallel_loop3A_904 = tpu.vector_load %arg6[%parallel_loop3A_901, %parallel_loop3A_902, %parallel_loop3A_903] {strides = array<i32>} : memref<4x2x1024xf32, #tpu.memory_space<vmem>>, vector<1x1x16xf32>,
        %parallel_loop3A_905 = vector.shape_cast %parallel_loop3A_904 : vector<1x1x16xf32> to vector<16xf32>
        %parallel_loop3A_906 = arith.index_cast %rem3A_521 : i32 to index
        %parallel_loop3A_907 = arith.index_cast %parallel_loop3A_594 : i32 to index
        %parallel_loop3A_908 = arith.constant 176 : index
        %parallel_loop3A_909 = tpu.vector_load %arg6[%parallel_loop3A_906, %parallel_loop3A_907, %parallel_loop3A_908] {strides = array<i32>} : memref<4x2x1024xf32, #tpu.memory_space<vmem>>, vector<1x1x16xf32>,
        %parallel_loop3A_910 = vector.shape_cast %parallel_loop3A_909 : vector<1x1x16xf32> to vector<16xf32>
        %parallel_loop3A_911 = arith.index_cast %rem3A_521 : i32 to index
        %parallel_loop3A_912 = arith.index_cast %parallel_loop3A_594 : i32 to index
        %parallel_loop3A_913 = arith.constant 192 : index
        %parallel_loop3A_914 = tpu.vector_load %arg6[%parallel_loop3A_911, %parallel_loop3A_912, %parallel_loop3A_913] {strides = array<i32>} : memref<4x2x1024xf32, #tpu.memory_space<vmem>>, vector<1x1x16xf32>,
        %parallel_loop3A_915 = vector.shape_cast %parallel_loop3A_914 : vector<1x1x16xf32> to vector<16xf32>
        %parallel_loop3A_916 = arith.index_cast %rem3A_521 : i32 to index
        %parallel_loop3A_917 = arith.index_cast %parallel_loop3A_594 : i32 to index
        %parallel_loop3A_918 = arith.constant 208 : index
        %parallel_loop3A_919 = tpu.vector_load %arg6[%parallel_loop3A_916, %parallel_loop3A_917, %parallel_loop3A_918] {strides = array<i32>} : memref<4x2x1024xf32, #tpu.memory_space<vmem>>, vector<1x1x16xf32>,
        %parallel_loop3A_920 = vector.shape_cast %parallel_loop3A_919 : vector<1x1x16xf32> to vector<16xf32>
        %parallel_loop3A_921 = arith.index_cast %rem3A_521 : i32 to index
        %parallel_loop3A_922 = arith.index_cast %parallel_loop3A_594 : i32 to index
        %parallel_loop3A_923 = arith.constant 224 : index
        %parallel_loop3A_924 = tpu.vector_load %arg6[%parallel_loop3A_921, %parallel_loop3A_922, %parallel_loop3A_923] {strides = array<i32>} : memref<4x2x1024xf32, #tpu.memory_space<vmem>>, vector<1x1x16xf32>,
        %parallel_loop3A_925 = vector.shape_cast %parallel_loop3A_924 : vector<1x1x16xf32> to vector<16xf32>
        %parallel_loop3A_926 = arith.index_cast %rem3A_521 : i32 to index
        %parallel_loop3A_927 = arith.index_cast %parallel_loop3A_594 : i32 to index
        %parallel_loop3A_928 = arith.constant 240 : index
        %parallel_loop3A_929 = tpu.vector_load %arg6[%parallel_loop3A_926, %parallel_loop3A_927, %parallel_loop3A_928] {strides = array<i32>} : memref<4x2x1024xf32, #tpu.memory_space<vmem>>, vector<1x1x16xf32>,
        %parallel_loop3A_930 = vector.shape_cast %parallel_loop3A_929 : vector<1x1x16xf32> to vector<16xf32>
        %parallel_loop3A_931 = arith.constant 0 : i32
        %parallel_loop3A_932 = arith.index_cast %rem3A_519 : i32 to index
        %parallel_loop3A_933 = arith.index_cast %parallel_loop3A_931 : i32 to index
        %parallel_loop3A_934 = arith.index_cast %parallel_loop3A_594 : i32 to index
        %parallel_loop3A_935 = arith.constant 128 : index
        %parallel_loop3A_936 = tpu.vector_load %arg5[%parallel_loop3A_932, %parallel_loop3A_933, %parallel_loop3A_934, %parallel_loop3A_935] {strides = array<i32>} : memref<12x4x2x1024xf32, #tpu.memory_space<vmem>>, vector<1x1x1x16xf32>,
        %parallel_loop3A_937 = vector.shape_cast %parallel_loop3A_936 : vector<1x1x1x16xf32> to vector<16xf32>
        %parallel_loop3A_938 = vector.shape_cast %parallel_loop3A_895 : vector<16xf32> to vector<1x1x1x16xf32>
        tpu.vector_store %arg5[%parallel_loop3A_932, %parallel_loop3A_933, %parallel_loop3A_934, %parallel_loop3A_935], %parallel_loop3A_938 {add = true, strides = array<i32>} : memref<12x4x2x1024xf32, #tpu.memory_space<vmem>>, vector<1x1x1x16xf32>,
        %parallel_loop3A_939 = arith.constant 0 : i32
        %parallel_loop3A_940 = arith.index_cast %rem3A_519 : i32 to index
        %parallel_loop3A_941 = arith.index_cast %parallel_loop3A_939 : i32 to index
        %parallel_loop3A_942 = arith.index_cast %parallel_loop3A_594 : i32 to index
        %parallel_loop3A_943 = arith.constant 144 : index
        %parallel_loop3A_944 = tpu.vector_load %arg5[%parallel_loop3A_940, %parallel_loop3A_941, %parallel_loop3A_942, %parallel_loop3A_943] {strides = array<i32>} : memref<12x4x2x1024xf32, #tpu.memory_space<vmem>>, vector<1x1x1x16xf32>,
        %parallel_loop3A_945 = vector.shape_cast %parallel_loop3A_944 : vector<1x1x1x16xf32> to vector<16xf32>
        %parallel_loop3A_946 = vector.shape_cast %parallel_loop3A_900 : vector<16xf32> to vector<1x1x1x16xf32>
        tpu.vector_store %arg5[%parallel_loop3A_940, %parallel_loop3A_941, %parallel_loop3A_942, %parallel_loop3A_943], %parallel_loop3A_946 {add = true, strides = array<i32>} : memref<12x4x2x1024xf32, #tpu.memory_space<vmem>>, vector<1x1x1x16xf32>,
        %parallel_loop3A_947 = arith.constant 0 : i32
        %parallel_loop3A_948 = arith.index_cast %rem3A_519 : i32 to index
        %parallel_loop3A_949 = arith.index_cast %parallel_loop3A_947 : i32 to index
        %parallel_loop3A_950 = arith.index_cast %parallel_loop3A_594 : i32 to index
        %parallel_loop3A_951 = arith.constant 160 : index
        %parallel_loop3A_952 = tpu.vector_load %arg5[%parallel_loop3A_948, %parallel_loop3A_949, %parallel_loop3A_950, %parallel_loop3A_951] {strides = array<i32>} : memref<12x4x2x1024xf32, #tpu.memory_space<vmem>>, vector<1x1x1x16xf32>,
        %parallel_loop3A_953 = vector.shape_cast %parallel_loop3A_952 : vector<1x1x1x16xf32> to vector<16xf32>
        %parallel_loop3A_954 = vector.shape_cast %parallel_loop3A_905 : vector<16xf32> to vector<1x1x1x16xf32>
        tpu.vector_store %arg5[%parallel_loop3A_948, %parallel_loop3A_949, %parallel_loop3A_950, %parallel_loop3A_951], %parallel_loop3A_954 {add = true, strides = array<i32>} : memref<12x4x2x1024xf32, #tpu.memory_space<vmem>>, vector<1x1x1x16xf32>,
        %parallel_loop3A_955 = arith.constant 0 : i32
        %parallel_loop3A_956 = arith.index_cast %rem3A_519 : i32 to index
        %parallel_loop3A_957 = arith.index_cast %parallel_loop3A_955 : i32 to index
        %parallel_loop3A_958 = arith.index_cast %parallel_loop3A_594 : i32 to index
        %parallel_loop3A_959 = arith.constant 176 : index
        %parallel_loop3A_960 = tpu.vector_load %arg5[%parallel_loop3A_956, %parallel_loop3A_957, %parallel_loop3A_958, %parallel_loop3A_959] {strides = array<i32>} : memref<12x4x2x1024xf32, #tpu.memory_space<vmem>>, vector<1x1x1x16xf32>,
        %parallel_loop3A_961 = vector.shape_cast %parallel_loop3A_960 : vector<1x1x1x16xf32> to vector<16xf32>
        %parallel_loop3A_962 = vector.shape_cast %parallel_loop3A_910 : vector<16xf32> to vector<1x1x1x16xf32>
        tpu.vector_store %arg5[%parallel_loop3A_956, %parallel_loop3A_957, %parallel_loop3A_958, %parallel_loop3A_959], %parallel_loop3A_962 {add = true, strides = array<i32>} : memref<12x4x2x1024xf32, #tpu.memory_space<vmem>>, vector<1x1x1x16xf32>,
        %parallel_loop3A_963 = arith.constant 0 : i32
        %parallel_loop3A_964 = arith.index_cast %rem3A_519 : i32 to index
        %parallel_loop3A_965 = arith.index_cast %parallel_loop3A_963 : i32 to index
        %parallel_loop3A_966 = arith.index_cast %parallel_loop3A_594 : i32 to index
        %parallel_loop3A_967 = arith.constant 192 : index
        %parallel_loop3A_968 = tpu.vector_load %arg5[%parallel_loop3A_964, %parallel_loop3A_965, %parallel_loop3A_966, %parallel_loop3A_967] {strides = array<i32>} : memref<12x4x2x1024xf32, #tpu.memory_space<vmem>>, vector<1x1x1x16xf32>,
        %parallel_loop3A_969 = vector.shape_cast %parallel_loop3A_968 : vector<1x1x1x16xf32> to vector<16xf32>
        %parallel_loop3A_970 = vector.shape_cast %parallel_loop3A_915 : vector<16xf32> to vector<1x1x1x16xf32>
        tpu.vector_store %arg5[%parallel_loop3A_964, %parallel_loop3A_965, %parallel_loop3A_966, %parallel_loop3A_967], %parallel_loop3A_970 {add = true, strides = array<i32>} : memref<12x4x2x1024xf32, #tpu.memory_space<vmem>>, vector<1x1x1x16xf32>,
        %parallel_loop3A_971 = arith.constant 0 : i32
        %parallel_loop3A_972 = arith.index_cast %rem3A_519 : i32 to index
        %parallel_loop3A_973 = arith.index_cast %parallel_loop3A_971 : i32 to index
        %parallel_loop3A_974 = arith.index_cast %parallel_loop3A_594 : i32 to index
        %parallel_loop3A_975 = arith.constant 208 : index
        %parallel_loop3A_976 = tpu.vector_load %arg5[%parallel_loop3A_972, %parallel_loop3A_973, %parallel_loop3A_974, %parallel_loop3A_975] {strides = array<i32>} : memref<12x4x2x1024xf32, #tpu.memory_space<vmem>>, vector<1x1x1x16xf32>,
        %parallel_loop3A_977 = vector.shape_cast %parallel_loop3A_976 : vector<1x1x1x16xf32> to vector<16xf32>
        %parallel_loop3A_978 = vector.shape_cast %parallel_loop3A_920 : vector<16xf32> to vector<1x1x1x16xf32>
        tpu.vector_store %arg5[%parallel_loop3A_972, %parallel_loop3A_973, %parallel_loop3A_974, %parallel_loop3A_975], %parallel_loop3A_978 {add = true, strides = array<i32>} : memref<12x4x2x1024xf32, #tpu.memory_space<vmem>>, vector<1x1x1x16xf32>,
        %parallel_loop3A_979 = arith.constant 0 : i32
        %parallel_loop3A_980 = arith.index_cast %rem3A_519 : i32 to index
        %parallel_loop3A_981 = arith.index_cast %parallel_loop3A_979 : i32 to index
        %parallel_loop3A_982 = arith.index_cast %parallel_loop3A_594 : i32 to index
        %parallel_loop3A_983 = arith.constant 224 : index
        %parallel_loop3A_984 = tpu.vector_load %arg5[%parallel_loop3A_980, %parallel_loop3A_981, %parallel_loop3A_982, %parallel_loop3A_983] {strides = array<i32>} : memref<12x4x2x1024xf32, #tpu.memory_space<vmem>>, vector<1x1x1x16xf32>,
        %parallel_loop3A_985 = vector.shape_cast %parallel_loop3A_984 : vector<1x1x1x16xf32> to vector<16xf32>
        %parallel_loop3A_986 = vector.shape_cast %parallel_loop3A_925 : vector<16xf32> to vector<1x1x1x16xf32>
        tpu.vector_store %arg5[%parallel_loop3A_980, %parallel_loop3A_981, %parallel_loop3A_982, %parallel_loop3A_983], %parallel_loop3A_986 {add = true, strides = array<i32>} : memref<12x4x2x1024xf32, #tpu.memory_space<vmem>>, vector<1x1x1x16xf32>,
        %parallel_loop3A_987 = arith.constant 0 : i32
        %parallel_loop3A_988 = arith.index_cast %rem3A_519 : i32 to index
        %parallel_loop3A_989 = arith.index_cast %parallel_loop3A_987 : i32 to index
        %parallel_loop3A_990 = arith.index_cast %parallel_loop3A_594 : i32 to index
        %parallel_loop3A_991 = arith.constant 240 : index
        %parallel_loop3A_992 = tpu.vector_load %arg5[%parallel_loop3A_988, %parallel_loop3A_989, %parallel_loop3A_990, %parallel_loop3A_991] {strides = array<i32>} : memref<12x4x2x1024xf32, #tpu.memory_space<vmem>>, vector<1x1x1x16xf32>,
        %parallel_loop3A_993 = vector.shape_cast %parallel_loop3A_992 : vector<1x1x1x16xf32> to vector<16xf32>
        %parallel_loop3A_994 = vector.shape_cast %parallel_loop3A_930 : vector<16xf32> to vector<1x1x1x16xf32>
        tpu.vector_store %arg5[%parallel_loop3A_988, %parallel_loop3A_989, %parallel_loop3A_990, %parallel_loop3A_991], %parallel_loop3A_994 {add = true, strides = array<i32>} : memref<12x4x2x1024xf32, #tpu.memory_space<vmem>>, vector<1x1x1x16xf32>,
        %parallel_loop3A_995 = arith.constant 1 : i32
        %parallel_loop3A_996 = arith.index_cast %rem3A_519 : i32 to index
        %parallel_loop3A_997 = arith.index_cast %parallel_loop3A_995 : i32 to index
        %parallel_loop3A_998 = arith.index_cast %parallel_loop3A_594 : i32 to index
        %parallel_loop3A_999 = arith.constant 128 : index
        %parallel_loop3A_1000 = tpu.vector_load %arg5[%parallel_loop3A_996, %parallel_loop3A_997, %parallel_loop3A_998, %parallel_loop3A_999] {strides = array<i32>} : memref<12x4x2x1024xf32, #tpu.memory_space<vmem>>, vector<1x1x1x16xf32>,
        %parallel_loop3A_1001 = vector.shape_cast %parallel_loop3A_1000 : vector<1x1x1x16xf32> to vector<16xf32>
        %parallel_loop3A_1002 = vector.shape_cast %parallel_loop3A_895 : vector<16xf32> to vector<1x1x1x16xf32>
        tpu.vector_store %arg5[%parallel_loop3A_996, %parallel_loop3A_997, %parallel_loop3A_998, %parallel_loop3A_999], %parallel_loop3A_1002 {add = true, strides = array<i32>} : memref<12x4x2x1024xf32, #tpu.memory_space<vmem>>, vector<1x1x1x16xf32>,
        %parallel_loop3A_1003 = arith.constant 1 : i32
        %parallel_loop3A_1004 = arith.index_cast %rem3A_519 : i32 to index
        %parallel_loop3A_1005 = arith.index_cast %parallel_loop3A_1003 : i32 to index
        %parallel_loop3A_1006 = arith.index_cast %parallel_loop3A_594 : i32 to index
        %parallel_loop3A_1007 = arith.constant 144 : index
        %parallel_loop3A_1008 = tpu.vector_load %arg5[%parallel_loop3A_1004, %parallel_loop3A_1005, %parallel_loop3A_1006, %parallel_loop3A_1007] {strides = array<i32>} : memref<12x4x2x1024xf32, #tpu.memory_space<vmem>>, vector<1x1x1x16xf32>,
        %parallel_loop3A_1009 = vector.shape_cast %parallel_loop3A_1008 : vector<1x1x1x16xf32> to vector<16xf32>
        %parallel_loop3A_1010 = vector.shape_cast %parallel_loop3A_900 : vector<16xf32> to vector<1x1x1x16xf32>
        tpu.vector_store %arg5[%parallel_loop3A_1004, %parallel_loop3A_1005, %parallel_loop3A_1006, %parallel_loop3A_1007], %parallel_loop3A_1010 {add = true, strides = array<i32>} : memref<12x4x2x1024xf32, #tpu.memory_space<vmem>>, vector<1x1x1x16xf32>,
        %parallel_loop3A_1011 = arith.constant 1 : i32
        %parallel_loop3A_1012 = arith.index_cast %rem3A_519 : i32 to index
        %parallel_loop3A_1013 = arith.index_cast %parallel_loop3A_1011 : i32 to index
        %parallel_loop3A_1014 = arith.index_cast %parallel_loop3A_594 : i32 to index
        %parallel_loop3A_1015 = arith.constant 160 : index
        %parallel_loop3A_1016 = tpu.vector_load %arg5[%parallel_loop3A_1012, %parallel_loop3A_1013, %parallel_loop3A_1014, %parallel_loop3A_1015] {strides = array<i32>} : memref<12x4x2x1024xf32, #tpu.memory_space<vmem>>, vector<1x1x1x16xf32>,
        %parallel_loop3A_1017 = vector.shape_cast %parallel_loop3A_1016 : vector<1x1x1x16xf32> to vector<16xf32>
        %parallel_loop3A_1018 = vector.shape_cast %parallel_loop3A_905 : vector<16xf32> to vector<1x1x1x16xf32>
        tpu.vector_store %arg5[%parallel_loop3A_1012, %parallel_loop3A_1013, %parallel_loop3A_1014, %parallel_loop3A_1015], %parallel_loop3A_1018 {add = true, strides = array<i32>} : memref<12x4x2x1024xf32, #tpu.memory_space<vmem>>, vector<1x1x1x16xf32>,
        %parallel_loop3A_1019 = arith.constant 1 : i32
        %parallel_loop3A_1020 = arith.index_cast %rem3A_519 : i32 to index
        %parallel_loop3A_1021 = arith.index_cast %parallel_loop3A_1019 : i32 to index
        %parallel_loop3A_1022 = arith.index_cast %parallel_loop3A_594 : i32 to index
        %parallel_loop3A_1023 = arith.constant 176 : index
        %parallel_loop3A_1024 = tpu.vector_load %arg5[%parallel_loop3A_1020, %parallel_loop3A_1021, %parallel_loop3A_1022, %parallel_loop3A_1023] {strides = array<i32>} : memref<12x4x2x1024xf32, #tpu.memory_space<vmem>>, vector<1x1x1x16xf32>,
        %parallel_loop3A_1025 = vector.shape_cast %parallel_loop3A_1024 : vector<1x1x1x16xf32> to vector<16xf32>
        %parallel_loop3A_1026 = vector.shape_cast %parallel_loop3A_910 : vector<16xf32> to vector<1x1x1x16xf32>
        tpu.vector_store %arg5[%parallel_loop3A_1020, %parallel_loop3A_1021, %parallel_loop3A_1022, %parallel_loop3A_1023], %parallel_loop3A_1026 {add = true, strides = array<i32>} : memref<12x4x2x1024xf32, #tpu.memory_space<vmem>>, vector<1x1x1x16xf32>,
        %parallel_loop3A_1027 = arith.constant 1 : i32
        %parallel_loop3A_1028 = arith.index_cast %rem3A_519 : i32 to index
        %parallel_loop3A_1029 = arith.index_cast %parallel_loop3A_1027 : i32 to index
        %parallel_loop3A_1030 = arith.index_cast %parallel_loop3A_594 : i32 to index
        %parallel_loop3A_1031 = arith.constant 192 : index
        %parallel_loop3A_1032 = tpu.vector_load %arg5[%parallel_loop3A_1028, %parallel_loop3A_1029, %parallel_loop3A_1030, %parallel_loop3A_1031] {strides = array<i32>} : memref<12x4x2x1024xf32, #tpu.memory_space<vmem>>, vector<1x1x1x16xf32>,
        %parallel_loop3A_1033 = vector.shape_cast %parallel_loop3A_1032 : vector<1x1x1x16xf32> to vector<16xf32>
        %parallel_loop3A_1034 = vector.shape_cast %parallel_loop3A_915 : vector<16xf32> to vector<1x1x1x16xf32>
        tpu.vector_store %arg5[%parallel_loop3A_1028, %parallel_loop3A_1029, %parallel_loop3A_1030, %parallel_loop3A_1031], %parallel_loop3A_1034 {add = true, strides = array<i32>} : memref<12x4x2x1024xf32, #tpu.memory_space<vmem>>, vector<1x1x1x16xf32>,
        %parallel_loop3A_1035 = arith.constant 1 : i32
        %parallel_loop3A_1036 = arith.index_cast %rem3A_519 : i32 to index
        %parallel_loop3A_1037 = arith.index_cast %parallel_loop3A_1035 : i32 to index
        %parallel_loop3A_1038 = arith.index_cast %parallel_loop3A_594 : i32 to index
        %parallel_loop3A_1039 = arith.constant 208 : index
        %parallel_loop3A_1040 = tpu.vector_load %arg5[%parallel_loop3A_1036, %parallel_loop3A_1037, %parallel_loop3A_1038, %parallel_loop3A_1039] {strides = array<i32>} : memref<12x4x2x1024xf32, #tpu.memory_space<vmem>>, vector<1x1x1x16xf32>,
        %parallel_loop3A_1041 = vector.shape_cast %parallel_loop3A_1040 : vector<1x1x1x16xf32> to vector<16xf32>
        %parallel_loop3A_1042 = vector.shape_cast %parallel_loop3A_920 : vector<16xf32> to vector<1x1x1x16xf32>
        tpu.vector_store %arg5[%parallel_loop3A_1036, %parallel_loop3A_1037, %parallel_loop3A_1038, %parallel_loop3A_1039], %parallel_loop3A_1042 {add = true, strides = array<i32>} : memref<12x4x2x1024xf32, #tpu.memory_space<vmem>>, vector<1x1x1x16xf32>,
        %parallel_loop3A_1043 = arith.constant 1 : i32
        %parallel_loop3A_1044 = arith.index_cast %rem3A_519 : i32 to index
        %parallel_loop3A_1045 = arith.index_cast %parallel_loop3A_1043 : i32 to index
        %parallel_loop3A_1046 = arith.index_cast %parallel_loop3A_594 : i32 to index
        %parallel_loop3A_1047 = arith.constant 224 : index
        %parallel_loop3A_1048 = tpu.vector_load %arg5[%parallel_loop3A_1044, %parallel_loop3A_1045, %parallel_loop3A_1046, %parallel_loop3A_1047] {strides = array<i32>} : memref<12x4x2x1024xf32, #tpu.memory_space<vmem>>, vector<1x1x1x16xf32>,
        %parallel_loop3A_1049 = vector.shape_cast %parallel_loop3A_1048 : vector<1x1x1x16xf32> to vector<16xf32>
        %parallel_loop3A_1050 = vector.shape_cast %parallel_loop3A_925 : vector<16xf32> to vector<1x1x1x16xf32>
        tpu.vector_store %arg5[%parallel_loop3A_1044, %parallel_loop3A_1045, %parallel_loop3A_1046, %parallel_loop3A_1047], %parallel_loop3A_1050 {add = true, strides = array<i32>} : memref<12x4x2x1024xf32, #tpu.memory_space<vmem>>, vector<1x1x1x16xf32>,
        %parallel_loop3A_1051 = arith.constant 1 : i32
        %parallel_loop3A_1052 = arith.index_cast %rem3A_519 : i32 to index
        %parallel_loop3A_1053 = arith.index_cast %parallel_loop3A_1051 : i32 to index
        %parallel_loop3A_1054 = arith.index_cast %parallel_loop3A_594 : i32 to index
        %parallel_loop3A_1055 = arith.constant 240 : index
        %parallel_loop3A_1056 = tpu.vector_load %arg5[%parallel_loop3A_1052, %parallel_loop3A_1053, %parallel_loop3A_1054, %parallel_loop3A_1055] {strides = array<i32>} : memref<12x4x2x1024xf32, #tpu.memory_space<vmem>>, vector<1x1x1x16xf32>,
        %parallel_loop3A_1057 = vector.shape_cast %parallel_loop3A_1056 : vector<1x1x1x16xf32> to vector<16xf32>
        %parallel_loop3A_1058 = vector.shape_cast %parallel_loop3A_930 : vector<16xf32> to vector<1x1x1x16xf32>
        tpu.vector_store %arg5[%parallel_loop3A_1052, %parallel_loop3A_1053, %parallel_loop3A_1054, %parallel_loop3A_1055], %parallel_loop3A_1058 {add = true, strides = array<i32>} : memref<12x4x2x1024xf32, #tpu.memory_space<vmem>>, vector<1x1x1x16xf32>,
        %parallel_loop3A_1059 = arith.constant 2 : i32
        %parallel_loop3A_1060 = arith.index_cast %rem3A_519 : i32 to index
        %parallel_loop3A_1061 = arith.index_cast %parallel_loop3A_1059 : i32 to index
        %parallel_loop3A_1062 = arith.index_cast %parallel_loop3A_594 : i32 to index
        %parallel_loop3A_1063 = arith.constant 128 : index
        %parallel_loop3A_1064 = tpu.vector_load %arg5[%parallel_loop3A_1060, %parallel_loop3A_1061, %parallel_loop3A_1062, %parallel_loop3A_1063] {strides = array<i32>} : memref<12x4x2x1024xf32, #tpu.memory_space<vmem>>, vector<1x1x1x16xf32>,
        %parallel_loop3A_1065 = vector.shape_cast %parallel_loop3A_1064 : vector<1x1x1x16xf32> to vector<16xf32>
        %parallel_loop3A_1066 = vector.shape_cast %parallel_loop3A_895 : vector<16xf32> to vector<1x1x1x16xf32>
        tpu.vector_store %arg5[%parallel_loop3A_1060, %parallel_loop3A_1061, %parallel_loop3A_1062, %parallel_loop3A_1063], %parallel_loop3A_1066 {add = true, strides = array<i32>} : memref<12x4x2x1024xf32, #tpu.memory_space<vmem>>, vector<1x1x1x16xf32>,
        %parallel_loop3A_1067 = arith.constant 2 : i32
        %parallel_loop3A_1068 = arith.index_cast %rem3A_519 : i32 to index
        %parallel_loop3A_1069 = arith.index_cast %parallel_loop3A_1067 : i32 to index
        %parallel_loop3A_1070 = arith.index_cast %parallel_loop3A_594 : i32 to index
        %parallel_loop3A_1071 = arith.constant 144 : index
        %parallel_loop3A_1072 = tpu.vector_load %arg5[%parallel_loop3A_1068, %parallel_loop3A_1069, %parallel_loop3A_1070, %parallel_loop3A_1071] {strides = array<i32>} : memref<12x4x2x1024xf32, #tpu.memory_space<vmem>>, vector<1x1x1x16xf32>,
        %parallel_loop3A_1073 = vector.shape_cast %parallel_loop3A_1072 : vector<1x1x1x16xf32> to vector<16xf32>
        %parallel_loop3A_1074 = vector.shape_cast %parallel_loop3A_900 : vector<16xf32> to vector<1x1x1x16xf32>
        tpu.vector_store %arg5[%parallel_loop3A_1068, %parallel_loop3A_1069, %parallel_loop3A_1070, %parallel_loop3A_1071], %parallel_loop3A_1074 {add = true, strides = array<i32>} : memref<12x4x2x1024xf32, #tpu.memory_space<vmem>>, vector<1x1x1x16xf32>,
        %parallel_loop3A_1075 = arith.constant 2 : i32
        %parallel_loop3A_1076 = arith.index_cast %rem3A_519 : i32 to index
        %parallel_loop3A_1077 = arith.index_cast %parallel_loop3A_1075 : i32 to index
        %parallel_loop3A_1078 = arith.index_cast %parallel_loop3A_594 : i32 to index
        %parallel_loop3A_1079 = arith.constant 160 : index
        %parallel_loop3A_1080 = tpu.vector_load %arg5[%parallel_loop3A_1076, %parallel_loop3A_1077, %parallel_loop3A_1078, %parallel_loop3A_1079] {strides = array<i32>} : memref<12x4x2x1024xf32, #tpu.memory_space<vmem>>, vector<1x1x1x16xf32>,
        %parallel_loop3A_1081 = vector.shape_cast %parallel_loop3A_1080 : vector<1x1x1x16xf32> to vector<16xf32>
        %parallel_loop3A_1082 = vector.shape_cast %parallel_loop3A_905 : vector<16xf32> to vector<1x1x1x16xf32>
        tpu.vector_store %arg5[%parallel_loop3A_1076, %parallel_loop3A_1077, %parallel_loop3A_1078, %parallel_loop3A_1079], %parallel_loop3A_1082 {add = true, strides = array<i32>} : memref<12x4x2x1024xf32, #tpu.memory_space<vmem>>, vector<1x1x1x16xf32>,
        %parallel_loop3A_1083 = arith.constant 2 : i32
        %parallel_loop3A_1084 = arith.index_cast %rem3A_519 : i32 to index
        %parallel_loop3A_1085 = arith.index_cast %parallel_loop3A_1083 : i32 to index
        %parallel_loop3A_1086 = arith.index_cast %parallel_loop3A_594 : i32 to index
        %parallel_loop3A_1087 = arith.constant 176 : index
        %parallel_loop3A_1088 = tpu.vector_load %arg5[%parallel_loop3A_1084, %parallel_loop3A_1085, %parallel_loop3A_1086, %parallel_loop3A_1087] {strides = array<i32>} : memref<12x4x2x1024xf32, #tpu.memory_space<vmem>>, vector<1x1x1x16xf32>,
        %parallel_loop3A_1089 = vector.shape_cast %parallel_loop3A_1088 : vector<1x1x1x16xf32> to vector<16xf32>
        %parallel_loop3A_1090 = vector.shape_cast %parallel_loop3A_910 : vector<16xf32> to vector<1x1x1x16xf32>
        tpu.vector_store %arg5[%parallel_loop3A_1084, %parallel_loop3A_1085, %parallel_loop3A_1086, %parallel_loop3A_1087], %parallel_loop3A_1090 {add = true, strides = array<i32>} : memref<12x4x2x1024xf32, #tpu.memory_space<vmem>>, vector<1x1x1x16xf32>,
        %parallel_loop3A_1091 = arith.constant 2 : i32
        %parallel_loop3A_1092 = arith.index_cast %rem3A_519 : i32 to index
        %parallel_loop3A_1093 = arith.index_cast %parallel_loop3A_1091 : i32 to index
        %parallel_loop3A_1094 = arith.index_cast %parallel_loop3A_594 : i32 to index
        %parallel_loop3A_1095 = arith.constant 192 : index
        %parallel_loop3A_1096 = tpu.vector_load %arg5[%parallel_loop3A_1092, %parallel_loop3A_1093, %parallel_loop3A_1094, %parallel_loop3A_1095] {strides = array<i32>} : memref<12x4x2x1024xf32, #tpu.memory_space<vmem>>, vector<1x1x1x16xf32>,
        %parallel_loop3A_1097 = vector.shape_cast %parallel_loop3A_1096 : vector<1x1x1x16xf32> to vector<16xf32>
        %parallel_loop3A_1098 = vector.shape_cast %parallel_loop3A_915 : vector<16xf32> to vector<1x1x1x16xf32>
        tpu.vector_store %arg5[%parallel_loop3A_1092, %parallel_loop3A_1093, %parallel_loop3A_1094, %parallel_loop3A_1095], %parallel_loop3A_1098 {add = true, strides = array<i32>} : memref<12x4x2x1024xf32, #tpu.memory_space<vmem>>, vector<1x1x1x16xf32>,
        %parallel_loop3A_1099 = arith.constant 2 : i32
        %parallel_loop3A_1100 = arith.index_cast %rem3A_519 : i32 to index
        %parallel_loop3A_1101 = arith.index_cast %parallel_loop3A_1099 : i32 to index
        %parallel_loop3A_1102 = arith.index_cast %parallel_loop3A_594 : i32 to index
        %parallel_loop3A_1103 = arith.constant 208 : index
        %parallel_loop3A_1104 = tpu.vector_load %arg5[%parallel_loop3A_1100, %parallel_loop3A_1101, %parallel_loop3A_1102, %parallel_loop3A_1103] {strides = array<i32>} : memref<12x4x2x1024xf32, #tpu.memory_space<vmem>>, vector<1x1x1x16xf32>,
        %parallel_loop3A_1105 = vector.shape_cast %parallel_loop3A_1104 : vector<1x1x1x16xf32> to vector<16xf32>
        %parallel_loop3A_1106 = vector.shape_cast %parallel_loop3A_920 : vector<16xf32> to vector<1x1x1x16xf32>
        tpu.vector_store %arg5[%parallel_loop3A_1100, %parallel_loop3A_1101, %parallel_loop3A_1102, %parallel_loop3A_1103], %parallel_loop3A_1106 {add = true, strides = array<i32>} : memref<12x4x2x1024xf32, #tpu.memory_space<vmem>>, vector<1x1x1x16xf32>,
        %parallel_loop3A_1107 = arith.constant 2 : i32
        %parallel_loop3A_1108 = arith.index_cast %rem3A_519 : i32 to index
        %parallel_loop3A_1109 = arith.index_cast %parallel_loop3A_1107 : i32 to index
        %parallel_loop3A_1110 = arith.index_cast %parallel_loop3A_594 : i32 to index
        %parallel_loop3A_1111 = arith.constant 224 : index
        %parallel_loop3A_1112 = tpu.vector_load %arg5[%parallel_loop3A_1108, %parallel_loop3A_1109, %parallel_loop3A_1110, %parallel_loop3A_1111] {strides = array<i32>} : memref<12x4x2x1024xf32, #tpu.memory_space<vmem>>, vector<1x1x1x16xf32>,
        %parallel_loop3A_1113 = vector.shape_cast %parallel_loop3A_1112 : vector<1x1x1x16xf32> to vector<16xf32>
        %parallel_loop3A_1114 = vector.shape_cast %parallel_loop3A_925 : vector<16xf32> to vector<1x1x1x16xf32>
        tpu.vector_store %arg5[%parallel_loop3A_1108, %parallel_loop3A_1109, %parallel_loop3A_1110, %parallel_loop3A_1111], %parallel_loop3A_1114 {add = true, strides = array<i32>} : memref<12x4x2x1024xf32, #tpu.memory_space<vmem>>, vector<1x1x1x16xf32>,
        %parallel_loop3A_1115 = arith.constant 2 : i32
        %parallel_loop3A_1116 = arith.index_cast %rem3A_519 : i32 to index
        %parallel_loop3A_1117 = arith.index_cast %parallel_loop3A_1115 : i32 to index
        %parallel_loop3A_1118 = arith.index_cast %parallel_loop3A_594 : i32 to index
        %parallel_loop3A_1119 = arith.constant 240 : index
        %parallel_loop3A_1120 = tpu.vector_load %arg5[%parallel_loop3A_1116, %parallel_loop3A_1117, %parallel_loop3A_1118, %parallel_loop3A_1119] {strides = array<i32>} : memref<12x4x2x1024xf32, #tpu.memory_space<vmem>>, vector<1x1x1x16xf32>,
        %parallel_loop3A_1121 = vector.shape_cast %parallel_loop3A_1120 : vector<1x1x1x16xf32> to vector<16xf32>
        %parallel_loop3A_1122 = vector.shape_cast %parallel_loop3A_930 : vector<16xf32> to vector<1x1x1x16xf32>
        tpu.vector_store %arg5[%parallel_loop3A_1116, %parallel_loop3A_1117, %parallel_loop3A_1118, %parallel_loop3A_1119], %parallel_loop3A_1122 {add = true, strides = array<i32>} : memref<12x4x2x1024xf32, #tpu.memory_space<vmem>>, vector<1x1x1x16xf32>,
        %parallel_loop3A_1123 = arith.constant 3 : i32
        %parallel_loop3A_1124 = arith.index_cast %rem3A_519 : i32 to index
        %parallel_loop3A_1125 = arith.index_cast %parallel_loop3A_1123 : i32 to index
        %parallel_loop3A_1126 = arith.index_cast %parallel_loop3A_594 : i32 to index
        %parallel_loop3A_1127 = arith.constant 128 : index
        %parallel_loop3A_1128 = tpu.vector_load %arg5[%parallel_loop3A_1124, %parallel_loop3A_1125, %parallel_loop3A_1126, %parallel_loop3A_1127] {strides = array<i32>} : memref<12x4x2x1024xf32, #tpu.memory_space<vmem>>, vector<1x1x1x16xf32>,
        %parallel_loop3A_1129 = vector.shape_cast %parallel_loop3A_1128 : vector<1x1x1x16xf32> to vector<16xf32>
        %parallel_loop3A_1130 = vector.shape_cast %parallel_loop3A_895 : vector<16xf32> to vector<1x1x1x16xf32>
        tpu.vector_store %arg5[%parallel_loop3A_1124, %parallel_loop3A_1125, %parallel_loop3A_1126, %parallel_loop3A_1127], %parallel_loop3A_1130 {add = true, strides = array<i32>} : memref<12x4x2x1024xf32, #tpu.memory_space<vmem>>, vector<1x1x1x16xf32>,
        %parallel_loop3A_1131 = arith.constant 3 : i32
        %parallel_loop3A_1132 = arith.index_cast %rem3A_519 : i32 to index
        %parallel_loop3A_1133 = arith.index_cast %parallel_loop3A_1131 : i32 to index
        %parallel_loop3A_1134 = arith.index_cast %parallel_loop3A_594 : i32 to index
        %parallel_loop3A_1135 = arith.constant 144 : index
        %parallel_loop3A_1136 = tpu.vector_load %arg5[%parallel_loop3A_1132, %parallel_loop3A_1133, %parallel_loop3A_1134, %parallel_loop3A_1135] {strides = array<i32>} : memref<12x4x2x1024xf32, #tpu.memory_space<vmem>>, vector<1x1x1x16xf32>,
        %parallel_loop3A_1137 = vector.shape_cast %parallel_loop3A_1136 : vector<1x1x1x16xf32> to vector<16xf32>
        %parallel_loop3A_1138 = vector.shape_cast %parallel_loop3A_900 : vector<16xf32> to vector<1x1x1x16xf32>
        tpu.vector_store %arg5[%parallel_loop3A_1132, %parallel_loop3A_1133, %parallel_loop3A_1134, %parallel_loop3A_1135], %parallel_loop3A_1138 {add = true, strides = array<i32>} : memref<12x4x2x1024xf32, #tpu.memory_space<vmem>>, vector<1x1x1x16xf32>,
        %parallel_loop3A_1139 = arith.constant 3 : i32
        %parallel_loop3A_1140 = arith.index_cast %rem3A_519 : i32 to index
        %parallel_loop3A_1141 = arith.index_cast %parallel_loop3A_1139 : i32 to index
        %parallel_loop3A_1142 = arith.index_cast %parallel_loop3A_594 : i32 to index
        %parallel_loop3A_1143 = arith.constant 160 : index
        %parallel_loop3A_1144 = tpu.vector_load %arg5[%parallel_loop3A_1140, %parallel_loop3A_1141, %parallel_loop3A_1142, %parallel_loop3A_1143] {strides = array<i32>} : memref<12x4x2x1024xf32, #tpu.memory_space<vmem>>, vector<1x1x1x16xf32>,
        %parallel_loop3A_1145 = vector.shape_cast %parallel_loop3A_1144 : vector<1x1x1x16xf32> to vector<16xf32>
        %parallel_loop3A_1146 = vector.shape_cast %parallel_loop3A_905 : vector<16xf32> to vector<1x1x1x16xf32>
        tpu.vector_store %arg5[%parallel_loop3A_1140, %parallel_loop3A_1141, %parallel_loop3A_1142, %parallel_loop3A_1143], %parallel_loop3A_1146 {add = true, strides = array<i32>} : memref<12x4x2x1024xf32, #tpu.memory_space<vmem>>, vector<1x1x1x16xf32>,
        %parallel_loop3A_1147 = arith.constant 3 : i32
        %parallel_loop3A_1148 = arith.index_cast %rem3A_519 : i32 to index
        %parallel_loop3A_1149 = arith.index_cast %parallel_loop3A_1147 : i32 to index
        %parallel_loop3A_1150 = arith.index_cast %parallel_loop3A_594 : i32 to index
        %parallel_loop3A_1151 = arith.constant 176 : index
        %parallel_loop3A_1152 = tpu.vector_load %arg5[%parallel_loop3A_1148, %parallel_loop3A_1149, %parallel_loop3A_1150, %parallel_loop3A_1151] {strides = array<i32>} : memref<12x4x2x1024xf32, #tpu.memory_space<vmem>>, vector<1x1x1x16xf32>,
        %parallel_loop3A_1153 = vector.shape_cast %parallel_loop3A_1152 : vector<1x1x1x16xf32> to vector<16xf32>
        %parallel_loop3A_1154 = vector.shape_cast %parallel_loop3A_910 : vector<16xf32> to vector<1x1x1x16xf32>
        tpu.vector_store %arg5[%parallel_loop3A_1148, %parallel_loop3A_1149, %parallel_loop3A_1150, %parallel_loop3A_1151], %parallel_loop3A_1154 {add = true, strides = array<i32>} : memref<12x4x2x1024xf32, #tpu.memory_space<vmem>>, vector<1x1x1x16xf32>,
        %parallel_loop3A_1155 = arith.constant 3 : i32
        %parallel_loop3A_1156 = arith.index_cast %rem3A_519 : i32 to index
        %parallel_loop3A_1157 = arith.index_cast %parallel_loop3A_1155 : i32 to index
        %parallel_loop3A_1158 = arith.index_cast %parallel_loop3A_594 : i32 to index
        %parallel_loop3A_1159 = arith.constant 192 : index
        %parallel_loop3A_1160 = tpu.vector_load %arg5[%parallel_loop3A_1156, %parallel_loop3A_1157, %parallel_loop3A_1158, %parallel_loop3A_1159] {strides = array<i32>} : memref<12x4x2x1024xf32, #tpu.memory_space<vmem>>, vector<1x1x1x16xf32>,
        %parallel_loop3A_1161 = vector.shape_cast %parallel_loop3A_1160 : vector<1x1x1x16xf32> to vector<16xf32>
        %parallel_loop3A_1162 = vector.shape_cast %parallel_loop3A_915 : vector<16xf32> to vector<1x1x1x16xf32>
        tpu.vector_store %arg5[%parallel_loop3A_1156, %parallel_loop3A_1157, %parallel_loop3A_1158, %parallel_loop3A_1159], %parallel_loop3A_1162 {add = true, strides = array<i32>} : memref<12x4x2x1024xf32, #tpu.memory_space<vmem>>, vector<1x1x1x16xf32>,
        %parallel_loop3A_1163 = arith.constant 3 : i32
        %parallel_loop3A_1164 = arith.index_cast %rem3A_519 : i32 to index
        %parallel_loop3A_1165 = arith.index_cast %parallel_loop3A_1163 : i32 to index
        %parallel_loop3A_1166 = arith.index_cast %parallel_loop3A_594 : i32 to index
        %parallel_loop3A_1167 = arith.constant 208 : index
        %parallel_loop3A_1168 = tpu.vector_load %arg5[%parallel_loop3A_1164, %parallel_loop3A_1165, %parallel_loop3A_1166, %parallel_loop3A_1167] {strides = array<i32>} : memref<12x4x2x1024xf32, #tpu.memory_space<vmem>>, vector<1x1x1x16xf32>,
        %parallel_loop3A_1169 = vector.shape_cast %parallel_loop3A_1168 : vector<1x1x1x16xf32> to vector<16xf32>
        %parallel_loop3A_1170 = vector.shape_cast %parallel_loop3A_920 : vector<16xf32> to vector<1x1x1x16xf32>
        tpu.vector_store %arg5[%parallel_loop3A_1164, %parallel_loop3A_1165, %parallel_loop3A_1166, %parallel_loop3A_1167], %parallel_loop3A_1170 {add = true, strides = array<i32>} : memref<12x4x2x1024xf32, #tpu.memory_space<vmem>>, vector<1x1x1x16xf32>,
        %parallel_loop3A_1171 = arith.constant 3 : i32
        %parallel_loop3A_1172 = arith.index_cast %rem3A_519 : i32 to index
        %parallel_loop3A_1173 = arith.index_cast %parallel_loop3A_1171 : i32 to index
        %parallel_loop3A_1174 = arith.index_cast %parallel_loop3A_594 : i32 to index
        %parallel_loop3A_1175 = arith.constant 224 : index
        %parallel_loop3A_1176 = tpu.vector_load %arg5[%parallel_loop3A_1172, %parallel_loop3A_1173, %parallel_loop3A_1174, %parallel_loop3A_1175] {strides = array<i32>} : memref<12x4x2x1024xf32, #tpu.memory_space<vmem>>, vector<1x1x1x16xf32>,
        %parallel_loop3A_1177 = vector.shape_cast %parallel_loop3A_1176 : vector<1x1x1x16xf32> to vector<16xf32>
        %parallel_loop3A_1178 = vector.shape_cast %parallel_loop3A_925 : vector<16xf32> to vector<1x1x1x16xf32>
        tpu.vector_store %arg5[%parallel_loop3A_1172, %parallel_loop3A_1173, %parallel_loop3A_1174, %parallel_loop3A_1175], %parallel_loop3A_1178 {add = true, strides = array<i32>} : memref<12x4x2x1024xf32, #tpu.memory_space<vmem>>, vector<1x1x1x16xf32>,
        %parallel_loop3A_1179 = arith.constant 3 : i32
        %parallel_loop3A_1180 = arith.index_cast %rem3A_519 : i32 to index
        %parallel_loop3A_1181 = arith.index_cast %parallel_loop3A_1179 : i32 to index
        %parallel_loop3A_1182 = arith.index_cast %parallel_loop3A_594 : i32 to index
        %parallel_loop3A_1183 = arith.constant 240 : index
        %parallel_loop3A_1184 = tpu.vector_load %arg5[%parallel_loop3A_1180, %parallel_loop3A_1181, %parallel_loop3A_1182, %parallel_loop3A_1183] {strides = array<i32>} : memref<12x4x2x1024xf32, #tpu.memory_space<vmem>>, vector<1x1x1x16xf32>,
        %parallel_loop3A_1185 = vector.shape_cast %parallel_loop3A_1184 : vector<1x1x1x16xf32> to vector<16xf32>
        %parallel_loop3A_1186 = vector.shape_cast %parallel_loop3A_930 : vector<16xf32> to vector<1x1x1x16xf32>
        tpu.vector_store %arg5[%parallel_loop3A_1180, %parallel_loop3A_1181, %parallel_loop3A_1182, %parallel_loop3A_1183], %parallel_loop3A_1186 {add = true, strides = array<i32>} : memref<12x4x2x1024xf32, #tpu.memory_space<vmem>>, vector<1x1x1x16xf32>,
        %parallel_loop3A_1187 = arith.index_cast %rem3A_521 : i32 to index
        %parallel_loop3A_1188 = arith.index_cast %parallel_loop3A_594 : i32 to index
        %parallel_loop3A_1189 = arith.constant 256 : index
        %parallel_loop3A_1190 = tpu.vector_load %arg6[%parallel_loop3A_1187, %parallel_loop3A_1188, %parallel_loop3A_1189] {strides = array<i32>} : memref<4x2x1024xf32, #tpu.memory_space<vmem>>, vector<1x1x16xf32>,
        %parallel_loop3A_1191 = vector.shape_cast %parallel_loop3A_1190 : vector<1x1x16xf32> to vector<16xf32>
        %parallel_loop3A_1192 = arith.index_cast %rem3A_521 : i32 to index
        %parallel_loop3A_1193 = arith.index_cast %parallel_loop3A_594 : i32 to index
        %parallel_loop3A_1194 = arith.constant 272 : index
        %parallel_loop3A_1195 = tpu.vector_load %arg6[%parallel_loop3A_1192, %parallel_loop3A_1193, %parallel_loop3A_1194] {strides = array<i32>} : memref<4x2x1024xf32, #tpu.memory_space<vmem>>, vector<1x1x16xf32>,
        %parallel_loop3A_1196 = vector.shape_cast %parallel_loop3A_1195 : vector<1x1x16xf32> to vector<16xf32>
        %parallel_loop3A_1197 = arith.index_cast %rem3A_521 : i32 to index
        %parallel_loop3A_1198 = arith.index_cast %parallel_loop3A_594 : i32 to index
        %parallel_loop3A_1199 = arith.constant 288 : index
        %parallel_loop3A_1200 = tpu.vector_load %arg6[%parallel_loop3A_1197, %parallel_loop3A_1198, %parallel_loop3A_1199] {strides = array<i32>} : memref<4x2x1024xf32, #tpu.memory_space<vmem>>, vector<1x1x16xf32>,
        %parallel_loop3A_1201 = vector.shape_cast %parallel_loop3A_1200 : vector<1x1x16xf32> to vector<16xf32>
        %parallel_loop3A_1202 = arith.index_cast %rem3A_521 : i32 to index
        %parallel_loop3A_1203 = arith.index_cast %parallel_loop3A_594 : i32 to index
        %parallel_loop3A_1204 = arith.constant 304 : index
        %parallel_loop3A_1205 = tpu.vector_load %arg6[%parallel_loop3A_1202, %parallel_loop3A_1203, %parallel_loop3A_1204] {strides = array<i32>} : memref<4x2x1024xf32, #tpu.memory_space<vmem>>, vector<1x1x16xf32>,
        %parallel_loop3A_1206 = vector.shape_cast %parallel_loop3A_1205 : vector<1x1x16xf32> to vector<16xf32>
        %parallel_loop3A_1207 = arith.index_cast %rem3A_521 : i32 to index
        %parallel_loop3A_1208 = arith.index_cast %parallel_loop3A_594 : i32 to index
        %parallel_loop3A_1209 = arith.constant 320 : index
        %parallel_loop3A_1210 = tpu.vector_load %arg6[%parallel_loop3A_1207, %parallel_loop3A_1208, %parallel_loop3A_1209] {strides = array<i32>} : memref<4x2x1024xf32, #tpu.memory_space<vmem>>, vector<1x1x16xf32>,
        %parallel_loop3A_1211 = vector.shape_cast %parallel_loop3A_1210 : vector<1x1x16xf32> to vector<16xf32>
        %parallel_loop3A_1212 = arith.index_cast %rem3A_521 : i32 to index
        %parallel_loop3A_1213 = arith.index_cast %parallel_loop3A_594 : i32 to index
        %parallel_loop3A_1214 = arith.constant 336 : index
        %parallel_loop3A_1215 = tpu.vector_load %arg6[%parallel_loop3A_1212, %parallel_loop3A_1213, %parallel_loop3A_1214] {strides = array<i32>} : memref<4x2x1024xf32, #tpu.memory_space<vmem>>, vector<1x1x16xf32>,
        %parallel_loop3A_1216 = vector.shape_cast %parallel_loop3A_1215 : vector<1x1x16xf32> to vector<16xf32>
        %parallel_loop3A_1217 = arith.index_cast %rem3A_521 : i32 to index
        %parallel_loop3A_1218 = arith.index_cast %parallel_loop3A_594 : i32 to index
        %parallel_loop3A_1219 = arith.constant 352 : index
        %parallel_loop3A_1220 = tpu.vector_load %arg6[%parallel_loop3A_1217, %parallel_loop3A_1218, %parallel_loop3A_1219] {strides = array<i32>} : memref<4x2x1024xf32, #tpu.memory_space<vmem>>, vector<1x1x16xf32>,
        %parallel_loop3A_1221 = vector.shape_cast %parallel_loop3A_1220 : vector<1x1x16xf32> to vector<16xf32>
        %parallel_loop3A_1222 = arith.index_cast %rem3A_521 : i32 to index
        %parallel_loop3A_1223 = arith.index_cast %parallel_loop3A_594 : i32 to index
        %parallel_loop3A_1224 = arith.constant 368 : index
        %parallel_loop3A_1225 = tpu.vector_load %arg6[%parallel_loop3A_1222, %parallel_loop3A_1223, %parallel_loop3A_1224] {strides = array<i32>} : memref<4x2x1024xf32, #tpu.memory_space<vmem>>, vector<1x1x16xf32>,
        %parallel_loop3A_1226 = vector.shape_cast %parallel_loop3A_1225 : vector<1x1x16xf32> to vector<16xf32>
        %parallel_loop3A_1227 = arith.constant 0 : i32
        %parallel_loop3A_1228 = arith.index_cast %rem3A_519 : i32 to index
        %parallel_loop3A_1229 = arith.index_cast %parallel_loop3A_1227 : i32 to index
        %parallel_loop3A_1230 = arith.index_cast %parallel_loop3A_594 : i32 to index
        %parallel_loop3A_1231 = arith.constant 256 : index
        %parallel_loop3A_1232 = tpu.vector_load %arg5[%parallel_loop3A_1228, %parallel_loop3A_1229, %parallel_loop3A_1230, %parallel_loop3A_1231] {strides = array<i32>} : memref<12x4x2x1024xf32, #tpu.memory_space<vmem>>, vector<1x1x1x16xf32>,
        %parallel_loop3A_1233 = vector.shape_cast %parallel_loop3A_1232 : vector<1x1x1x16xf32> to vector<16xf32>
        %parallel_loop3A_1234 = vector.shape_cast %parallel_loop3A_1191 : vector<16xf32> to vector<1x1x1x16xf32>
        tpu.vector_store %arg5[%parallel_loop3A_1228, %parallel_loop3A_1229, %parallel_loop3A_1230, %parallel_loop3A_1231], %parallel_loop3A_1234 {add = true, strides = array<i32>} : memref<12x4x2x1024xf32, #tpu.memory_space<vmem>>, vector<1x1x1x16xf32>,
        %parallel_loop3A_1235 = arith.constant 0 : i32
        %parallel_loop3A_1236 = arith.index_cast %rem3A_519 : i32 to index
        %parallel_loop3A_1237 = arith.index_cast %parallel_loop3A_1235 : i32 to index
        %parallel_loop3A_1238 = arith.index_cast %parallel_loop3A_594 : i32 to index
        %parallel_loop3A_1239 = arith.constant 272 : index
        %parallel_loop3A_1240 = tpu.vector_load %arg5[%parallel_loop3A_1236, %parallel_loop3A_1237, %parallel_loop3A_1238, %parallel_loop3A_1239] {strides = array<i32>} : memref<12x4x2x1024xf32, #tpu.memory_space<vmem>>, vector<1x1x1x16xf32>,
        %parallel_loop3A_1241 = vector.shape_cast %parallel_loop3A_1240 : vector<1x1x1x16xf32> to vector<16xf32>
        %parallel_loop3A_1242 = vector.shape_cast %parallel_loop3A_1196 : vector<16xf32> to vector<1x1x1x16xf32>
        tpu.vector_store %arg5[%parallel_loop3A_1236, %parallel_loop3A_1237, %parallel_loop3A_1238, %parallel_loop3A_1239], %parallel_loop3A_1242 {add = true, strides = array<i32>} : memref<12x4x2x1024xf32, #tpu.memory_space<vmem>>, vector<1x1x1x16xf32>,
        %parallel_loop3A_1243 = arith.constant 0 : i32
        %parallel_loop3A_1244 = arith.index_cast %rem3A_519 : i32 to index
        %parallel_loop3A_1245 = arith.index_cast %parallel_loop3A_1243 : i32 to index
        %parallel_loop3A_1246 = arith.index_cast %parallel_loop3A_594 : i32 to index
        %parallel_loop3A_1247 = arith.constant 288 : index
        %parallel_loop3A_1248 = tpu.vector_load %arg5[%parallel_loop3A_1244, %parallel_loop3A_1245, %parallel_loop3A_1246, %parallel_loop3A_1247] {strides = array<i32>} : memref<12x4x2x1024xf32, #tpu.memory_space<vmem>>, vector<1x1x1x16xf32>,
        %parallel_loop3A_1249 = vector.shape_cast %parallel_loop3A_1248 : vector<1x1x1x16xf32> to vector<16xf32>
        %parallel_loop3A_1250 = vector.shape_cast %parallel_loop3A_1201 : vector<16xf32> to vector<1x1x1x16xf32>
        tpu.vector_store %arg5[%parallel_loop3A_1244, %parallel_loop3A_1245, %parallel_loop3A_1246, %parallel_loop3A_1247], %parallel_loop3A_1250 {add = true, strides = array<i32>} : memref<12x4x2x1024xf32, #tpu.memory_space<vmem>>, vector<1x1x1x16xf32>,
        %parallel_loop3A_1251 = arith.constant 0 : i32
        %parallel_loop3A_1252 = arith.index_cast %rem3A_519 : i32 to index
        %parallel_loop3A_1253 = arith.index_cast %parallel_loop3A_1251 : i32 to index
        %parallel_loop3A_1254 = arith.index_cast %parallel_loop3A_594 : i32 to index
        %parallel_loop3A_1255 = arith.constant 304 : index
        %parallel_loop3A_1256 = tpu.vector_load %arg5[%parallel_loop3A_1252, %parallel_loop3A_1253, %parallel_loop3A_1254, %parallel_loop3A_1255] {strides = array<i32>} : memref<12x4x2x1024xf32, #tpu.memory_space<vmem>>, vector<1x1x1x16xf32>,
        %parallel_loop3A_1257 = vector.shape_cast %parallel_loop3A_1256 : vector<1x1x1x16xf32> to vector<16xf32>
        %parallel_loop3A_1258 = vector.shape_cast %parallel_loop3A_1206 : vector<16xf32> to vector<1x1x1x16xf32>
        tpu.vector_store %arg5[%parallel_loop3A_1252, %parallel_loop3A_1253, %parallel_loop3A_1254, %parallel_loop3A_1255], %parallel_loop3A_1258 {add = true, strides = array<i32>} : memref<12x4x2x1024xf32, #tpu.memory_space<vmem>>, vector<1x1x1x16xf32>,
        %parallel_loop3A_1259 = arith.constant 0 : i32
        %parallel_loop3A_1260 = arith.index_cast %rem3A_519 : i32 to index
        %parallel_loop3A_1261 = arith.index_cast %parallel_loop3A_1259 : i32 to index
        %parallel_loop3A_1262 = arith.index_cast %parallel_loop3A_594 : i32 to index
        %parallel_loop3A_1263 = arith.constant 320 : index
        %parallel_loop3A_1264 = tpu.vector_load %arg5[%parallel_loop3A_1260, %parallel_loop3A_1261, %parallel_loop3A_1262, %parallel_loop3A_1263] {strides = array<i32>} : memref<12x4x2x1024xf32, #tpu.memory_space<vmem>>, vector<1x1x1x16xf32>,
        %parallel_loop3A_1265 = vector.shape_cast %parallel_loop3A_1264 : vector<1x1x1x16xf32> to vector<16xf32>
        %parallel_loop3A_1266 = vector.shape_cast %parallel_loop3A_1211 : vector<16xf32> to vector<1x1x1x16xf32>
        tpu.vector_store %arg5[%parallel_loop3A_1260, %parallel_loop3A_1261, %parallel_loop3A_1262, %parallel_loop3A_1263], %parallel_loop3A_1266 {add = true, strides = array<i32>} : memref<12x4x2x1024xf32, #tpu.memory_space<vmem>>, vector<1x1x1x16xf32>,
        %parallel_loop3A_1267 = arith.constant 0 : i32
        %parallel_loop3A_1268 = arith.index_cast %rem3A_519 : i32 to index
        %parallel_loop3A_1269 = arith.index_cast %parallel_loop3A_1267 : i32 to index
        %parallel_loop3A_1270 = arith.index_cast %parallel_loop3A_594 : i32 to index
        %parallel_loop3A_1271 = arith.constant 336 : index
        %parallel_loop3A_1272 = tpu.vector_load %arg5[%parallel_loop3A_1268, %parallel_loop3A_1269, %parallel_loop3A_1270, %parallel_loop3A_1271] {strides = array<i32>} : memref<12x4x2x1024xf32, #tpu.memory_space<vmem>>, vector<1x1x1x16xf32>,
        %parallel_loop3A_1273 = vector.shape_cast %parallel_loop3A_1272 : vector<1x1x1x16xf32> to vector<16xf32>
        %parallel_loop3A_1274 = vector.shape_cast %parallel_loop3A_1216 : vector<16xf32> to vector<1x1x1x16xf32>
        tpu.vector_store %arg5[%parallel_loop3A_1268, %parallel_loop3A_1269, %parallel_loop3A_1270, %parallel_loop3A_1271], %parallel_loop3A_1274 {add = true, strides = array<i32>} : memref<12x4x2x1024xf32, #tpu.memory_space<vmem>>, vector<1x1x1x16xf32>,
        %parallel_loop3A_1275 = arith.constant 0 : i32
        %parallel_loop3A_1276 = arith.index_cast %rem3A_519 : i32 to index
        %parallel_loop3A_1277 = arith.index_cast %parallel_loop3A_1275 : i32 to index
        %parallel_loop3A_1278 = arith.index_cast %parallel_loop3A_594 : i32 to index
        %parallel_loop3A_1279 = arith.constant 352 : index
        %parallel_loop3A_1280 = tpu.vector_load %arg5[%parallel_loop3A_1276, %parallel_loop3A_1277, %parallel_loop3A_1278, %parallel_loop3A_1279] {strides = array<i32>} : memref<12x4x2x1024xf32, #tpu.memory_space<vmem>>, vector<1x1x1x16xf32>,
        %parallel_loop3A_1281 = vector.shape_cast %parallel_loop3A_1280 : vector<1x1x1x16xf32> to vector<16xf32>
        %parallel_loop3A_1282 = vector.shape_cast %parallel_loop3A_1221 : vector<16xf32> to vector<1x1x1x16xf32>
        tpu.vector_store %arg5[%parallel_loop3A_1276, %parallel_loop3A_1277, %parallel_loop3A_1278, %parallel_loop3A_1279], %parallel_loop3A_1282 {add = true, strides = array<i32>} : memref<12x4x2x1024xf32, #tpu.memory_space<vmem>>, vector<1x1x1x16xf32>,
        %parallel_loop3A_1283 = arith.constant 0 : i32
        %parallel_loop3A_1284 = arith.index_cast %rem3A_519 : i32 to index
        %parallel_loop3A_1285 = arith.index_cast %parallel_loop3A_1283 : i32 to index
        %parallel_loop3A_1286 = arith.index_cast %parallel_loop3A_594 : i32 to index
        %parallel_loop3A_1287 = arith.constant 368 : index
        %parallel_loop3A_1288 = tpu.vector_load %arg5[%parallel_loop3A_1284, %parallel_loop3A_1285, %parallel_loop3A_1286, %parallel_loop3A_1287] {strides = array<i32>} : memref<12x4x2x1024xf32, #tpu.memory_space<vmem>>, vector<1x1x1x16xf32>,
        %parallel_loop3A_1289 = vector.shape_cast %parallel_loop3A_1288 : vector<1x1x1x16xf32> to vector<16xf32>
        %parallel_loop3A_1290 = vector.shape_cast %parallel_loop3A_1226 : vector<16xf32> to vector<1x1x1x16xf32>
        tpu.vector_store %arg5[%parallel_loop3A_1284, %parallel_loop3A_1285, %parallel_loop3A_1286, %parallel_loop3A_1287], %parallel_loop3A_1290 {add = true, strides = array<i32>} : memref<12x4x2x1024xf32, #tpu.memory_space<vmem>>, vector<1x1x1x16xf32>,
        %parallel_loop3A_1291 = arith.constant 1 : i32
        %parallel_loop3A_1292 = arith.index_cast %rem3A_519 : i32 to index
        %parallel_loop3A_1293 = arith.index_cast %parallel_loop3A_1291 : i32 to index
        %parallel_loop3A_1294 = arith.index_cast %parallel_loop3A_594 : i32 to index
        %parallel_loop3A_1295 = arith.constant 256 : index
        %parallel_loop3A_1296 = tpu.vector_load %arg5[%parallel_loop3A_1292, %parallel_loop3A_1293, %parallel_loop3A_1294, %parallel_loop3A_1295] {strides = array<i32>} : memref<12x4x2x1024xf32, #tpu.memory_space<vmem>>, vector<1x1x1x16xf32>,
        %parallel_loop3A_1297 = vector.shape_cast %parallel_loop3A_1296 : vector<1x1x1x16xf32> to vector<16xf32>
        %parallel_loop3A_1298 = vector.shape_cast %parallel_loop3A_1191 : vector<16xf32> to vector<1x1x1x16xf32>
        tpu.vector_store %arg5[%parallel_loop3A_1292, %parallel_loop3A_1293, %parallel_loop3A_1294, %parallel_loop3A_1295], %parallel_loop3A_1298 {add = true, strides = array<i32>} : memref<12x4x2x1024xf32, #tpu.memory_space<vmem>>, vector<1x1x1x16xf32>,
        %parallel_loop3A_1299 = arith.constant 1 : i32
        %parallel_loop3A_1300 = arith.index_cast %rem3A_519 : i32 to index
        %parallel_loop3A_1301 = arith.index_cast %parallel_loop3A_1299 : i32 to index
        %parallel_loop3A_1302 = arith.index_cast %parallel_loop3A_594 : i32 to index
        %parallel_loop3A_1303 = arith.constant 272 : index
        %parallel_loop3A_1304 = tpu.vector_load %arg5[%parallel_loop3A_1300, %parallel_loop3A_1301, %parallel_loop3A_1302, %parallel_loop3A_1303] {strides = array<i32>} : memref<12x4x2x1024xf32, #tpu.memory_space<vmem>>, vector<1x1x1x16xf32>,
        %parallel_loop3A_1305 = vector.shape_cast %parallel_loop3A_1304 : vector<1x1x1x16xf32> to vector<16xf32>
        %parallel_loop3A_1306 = vector.shape_cast %parallel_loop3A_1196 : vector<16xf32> to vector<1x1x1x16xf32>
        tpu.vector_store %arg5[%parallel_loop3A_1300, %parallel_loop3A_1301, %parallel_loop3A_1302, %parallel_loop3A_1303], %parallel_loop3A_1306 {add = true, strides = array<i32>} : memref<12x4x2x1024xf32, #tpu.memory_space<vmem>>, vector<1x1x1x16xf32>,
        %parallel_loop3A_1307 = arith.constant 1 : i32
        %parallel_loop3A_1308 = arith.index_cast %rem3A_519 : i32 to index
        %parallel_loop3A_1309 = arith.index_cast %parallel_loop3A_1307 : i32 to index
        %parallel_loop3A_1310 = arith.index_cast %parallel_loop3A_594 : i32 to index
        %parallel_loop3A_1311 = arith.constant 288 : index
        %parallel_loop3A_1312 = tpu.vector_load %arg5[%parallel_loop3A_1308, %parallel_loop3A_1309, %parallel_loop3A_1310, %parallel_loop3A_1311] {strides = array<i32>} : memref<12x4x2x1024xf32, #tpu.memory_space<vmem>>, vector<1x1x1x16xf32>,
        %parallel_loop3A_1313 = vector.shape_cast %parallel_loop3A_1312 : vector<1x1x1x16xf32> to vector<16xf32>
        %parallel_loop3A_1314 = vector.shape_cast %parallel_loop3A_1201 : vector<16xf32> to vector<1x1x1x16xf32>
        tpu.vector_store %arg5[%parallel_loop3A_1308, %parallel_loop3A_1309, %parallel_loop3A_1310, %parallel_loop3A_1311], %parallel_loop3A_1314 {add = true, strides = array<i32>} : memref<12x4x2x1024xf32, #tpu.memory_space<vmem>>, vector<1x1x1x16xf32>,
        %parallel_loop3A_1315 = arith.constant 1 : i32
        %parallel_loop3A_1316 = arith.index_cast %rem3A_519 : i32 to index
        %parallel_loop3A_1317 = arith.index_cast %parallel_loop3A_1315 : i32 to index
        %parallel_loop3A_1318 = arith.index_cast %parallel_loop3A_594 : i32 to index
        %parallel_loop3A_1319 = arith.constant 304 : index
        %parallel_loop3A_1320 = tpu.vector_load %arg5[%parallel_loop3A_1316, %parallel_loop3A_1317, %parallel_loop3A_1318, %parallel_loop3A_1319] {strides = array<i32>} : memref<12x4x2x1024xf32, #tpu.memory_space<vmem>>, vector<1x1x1x16xf32>,
        %parallel_loop3A_1321 = vector.shape_cast %parallel_loop3A_1320 : vector<1x1x1x16xf32> to vector<16xf32>
        %parallel_loop3A_1322 = vector.shape_cast %parallel_loop3A_1206 : vector<16xf32> to vector<1x1x1x16xf32>
        tpu.vector_store %arg5[%parallel_loop3A_1316, %parallel_loop3A_1317, %parallel_loop3A_1318, %parallel_loop3A_1319], %parallel_loop3A_1322 {add = true, strides = array<i32>} : memref<12x4x2x1024xf32, #tpu.memory_space<vmem>>, vector<1x1x1x16xf32>,
        %parallel_loop3A_1323 = arith.constant 1 : i32
        %parallel_loop3A_1324 = arith.index_cast %rem3A_519 : i32 to index
        %parallel_loop3A_1325 = arith.index_cast %parallel_loop3A_1323 : i32 to index
        %parallel_loop3A_1326 = arith.index_cast %parallel_loop3A_594 : i32 to index
        %parallel_loop3A_1327 = arith.constant 320 : index
        %parallel_loop3A_1328 = tpu.vector_load %arg5[%parallel_loop3A_1324, %parallel_loop3A_1325, %parallel_loop3A_1326, %parallel_loop3A_1327] {strides = array<i32>} : memref<12x4x2x1024xf32, #tpu.memory_space<vmem>>, vector<1x1x1x16xf32>,
        %parallel_loop3A_1329 = vector.shape_cast %parallel_loop3A_1328 : vector<1x1x1x16xf32> to vector<16xf32>
        %parallel_loop3A_1330 = vector.shape_cast %parallel_loop3A_1211 : vector<16xf32> to vector<1x1x1x16xf32>
        tpu.vector_store %arg5[%parallel_loop3A_1324, %parallel_loop3A_1325, %parallel_loop3A_1326, %parallel_loop3A_1327], %parallel_loop3A_1330 {add = true, strides = array<i32>} : memref<12x4x2x1024xf32, #tpu.memory_space<vmem>>, vector<1x1x1x16xf32>,
        %parallel_loop3A_1331 = arith.constant 1 : i32
        %parallel_loop3A_1332 = arith.index_cast %rem3A_519 : i32 to index
        %parallel_loop3A_1333 = arith.index_cast %parallel_loop3A_1331 : i32 to index
        %parallel_loop3A_1334 = arith.index_cast %parallel_loop3A_594 : i32 to index
        %parallel_loop3A_1335 = arith.constant 336 : index
        %parallel_loop3A_1336 = tpu.vector_load %arg5[%parallel_loop3A_1332, %parallel_loop3A_1333, %parallel_loop3A_1334, %parallel_loop3A_1335] {strides = array<i32>} : memref<12x4x2x1024xf32, #tpu.memory_space<vmem>>, vector<1x1x1x16xf32>,
        %parallel_loop3A_1337 = vector.shape_cast %parallel_loop3A_1336 : vector<1x1x1x16xf32> to vector<16xf32>
        %parallel_loop3A_1338 = vector.shape_cast %parallel_loop3A_1216 : vector<16xf32> to vector<1x1x1x16xf32>
        tpu.vector_store %arg5[%parallel_loop3A_1332, %parallel_loop3A_1333, %parallel_loop3A_1334, %parallel_loop3A_1335], %parallel_loop3A_1338 {add = true, strides = array<i32>} : memref<12x4x2x1024xf32, #tpu.memory_space<vmem>>, vector<1x1x1x16xf32>,
        %parallel_loop3A_1339 = arith.constant 1 : i32
        %parallel_loop3A_1340 = arith.index_cast %rem3A_519 : i32 to index
        %parallel_loop3A_1341 = arith.index_cast %parallel_loop3A_1339 : i32 to index
        %parallel_loop3A_1342 = arith.index_cast %parallel_loop3A_594 : i32 to index
        %parallel_loop3A_1343 = arith.constant 352 : index
        %parallel_loop3A_1344 = tpu.vector_load %arg5[%parallel_loop3A_1340, %parallel_loop3A_1341, %parallel_loop3A_1342, %parallel_loop3A_1343] {strides = array<i32>} : memref<12x4x2x1024xf32, #tpu.memory_space<vmem>>, vector<1x1x1x16xf32>,
        %parallel_loop3A_1345 = vector.shape_cast %parallel_loop3A_1344 : vector<1x1x1x16xf32> to vector<16xf32>
        %parallel_loop3A_1346 = vector.shape_cast %parallel_loop3A_1221 : vector<16xf32> to vector<1x1x1x16xf32>
        tpu.vector_store %arg5[%parallel_loop3A_1340, %parallel_loop3A_1341, %parallel_loop3A_1342, %parallel_loop3A_1343], %parallel_loop3A_1346 {add = true, strides = array<i32>} : memref<12x4x2x1024xf32, #tpu.memory_space<vmem>>, vector<1x1x1x16xf32>,
        %parallel_loop3A_1347 = arith.constant 1 : i32
        %parallel_loop3A_1348 = arith.index_cast %rem3A_519 : i32 to index
        %parallel_loop3A_1349 = arith.index_cast %parallel_loop3A_1347 : i32 to index
        %parallel_loop3A_1350 = arith.index_cast %parallel_loop3A_594 : i32 to index
        %parallel_loop3A_1351 = arith.constant 368 : index
        %parallel_loop3A_1352 = tpu.vector_load %arg5[%parallel_loop3A_1348, %parallel_loop3A_1349, %parallel_loop3A_1350, %parallel_loop3A_1351] {strides = array<i32>} : memref<12x4x2x1024xf32, #tpu.memory_space<vmem>>, vector<1x1x1x16xf32>,
        %parallel_loop3A_1353 = vector.shape_cast %parallel_loop3A_1352 : vector<1x1x1x16xf32> to vector<16xf32>
        %parallel_loop3A_1354 = vector.shape_cast %parallel_loop3A_1226 : vector<16xf32> to vector<1x1x1x16xf32>
        tpu.vector_store %arg5[%parallel_loop3A_1348, %parallel_loop3A_1349, %parallel_loop3A_1350, %parallel_loop3A_1351], %parallel_loop3A_1354 {add = true, strides = array<i32>} : memref<12x4x2x1024xf32, #tpu.memory_space<vmem>>, vector<1x1x1x16xf32>,
        %parallel_loop3A_1355 = arith.constant 2 : i32
        %parallel_loop3A_1356 = arith.index_cast %rem3A_519 : i32 to index
        %parallel_loop3A_1357 = arith.index_cast %parallel_loop3A_1355 : i32 to index
        %parallel_loop3A_1358 = arith.index_cast %parallel_loop3A_594 : i32 to index
        %parallel_loop3A_1359 = arith.constant 256 : index
        %parallel_loop3A_1360 = tpu.vector_load %arg5[%parallel_loop3A_1356, %parallel_loop3A_1357, %parallel_loop3A_1358, %parallel_loop3A_1359] {strides = array<i32>} : memref<12x4x2x1024xf32, #tpu.memory_space<vmem>>, vector<1x1x1x16xf32>,
        %parallel_loop3A_1361 = vector.shape_cast %parallel_loop3A_1360 : vector<1x1x1x16xf32> to vector<16xf32>
        %parallel_loop3A_1362 = vector.shape_cast %parallel_loop3A_1191 : vector<16xf32> to vector<1x1x1x16xf32>
        tpu.vector_store %arg5[%parallel_loop3A_1356, %parallel_loop3A_1357, %parallel_loop3A_1358, %parallel_loop3A_1359], %parallel_loop3A_1362 {add = true, strides = array<i32>} : memref<12x4x2x1024xf32, #tpu.memory_space<vmem>>, vector<1x1x1x16xf32>,
        %parallel_loop3A_1363 = arith.constant 2 : i32
        %parallel_loop3A_1364 = arith.index_cast %rem3A_519 : i32 to index
        %parallel_loop3A_1365 = arith.index_cast %parallel_loop3A_1363 : i32 to index
        %parallel_loop3A_1366 = arith.index_cast %parallel_loop3A_594 : i32 to index
        %parallel_loop3A_1367 = arith.constant 272 : index
        %parallel_loop3A_1368 = tpu.vector_load %arg5[%parallel_loop3A_1364, %parallel_loop3A_1365, %parallel_loop3A_1366, %parallel_loop3A_1367] {strides = array<i32>} : memref<12x4x2x1024xf32, #tpu.memory_space<vmem>>, vector<1x1x1x16xf32>,
        %parallel_loop3A_1369 = vector.shape_cast %parallel_loop3A_1368 : vector<1x1x1x16xf32> to vector<16xf32>
        %parallel_loop3A_1370 = vector.shape_cast %parallel_loop3A_1196 : vector<16xf32> to vector<1x1x1x16xf32>
        tpu.vector_store %arg5[%parallel_loop3A_1364, %parallel_loop3A_1365, %parallel_loop3A_1366, %parallel_loop3A_1367], %parallel_loop3A_1370 {add = true, strides = array<i32>} : memref<12x4x2x1024xf32, #tpu.memory_space<vmem>>, vector<1x1x1x16xf32>,
        %parallel_loop3A_1371 = arith.constant 2 : i32
        %parallel_loop3A_1372 = arith.index_cast %rem3A_519 : i32 to index
        %parallel_loop3A_1373 = arith.index_cast %parallel_loop3A_1371 : i32 to index
        %parallel_loop3A_1374 = arith.index_cast %parallel_loop3A_594 : i32 to index
        %parallel_loop3A_1375 = arith.constant 288 : index
        %parallel_loop3A_1376 = tpu.vector_load %arg5[%parallel_loop3A_1372, %parallel_loop3A_1373, %parallel_loop3A_1374, %parallel_loop3A_1375] {strides = array<i32>} : memref<12x4x2x1024xf32, #tpu.memory_space<vmem>>, vector<1x1x1x16xf32>,
        %parallel_loop3A_1377 = vector.shape_cast %parallel_loop3A_1376 : vector<1x1x1x16xf32> to vector<16xf32>
        %parallel_loop3A_1378 = vector.shape_cast %parallel_loop3A_1201 : vector<16xf32> to vector<1x1x1x16xf32>
        tpu.vector_store %arg5[%parallel_loop3A_1372, %parallel_loop3A_1373, %parallel_loop3A_1374, %parallel_loop3A_1375], %parallel_loop3A_1378 {add = true, strides = array<i32>} : memref<12x4x2x1024xf32, #tpu.memory_space<vmem>>, vector<1x1x1x16xf32>,
        %parallel_loop3A_1379 = arith.constant 2 : i32
        %parallel_loop3A_1380 = arith.index_cast %rem3A_519 : i32 to index
        %parallel_loop3A_1381 = arith.index_cast %parallel_loop3A_1379 : i32 to index
        %parallel_loop3A_1382 = arith.index_cast %parallel_loop3A_594 : i32 to index
        %parallel_loop3A_1383 = arith.constant 304 : index
        %parallel_loop3A_1384 = tpu.vector_load %arg5[%parallel_loop3A_1380, %parallel_loop3A_1381, %parallel_loop3A_1382, %parallel_loop3A_1383] {strides = array<i32>} : memref<12x4x2x1024xf32, #tpu.memory_space<vmem>>, vector<1x1x1x16xf32>,
        %parallel_loop3A_1385 = vector.shape_cast %parallel_loop3A_1384 : vector<1x1x1x16xf32> to vector<16xf32>
        %parallel_loop3A_1386 = vector.shape_cast %parallel_loop3A_1206 : vector<16xf32> to vector<1x1x1x16xf32>
        tpu.vector_store %arg5[%parallel_loop3A_1380, %parallel_loop3A_1381, %parallel_loop3A_1382, %parallel_loop3A_1383], %parallel_loop3A_1386 {add = true, strides = array<i32>} : memref<12x4x2x1024xf32, #tpu.memory_space<vmem>>, vector<1x1x1x16xf32>,
        %parallel_loop3A_1387 = arith.constant 2 : i32
        %parallel_loop3A_1388 = arith.index_cast %rem3A_519 : i32 to index
        %parallel_loop3A_1389 = arith.index_cast %parallel_loop3A_1387 : i32 to index
        %parallel_loop3A_1390 = arith.index_cast %parallel_loop3A_594 : i32 to index
        %parallel_loop3A_1391 = arith.constant 320 : index
        %parallel_loop3A_1392 = tpu.vector_load %arg5[%parallel_loop3A_1388, %parallel_loop3A_1389, %parallel_loop3A_1390, %parallel_loop3A_1391] {strides = array<i32>} : memref<12x4x2x1024xf32, #tpu.memory_space<vmem>>, vector<1x1x1x16xf32>,
        %parallel_loop3A_1393 = vector.shape_cast %parallel_loop3A_1392 : vector<1x1x1x16xf32> to vector<16xf32>
        %parallel_loop3A_1394 = vector.shape_cast %parallel_loop3A_1211 : vector<16xf32> to vector<1x1x1x16xf32>
        tpu.vector_store %arg5[%parallel_loop3A_1388, %parallel_loop3A_1389, %parallel_loop3A_1390, %parallel_loop3A_1391], %parallel_loop3A_1394 {add = true, strides = array<i32>} : memref<12x4x2x1024xf32, #tpu.memory_space<vmem>>, vector<1x1x1x16xf32>,
        %parallel_loop3A_1395 = arith.constant 2 : i32
        %parallel_loop3A_1396 = arith.index_cast %rem3A_519 : i32 to index
        %parallel_loop3A_1397 = arith.index_cast %parallel_loop3A_1395 : i32 to index
        %parallel_loop3A_1398 = arith.index_cast %parallel_loop3A_594 : i32 to index
        %parallel_loop3A_1399 = arith.constant 336 : index
        %parallel_loop3A_1400 = tpu.vector_load %arg5[%parallel_loop3A_1396, %parallel_loop3A_1397, %parallel_loop3A_1398, %parallel_loop3A_1399] {strides = array<i32>} : memref<12x4x2x1024xf32, #tpu.memory_space<vmem>>, vector<1x1x1x16xf32>,
        %parallel_loop3A_1401 = vector.shape_cast %parallel_loop3A_1400 : vector<1x1x1x16xf32> to vector<16xf32>
        %parallel_loop3A_1402 = vector.shape_cast %parallel_loop3A_1216 : vector<16xf32> to vector<1x1x1x16xf32>
        tpu.vector_store %arg5[%parallel_loop3A_1396, %parallel_loop3A_1397, %parallel_loop3A_1398, %parallel_loop3A_1399], %parallel_loop3A_1402 {add = true, strides = array<i32>} : memref<12x4x2x1024xf32, #tpu.memory_space<vmem>>, vector<1x1x1x16xf32>,
        %parallel_loop3A_1403 = arith.constant 2 : i32
        %parallel_loop3A_1404 = arith.index_cast %rem3A_519 : i32 to index
        %parallel_loop3A_1405 = arith.index_cast %parallel_loop3A_1403 : i32 to index
        %parallel_loop3A_1406 = arith.index_cast %parallel_loop3A_594 : i32 to index
        %parallel_loop3A_1407 = arith.constant 352 : index
        %parallel_loop3A_1408 = tpu.vector_load %arg5[%parallel_loop3A_1404, %parallel_loop3A_1405, %parallel_loop3A_1406, %parallel_loop3A_1407] {strides = array<i32>} : memref<12x4x2x1024xf32, #tpu.memory_space<vmem>>, vector<1x1x1x16xf32>,
        %parallel_loop3A_1409 = vector.shape_cast %parallel_loop3A_1408 : vector<1x1x1x16xf32> to vector<16xf32>
        %parallel_loop3A_1410 = vector.shape_cast %parallel_loop3A_1221 : vector<16xf32> to vector<1x1x1x16xf32>
        tpu.vector_store %arg5[%parallel_loop3A_1404, %parallel_loop3A_1405, %parallel_loop3A_1406, %parallel_loop3A_1407], %parallel_loop3A_1410 {add = true, strides = array<i32>} : memref<12x4x2x1024xf32, #tpu.memory_space<vmem>>, vector<1x1x1x16xf32>,
        %parallel_loop3A_1411 = arith.constant 2 : i32
        %parallel_loop3A_1412 = arith.index_cast %rem3A_519 : i32 to index
        %parallel_loop3A_1413 = arith.index_cast %parallel_loop3A_1411 : i32 to index
        %parallel_loop3A_1414 = arith.index_cast %parallel_loop3A_594 : i32 to index
        %parallel_loop3A_1415 = arith.constant 368 : index
        %parallel_loop3A_1416 = tpu.vector_load %arg5[%parallel_loop3A_1412, %parallel_loop3A_1413, %parallel_loop3A_1414, %parallel_loop3A_1415] {strides = array<i32>} : memref<12x4x2x1024xf32, #tpu.memory_space<vmem>>, vector<1x1x1x16xf32>,
        %parallel_loop3A_1417 = vector.shape_cast %parallel_loop3A_1416 : vector<1x1x1x16xf32> to vector<16xf32>
        %parallel_loop3A_1418 = vector.shape_cast %parallel_loop3A_1226 : vector<16xf32> to vector<1x1x1x16xf32>
        tpu.vector_store %arg5[%parallel_loop3A_1412, %parallel_loop3A_1413, %parallel_loop3A_1414, %parallel_loop3A_1415], %parallel_loop3A_1418 {add = true, strides = array<i32>} : memref<12x4x2x1024xf32, #tpu.memory_space<vmem>>, vector<1x1x1x16xf32>,
        %parallel_loop3A_1419 = arith.constant 3 : i32
        %parallel_loop3A_1420 = arith.index_cast %rem3A_519 : i32 to index
        %parallel_loop3A_1421 = arith.index_cast %parallel_loop3A_1419 : i32 to index
        %parallel_loop3A_1422 = arith.index_cast %parallel_loop3A_594 : i32 to index
        %parallel_loop3A_1423 = arith.constant 256 : index
        %parallel_loop3A_1424 = tpu.vector_load %arg5[%parallel_loop3A_1420, %parallel_loop3A_1421, %parallel_loop3A_1422, %parallel_loop3A_1423] {strides = array<i32>} : memref<12x4x2x1024xf32, #tpu.memory_space<vmem>>, vector<1x1x1x16xf32>,
        %parallel_loop3A_1425 = vector.shape_cast %parallel_loop3A_1424 : vector<1x1x1x16xf32> to vector<16xf32>
        %parallel_loop3A_1426 = vector.shape_cast %parallel_loop3A_1191 : vector<16xf32> to vector<1x1x1x16xf32>
        tpu.vector_store %arg5[%parallel_loop3A_1420, %parallel_loop3A_1421, %parallel_loop3A_1422, %parallel_loop3A_1423], %parallel_loop3A_1426 {add = true, strides = array<i32>} : memref<12x4x2x1024xf32, #tpu.memory_space<vmem>>, vector<1x1x1x16xf32>,
        %parallel_loop3A_1427 = arith.constant 3 : i32
        %parallel_loop3A_1428 = arith.index_cast %rem3A_519 : i32 to index
        %parallel_loop3A_1429 = arith.index_cast %parallel_loop3A_1427 : i32 to index
        %parallel_loop3A_1430 = arith.index_cast %parallel_loop3A_594 : i32 to index
        %parallel_loop3A_1431 = arith.constant 272 : index
        %parallel_loop3A_1432 = tpu.vector_load %arg5[%parallel_loop3A_1428, %parallel_loop3A_1429, %parallel_loop3A_1430, %parallel_loop3A_1431] {strides = array<i32>} : memref<12x4x2x1024xf32, #tpu.memory_space<vmem>>, vector<1x1x1x16xf32>,
        %parallel_loop3A_1433 = vector.shape_cast %parallel_loop3A_1432 : vector<1x1x1x16xf32> to vector<16xf32>
        %parallel_loop3A_1434 = vector.shape_cast %parallel_loop3A_1196 : vector<16xf32> to vector<1x1x1x16xf32>
        tpu.vector_store %arg5[%parallel_loop3A_1428, %parallel_loop3A_1429, %parallel_loop3A_1430, %parallel_loop3A_1431], %parallel_loop3A_1434 {add = true, strides = array<i32>} : memref<12x4x2x1024xf32, #tpu.memory_space<vmem>>, vector<1x1x1x16xf32>,
        %parallel_loop3A_1435 = arith.constant 3 : i32
        %parallel_loop3A_1436 = arith.index_cast %rem3A_519 : i32 to index
        %parallel_loop3A_1437 = arith.index_cast %parallel_loop3A_1435 : i32 to index
        %parallel_loop3A_1438 = arith.index_cast %parallel_loop3A_594 : i32 to index
        %parallel_loop3A_1439 = arith.constant 288 : index
        %parallel_loop3A_1440 = tpu.vector_load %arg5[%parallel_loop3A_1436, %parallel_loop3A_1437, %parallel_loop3A_1438, %parallel_loop3A_1439] {strides = array<i32>} : memref<12x4x2x1024xf32, #tpu.memory_space<vmem>>, vector<1x1x1x16xf32>,
        %parallel_loop3A_1441 = vector.shape_cast %parallel_loop3A_1440 : vector<1x1x1x16xf32> to vector<16xf32>
        %parallel_loop3A_1442 = vector.shape_cast %parallel_loop3A_1201 : vector<16xf32> to vector<1x1x1x16xf32>
        tpu.vector_store %arg5[%parallel_loop3A_1436, %parallel_loop3A_1437, %parallel_loop3A_1438, %parallel_loop3A_1439], %parallel_loop3A_1442 {add = true, strides = array<i32>} : memref<12x4x2x1024xf32, #tpu.memory_space<vmem>>, vector<1x1x1x16xf32>,
        %parallel_loop3A_1443 = arith.constant 3 : i32
        %parallel_loop3A_1444 = arith.index_cast %rem3A_519 : i32 to index
        %parallel_loop3A_1445 = arith.index_cast %parallel_loop3A_1443 : i32 to index
        %parallel_loop3A_1446 = arith.index_cast %parallel_loop3A_594 : i32 to index
        %parallel_loop3A_1447 = arith.constant 304 : index
        %parallel_loop3A_1448 = tpu.vector_load %arg5[%parallel_loop3A_1444, %parallel_loop3A_1445, %parallel_loop3A_1446, %parallel_loop3A_1447] {strides = array<i32>} : memref<12x4x2x1024xf32, #tpu.memory_space<vmem>>, vector<1x1x1x16xf32>,
        %parallel_loop3A_1449 = vector.shape_cast %parallel_loop3A_1448 : vector<1x1x1x16xf32> to vector<16xf32>
        %parallel_loop3A_1450 = vector.shape_cast %parallel_loop3A_1206 : vector<16xf32> to vector<1x1x1x16xf32>
        tpu.vector_store %arg5[%parallel_loop3A_1444, %parallel_loop3A_1445, %parallel_loop3A_1446, %parallel_loop3A_1447], %parallel_loop3A_1450 {add = true, strides = array<i32>} : memref<12x4x2x1024xf32, #tpu.memory_space<vmem>>, vector<1x1x1x16xf32>,
        %parallel_loop3A_1451 = arith.constant 3 : i32
        %parallel_loop3A_1452 = arith.index_cast %rem3A_519 : i32 to index
        %parallel_loop3A_1453 = arith.index_cast %parallel_loop3A_1451 : i32 to index
        %parallel_loop3A_1454 = arith.index_cast %parallel_loop3A_594 : i32 to index
        %parallel_loop3A_1455 = arith.constant 320 : index
        %parallel_loop3A_1456 = tpu.vector_load %arg5[%parallel_loop3A_1452, %parallel_loop3A_1453, %parallel_loop3A_1454, %parallel_loop3A_1455] {strides = array<i32>} : memref<12x4x2x1024xf32, #tpu.memory_space<vmem>>, vector<1x1x1x16xf32>,
        %parallel_loop3A_1457 = vector.shape_cast %parallel_loop3A_1456 : vector<1x1x1x16xf32> to vector<16xf32>
        %parallel_loop3A_1458 = vector.shape_cast %parallel_loop3A_1211 : vector<16xf32> to vector<1x1x1x16xf32>
        tpu.vector_store %arg5[%parallel_loop3A_1452, %parallel_loop3A_1453, %parallel_loop3A_1454, %parallel_loop3A_1455], %parallel_loop3A_1458 {add = true, strides = array<i32>} : memref<12x4x2x1024xf32, #tpu.memory_space<vmem>>, vector<1x1x1x16xf32>,
        %parallel_loop3A_1459 = arith.constant 3 : i32
        %parallel_loop3A_1460 = arith.index_cast %rem3A_519 : i32 to index
        %parallel_loop3A_1461 = arith.index_cast %parallel_loop3A_1459 : i32 to index
        %parallel_loop3A_1462 = arith.index_cast %parallel_loop3A_594 : i32 to index
        %parallel_loop3A_1463 = arith.constant 336 : index
        %parallel_loop3A_1464 = tpu.vector_load %arg5[%parallel_loop3A_1460, %parallel_loop3A_1461, %parallel_loop3A_1462, %parallel_loop3A_1463] {strides = array<i32>} : memref<12x4x2x1024xf32, #tpu.memory_space<vmem>>, vector<1x1x1x16xf32>,
        %parallel_loop3A_1465 = vector.shape_cast %parallel_loop3A_1464 : vector<1x1x1x16xf32> to vector<16xf32>
        %parallel_loop3A_1466 = vector.shape_cast %parallel_loop3A_1216 : vector<16xf32> to vector<1x1x1x16xf32>
        tpu.vector_store %arg5[%parallel_loop3A_1460, %parallel_loop3A_1461, %parallel_loop3A_1462, %parallel_loop3A_1463], %parallel_loop3A_1466 {add = true, strides = array<i32>} : memref<12x4x2x1024xf32, #tpu.memory_space<vmem>>, vector<1x1x1x16xf32>,
        %parallel_loop3A_1467 = arith.constant 3 : i32
        %parallel_loop3A_1468 = arith.index_cast %rem3A_519 : i32 to index
        %parallel_loop3A_1469 = arith.index_cast %parallel_loop3A_1467 : i32 to index
        %parallel_loop3A_1470 = arith.index_cast %parallel_loop3A_594 : i32 to index
        %parallel_loop3A_1471 = arith.constant 352 : index
        %parallel_loop3A_1472 = tpu.vector_load %arg5[%parallel_loop3A_1468, %parallel_loop3A_1469, %parallel_loop3A_1470, %parallel_loop3A_1471] {strides = array<i32>} : memref<12x4x2x1024xf32, #tpu.memory_space<vmem>>, vector<1x1x1x16xf32>,
        %parallel_loop3A_1473 = vector.shape_cast %parallel_loop3A_1472 : vector<1x1x1x16xf32> to vector<16xf32>
        %parallel_loop3A_1474 = vector.shape_cast %parallel_loop3A_1221 : vector<16xf32> to vector<1x1x1x16xf32>
        tpu.vector_store %arg5[%parallel_loop3A_1468, %parallel_loop3A_1469, %parallel_loop3A_1470, %parallel_loop3A_1471], %parallel_loop3A_1474 {add = true, strides = array<i32>} : memref<12x4x2x1024xf32, #tpu.memory_space<vmem>>, vector<1x1x1x16xf32>,
        %parallel_loop3A_1475 = arith.constant 3 : i32
        %parallel_loop3A_1476 = arith.index_cast %rem3A_519 : i32 to index
        %parallel_loop3A_1477 = arith.index_cast %parallel_loop3A_1475 : i32 to index
        %parallel_loop3A_1478 = arith.index_cast %parallel_loop3A_594 : i32 to index
        %parallel_loop3A_1479 = arith.constant 368 : index
        %parallel_loop3A_1480 = tpu.vector_load %arg5[%parallel_loop3A_1476, %parallel_loop3A_1477, %parallel_loop3A_1478, %parallel_loop3A_1479] {strides = array<i32>} : memref<12x4x2x1024xf32, #tpu.memory_space<vmem>>, vector<1x1x1x16xf32>,
        %parallel_loop3A_1481 = vector.shape_cast %parallel_loop3A_1480 : vector<1x1x1x16xf32> to vector<16xf32>
        %parallel_loop3A_1482 = vector.shape_cast %parallel_loop3A_1226 : vector<16xf32> to vector<1x1x1x16xf32>
        tpu.vector_store %arg5[%parallel_loop3A_1476, %parallel_loop3A_1477, %parallel_loop3A_1478, %parallel_loop3A_1479], %parallel_loop3A_1482 {add = true, strides = array<i32>} : memref<12x4x2x1024xf32, #tpu.memory_space<vmem>>, vector<1x1x1x16xf32>,
        %parallel_loop3A_1483 = arith.index_cast %rem3A_521 : i32 to index
        %parallel_loop3A_1484 = arith.index_cast %parallel_loop3A_594 : i32 to index
        %parallel_loop3A_1485 = arith.constant 384 : index
        %parallel_loop3A_1486 = tpu.vector_load %arg6[%parallel_loop3A_1483, %parallel_loop3A_1484, %parallel_loop3A_1485] {strides = array<i32>} : memref<4x2x1024xf32, #tpu.memory_space<vmem>>, vector<1x1x16xf32>,
        %parallel_loop3A_1487 = vector.shape_cast %parallel_loop3A_1486 : vector<1x1x16xf32> to vector<16xf32>
        %parallel_loop3A_1488 = arith.index_cast %rem3A_521 : i32 to index
        %parallel_loop3A_1489 = arith.index_cast %parallel_loop3A_594 : i32 to index
        %parallel_loop3A_1490 = arith.constant 400 : index
        %parallel_loop3A_1491 = tpu.vector_load %arg6[%parallel_loop3A_1488, %parallel_loop3A_1489, %parallel_loop3A_1490] {strides = array<i32>} : memref<4x2x1024xf32, #tpu.memory_space<vmem>>, vector<1x1x16xf32>,
        %parallel_loop3A_1492 = vector.shape_cast %parallel_loop3A_1491 : vector<1x1x16xf32> to vector<16xf32>
        %parallel_loop3A_1493 = arith.index_cast %rem3A_521 : i32 to index
        %parallel_loop3A_1494 = arith.index_cast %parallel_loop3A_594 : i32 to index
        %parallel_loop3A_1495 = arith.constant 416 : index
        %parallel_loop3A_1496 = tpu.vector_load %arg6[%parallel_loop3A_1493, %parallel_loop3A_1494, %parallel_loop3A_1495] {strides = array<i32>} : memref<4x2x1024xf32, #tpu.memory_space<vmem>>, vector<1x1x16xf32>,
        %parallel_loop3A_1497 = vector.shape_cast %parallel_loop3A_1496 : vector<1x1x16xf32> to vector<16xf32>
        %parallel_loop3A_1498 = arith.index_cast %rem3A_521 : i32 to index
        %parallel_loop3A_1499 = arith.index_cast %parallel_loop3A_594 : i32 to index
        %parallel_loop3A_1500 = arith.constant 432 : index
        %parallel_loop3A_1501 = tpu.vector_load %arg6[%parallel_loop3A_1498, %parallel_loop3A_1499, %parallel_loop3A_1500] {strides = array<i32>} : memref<4x2x1024xf32, #tpu.memory_space<vmem>>, vector<1x1x16xf32>,
        %parallel_loop3A_1502 = vector.shape_cast %parallel_loop3A_1501 : vector<1x1x16xf32> to vector<16xf32>
        %parallel_loop3A_1503 = arith.index_cast %rem3A_521 : i32 to index
        %parallel_loop3A_1504 = arith.index_cast %parallel_loop3A_594 : i32 to index
        %parallel_loop3A_1505 = arith.constant 448 : index
        %parallel_loop3A_1506 = tpu.vector_load %arg6[%parallel_loop3A_1503, %parallel_loop3A_1504, %parallel_loop3A_1505] {strides = array<i32>} : memref<4x2x1024xf32, #tpu.memory_space<vmem>>, vector<1x1x16xf32>,
        %parallel_loop3A_1507 = vector.shape_cast %parallel_loop3A_1506 : vector<1x1x16xf32> to vector<16xf32>
        %parallel_loop3A_1508 = arith.index_cast %rem3A_521 : i32 to index
        %parallel_loop3A_1509 = arith.index_cast %parallel_loop3A_594 : i32 to index
        %parallel_loop3A_1510 = arith.constant 464 : index
        %parallel_loop3A_1511 = tpu.vector_load %arg6[%parallel_loop3A_1508, %parallel_loop3A_1509, %parallel_loop3A_1510] {strides = array<i32>} : memref<4x2x1024xf32, #tpu.memory_space<vmem>>, vector<1x1x16xf32>,
        %parallel_loop3A_1512 = vector.shape_cast %parallel_loop3A_1511 : vector<1x1x16xf32> to vector<16xf32>
        %parallel_loop3A_1513 = arith.index_cast %rem3A_521 : i32 to index
        %parallel_loop3A_1514 = arith.index_cast %parallel_loop3A_594 : i32 to index
        %parallel_loop3A_1515 = arith.constant 480 : index
        %parallel_loop3A_1516 = tpu.vector_load %arg6[%parallel_loop3A_1513, %parallel_loop3A_1514, %parallel_loop3A_1515] {strides = array<i32>} : memref<4x2x1024xf32, #tpu.memory_space<vmem>>, vector<1x1x16xf32>,
        %parallel_loop3A_1517 = vector.shape_cast %parallel_loop3A_1516 : vector<1x1x16xf32> to vector<16xf32>
        %parallel_loop3A_1518 = arith.index_cast %rem3A_521 : i32 to index
        %parallel_loop3A_1519 = arith.index_cast %parallel_loop3A_594 : i32 to index
        %parallel_loop3A_1520 = arith.constant 496 : index
        %parallel_loop3A_1521 = tpu.vector_load %arg6[%parallel_loop3A_1518, %parallel_loop3A_1519, %parallel_loop3A_1520] {strides = array<i32>} : memref<4x2x1024xf32, #tpu.memory_space<vmem>>, vector<1x1x16xf32>,
        %parallel_loop3A_1522 = vector.shape_cast %parallel_loop3A_1521 : vector<1x1x16xf32> to vector<16xf32>
        %parallel_loop3A_1523 = arith.constant 0 : i32
        %parallel_loop3A_1524 = arith.index_cast %rem3A_519 : i32 to index
        %parallel_loop3A_1525 = arith.index_cast %parallel_loop3A_1523 : i32 to index
        %parallel_loop3A_1526 = arith.index_cast %parallel_loop3A_594 : i32 to index
        %parallel_loop3A_1527 = arith.constant 384 : index
        %parallel_loop3A_1528 = tpu.vector_load %arg5[%parallel_loop3A_1524, %parallel_loop3A_1525, %parallel_loop3A_1526, %parallel_loop3A_1527] {strides = array<i32>} : memref<12x4x2x1024xf32, #tpu.memory_space<vmem>>, vector<1x1x1x16xf32>,
        %parallel_loop3A_1529 = vector.shape_cast %parallel_loop3A_1528 : vector<1x1x1x16xf32> to vector<16xf32>
        %parallel_loop3A_1530 = vector.shape_cast %parallel_loop3A_1487 : vector<16xf32> to vector<1x1x1x16xf32>
        tpu.vector_store %arg5[%parallel_loop3A_1524, %parallel_loop3A_1525, %parallel_loop3A_1526, %parallel_loop3A_1527], %parallel_loop3A_1530 {add = true, strides = array<i32>} : memref<12x4x2x1024xf32, #tpu.memory_space<vmem>>, vector<1x1x1x16xf32>,
        %parallel_loop3A_1531 = arith.constant 0 : i32
        %parallel_loop3A_1532 = arith.index_cast %rem3A_519 : i32 to index
        %parallel_loop3A_1533 = arith.index_cast %parallel_loop3A_1531 : i32 to index
        %parallel_loop3A_1534 = arith.index_cast %parallel_loop3A_594 : i32 to index
        %parallel_loop3A_1535 = arith.constant 400 : index
        %parallel_loop3A_1536 = tpu.vector_load %arg5[%parallel_loop3A_1532, %parallel_loop3A_1533, %parallel_loop3A_1534, %parallel_loop3A_1535] {strides = array<i32>} : memref<12x4x2x1024xf32, #tpu.memory_space<vmem>>, vector<1x1x1x16xf32>,
        %parallel_loop3A_1537 = vector.shape_cast %parallel_loop3A_1536 : vector<1x1x1x16xf32> to vector<16xf32>
        %parallel_loop3A_1538 = vector.shape_cast %parallel_loop3A_1492 : vector<16xf32> to vector<1x1x1x16xf32>
        tpu.vector_store %arg5[%parallel_loop3A_1532, %parallel_loop3A_1533, %parallel_loop3A_1534, %parallel_loop3A_1535], %parallel_loop3A_1538 {add = true, strides = array<i32>} : memref<12x4x2x1024xf32, #tpu.memory_space<vmem>>, vector<1x1x1x16xf32>,
        %parallel_loop3A_1539 = arith.constant 0 : i32
        %parallel_loop3A_1540 = arith.index_cast %rem3A_519 : i32 to index
        %parallel_loop3A_1541 = arith.index_cast %parallel_loop3A_1539 : i32 to index
        %parallel_loop3A_1542 = arith.index_cast %parallel_loop3A_594 : i32 to index
        %parallel_loop3A_1543 = arith.constant 416 : index
        %parallel_loop3A_1544 = tpu.vector_load %arg5[%parallel_loop3A_1540, %parallel_loop3A_1541, %parallel_loop3A_1542, %parallel_loop3A_1543] {strides = array<i32>} : memref<12x4x2x1024xf32, #tpu.memory_space<vmem>>, vector<1x1x1x16xf32>,
        %parallel_loop3A_1545 = vector.shape_cast %parallel_loop3A_1544 : vector<1x1x1x16xf32> to vector<16xf32>
        %parallel_loop3A_1546 = vector.shape_cast %parallel_loop3A_1497 : vector<16xf32> to vector<1x1x1x16xf32>
        tpu.vector_store %arg5[%parallel_loop3A_1540, %parallel_loop3A_1541, %parallel_loop3A_1542, %parallel_loop3A_1543], %parallel_loop3A_1546 {add = true, strides = array<i32>} : memref<12x4x2x1024xf32, #tpu.memory_space<vmem>>, vector<1x1x1x16xf32>,
        %parallel_loop3A_1547 = arith.constant 0 : i32
        %parallel_loop3A_1548 = arith.index_cast %rem3A_519 : i32 to index
        %parallel_loop3A_1549 = arith.index_cast %parallel_loop3A_1547 : i32 to index
        %parallel_loop3A_1550 = arith.index_cast %parallel_loop3A_594 : i32 to index
        %parallel_loop3A_1551 = arith.constant 432 : index
        %parallel_loop3A_1552 = tpu.vector_load %arg5[%parallel_loop3A_1548, %parallel_loop3A_1549, %parallel_loop3A_1550, %parallel_loop3A_1551] {strides = array<i32>} : memref<12x4x2x1024xf32, #tpu.memory_space<vmem>>, vector<1x1x1x16xf32>,
        %parallel_loop3A_1553 = vector.shape_cast %parallel_loop3A_1552 : vector<1x1x1x16xf32> to vector<16xf32>
        %parallel_loop3A_1554 = vector.shape_cast %parallel_loop3A_1502 : vector<16xf32> to vector<1x1x1x16xf32>
        tpu.vector_store %arg5[%parallel_loop3A_1548, %parallel_loop3A_1549, %parallel_loop3A_1550, %parallel_loop3A_1551], %parallel_loop3A_1554 {add = true, strides = array<i32>} : memref<12x4x2x1024xf32, #tpu.memory_space<vmem>>, vector<1x1x1x16xf32>,
        %parallel_loop3A_1555 = arith.constant 0 : i32
        %parallel_loop3A_1556 = arith.index_cast %rem3A_519 : i32 to index
        %parallel_loop3A_1557 = arith.index_cast %parallel_loop3A_1555 : i32 to index
        %parallel_loop3A_1558 = arith.index_cast %parallel_loop3A_594 : i32 to index
        %parallel_loop3A_1559 = arith.constant 448 : index
        %parallel_loop3A_1560 = tpu.vector_load %arg5[%parallel_loop3A_1556, %parallel_loop3A_1557, %parallel_loop3A_1558, %parallel_loop3A_1559] {strides = array<i32>} : memref<12x4x2x1024xf32, #tpu.memory_space<vmem>>, vector<1x1x1x16xf32>,
        %parallel_loop3A_1561 = vector.shape_cast %parallel_loop3A_1560 : vector<1x1x1x16xf32> to vector<16xf32>
        %parallel_loop3A_1562 = vector.shape_cast %parallel_loop3A_1507 : vector<16xf32> to vector<1x1x1x16xf32>
        tpu.vector_store %arg5[%parallel_loop3A_1556, %parallel_loop3A_1557, %parallel_loop3A_1558, %parallel_loop3A_1559], %parallel_loop3A_1562 {add = true, strides = array<i32>} : memref<12x4x2x1024xf32, #tpu.memory_space<vmem>>, vector<1x1x1x16xf32>,
        %parallel_loop3A_1563 = arith.constant 0 : i32
        %parallel_loop3A_1564 = arith.index_cast %rem3A_519 : i32 to index
        %parallel_loop3A_1565 = arith.index_cast %parallel_loop3A_1563 : i32 to index
        %parallel_loop3A_1566 = arith.index_cast %parallel_loop3A_594 : i32 to index
        %parallel_loop3A_1567 = arith.constant 464 : index
        %parallel_loop3A_1568 = tpu.vector_load %arg5[%parallel_loop3A_1564, %parallel_loop3A_1565, %parallel_loop3A_1566, %parallel_loop3A_1567] {strides = array<i32>} : memref<12x4x2x1024xf32, #tpu.memory_space<vmem>>, vector<1x1x1x16xf32>,
        %parallel_loop3A_1569 = vector.shape_cast %parallel_loop3A_1568 : vector<1x1x1x16xf32> to vector<16xf32>
        %parallel_loop3A_1570 = vector.shape_cast %parallel_loop3A_1512 : vector<16xf32> to vector<1x1x1x16xf32>
        tpu.vector_store %arg5[%parallel_loop3A_1564, %parallel_loop3A_1565, %parallel_loop3A_1566, %parallel_loop3A_1567], %parallel_loop3A_1570 {add = true, strides = array<i32>} : memref<12x4x2x1024xf32, #tpu.memory_space<vmem>>, vector<1x1x1x16xf32>,
        %parallel_loop3A_1571 = arith.constant 0 : i32
        %parallel_loop3A_1572 = arith.index_cast %rem3A_519 : i32 to index
        %parallel_loop3A_1573 = arith.index_cast %parallel_loop3A_1571 : i32 to index
        %parallel_loop3A_1574 = arith.index_cast %parallel_loop3A_594 : i32 to index
        %parallel_loop3A_1575 = arith.constant 480 : index
        %parallel_loop3A_1576 = tpu.vector_load %arg5[%parallel_loop3A_1572, %parallel_loop3A_1573, %parallel_loop3A_1574, %parallel_loop3A_1575] {strides = array<i32>} : memref<12x4x2x1024xf32, #tpu.memory_space<vmem>>, vector<1x1x1x16xf32>,
        %parallel_loop3A_1577 = vector.shape_cast %parallel_loop3A_1576 : vector<1x1x1x16xf32> to vector<16xf32>
        %parallel_loop3A_1578 = vector.shape_cast %parallel_loop3A_1517 : vector<16xf32> to vector<1x1x1x16xf32>
        tpu.vector_store %arg5[%parallel_loop3A_1572, %parallel_loop3A_1573, %parallel_loop3A_1574, %parallel_loop3A_1575], %parallel_loop3A_1578 {add = true, strides = array<i32>} : memref<12x4x2x1024xf32, #tpu.memory_space<vmem>>, vector<1x1x1x16xf32>,
        %parallel_loop3A_1579 = arith.constant 0 : i32
        %parallel_loop3A_1580 = arith.index_cast %rem3A_519 : i32 to index
        %parallel_loop3A_1581 = arith.index_cast %parallel_loop3A_1579 : i32 to index
        %parallel_loop3A_1582 = arith.index_cast %parallel_loop3A_594 : i32 to index
        %parallel_loop3A_1583 = arith.constant 496 : index
        %parallel_loop3A_1584 = tpu.vector_load %arg5[%parallel_loop3A_1580, %parallel_loop3A_1581, %parallel_loop3A_1582, %parallel_loop3A_1583] {strides = array<i32>} : memref<12x4x2x1024xf32, #tpu.memory_space<vmem>>, vector<1x1x1x16xf32>,
        %parallel_loop3A_1585 = vector.shape_cast %parallel_loop3A_1584 : vector<1x1x1x16xf32> to vector<16xf32>
        %parallel_loop3A_1586 = vector.shape_cast %parallel_loop3A_1522 : vector<16xf32> to vector<1x1x1x16xf32>
        tpu.vector_store %arg5[%parallel_loop3A_1580, %parallel_loop3A_1581, %parallel_loop3A_1582, %parallel_loop3A_1583], %parallel_loop3A_1586 {add = true, strides = array<i32>} : memref<12x4x2x1024xf32, #tpu.memory_space<vmem>>, vector<1x1x1x16xf32>,
        %parallel_loop3A_1587 = arith.constant 1 : i32
        %parallel_loop3A_1588 = arith.index_cast %rem3A_519 : i32 to index
        %parallel_loop3A_1589 = arith.index_cast %parallel_loop3A_1587 : i32 to index
        %parallel_loop3A_1590 = arith.index_cast %parallel_loop3A_594 : i32 to index
        %parallel_loop3A_1591 = arith.constant 384 : index
        %parallel_loop3A_1592 = tpu.vector_load %arg5[%parallel_loop3A_1588, %parallel_loop3A_1589, %parallel_loop3A_1590, %parallel_loop3A_1591] {strides = array<i32>} : memref<12x4x2x1024xf32, #tpu.memory_space<vmem>>, vector<1x1x1x16xf32>,
        %parallel_loop3A_1593 = vector.shape_cast %parallel_loop3A_1592 : vector<1x1x1x16xf32> to vector<16xf32>
        %parallel_loop3A_1594 = vector.shape_cast %parallel_loop3A_1487 : vector<16xf32> to vector<1x1x1x16xf32>
        tpu.vector_store %arg5[%parallel_loop3A_1588, %parallel_loop3A_1589, %parallel_loop3A_1590, %parallel_loop3A_1591], %parallel_loop3A_1594 {add = true, strides = array<i32>} : memref<12x4x2x1024xf32, #tpu.memory_space<vmem>>, vector<1x1x1x16xf32>,
        %parallel_loop3A_1595 = arith.constant 1 : i32
        %parallel_loop3A_1596 = arith.index_cast %rem3A_519 : i32 to index
        %parallel_loop3A_1597 = arith.index_cast %parallel_loop3A_1595 : i32 to index
        %parallel_loop3A_1598 = arith.index_cast %parallel_loop3A_594 : i32 to index
        %parallel_loop3A_1599 = arith.constant 400 : index
        %parallel_loop3A_1600 = tpu.vector_load %arg5[%parallel_loop3A_1596, %parallel_loop3A_1597, %parallel_loop3A_1598, %parallel_loop3A_1599] {strides = array<i32>} : memref<12x4x2x1024xf32, #tpu.memory_space<vmem>>, vector<1x1x1x16xf32>,
        %parallel_loop3A_1601 = vector.shape_cast %parallel_loop3A_1600 : vector<1x1x1x16xf32> to vector<16xf32>
        %parallel_loop3A_1602 = vector.shape_cast %parallel_loop3A_1492 : vector<16xf32> to vector<1x1x1x16xf32>
        tpu.vector_store %arg5[%parallel_loop3A_1596, %parallel_loop3A_1597, %parallel_loop3A_1598, %parallel_loop3A_1599], %parallel_loop3A_1602 {add = true, strides = array<i32>} : memref<12x4x2x1024xf32, #tpu.memory_space<vmem>>, vector<1x1x1x16xf32>,
        %parallel_loop3A_1603 = arith.constant 1 : i32
        %parallel_loop3A_1604 = arith.index_cast %rem3A_519 : i32 to index
        %parallel_loop3A_1605 = arith.index_cast %parallel_loop3A_1603 : i32 to index
        %parallel_loop3A_1606 = arith.index_cast %parallel_loop3A_594 : i32 to index
        %parallel_loop3A_1607 = arith.constant 416 : index
        %parallel_loop3A_1608 = tpu.vector_load %arg5[%parallel_loop3A_1604, %parallel_loop3A_1605, %parallel_loop3A_1606, %parallel_loop3A_1607] {strides = array<i32>} : memref<12x4x2x1024xf32, #tpu.memory_space<vmem>>, vector<1x1x1x16xf32>,
        %parallel_loop3A_1609 = vector.shape_cast %parallel_loop3A_1608 : vector<1x1x1x16xf32> to vector<16xf32>
        %parallel_loop3A_1610 = vector.shape_cast %parallel_loop3A_1497 : vector<16xf32> to vector<1x1x1x16xf32>
        tpu.vector_store %arg5[%parallel_loop3A_1604, %parallel_loop3A_1605, %parallel_loop3A_1606, %parallel_loop3A_1607], %parallel_loop3A_1610 {add = true, strides = array<i32>} : memref<12x4x2x1024xf32, #tpu.memory_space<vmem>>, vector<1x1x1x16xf32>,
        %parallel_loop3A_1611 = arith.constant 1 : i32
        %parallel_loop3A_1612 = arith.index_cast %rem3A_519 : i32 to index
        %parallel_loop3A_1613 = arith.index_cast %parallel_loop3A_1611 : i32 to index
        %parallel_loop3A_1614 = arith.index_cast %parallel_loop3A_594 : i32 to index
        %parallel_loop3A_1615 = arith.constant 432 : index
        %parallel_loop3A_1616 = tpu.vector_load %arg5[%parallel_loop3A_1612, %parallel_loop3A_1613, %parallel_loop3A_1614, %parallel_loop3A_1615] {strides = array<i32>} : memref<12x4x2x1024xf32, #tpu.memory_space<vmem>>, vector<1x1x1x16xf32>,
        %parallel_loop3A_1617 = vector.shape_cast %parallel_loop3A_1616 : vector<1x1x1x16xf32> to vector<16xf32>
        %parallel_loop3A_1618 = vector.shape_cast %parallel_loop3A_1502 : vector<16xf32> to vector<1x1x1x16xf32>
        tpu.vector_store %arg5[%parallel_loop3A_1612, %parallel_loop3A_1613, %parallel_loop3A_1614, %parallel_loop3A_1615], %parallel_loop3A_1618 {add = true, strides = array<i32>} : memref<12x4x2x1024xf32, #tpu.memory_space<vmem>>, vector<1x1x1x16xf32>,
        %parallel_loop3A_1619 = arith.constant 1 : i32
        %parallel_loop3A_1620 = arith.index_cast %rem3A_519 : i32 to index
        %parallel_loop3A_1621 = arith.index_cast %parallel_loop3A_1619 : i32 to index
        %parallel_loop3A_1622 = arith.index_cast %parallel_loop3A_594 : i32 to index
        %parallel_loop3A_1623 = arith.constant 448 : index
        %parallel_loop3A_1624 = tpu.vector_load %arg5[%parallel_loop3A_1620, %parallel_loop3A_1621, %parallel_loop3A_1622, %parallel_loop3A_1623] {strides = array<i32>} : memref<12x4x2x1024xf32, #tpu.memory_space<vmem>>, vector<1x1x1x16xf32>,
        %parallel_loop3A_1625 = vector.shape_cast %parallel_loop3A_1624 : vector<1x1x1x16xf32> to vector<16xf32>
        %parallel_loop3A_1626 = vector.shape_cast %parallel_loop3A_1507 : vector<16xf32> to vector<1x1x1x16xf32>
        tpu.vector_store %arg5[%parallel_loop3A_1620, %parallel_loop3A_1621, %parallel_loop3A_1622, %parallel_loop3A_1623], %parallel_loop3A_1626 {add = true, strides = array<i32>} : memref<12x4x2x1024xf32, #tpu.memory_space<vmem>>, vector<1x1x1x16xf32>,
        %parallel_loop3A_1627 = arith.constant 1 : i32
        %parallel_loop3A_1628 = arith.index_cast %rem3A_519 : i32 to index
        %parallel_loop3A_1629 = arith.index_cast %parallel_loop3A_1627 : i32 to index
        %parallel_loop3A_1630 = arith.index_cast %parallel_loop3A_594 : i32 to index
        %parallel_loop3A_1631 = arith.constant 464 : index
        %parallel_loop3A_1632 = tpu.vector_load %arg5[%parallel_loop3A_1628, %parallel_loop3A_1629, %parallel_loop3A_1630, %parallel_loop3A_1631] {strides = array<i32>} : memref<12x4x2x1024xf32, #tpu.memory_space<vmem>>, vector<1x1x1x16xf32>,
        %parallel_loop3A_1633 = vector.shape_cast %parallel_loop3A_1632 : vector<1x1x1x16xf32> to vector<16xf32>
        %parallel_loop3A_1634 = vector.shape_cast %parallel_loop3A_1512 : vector<16xf32> to vector<1x1x1x16xf32>
        tpu.vector_store %arg5[%parallel_loop3A_1628, %parallel_loop3A_1629, %parallel_loop3A_1630, %parallel_loop3A_1631], %parallel_loop3A_1634 {add = true, strides = array<i32>} : memref<12x4x2x1024xf32, #tpu.memory_space<vmem>>, vector<1x1x1x16xf32>,
        %parallel_loop3A_1635 = arith.constant 1 : i32
        %parallel_loop3A_1636 = arith.index_cast %rem3A_519 : i32 to index
        %parallel_loop3A_1637 = arith.index_cast %parallel_loop3A_1635 : i32 to index
        %parallel_loop3A_1638 = arith.index_cast %parallel_loop3A_594 : i32 to index
        %parallel_loop3A_1639 = arith.constant 480 : index
        %parallel_loop3A_1640 = tpu.vector_load %arg5[%parallel_loop3A_1636, %parallel_loop3A_1637, %parallel_loop3A_1638, %parallel_loop3A_1639] {strides = array<i32>} : memref<12x4x2x1024xf32, #tpu.memory_space<vmem>>, vector<1x1x1x16xf32>,
        %parallel_loop3A_1641 = vector.shape_cast %parallel_loop3A_1640 : vector<1x1x1x16xf32> to vector<16xf32>
        %parallel_loop3A_1642 = vector.shape_cast %parallel_loop3A_1517 : vector<16xf32> to vector<1x1x1x16xf32>
        tpu.vector_store %arg5[%parallel_loop3A_1636, %parallel_loop3A_1637, %parallel_loop3A_1638, %parallel_loop3A_1639], %parallel_loop3A_1642 {add = true, strides = array<i32>} : memref<12x4x2x1024xf32, #tpu.memory_space<vmem>>, vector<1x1x1x16xf32>,
        %parallel_loop3A_1643 = arith.constant 1 : i32
        %parallel_loop3A_1644 = arith.index_cast %rem3A_519 : i32 to index
        %parallel_loop3A_1645 = arith.index_cast %parallel_loop3A_1643 : i32 to index
        %parallel_loop3A_1646 = arith.index_cast %parallel_loop3A_594 : i32 to index
        %parallel_loop3A_1647 = arith.constant 496 : index
        %parallel_loop3A_1648 = tpu.vector_load %arg5[%parallel_loop3A_1644, %parallel_loop3A_1645, %parallel_loop3A_1646, %parallel_loop3A_1647] {strides = array<i32>} : memref<12x4x2x1024xf32, #tpu.memory_space<vmem>>, vector<1x1x1x16xf32>,
        %parallel_loop3A_1649 = vector.shape_cast %parallel_loop3A_1648 : vector<1x1x1x16xf32> to vector<16xf32>
        %parallel_loop3A_1650 = vector.shape_cast %parallel_loop3A_1522 : vector<16xf32> to vector<1x1x1x16xf32>
        tpu.vector_store %arg5[%parallel_loop3A_1644, %parallel_loop3A_1645, %parallel_loop3A_1646, %parallel_loop3A_1647], %parallel_loop3A_1650 {add = true, strides = array<i32>} : memref<12x4x2x1024xf32, #tpu.memory_space<vmem>>, vector<1x1x1x16xf32>,
        %parallel_loop3A_1651 = arith.constant 2 : i32
        %parallel_loop3A_1652 = arith.index_cast %rem3A_519 : i32 to index
        %parallel_loop3A_1653 = arith.index_cast %parallel_loop3A_1651 : i32 to index
        %parallel_loop3A_1654 = arith.index_cast %parallel_loop3A_594 : i32 to index
        %parallel_loop3A_1655 = arith.constant 384 : index
        %parallel_loop3A_1656 = tpu.vector_load %arg5[%parallel_loop3A_1652, %parallel_loop3A_1653, %parallel_loop3A_1654, %parallel_loop3A_1655] {strides = array<i32>} : memref<12x4x2x1024xf32, #tpu.memory_space<vmem>>, vector<1x1x1x16xf32>,
        %parallel_loop3A_1657 = vector.shape_cast %parallel_loop3A_1656 : vector<1x1x1x16xf32> to vector<16xf32>
        %parallel_loop3A_1658 = vector.shape_cast %parallel_loop3A_1487 : vector<16xf32> to vector<1x1x1x16xf32>
        tpu.vector_store %arg5[%parallel_loop3A_1652, %parallel_loop3A_1653, %parallel_loop3A_1654, %parallel_loop3A_1655], %parallel_loop3A_1658 {add = true, strides = array<i32>} : memref<12x4x2x1024xf32, #tpu.memory_space<vmem>>, vector<1x1x1x16xf32>,
        %parallel_loop3A_1659 = arith.constant 2 : i32
        %parallel_loop3A_1660 = arith.index_cast %rem3A_519 : i32 to index
        %parallel_loop3A_1661 = arith.index_cast %parallel_loop3A_1659 : i32 to index
        %parallel_loop3A_1662 = arith.index_cast %parallel_loop3A_594 : i32 to index
        %parallel_loop3A_1663 = arith.constant 400 : index
        %parallel_loop3A_1664 = tpu.vector_load %arg5[%parallel_loop3A_1660, %parallel_loop3A_1661, %parallel_loop3A_1662, %parallel_loop3A_1663] {strides = array<i32>} : memref<12x4x2x1024xf32, #tpu.memory_space<vmem>>, vector<1x1x1x16xf32>,
        %parallel_loop3A_1665 = vector.shape_cast %parallel_loop3A_1664 : vector<1x1x1x16xf32> to vector<16xf32>
        %parallel_loop3A_1666 = vector.shape_cast %parallel_loop3A_1492 : vector<16xf32> to vector<1x1x1x16xf32>
        tpu.vector_store %arg5[%parallel_loop3A_1660, %parallel_loop3A_1661, %parallel_loop3A_1662, %parallel_loop3A_1663], %parallel_loop3A_1666 {add = true, strides = array<i32>} : memref<12x4x2x1024xf32, #tpu.memory_space<vmem>>, vector<1x1x1x16xf32>,
        %parallel_loop3A_1667 = arith.constant 2 : i32
        %parallel_loop3A_1668 = arith.index_cast %rem3A_519 : i32 to index
        %parallel_loop3A_1669 = arith.index_cast %parallel_loop3A_1667 : i32 to index
        %parallel_loop3A_1670 = arith.index_cast %parallel_loop3A_594 : i32 to index
        %parallel_loop3A_1671 = arith.constant 416 : index
        %parallel_loop3A_1672 = tpu.vector_load %arg5[%parallel_loop3A_1668, %parallel_loop3A_1669, %parallel_loop3A_1670, %parallel_loop3A_1671] {strides = array<i32>} : memref<12x4x2x1024xf32, #tpu.memory_space<vmem>>, vector<1x1x1x16xf32>,
        %parallel_loop3A_1673 = vector.shape_cast %parallel_loop3A_1672 : vector<1x1x1x16xf32> to vector<16xf32>
        %parallel_loop3A_1674 = vector.shape_cast %parallel_loop3A_1497 : vector<16xf32> to vector<1x1x1x16xf32>
        tpu.vector_store %arg5[%parallel_loop3A_1668, %parallel_loop3A_1669, %parallel_loop3A_1670, %parallel_loop3A_1671], %parallel_loop3A_1674 {add = true, strides = array<i32>} : memref<12x4x2x1024xf32, #tpu.memory_space<vmem>>, vector<1x1x1x16xf32>,
        %parallel_loop3A_1675 = arith.constant 2 : i32
        %parallel_loop3A_1676 = arith.index_cast %rem3A_519 : i32 to index
        %parallel_loop3A_1677 = arith.index_cast %parallel_loop3A_1675 : i32 to index
        %parallel_loop3A_1678 = arith.index_cast %parallel_loop3A_594 : i32 to index
        %parallel_loop3A_1679 = arith.constant 432 : index
        %parallel_loop3A_1680 = tpu.vector_load %arg5[%parallel_loop3A_1676, %parallel_loop3A_1677, %parallel_loop3A_1678, %parallel_loop3A_1679] {strides = array<i32>} : memref<12x4x2x1024xf32, #tpu.memory_space<vmem>>, vector<1x1x1x16xf32>,
        %parallel_loop3A_1681 = vector.shape_cast %parallel_loop3A_1680 : vector<1x1x1x16xf32> to vector<16xf32>
        %parallel_loop3A_1682 = vector.shape_cast %parallel_loop3A_1502 : vector<16xf32> to vector<1x1x1x16xf32>
        tpu.vector_store %arg5[%parallel_loop3A_1676, %parallel_loop3A_1677, %parallel_loop3A_1678, %parallel_loop3A_1679], %parallel_loop3A_1682 {add = true, strides = array<i32>} : memref<12x4x2x1024xf32, #tpu.memory_space<vmem>>, vector<1x1x1x16xf32>,
        %parallel_loop3A_1683 = arith.constant 2 : i32
        %parallel_loop3A_1684 = arith.index_cast %rem3A_519 : i32 to index
        %parallel_loop3A_1685 = arith.index_cast %parallel_loop3A_1683 : i32 to index
        %parallel_loop3A_1686 = arith.index_cast %parallel_loop3A_594 : i32 to index
        %parallel_loop3A_1687 = arith.constant 448 : index
        %parallel_loop3A_1688 = tpu.vector_load %arg5[%parallel_loop3A_1684, %parallel_loop3A_1685, %parallel_loop3A_1686, %parallel_loop3A_1687] {strides = array<i32>} : memref<12x4x2x1024xf32, #tpu.memory_space<vmem>>, vector<1x1x1x16xf32>,
        %parallel_loop3A_1689 = vector.shape_cast %parallel_loop3A_1688 : vector<1x1x1x16xf32> to vector<16xf32>
        %parallel_loop3A_1690 = vector.shape_cast %parallel_loop3A_1507 : vector<16xf32> to vector<1x1x1x16xf32>
        tpu.vector_store %arg5[%parallel_loop3A_1684, %parallel_loop3A_1685, %parallel_loop3A_1686, %parallel_loop3A_1687], %parallel_loop3A_1690 {add = true, strides = array<i32>} : memref<12x4x2x1024xf32, #tpu.memory_space<vmem>>, vector<1x1x1x16xf32>,
        %parallel_loop3A_1691 = arith.constant 2 : i32
        %parallel_loop3A_1692 = arith.index_cast %rem3A_519 : i32 to index
        %parallel_loop3A_1693 = arith.index_cast %parallel_loop3A_1691 : i32 to index
        %parallel_loop3A_1694 = arith.index_cast %parallel_loop3A_594 : i32 to index
        %parallel_loop3A_1695 = arith.constant 464 : index
        %parallel_loop3A_1696 = tpu.vector_load %arg5[%parallel_loop3A_1692, %parallel_loop3A_1693, %parallel_loop3A_1694, %parallel_loop3A_1695] {strides = array<i32>} : memref<12x4x2x1024xf32, #tpu.memory_space<vmem>>, vector<1x1x1x16xf32>,
        %parallel_loop3A_1697 = vector.shape_cast %parallel_loop3A_1696 : vector<1x1x1x16xf32> to vector<16xf32>
        %parallel_loop3A_1698 = vector.shape_cast %parallel_loop3A_1512 : vector<16xf32> to vector<1x1x1x16xf32>
        tpu.vector_store %arg5[%parallel_loop3A_1692, %parallel_loop3A_1693, %parallel_loop3A_1694, %parallel_loop3A_1695], %parallel_loop3A_1698 {add = true, strides = array<i32>} : memref<12x4x2x1024xf32, #tpu.memory_space<vmem>>, vector<1x1x1x16xf32>,
        %parallel_loop3A_1699 = arith.constant 2 : i32
        %parallel_loop3A_1700 = arith.index_cast %rem3A_519 : i32 to index
        %parallel_loop3A_1701 = arith.index_cast %parallel_loop3A_1699 : i32 to index
        %parallel_loop3A_1702 = arith.index_cast %parallel_loop3A_594 : i32 to index
        %parallel_loop3A_1703 = arith.constant 480 : index
        %parallel_loop3A_1704 = tpu.vector_load %arg5[%parallel_loop3A_1700, %parallel_loop3A_1701, %parallel_loop3A_1702, %parallel_loop3A_1703] {strides = array<i32>} : memref<12x4x2x1024xf32, #tpu.memory_space<vmem>>, vector<1x1x1x16xf32>,
        %parallel_loop3A_1705 = vector.shape_cast %parallel_loop3A_1704 : vector<1x1x1x16xf32> to vector<16xf32>
        %parallel_loop3A_1706 = vector.shape_cast %parallel_loop3A_1517 : vector<16xf32> to vector<1x1x1x16xf32>
        tpu.vector_store %arg5[%parallel_loop3A_1700, %parallel_loop3A_1701, %parallel_loop3A_1702, %parallel_loop3A_1703], %parallel_loop3A_1706 {add = true, strides = array<i32>} : memref<12x4x2x1024xf32, #tpu.memory_space<vmem>>, vector<1x1x1x16xf32>,
        %parallel_loop3A_1707 = arith.constant 2 : i32
        %parallel_loop3A_1708 = arith.index_cast %rem3A_519 : i32 to index
        %parallel_loop3A_1709 = arith.index_cast %parallel_loop3A_1707 : i32 to index
        %parallel_loop3A_1710 = arith.index_cast %parallel_loop3A_594 : i32 to index
        %parallel_loop3A_1711 = arith.constant 496 : index
        %parallel_loop3A_1712 = tpu.vector_load %arg5[%parallel_loop3A_1708, %parallel_loop3A_1709, %parallel_loop3A_1710, %parallel_loop3A_1711] {strides = array<i32>} : memref<12x4x2x1024xf32, #tpu.memory_space<vmem>>, vector<1x1x1x16xf32>,
        %parallel_loop3A_1713 = vector.shape_cast %parallel_loop3A_1712 : vector<1x1x1x16xf32> to vector<16xf32>
        %parallel_loop3A_1714 = vector.shape_cast %parallel_loop3A_1522 : vector<16xf32> to vector<1x1x1x16xf32>
        tpu.vector_store %arg5[%parallel_loop3A_1708, %parallel_loop3A_1709, %parallel_loop3A_1710, %parallel_loop3A_1711], %parallel_loop3A_1714 {add = true, strides = array<i32>} : memref<12x4x2x1024xf32, #tpu.memory_space<vmem>>, vector<1x1x1x16xf32>,
        %parallel_loop3A_1715 = arith.constant 3 : i32
        %parallel_loop3A_1716 = arith.index_cast %rem3A_519 : i32 to index
        %parallel_loop3A_1717 = arith.index_cast %parallel_loop3A_1715 : i32 to index
        %parallel_loop3A_1718 = arith.index_cast %parallel_loop3A_594 : i32 to index
        %parallel_loop3A_1719 = arith.constant 384 : index
        %parallel_loop3A_1720 = tpu.vector_load %arg5[%parallel_loop3A_1716, %parallel_loop3A_1717, %parallel_loop3A_1718, %parallel_loop3A_1719] {strides = array<i32>} : memref<12x4x2x1024xf32, #tpu.memory_space<vmem>>, vector<1x1x1x16xf32>,
        %parallel_loop3A_1721 = vector.shape_cast %parallel_loop3A_1720 : vector<1x1x1x16xf32> to vector<16xf32>
        %parallel_loop3A_1722 = vector.shape_cast %parallel_loop3A_1487 : vector<16xf32> to vector<1x1x1x16xf32>
        tpu.vector_store %arg5[%parallel_loop3A_1716, %parallel_loop3A_1717, %parallel_loop3A_1718, %parallel_loop3A_1719], %parallel_loop3A_1722 {add = true, strides = array<i32>} : memref<12x4x2x1024xf32, #tpu.memory_space<vmem>>, vector<1x1x1x16xf32>,
        %parallel_loop3A_1723 = arith.constant 3 : i32
        %parallel_loop3A_1724 = arith.index_cast %rem3A_519 : i32 to index
        %parallel_loop3A_1725 = arith.index_cast %parallel_loop3A_1723 : i32 to index
        %parallel_loop3A_1726 = arith.index_cast %parallel_loop3A_594 : i32 to index
        %parallel_loop3A_1727 = arith.constant 400 : index
        %parallel_loop3A_1728 = tpu.vector_load %arg5[%parallel_loop3A_1724, %parallel_loop3A_1725, %parallel_loop3A_1726, %parallel_loop3A_1727] {strides = array<i32>} : memref<12x4x2x1024xf32, #tpu.memory_space<vmem>>, vector<1x1x1x16xf32>,
        %parallel_loop3A_1729 = vector.shape_cast %parallel_loop3A_1728 : vector<1x1x1x16xf32> to vector<16xf32>
        %parallel_loop3A_1730 = vector.shape_cast %parallel_loop3A_1492 : vector<16xf32> to vector<1x1x1x16xf32>
        tpu.vector_store %arg5[%parallel_loop3A_1724, %parallel_loop3A_1725, %parallel_loop3A_1726, %parallel_loop3A_1727], %parallel_loop3A_1730 {add = true, strides = array<i32>} : memref<12x4x2x1024xf32, #tpu.memory_space<vmem>>, vector<1x1x1x16xf32>,
        %parallel_loop3A_1731 = arith.constant 3 : i32
        %parallel_loop3A_1732 = arith.index_cast %rem3A_519 : i32 to index
        %parallel_loop3A_1733 = arith.index_cast %parallel_loop3A_1731 : i32 to index
        %parallel_loop3A_1734 = arith.index_cast %parallel_loop3A_594 : i32 to index
        %parallel_loop3A_1735 = arith.constant 416 : index
        %parallel_loop3A_1736 = tpu.vector_load %arg5[%parallel_loop3A_1732, %parallel_loop3A_1733, %parallel_loop3A_1734, %parallel_loop3A_1735] {strides = array<i32>} : memref<12x4x2x1024xf32, #tpu.memory_space<vmem>>, vector<1x1x1x16xf32>,
        %parallel_loop3A_1737 = vector.shape_cast %parallel_loop3A_1736 : vector<1x1x1x16xf32> to vector<16xf32>
        %parallel_loop3A_1738 = vector.shape_cast %parallel_loop3A_1497 : vector<16xf32> to vector<1x1x1x16xf32>
        tpu.vector_store %arg5[%parallel_loop3A_1732, %parallel_loop3A_1733, %parallel_loop3A_1734, %parallel_loop3A_1735], %parallel_loop3A_1738 {add = true, strides = array<i32>} : memref<12x4x2x1024xf32, #tpu.memory_space<vmem>>, vector<1x1x1x16xf32>,
        %parallel_loop3A_1739 = arith.constant 3 : i32
        %parallel_loop3A_1740 = arith.index_cast %rem3A_519 : i32 to index
        %parallel_loop3A_1741 = arith.index_cast %parallel_loop3A_1739 : i32 to index
        %parallel_loop3A_1742 = arith.index_cast %parallel_loop3A_594 : i32 to index
        %parallel_loop3A_1743 = arith.constant 432 : index
        %parallel_loop3A_1744 = tpu.vector_load %arg5[%parallel_loop3A_1740, %parallel_loop3A_1741, %parallel_loop3A_1742, %parallel_loop3A_1743] {strides = array<i32>} : memref<12x4x2x1024xf32, #tpu.memory_space<vmem>>, vector<1x1x1x16xf32>,
        %parallel_loop3A_1745 = vector.shape_cast %parallel_loop3A_1744 : vector<1x1x1x16xf32> to vector<16xf32>
        %parallel_loop3A_1746 = vector.shape_cast %parallel_loop3A_1502 : vector<16xf32> to vector<1x1x1x16xf32>
        tpu.vector_store %arg5[%parallel_loop3A_1740, %parallel_loop3A_1741, %parallel_loop3A_1742, %parallel_loop3A_1743], %parallel_loop3A_1746 {add = true, strides = array<i32>} : memref<12x4x2x1024xf32, #tpu.memory_space<vmem>>, vector<1x1x1x16xf32>,
        %parallel_loop3A_1747 = arith.constant 3 : i32
        %parallel_loop3A_1748 = arith.index_cast %rem3A_519 : i32 to index
        %parallel_loop3A_1749 = arith.index_cast %parallel_loop3A_1747 : i32 to index
        %parallel_loop3A_1750 = arith.index_cast %parallel_loop3A_594 : i32 to index
        %parallel_loop3A_1751 = arith.constant 448 : index
        %parallel_loop3A_1752 = tpu.vector_load %arg5[%parallel_loop3A_1748, %parallel_loop3A_1749, %parallel_loop3A_1750, %parallel_loop3A_1751] {strides = array<i32>} : memref<12x4x2x1024xf32, #tpu.memory_space<vmem>>, vector<1x1x1x16xf32>,
        %parallel_loop3A_1753 = vector.shape_cast %parallel_loop3A_1752 : vector<1x1x1x16xf32> to vector<16xf32>
        %parallel_loop3A_1754 = vector.shape_cast %parallel_loop3A_1507 : vector<16xf32> to vector<1x1x1x16xf32>
        tpu.vector_store %arg5[%parallel_loop3A_1748, %parallel_loop3A_1749, %parallel_loop3A_1750, %parallel_loop3A_1751], %parallel_loop3A_1754 {add = true, strides = array<i32>} : memref<12x4x2x1024xf32, #tpu.memory_space<vmem>>, vector<1x1x1x16xf32>,
        %parallel_loop3A_1755 = arith.constant 3 : i32
        %parallel_loop3A_1756 = arith.index_cast %rem3A_519 : i32 to index
        %parallel_loop3A_1757 = arith.index_cast %parallel_loop3A_1755 : i32 to index
        %parallel_loop3A_1758 = arith.index_cast %parallel_loop3A_594 : i32 to index
        %parallel_loop3A_1759 = arith.constant 464 : index
        %parallel_loop3A_1760 = tpu.vector_load %arg5[%parallel_loop3A_1756, %parallel_loop3A_1757, %parallel_loop3A_1758, %parallel_loop3A_1759] {strides = array<i32>} : memref<12x4x2x1024xf32, #tpu.memory_space<vmem>>, vector<1x1x1x16xf32>,
        %parallel_loop3A_1761 = vector.shape_cast %parallel_loop3A_1760 : vector<1x1x1x16xf32> to vector<16xf32>
        %parallel_loop3A_1762 = vector.shape_cast %parallel_loop3A_1512 : vector<16xf32> to vector<1x1x1x16xf32>
        tpu.vector_store %arg5[%parallel_loop3A_1756, %parallel_loop3A_1757, %parallel_loop3A_1758, %parallel_loop3A_1759], %parallel_loop3A_1762 {add = true, strides = array<i32>} : memref<12x4x2x1024xf32, #tpu.memory_space<vmem>>, vector<1x1x1x16xf32>,
        %parallel_loop3A_1763 = arith.constant 3 : i32
        %parallel_loop3A_1764 = arith.index_cast %rem3A_519 : i32 to index
        %parallel_loop3A_1765 = arith.index_cast %parallel_loop3A_1763 : i32 to index
        %parallel_loop3A_1766 = arith.index_cast %parallel_loop3A_594 : i32 to index
        %parallel_loop3A_1767 = arith.constant 480 : index
        %parallel_loop3A_1768 = tpu.vector_load %arg5[%parallel_loop3A_1764, %parallel_loop3A_1765, %parallel_loop3A_1766, %parallel_loop3A_1767] {strides = array<i32>} : memref<12x4x2x1024xf32, #tpu.memory_space<vmem>>, vector<1x1x1x16xf32>,
        %parallel_loop3A_1769 = vector.shape_cast %parallel_loop3A_1768 : vector<1x1x1x16xf32> to vector<16xf32>
        %parallel_loop3A_1770 = vector.shape_cast %parallel_loop3A_1517 : vector<16xf32> to vector<1x1x1x16xf32>
        tpu.vector_store %arg5[%parallel_loop3A_1764, %parallel_loop3A_1765, %parallel_loop3A_1766, %parallel_loop3A_1767], %parallel_loop3A_1770 {add = true, strides = array<i32>} : memref<12x4x2x1024xf32, #tpu.memory_space<vmem>>, vector<1x1x1x16xf32>,
        %parallel_loop3A_1771 = arith.constant 3 : i32
        %parallel_loop3A_1772 = arith.index_cast %rem3A_519 : i32 to index
        %parallel_loop3A_1773 = arith.index_cast %parallel_loop3A_1771 : i32 to index
        %parallel_loop3A_1774 = arith.index_cast %parallel_loop3A_594 : i32 to index
        %parallel_loop3A_1775 = arith.constant 496 : index
        %parallel_loop3A_1776 = tpu.vector_load %arg5[%parallel_loop3A_1772, %parallel_loop3A_1773, %parallel_loop3A_1774, %parallel_loop3A_1775] {strides = array<i32>} : memref<12x4x2x1024xf32, #tpu.memory_space<vmem>>, vector<1x1x1x16xf32>,
        %parallel_loop3A_1777 = vector.shape_cast %parallel_loop3A_1776 : vector<1x1x1x16xf32> to vector<16xf32>
        %parallel_loop3A_1778 = vector.shape_cast %parallel_loop3A_1522 : vector<16xf32> to vector<1x1x1x16xf32>
        tpu.vector_store %arg5[%parallel_loop3A_1772, %parallel_loop3A_1773, %parallel_loop3A_1774, %parallel_loop3A_1775], %parallel_loop3A_1778 {add = true, strides = array<i32>} : memref<12x4x2x1024xf32, #tpu.memory_space<vmem>>, vector<1x1x1x16xf32>,
        %parallel_loop3A_1779 = arith.index_cast %rem3A_521 : i32 to index
        %parallel_loop3A_1780 = arith.index_cast %parallel_loop3A_594 : i32 to index
        %parallel_loop3A_1781 = arith.constant 512 : index
        %parallel_loop3A_1782 = tpu.vector_load %arg6[%parallel_loop3A_1779, %parallel_loop3A_1780, %parallel_loop3A_1781] {strides = array<i32>} : memref<4x2x1024xf32, #tpu.memory_space<vmem>>, vector<1x1x16xf32>,
        %parallel_loop3A_1783 = vector.shape_cast %parallel_loop3A_1782 : vector<1x1x16xf32> to vector<16xf32>
        %parallel_loop3A_1784 = arith.index_cast %rem3A_521 : i32 to index
        %parallel_loop3A_1785 = arith.index_cast %parallel_loop3A_594 : i32 to index
        %parallel_loop3A_1786 = arith.constant 528 : index
        %parallel_loop3A_1787 = tpu.vector_load %arg6[%parallel_loop3A_1784, %parallel_loop3A_1785, %parallel_loop3A_1786] {strides = array<i32>} : memref<4x2x1024xf32, #tpu.memory_space<vmem>>, vector<1x1x16xf32>,
        %parallel_loop3A_1788 = vector.shape_cast %parallel_loop3A_1787 : vector<1x1x16xf32> to vector<16xf32>
        %parallel_loop3A_1789 = arith.index_cast %rem3A_521 : i32 to index
        %parallel_loop3A_1790 = arith.index_cast %parallel_loop3A_594 : i32 to index
        %parallel_loop3A_1791 = arith.constant 544 : index
        %parallel_loop3A_1792 = tpu.vector_load %arg6[%parallel_loop3A_1789, %parallel_loop3A_1790, %parallel_loop3A_1791] {strides = array<i32>} : memref<4x2x1024xf32, #tpu.memory_space<vmem>>, vector<1x1x16xf32>,
        %parallel_loop3A_1793 = vector.shape_cast %parallel_loop3A_1792 : vector<1x1x16xf32> to vector<16xf32>
        %parallel_loop3A_1794 = arith.index_cast %rem3A_521 : i32 to index
        %parallel_loop3A_1795 = arith.index_cast %parallel_loop3A_594 : i32 to index
        %parallel_loop3A_1796 = arith.constant 560 : index
        %parallel_loop3A_1797 = tpu.vector_load %arg6[%parallel_loop3A_1794, %parallel_loop3A_1795, %parallel_loop3A_1796] {strides = array<i32>} : memref<4x2x1024xf32, #tpu.memory_space<vmem>>, vector<1x1x16xf32>,
        %parallel_loop3A_1798 = vector.shape_cast %parallel_loop3A_1797 : vector<1x1x16xf32> to vector<16xf32>
        %parallel_loop3A_1799 = arith.index_cast %rem3A_521 : i32 to index
        %parallel_loop3A_1800 = arith.index_cast %parallel_loop3A_594 : i32 to index
        %parallel_loop3A_1801 = arith.constant 576 : index
        %parallel_loop3A_1802 = tpu.vector_load %arg6[%parallel_loop3A_1799, %parallel_loop3A_1800, %parallel_loop3A_1801] {strides = array<i32>} : memref<4x2x1024xf32, #tpu.memory_space<vmem>>, vector<1x1x16xf32>,
        %parallel_loop3A_1803 = vector.shape_cast %parallel_loop3A_1802 : vector<1x1x16xf32> to vector<16xf32>
        %parallel_loop3A_1804 = arith.index_cast %rem3A_521 : i32 to index
        %parallel_loop3A_1805 = arith.index_cast %parallel_loop3A_594 : i32 to index
        %parallel_loop3A_1806 = arith.constant 592 : index
        %parallel_loop3A_1807 = tpu.vector_load %arg6[%parallel_loop3A_1804, %parallel_loop3A_1805, %parallel_loop3A_1806] {strides = array<i32>} : memref<4x2x1024xf32, #tpu.memory_space<vmem>>, vector<1x1x16xf32>,
        %parallel_loop3A_1808 = vector.shape_cast %parallel_loop3A_1807 : vector<1x1x16xf32> to vector<16xf32>
        %parallel_loop3A_1809 = arith.index_cast %rem3A_521 : i32 to index
        %parallel_loop3A_1810 = arith.index_cast %parallel_loop3A_594 : i32 to index
        %parallel_loop3A_1811 = arith.constant 608 : index
        %parallel_loop3A_1812 = tpu.vector_load %arg6[%parallel_loop3A_1809, %parallel_loop3A_1810, %parallel_loop3A_1811] {strides = array<i32>} : memref<4x2x1024xf32, #tpu.memory_space<vmem>>, vector<1x1x16xf32>,
        %parallel_loop3A_1813 = vector.shape_cast %parallel_loop3A_1812 : vector<1x1x16xf32> to vector<16xf32>
        %parallel_loop3A_1814 = arith.index_cast %rem3A_521 : i32 to index
        %parallel_loop3A_1815 = arith.index_cast %parallel_loop3A_594 : i32 to index
        %parallel_loop3A_1816 = arith.constant 624 : index
        %parallel_loop3A_1817 = tpu.vector_load %arg6[%parallel_loop3A_1814, %parallel_loop3A_1815, %parallel_loop3A_1816] {strides = array<i32>} : memref<4x2x1024xf32, #tpu.memory_space<vmem>>, vector<1x1x16xf32>,
        %parallel_loop3A_1818 = vector.shape_cast %parallel_loop3A_1817 : vector<1x1x16xf32> to vector<16xf32>
        %parallel_loop3A_1819 = arith.constant 0 : i32
        %parallel_loop3A_1820 = arith.index_cast %rem3A_519 : i32 to index
        %parallel_loop3A_1821 = arith.index_cast %parallel_loop3A_1819 : i32 to index
        %parallel_loop3A_1822 = arith.index_cast %parallel_loop3A_594 : i32 to index
        %parallel_loop3A_1823 = arith.constant 512 : index
        %parallel_loop3A_1824 = tpu.vector_load %arg5[%parallel_loop3A_1820, %parallel_loop3A_1821, %parallel_loop3A_1822, %parallel_loop3A_1823] {strides = array<i32>} : memref<12x4x2x1024xf32, #tpu.memory_space<vmem>>, vector<1x1x1x16xf32>,
        %parallel_loop3A_1825 = vector.shape_cast %parallel_loop3A_1824 : vector<1x1x1x16xf32> to vector<16xf32>
        %parallel_loop3A_1826 = vector.shape_cast %parallel_loop3A_1783 : vector<16xf32> to vector<1x1x1x16xf32>
        tpu.vector_store %arg5[%parallel_loop3A_1820, %parallel_loop3A_1821, %parallel_loop3A_1822, %parallel_loop3A_1823], %parallel_loop3A_1826 {add = true, strides = array<i32>} : memref<12x4x2x1024xf32, #tpu.memory_space<vmem>>, vector<1x1x1x16xf32>,
        %parallel_loop3A_1827 = arith.constant 0 : i32
        %parallel_loop3A_1828 = arith.index_cast %rem3A_519 : i32 to index
        %parallel_loop3A_1829 = arith.index_cast %parallel_loop3A_1827 : i32 to index
        %parallel_loop3A_1830 = arith.index_cast %parallel_loop3A_594 : i32 to index
        %parallel_loop3A_1831 = arith.constant 528 : index
        %parallel_loop3A_1832 = tpu.vector_load %arg5[%parallel_loop3A_1828, %parallel_loop3A_1829, %parallel_loop3A_1830, %parallel_loop3A_1831] {strides = array<i32>} : memref<12x4x2x1024xf32, #tpu.memory_space<vmem>>, vector<1x1x1x16xf32>,
        %parallel_loop3A_1833 = vector.shape_cast %parallel_loop3A_1832 : vector<1x1x1x16xf32> to vector<16xf32>
        %parallel_loop3A_1834 = vector.shape_cast %parallel_loop3A_1788 : vector<16xf32> to vector<1x1x1x16xf32>
        tpu.vector_store %arg5[%parallel_loop3A_1828, %parallel_loop3A_1829, %parallel_loop3A_1830, %parallel_loop3A_1831], %parallel_loop3A_1834 {add = true, strides = array<i32>} : memref<12x4x2x1024xf32, #tpu.memory_space<vmem>>, vector<1x1x1x16xf32>,
        %parallel_loop3A_1835 = arith.constant 0 : i32
        %parallel_loop3A_1836 = arith.index_cast %rem3A_519 : i32 to index
        %parallel_loop3A_1837 = arith.index_cast %parallel_loop3A_1835 : i32 to index
        %parallel_loop3A_1838 = arith.index_cast %parallel_loop3A_594 : i32 to index
        %parallel_loop3A_1839 = arith.constant 544 : index
        %parallel_loop3A_1840 = tpu.vector_load %arg5[%parallel_loop3A_1836, %parallel_loop3A_1837, %parallel_loop3A_1838, %parallel_loop3A_1839] {strides = array<i32>} : memref<12x4x2x1024xf32, #tpu.memory_space<vmem>>, vector<1x1x1x16xf32>,
        %parallel_loop3A_1841 = vector.shape_cast %parallel_loop3A_1840 : vector<1x1x1x16xf32> to vector<16xf32>
        %parallel_loop3A_1842 = vector.shape_cast %parallel_loop3A_1793 : vector<16xf32> to vector<1x1x1x16xf32>
        tpu.vector_store %arg5[%parallel_loop3A_1836, %parallel_loop3A_1837, %parallel_loop3A_1838, %parallel_loop3A_1839], %parallel_loop3A_1842 {add = true, strides = array<i32>} : memref<12x4x2x1024xf32, #tpu.memory_space<vmem>>, vector<1x1x1x16xf32>,
        %parallel_loop3A_1843 = arith.constant 0 : i32
        %parallel_loop3A_1844 = arith.index_cast %rem3A_519 : i32 to index
        %parallel_loop3A_1845 = arith.index_cast %parallel_loop3A_1843 : i32 to index
        %parallel_loop3A_1846 = arith.index_cast %parallel_loop3A_594 : i32 to index
        %parallel_loop3A_1847 = arith.constant 560 : index
        %parallel_loop3A_1848 = tpu.vector_load %arg5[%parallel_loop3A_1844, %parallel_loop3A_1845, %parallel_loop3A_1846, %parallel_loop3A_1847] {strides = array<i32>} : memref<12x4x2x1024xf32, #tpu.memory_space<vmem>>, vector<1x1x1x16xf32>,
        %parallel_loop3A_1849 = vector.shape_cast %parallel_loop3A_1848 : vector<1x1x1x16xf32> to vector<16xf32>
        %parallel_loop3A_1850 = vector.shape_cast %parallel_loop3A_1798 : vector<16xf32> to vector<1x1x1x16xf32>
        tpu.vector_store %arg5[%parallel_loop3A_1844, %parallel_loop3A_1845, %parallel_loop3A_1846, %parallel_loop3A_1847], %parallel_loop3A_1850 {add = true, strides = array<i32>} : memref<12x4x2x1024xf32, #tpu.memory_space<vmem>>, vector<1x1x1x16xf32>,
        %parallel_loop3A_1851 = arith.constant 0 : i32
        %parallel_loop3A_1852 = arith.index_cast %rem3A_519 : i32 to index
        %parallel_loop3A_1853 = arith.index_cast %parallel_loop3A_1851 : i32 to index
        %parallel_loop3A_1854 = arith.index_cast %parallel_loop3A_594 : i32 to index
        %parallel_loop3A_1855 = arith.constant 576 : index
        %parallel_loop3A_1856 = tpu.vector_load %arg5[%parallel_loop3A_1852, %parallel_loop3A_1853, %parallel_loop3A_1854, %parallel_loop3A_1855] {strides = array<i32>} : memref<12x4x2x1024xf32, #tpu.memory_space<vmem>>, vector<1x1x1x16xf32>,
        %parallel_loop3A_1857 = vector.shape_cast %parallel_loop3A_1856 : vector<1x1x1x16xf32> to vector<16xf32>
        %parallel_loop3A_1858 = vector.shape_cast %parallel_loop3A_1803 : vector<16xf32> to vector<1x1x1x16xf32>
        tpu.vector_store %arg5[%parallel_loop3A_1852, %parallel_loop3A_1853, %parallel_loop3A_1854, %parallel_loop3A_1855], %parallel_loop3A_1858 {add = true, strides = array<i32>} : memref<12x4x2x1024xf32, #tpu.memory_space<vmem>>, vector<1x1x1x16xf32>,
        %parallel_loop3A_1859 = arith.constant 0 : i32
        %parallel_loop3A_1860 = arith.index_cast %rem3A_519 : i32 to index
        %parallel_loop3A_1861 = arith.index_cast %parallel_loop3A_1859 : i32 to index
        %parallel_loop3A_1862 = arith.index_cast %parallel_loop3A_594 : i32 to index
        %parallel_loop3A_1863 = arith.constant 592 : index
        %parallel_loop3A_1864 = tpu.vector_load %arg5[%parallel_loop3A_1860, %parallel_loop3A_1861, %parallel_loop3A_1862, %parallel_loop3A_1863] {strides = array<i32>} : memref<12x4x2x1024xf32, #tpu.memory_space<vmem>>, vector<1x1x1x16xf32>,
        %parallel_loop3A_1865 = vector.shape_cast %parallel_loop3A_1864 : vector<1x1x1x16xf32> to vector<16xf32>
        %parallel_loop3A_1866 = vector.shape_cast %parallel_loop3A_1808 : vector<16xf32> to vector<1x1x1x16xf32>
        tpu.vector_store %arg5[%parallel_loop3A_1860, %parallel_loop3A_1861, %parallel_loop3A_1862, %parallel_loop3A_1863], %parallel_loop3A_1866 {add = true, strides = array<i32>} : memref<12x4x2x1024xf32, #tpu.memory_space<vmem>>, vector<1x1x1x16xf32>,
        %parallel_loop3A_1867 = arith.constant 0 : i32
        %parallel_loop3A_1868 = arith.index_cast %rem3A_519 : i32 to index
        %parallel_loop3A_1869 = arith.index_cast %parallel_loop3A_1867 : i32 to index
        %parallel_loop3A_1870 = arith.index_cast %parallel_loop3A_594 : i32 to index
        %parallel_loop3A_1871 = arith.constant 608 : index
        %parallel_loop3A_1872 = tpu.vector_load %arg5[%parallel_loop3A_1868, %parallel_loop3A_1869, %parallel_loop3A_1870, %parallel_loop3A_1871] {strides = array<i32>} : memref<12x4x2x1024xf32, #tpu.memory_space<vmem>>, vector<1x1x1x16xf32>,
        %parallel_loop3A_1873 = vector.shape_cast %parallel_loop3A_1872 : vector<1x1x1x16xf32> to vector<16xf32>
        %parallel_loop3A_1874 = vector.shape_cast %parallel_loop3A_1813 : vector<16xf32> to vector<1x1x1x16xf32>
        tpu.vector_store %arg5[%parallel_loop3A_1868, %parallel_loop3A_1869, %parallel_loop3A_1870, %parallel_loop3A_1871], %parallel_loop3A_1874 {add = true, strides = array<i32>} : memref<12x4x2x1024xf32, #tpu.memory_space<vmem>>, vector<1x1x1x16xf32>,
        %parallel_loop3A_1875 = arith.constant 0 : i32
        %parallel_loop3A_1876 = arith.index_cast %rem3A_519 : i32 to index
        %parallel_loop3A_1877 = arith.index_cast %parallel_loop3A_1875 : i32 to index
        %parallel_loop3A_1878 = arith.index_cast %parallel_loop3A_594 : i32 to index
        %parallel_loop3A_1879 = arith.constant 624 : index
        %parallel_loop3A_1880 = tpu.vector_load %arg5[%parallel_loop3A_1876, %parallel_loop3A_1877, %parallel_loop3A_1878, %parallel_loop3A_1879] {strides = array<i32>} : memref<12x4x2x1024xf32, #tpu.memory_space<vmem>>, vector<1x1x1x16xf32>,
        %parallel_loop3A_1881 = vector.shape_cast %parallel_loop3A_1880 : vector<1x1x1x16xf32> to vector<16xf32>
        %parallel_loop3A_1882 = vector.shape_cast %parallel_loop3A_1818 : vector<16xf32> to vector<1x1x1x16xf32>
        tpu.vector_store %arg5[%parallel_loop3A_1876, %parallel_loop3A_1877, %parallel_loop3A_1878, %parallel_loop3A_1879], %parallel_loop3A_1882 {add = true, strides = array<i32>} : memref<12x4x2x1024xf32, #tpu.memory_space<vmem>>, vector<1x1x1x16xf32>,
        %parallel_loop3A_1883 = arith.constant 1 : i32
        %parallel_loop3A_1884 = arith.index_cast %rem3A_519 : i32 to index
        %parallel_loop3A_1885 = arith.index_cast %parallel_loop3A_1883 : i32 to index
        %parallel_loop3A_1886 = arith.index_cast %parallel_loop3A_594 : i32 to index
        %parallel_loop3A_1887 = arith.constant 512 : index
        %parallel_loop3A_1888 = tpu.vector_load %arg5[%parallel_loop3A_1884, %parallel_loop3A_1885, %parallel_loop3A_1886, %parallel_loop3A_1887] {strides = array<i32>} : memref<12x4x2x1024xf32, #tpu.memory_space<vmem>>, vector<1x1x1x16xf32>,
        %parallel_loop3A_1889 = vector.shape_cast %parallel_loop3A_1888 : vector<1x1x1x16xf32> to vector<16xf32>
        %parallel_loop3A_1890 = vector.shape_cast %parallel_loop3A_1783 : vector<16xf32> to vector<1x1x1x16xf32>
        tpu.vector_store %arg5[%parallel_loop3A_1884, %parallel_loop3A_1885, %parallel_loop3A_1886, %parallel_loop3A_1887], %parallel_loop3A_1890 {add = true, strides = array<i32>} : memref<12x4x2x1024xf32, #tpu.memory_space<vmem>>, vector<1x1x1x16xf32>,
        %parallel_loop3A_1891 = arith.constant 1 : i32
        %parallel_loop3A_1892 = arith.index_cast %rem3A_519 : i32 to index
        %parallel_loop3A_1893 = arith.index_cast %parallel_loop3A_1891 : i32 to index
        %parallel_loop3A_1894 = arith.index_cast %parallel_loop3A_594 : i32 to index
        %parallel_loop3A_1895 = arith.constant 528 : index
        %parallel_loop3A_1896 = tpu.vector_load %arg5[%parallel_loop3A_1892, %parallel_loop3A_1893, %parallel_loop3A_1894, %parallel_loop3A_1895] {strides = array<i32>} : memref<12x4x2x1024xf32, #tpu.memory_space<vmem>>, vector<1x1x1x16xf32>,
        %parallel_loop3A_1897 = vector.shape_cast %parallel_loop3A_1896 : vector<1x1x1x16xf32> to vector<16xf32>
        %parallel_loop3A_1898 = vector.shape_cast %parallel_loop3A_1788 : vector<16xf32> to vector<1x1x1x16xf32>
        tpu.vector_store %arg5[%parallel_loop3A_1892, %parallel_loop3A_1893, %parallel_loop3A_1894, %parallel_loop3A_1895], %parallel_loop3A_1898 {add = true, strides = array<i32>} : memref<12x4x2x1024xf32, #tpu.memory_space<vmem>>, vector<1x1x1x16xf32>,
        %parallel_loop3A_1899 = arith.constant 1 : i32
        %parallel_loop3A_1900 = arith.index_cast %rem3A_519 : i32 to index
        %parallel_loop3A_1901 = arith.index_cast %parallel_loop3A_1899 : i32 to index
        %parallel_loop3A_1902 = arith.index_cast %parallel_loop3A_594 : i32 to index
        %parallel_loop3A_1903 = arith.constant 544 : index
        %parallel_loop3A_1904 = tpu.vector_load %arg5[%parallel_loop3A_1900, %parallel_loop3A_1901, %parallel_loop3A_1902, %parallel_loop3A_1903] {strides = array<i32>} : memref<12x4x2x1024xf32, #tpu.memory_space<vmem>>, vector<1x1x1x16xf32>,
        %parallel_loop3A_1905 = vector.shape_cast %parallel_loop3A_1904 : vector<1x1x1x16xf32> to vector<16xf32>
        %parallel_loop3A_1906 = vector.shape_cast %parallel_loop3A_1793 : vector<16xf32> to vector<1x1x1x16xf32>
        tpu.vector_store %arg5[%parallel_loop3A_1900, %parallel_loop3A_1901, %parallel_loop3A_1902, %parallel_loop3A_1903], %parallel_loop3A_1906 {add = true, strides = array<i32>} : memref<12x4x2x1024xf32, #tpu.memory_space<vmem>>, vector<1x1x1x16xf32>,
        %parallel_loop3A_1907 = arith.constant 1 : i32
        %parallel_loop3A_1908 = arith.index_cast %rem3A_519 : i32 to index
        %parallel_loop3A_1909 = arith.index_cast %parallel_loop3A_1907 : i32 to index
        %parallel_loop3A_1910 = arith.index_cast %parallel_loop3A_594 : i32 to index
        %parallel_loop3A_1911 = arith.constant 560 : index
        %parallel_loop3A_1912 = tpu.vector_load %arg5[%parallel_loop3A_1908, %parallel_loop3A_1909, %parallel_loop3A_1910, %parallel_loop3A_1911] {strides = array<i32>} : memref<12x4x2x1024xf32, #tpu.memory_space<vmem>>, vector<1x1x1x16xf32>,
        %parallel_loop3A_1913 = vector.shape_cast %parallel_loop3A_1912 : vector<1x1x1x16xf32> to vector<16xf32>
        %parallel_loop3A_1914 = vector.shape_cast %parallel_loop3A_1798 : vector<16xf32> to vector<1x1x1x16xf32>
        tpu.vector_store %arg5[%parallel_loop3A_1908, %parallel_loop3A_1909, %parallel_loop3A_1910, %parallel_loop3A_1911], %parallel_loop3A_1914 {add = true, strides = array<i32>} : memref<12x4x2x1024xf32, #tpu.memory_space<vmem>>, vector<1x1x1x16xf32>,
        %parallel_loop3A_1915 = arith.constant 1 : i32
        %parallel_loop3A_1916 = arith.index_cast %rem3A_519 : i32 to index
        %parallel_loop3A_1917 = arith.index_cast %parallel_loop3A_1915 : i32 to index
        %parallel_loop3A_1918 = arith.index_cast %parallel_loop3A_594 : i32 to index
        %parallel_loop3A_1919 = arith.constant 576 : index
        %parallel_loop3A_1920 = tpu.vector_load %arg5[%parallel_loop3A_1916, %parallel_loop3A_1917, %parallel_loop3A_1918, %parallel_loop3A_1919] {strides = array<i32>} : memref<12x4x2x1024xf32, #tpu.memory_space<vmem>>, vector<1x1x1x16xf32>,
        %parallel_loop3A_1921 = vector.shape_cast %parallel_loop3A_1920 : vector<1x1x1x16xf32> to vector<16xf32>
        %parallel_loop3A_1922 = vector.shape_cast %parallel_loop3A_1803 : vector<16xf32> to vector<1x1x1x16xf32>
        tpu.vector_store %arg5[%parallel_loop3A_1916, %parallel_loop3A_1917, %parallel_loop3A_1918, %parallel_loop3A_1919], %parallel_loop3A_1922 {add = true, strides = array<i32>} : memref<12x4x2x1024xf32, #tpu.memory_space<vmem>>, vector<1x1x1x16xf32>,
        %parallel_loop3A_1923 = arith.constant 1 : i32
        %parallel_loop3A_1924 = arith.index_cast %rem3A_519 : i32 to index
        %parallel_loop3A_1925 = arith.index_cast %parallel_loop3A_1923 : i32 to index
        %parallel_loop3A_1926 = arith.index_cast %parallel_loop3A_594 : i32 to index
        %parallel_loop3A_1927 = arith.constant 592 : index
        %parallel_loop3A_1928 = tpu.vector_load %arg5[%parallel_loop3A_1924, %parallel_loop3A_1925, %parallel_loop3A_1926, %parallel_loop3A_1927] {strides = array<i32>} : memref<12x4x2x1024xf32, #tpu.memory_space<vmem>>, vector<1x1x1x16xf32>,
        %parallel_loop3A_1929 = vector.shape_cast %parallel_loop3A_1928 : vector<1x1x1x16xf32> to vector<16xf32>
        %parallel_loop3A_1930 = vector.shape_cast %parallel_loop3A_1808 : vector<16xf32> to vector<1x1x1x16xf32>
        tpu.vector_store %arg5[%parallel_loop3A_1924, %parallel_loop3A_1925, %parallel_loop3A_1926, %parallel_loop3A_1927], %parallel_loop3A_1930 {add = true, strides = array<i32>} : memref<12x4x2x1024xf32, #tpu.memory_space<vmem>>, vector<1x1x1x16xf32>,
        %parallel_loop3A_1931 = arith.constant 1 : i32
        %parallel_loop3A_1932 = arith.index_cast %rem3A_519 : i32 to index
        %parallel_loop3A_1933 = arith.index_cast %parallel_loop3A_1931 : i32 to index
        %parallel_loop3A_1934 = arith.index_cast %parallel_loop3A_594 : i32 to index
        %parallel_loop3A_1935 = arith.constant 608 : index
        %parallel_loop3A_1936 = tpu.vector_load %arg5[%parallel_loop3A_1932, %parallel_loop3A_1933, %parallel_loop3A_1934, %parallel_loop3A_1935] {strides = array<i32>} : memref<12x4x2x1024xf32, #tpu.memory_space<vmem>>, vector<1x1x1x16xf32>,
        %parallel_loop3A_1937 = vector.shape_cast %parallel_loop3A_1936 : vector<1x1x1x16xf32> to vector<16xf32>
        %parallel_loop3A_1938 = vector.shape_cast %parallel_loop3A_1813 : vector<16xf32> to vector<1x1x1x16xf32>
        tpu.vector_store %arg5[%parallel_loop3A_1932, %parallel_loop3A_1933, %parallel_loop3A_1934, %parallel_loop3A_1935], %parallel_loop3A_1938 {add = true, strides = array<i32>} : memref<12x4x2x1024xf32, #tpu.memory_space<vmem>>, vector<1x1x1x16xf32>,
        %parallel_loop3A_1939 = arith.constant 1 : i32
        %parallel_loop3A_1940 = arith.index_cast %rem3A_519 : i32 to index
        %parallel_loop3A_1941 = arith.index_cast %parallel_loop3A_1939 : i32 to index
        %parallel_loop3A_1942 = arith.index_cast %parallel_loop3A_594 : i32 to index
        %parallel_loop3A_1943 = arith.constant 624 : index
        %parallel_loop3A_1944 = tpu.vector_load %arg5[%parallel_loop3A_1940, %parallel_loop3A_1941, %parallel_loop3A_1942, %parallel_loop3A_1943] {strides = array<i32>} : memref<12x4x2x1024xf32, #tpu.memory_space<vmem>>, vector<1x1x1x16xf32>,
        %parallel_loop3A_1945 = vector.shape_cast %parallel_loop3A_1944 : vector<1x1x1x16xf32> to vector<16xf32>
        %parallel_loop3A_1946 = vector.shape_cast %parallel_loop3A_1818 : vector<16xf32> to vector<1x1x1x16xf32>
        tpu.vector_store %arg5[%parallel_loop3A_1940, %parallel_loop3A_1941, %parallel_loop3A_1942, %parallel_loop3A_1943], %parallel_loop3A_1946 {add = true, strides = array<i32>} : memref<12x4x2x1024xf32, #tpu.memory_space<vmem>>, vector<1x1x1x16xf32>,
        %parallel_loop3A_1947 = arith.constant 2 : i32
        %parallel_loop3A_1948 = arith.index_cast %rem3A_519 : i32 to index
        %parallel_loop3A_1949 = arith.index_cast %parallel_loop3A_1947 : i32 to index
        %parallel_loop3A_1950 = arith.index_cast %parallel_loop3A_594 : i32 to index
        %parallel_loop3A_1951 = arith.constant 512 : index
        %parallel_loop3A_1952 = tpu.vector_load %arg5[%parallel_loop3A_1948, %parallel_loop3A_1949, %parallel_loop3A_1950, %parallel_loop3A_1951] {strides = array<i32>} : memref<12x4x2x1024xf32, #tpu.memory_space<vmem>>, vector<1x1x1x16xf32>,
        %parallel_loop3A_1953 = vector.shape_cast %parallel_loop3A_1952 : vector<1x1x1x16xf32> to vector<16xf32>
        %parallel_loop3A_1954 = vector.shape_cast %parallel_loop3A_1783 : vector<16xf32> to vector<1x1x1x16xf32>
        tpu.vector_store %arg5[%parallel_loop3A_1948, %parallel_loop3A_1949, %parallel_loop3A_1950, %parallel_loop3A_1951], %parallel_loop3A_1954 {add = true, strides = array<i32>} : memref<12x4x2x1024xf32, #tpu.memory_space<vmem>>, vector<1x1x1x16xf32>,
        %parallel_loop3A_1955 = arith.constant 2 : i32
        %parallel_loop3A_1956 = arith.index_cast %rem3A_519 : i32 to index
        %parallel_loop3A_1957 = arith.index_cast %parallel_loop3A_1955 : i32 to index
        %parallel_loop3A_1958 = arith.index_cast %parallel_loop3A_594 : i32 to index
        %parallel_loop3A_1959 = arith.constant 528 : index
        %parallel_loop3A_1960 = tpu.vector_load %arg5[%parallel_loop3A_1956, %parallel_loop3A_1957, %parallel_loop3A_1958, %parallel_loop3A_1959] {strides = array<i32>} : memref<12x4x2x1024xf32, #tpu.memory_space<vmem>>, vector<1x1x1x16xf32>,
        %parallel_loop3A_1961 = vector.shape_cast %parallel_loop3A_1960 : vector<1x1x1x16xf32> to vector<16xf32>
        %parallel_loop3A_1962 = vector.shape_cast %parallel_loop3A_1788 : vector<16xf32> to vector<1x1x1x16xf32>
        tpu.vector_store %arg5[%parallel_loop3A_1956, %parallel_loop3A_1957, %parallel_loop3A_1958, %parallel_loop3A_1959], %parallel_loop3A_1962 {add = true, strides = array<i32>} : memref<12x4x2x1024xf32, #tpu.memory_space<vmem>>, vector<1x1x1x16xf32>,
        %parallel_loop3A_1963 = arith.constant 2 : i32
        %parallel_loop3A_1964 = arith.index_cast %rem3A_519 : i32 to index
        %parallel_loop3A_1965 = arith.index_cast %parallel_loop3A_1963 : i32 to index
        %parallel_loop3A_1966 = arith.index_cast %parallel_loop3A_594 : i32 to index
        %parallel_loop3A_1967 = arith.constant 544 : index
        %parallel_loop3A_1968 = tpu.vector_load %arg5[%parallel_loop3A_1964, %parallel_loop3A_1965, %parallel_loop3A_1966, %parallel_loop3A_1967] {strides = array<i32>} : memref<12x4x2x1024xf32, #tpu.memory_space<vmem>>, vector<1x1x1x16xf32>,
        %parallel_loop3A_1969 = vector.shape_cast %parallel_loop3A_1968 : vector<1x1x1x16xf32> to vector<16xf32>
        %parallel_loop3A_1970 = vector.shape_cast %parallel_loop3A_1793 : vector<16xf32> to vector<1x1x1x16xf32>
        tpu.vector_store %arg5[%parallel_loop3A_1964, %parallel_loop3A_1965, %parallel_loop3A_1966, %parallel_loop3A_1967], %parallel_loop3A_1970 {add = true, strides = array<i32>} : memref<12x4x2x1024xf32, #tpu.memory_space<vmem>>, vector<1x1x1x16xf32>,
        %parallel_loop3A_1971 = arith.constant 2 : i32
        %parallel_loop3A_1972 = arith.index_cast %rem3A_519 : i32 to index
        %parallel_loop3A_1973 = arith.index_cast %parallel_loop3A_1971 : i32 to index
        %parallel_loop3A_1974 = arith.index_cast %parallel_loop3A_594 : i32 to index
        %parallel_loop3A_1975 = arith.constant 560 : index
        %parallel_loop3A_1976 = tpu.vector_load %arg5[%parallel_loop3A_1972, %parallel_loop3A_1973, %parallel_loop3A_1974, %parallel_loop3A_1975] {strides = array<i32>} : memref<12x4x2x1024xf32, #tpu.memory_space<vmem>>, vector<1x1x1x16xf32>,
        %parallel_loop3A_1977 = vector.shape_cast %parallel_loop3A_1976 : vector<1x1x1x16xf32> to vector<16xf32>
        %parallel_loop3A_1978 = vector.shape_cast %parallel_loop3A_1798 : vector<16xf32> to vector<1x1x1x16xf32>
        tpu.vector_store %arg5[%parallel_loop3A_1972, %parallel_loop3A_1973, %parallel_loop3A_1974, %parallel_loop3A_1975], %parallel_loop3A_1978 {add = true, strides = array<i32>} : memref<12x4x2x1024xf32, #tpu.memory_space<vmem>>, vector<1x1x1x16xf32>,
        %parallel_loop3A_1979 = arith.constant 2 : i32
        %parallel_loop3A_1980 = arith.index_cast %rem3A_519 : i32 to index
        %parallel_loop3A_1981 = arith.index_cast %parallel_loop3A_1979 : i32 to index
        %parallel_loop3A_1982 = arith.index_cast %parallel_loop3A_594 : i32 to index
        %parallel_loop3A_1983 = arith.constant 576 : index
        %parallel_loop3A_1984 = tpu.vector_load %arg5[%parallel_loop3A_1980, %parallel_loop3A_1981, %parallel_loop3A_1982, %parallel_loop3A_1983] {strides = array<i32>} : memref<12x4x2x1024xf32, #tpu.memory_space<vmem>>, vector<1x1x1x16xf32>,
        %parallel_loop3A_1985 = vector.shape_cast %parallel_loop3A_1984 : vector<1x1x1x16xf32> to vector<16xf32>
        %parallel_loop3A_1986 = vector.shape_cast %parallel_loop3A_1803 : vector<16xf32> to vector<1x1x1x16xf32>
        tpu.vector_store %arg5[%parallel_loop3A_1980, %parallel_loop3A_1981, %parallel_loop3A_1982, %parallel_loop3A_1983], %parallel_loop3A_1986 {add = true, strides = array<i32>} : memref<12x4x2x1024xf32, #tpu.memory_space<vmem>>, vector<1x1x1x16xf32>,
        %parallel_loop3A_1987 = arith.constant 2 : i32
        %parallel_loop3A_1988 = arith.index_cast %rem3A_519 : i32 to index
        %parallel_loop3A_1989 = arith.index_cast %parallel_loop3A_1987 : i32 to index
        %parallel_loop3A_1990 = arith.index_cast %parallel_loop3A_594 : i32 to index
        %parallel_loop3A_1991 = arith.constant 592 : index
        %parallel_loop3A_1992 = tpu.vector_load %arg5[%parallel_loop3A_1988, %parallel_loop3A_1989, %parallel_loop3A_1990, %parallel_loop3A_1991] {strides = array<i32>} : memref<12x4x2x1024xf32, #tpu.memory_space<vmem>>, vector<1x1x1x16xf32>,
        %parallel_loop3A_1993 = vector.shape_cast %parallel_loop3A_1992 : vector<1x1x1x16xf32> to vector<16xf32>
        %parallel_loop3A_1994 = vector.shape_cast %parallel_loop3A_1808 : vector<16xf32> to vector<1x1x1x16xf32>
        tpu.vector_store %arg5[%parallel_loop3A_1988, %parallel_loop3A_1989, %parallel_loop3A_1990, %parallel_loop3A_1991], %parallel_loop3A_1994 {add = true, strides = array<i32>} : memref<12x4x2x1024xf32, #tpu.memory_space<vmem>>, vector<1x1x1x16xf32>,
        %parallel_loop3A_1995 = arith.constant 2 : i32
        %parallel_loop3A_1996 = arith.index_cast %rem3A_519 : i32 to index
        %parallel_loop3A_1997 = arith.index_cast %parallel_loop3A_1995 : i32 to index
        %parallel_loop3A_1998 = arith.index_cast %parallel_loop3A_594 : i32 to index
        %parallel_loop3A_1999 = arith.constant 608 : index
        %parallel_loop3A_2000 = tpu.vector_load %arg5[%parallel_loop3A_1996, %parallel_loop3A_1997, %parallel_loop3A_1998, %parallel_loop3A_1999] {strides = array<i32>} : memref<12x4x2x1024xf32, #tpu.memory_space<vmem>>, vector<1x1x1x16xf32>,
        %parallel_loop3A_2001 = vector.shape_cast %parallel_loop3A_2000 : vector<1x1x1x16xf32> to vector<16xf32>
        %parallel_loop3A_2002 = vector.shape_cast %parallel_loop3A_1813 : vector<16xf32> to vector<1x1x1x16xf32>
        tpu.vector_store %arg5[%parallel_loop3A_1996, %parallel_loop3A_1997, %parallel_loop3A_1998, %parallel_loop3A_1999], %parallel_loop3A_2002 {add = true, strides = array<i32>} : memref<12x4x2x1024xf32, #tpu.memory_space<vmem>>, vector<1x1x1x16xf32>,
        %parallel_loop3A_2003 = arith.constant 2 : i32
        %parallel_loop3A_2004 = arith.index_cast %rem3A_519 : i32 to index
        %parallel_loop3A_2005 = arith.index_cast %parallel_loop3A_2003 : i32 to index
        %parallel_loop3A_2006 = arith.index_cast %parallel_loop3A_594 : i32 to index
        %parallel_loop3A_2007 = arith.constant 624 : index
        %parallel_loop3A_2008 = tpu.vector_load %arg5[%parallel_loop3A_2004, %parallel_loop3A_2005, %parallel_loop3A_2006, %parallel_loop3A_2007] {strides = array<i32>} : memref<12x4x2x1024xf32, #tpu.memory_space<vmem>>, vector<1x1x1x16xf32>,
        %parallel_loop3A_2009 = vector.shape_cast %parallel_loop3A_2008 : vector<1x1x1x16xf32> to vector<16xf32>
        %parallel_loop3A_2010 = vector.shape_cast %parallel_loop3A_1818 : vector<16xf32> to vector<1x1x1x16xf32>
        tpu.vector_store %arg5[%parallel_loop3A_2004, %parallel_loop3A_2005, %parallel_loop3A_2006, %parallel_loop3A_2007], %parallel_loop3A_2010 {add = true, strides = array<i32>} : memref<12x4x2x1024xf32, #tpu.memory_space<vmem>>, vector<1x1x1x16xf32>,
        %parallel_loop3A_2011 = arith.constant 3 : i32
        %parallel_loop3A_2012 = arith.index_cast %rem3A_519 : i32 to index
        %parallel_loop3A_2013 = arith.index_cast %parallel_loop3A_2011 : i32 to index
        %parallel_loop3A_2014 = arith.index_cast %parallel_loop3A_594 : i32 to index
        %parallel_loop3A_2015 = arith.constant 512 : index
        %parallel_loop3A_2016 = tpu.vector_load %arg5[%parallel_loop3A_2012, %parallel_loop3A_2013, %parallel_loop3A_2014, %parallel_loop3A_2015] {strides = array<i32>} : memref<12x4x2x1024xf32, #tpu.memory_space<vmem>>, vector<1x1x1x16xf32>,
        %parallel_loop3A_2017 = vector.shape_cast %parallel_loop3A_2016 : vector<1x1x1x16xf32> to vector<16xf32>
        %parallel_loop3A_2018 = vector.shape_cast %parallel_loop3A_1783 : vector<16xf32> to vector<1x1x1x16xf32>
        tpu.vector_store %arg5[%parallel_loop3A_2012, %parallel_loop3A_2013, %parallel_loop3A_2014, %parallel_loop3A_2015], %parallel_loop3A_2018 {add = true, strides = array<i32>} : memref<12x4x2x1024xf32, #tpu.memory_space<vmem>>, vector<1x1x1x16xf32>,
        %parallel_loop3A_2019 = arith.constant 3 : i32
        %parallel_loop3A_2020 = arith.index_cast %rem3A_519 : i32 to index
        %parallel_loop3A_2021 = arith.index_cast %parallel_loop3A_2019 : i32 to index
        %parallel_loop3A_2022 = arith.index_cast %parallel_loop3A_594 : i32 to index
        %parallel_loop3A_2023 = arith.constant 528 : index
        %parallel_loop3A_2024 = tpu.vector_load %arg5[%parallel_loop3A_2020, %parallel_loop3A_2021, %parallel_loop3A_2022, %parallel_loop3A_2023] {strides = array<i32>} : memref<12x4x2x1024xf32, #tpu.memory_space<vmem>>, vector<1x1x1x16xf32>,
        %parallel_loop3A_2025 = vector.shape_cast %parallel_loop3A_2024 : vector<1x1x1x16xf32> to vector<16xf32>
        %parallel_loop3A_2026 = vector.shape_cast %parallel_loop3A_1788 : vector<16xf32> to vector<1x1x1x16xf32>
        tpu.vector_store %arg5[%parallel_loop3A_2020, %parallel_loop3A_2021, %parallel_loop3A_2022, %parallel_loop3A_2023], %parallel_loop3A_2026 {add = true, strides = array<i32>} : memref<12x4x2x1024xf32, #tpu.memory_space<vmem>>, vector<1x1x1x16xf32>,
        %parallel_loop3A_2027 = arith.constant 3 : i32
        %parallel_loop3A_2028 = arith.index_cast %rem3A_519 : i32 to index
        %parallel_loop3A_2029 = arith.index_cast %parallel_loop3A_2027 : i32 to index
        %parallel_loop3A_2030 = arith.index_cast %parallel_loop3A_594 : i32 to index
        %parallel_loop3A_2031 = arith.constant 544 : index
        %parallel_loop3A_2032 = tpu.vector_load %arg5[%parallel_loop3A_2028, %parallel_loop3A_2029, %parallel_loop3A_2030, %parallel_loop3A_2031] {strides = array<i32>} : memref<12x4x2x1024xf32, #tpu.memory_space<vmem>>, vector<1x1x1x16xf32>,
        %parallel_loop3A_2033 = vector.shape_cast %parallel_loop3A_2032 : vector<1x1x1x16xf32> to vector<16xf32>
        %parallel_loop3A_2034 = vector.shape_cast %parallel_loop3A_1793 : vector<16xf32> to vector<1x1x1x16xf32>
        tpu.vector_store %arg5[%parallel_loop3A_2028, %parallel_loop3A_2029, %parallel_loop3A_2030, %parallel_loop3A_2031], %parallel_loop3A_2034 {add = true, strides = array<i32>} : memref<12x4x2x1024xf32, #tpu.memory_space<vmem>>, vector<1x1x1x16xf32>,
        %parallel_loop3A_2035 = arith.constant 3 : i32
        %parallel_loop3A_2036 = arith.index_cast %rem3A_519 : i32 to index
        %parallel_loop3A_2037 = arith.index_cast %parallel_loop3A_2035 : i32 to index
        %parallel_loop3A_2038 = arith.index_cast %parallel_loop3A_594 : i32 to index
        %parallel_loop3A_2039 = arith.constant 560 : index
        %parallel_loop3A_2040 = tpu.vector_load %arg5[%parallel_loop3A_2036, %parallel_loop3A_2037, %parallel_loop3A_2038, %parallel_loop3A_2039] {strides = array<i32>} : memref<12x4x2x1024xf32, #tpu.memory_space<vmem>>, vector<1x1x1x16xf32>,
        %parallel_loop3A_2041 = vector.shape_cast %parallel_loop3A_2040 : vector<1x1x1x16xf32> to vector<16xf32>
        %parallel_loop3A_2042 = vector.shape_cast %parallel_loop3A_1798 : vector<16xf32> to vector<1x1x1x16xf32>
        tpu.vector_store %arg5[%parallel_loop3A_2036, %parallel_loop3A_2037, %parallel_loop3A_2038, %parallel_loop3A_2039], %parallel_loop3A_2042 {add = true, strides = array<i32>} : memref<12x4x2x1024xf32, #tpu.memory_space<vmem>>, vector<1x1x1x16xf32>,
        %parallel_loop3A_2043 = arith.constant 3 : i32
        %parallel_loop3A_2044 = arith.index_cast %rem3A_519 : i32 to index
        %parallel_loop3A_2045 = arith.index_cast %parallel_loop3A_2043 : i32 to index
        %parallel_loop3A_2046 = arith.index_cast %parallel_loop3A_594 : i32 to index
        %parallel_loop3A_2047 = arith.constant 576 : index
        %parallel_loop3A_2048 = tpu.vector_load %arg5[%parallel_loop3A_2044, %parallel_loop3A_2045, %parallel_loop3A_2046, %parallel_loop3A_2047] {strides = array<i32>} : memref<12x4x2x1024xf32, #tpu.memory_space<vmem>>, vector<1x1x1x16xf32>,
        %parallel_loop3A_2049 = vector.shape_cast %parallel_loop3A_2048 : vector<1x1x1x16xf32> to vector<16xf32>
        %parallel_loop3A_2050 = vector.shape_cast %parallel_loop3A_1803 : vector<16xf32> to vector<1x1x1x16xf32>
        tpu.vector_store %arg5[%parallel_loop3A_2044, %parallel_loop3A_2045, %parallel_loop3A_2046, %parallel_loop3A_2047], %parallel_loop3A_2050 {add = true, strides = array<i32>} : memref<12x4x2x1024xf32, #tpu.memory_space<vmem>>, vector<1x1x1x16xf32>,
        %parallel_loop3A_2051 = arith.constant 3 : i32
        %parallel_loop3A_2052 = arith.index_cast %rem3A_519 : i32 to index
        %parallel_loop3A_2053 = arith.index_cast %parallel_loop3A_2051 : i32 to index
        %parallel_loop3A_2054 = arith.index_cast %parallel_loop3A_594 : i32 to index
        %parallel_loop3A_2055 = arith.constant 592 : index
        %parallel_loop3A_2056 = tpu.vector_load %arg5[%parallel_loop3A_2052, %parallel_loop3A_2053, %parallel_loop3A_2054, %parallel_loop3A_2055] {strides = array<i32>} : memref<12x4x2x1024xf32, #tpu.memory_space<vmem>>, vector<1x1x1x16xf32>,
        %parallel_loop3A_2057 = vector.shape_cast %parallel_loop3A_2056 : vector<1x1x1x16xf32> to vector<16xf32>
        %parallel_loop3A_2058 = vector.shape_cast %parallel_loop3A_1808 : vector<16xf32> to vector<1x1x1x16xf32>
        tpu.vector_store %arg5[%parallel_loop3A_2052, %parallel_loop3A_2053, %parallel_loop3A_2054, %parallel_loop3A_2055], %parallel_loop3A_2058 {add = true, strides = array<i32>} : memref<12x4x2x1024xf32, #tpu.memory_space<vmem>>, vector<1x1x1x16xf32>,
        %parallel_loop3A_2059 = arith.constant 3 : i32
        %parallel_loop3A_2060 = arith.index_cast %rem3A_519 : i32 to index
        %parallel_loop3A_2061 = arith.index_cast %parallel_loop3A_2059 : i32 to index
        %parallel_loop3A_2062 = arith.index_cast %parallel_loop3A_594 : i32 to index
        %parallel_loop3A_2063 = arith.constant 608 : index
        %parallel_loop3A_2064 = tpu.vector_load %arg5[%parallel_loop3A_2060, %parallel_loop3A_2061, %parallel_loop3A_2062, %parallel_loop3A_2063] {strides = array<i32>} : memref<12x4x2x1024xf32, #tpu.memory_space<vmem>>, vector<1x1x1x16xf32>,
        %parallel_loop3A_2065 = vector.shape_cast %parallel_loop3A_2064 : vector<1x1x1x16xf32> to vector<16xf32>
        %parallel_loop3A_2066 = vector.shape_cast %parallel_loop3A_1813 : vector<16xf32> to vector<1x1x1x16xf32>
        tpu.vector_store %arg5[%parallel_loop3A_2060, %parallel_loop3A_2061, %parallel_loop3A_2062, %parallel_loop3A_2063], %parallel_loop3A_2066 {add = true, strides = array<i32>} : memref<12x4x2x1024xf32, #tpu.memory_space<vmem>>, vector<1x1x1x16xf32>,
        %parallel_loop3A_2067 = arith.constant 3 : i32
        %parallel_loop3A_2068 = arith.index_cast %rem3A_519 : i32 to index
        %parallel_loop3A_2069 = arith.index_cast %parallel_loop3A_2067 : i32 to index
        %parallel_loop3A_2070 = arith.index_cast %parallel_loop3A_594 : i32 to index
        %parallel_loop3A_2071 = arith.constant 624 : index
        %parallel_loop3A_2072 = tpu.vector_load %arg5[%parallel_loop3A_2068, %parallel_loop3A_2069, %parallel_loop3A_2070, %parallel_loop3A_2071] {strides = array<i32>} : memref<12x4x2x1024xf32, #tpu.memory_space<vmem>>, vector<1x1x1x16xf32>,
        %parallel_loop3A_2073 = vector.shape_cast %parallel_loop3A_2072 : vector<1x1x1x16xf32> to vector<16xf32>
        %parallel_loop3A_2074 = vector.shape_cast %parallel_loop3A_1818 : vector<16xf32> to vector<1x1x1x16xf32>
        tpu.vector_store %arg5[%parallel_loop3A_2068, %parallel_loop3A_2069, %parallel_loop3A_2070, %parallel_loop3A_2071], %parallel_loop3A_2074 {add = true, strides = array<i32>} : memref<12x4x2x1024xf32, #tpu.memory_space<vmem>>, vector<1x1x1x16xf32>,
        %parallel_loop3A_2075 = arith.index_cast %rem3A_521 : i32 to index
        %parallel_loop3A_2076 = arith.index_cast %parallel_loop3A_594 : i32 to index
        %parallel_loop3A_2077 = arith.constant 640 : index
        %parallel_loop3A_2078 = tpu.vector_load %arg6[%parallel_loop3A_2075, %parallel_loop3A_2076, %parallel_loop3A_2077] {strides = array<i32>} : memref<4x2x1024xf32, #tpu.memory_space<vmem>>, vector<1x1x16xf32>,
        %parallel_loop3A_2079 = vector.shape_cast %parallel_loop3A_2078 : vector<1x1x16xf32> to vector<16xf32>
        %parallel_loop3A_2080 = arith.index_cast %rem3A_521 : i32 to index
        %parallel_loop3A_2081 = arith.index_cast %parallel_loop3A_594 : i32 to index
        %parallel_loop3A_2082 = arith.constant 656 : index
        %parallel_loop3A_2083 = tpu.vector_load %arg6[%parallel_loop3A_2080, %parallel_loop3A_2081, %parallel_loop3A_2082] {strides = array<i32>} : memref<4x2x1024xf32, #tpu.memory_space<vmem>>, vector<1x1x16xf32>,
        %parallel_loop3A_2084 = vector.shape_cast %parallel_loop3A_2083 : vector<1x1x16xf32> to vector<16xf32>
        %parallel_loop3A_2085 = arith.index_cast %rem3A_521 : i32 to index
        %parallel_loop3A_2086 = arith.index_cast %parallel_loop3A_594 : i32 to index
        %parallel_loop3A_2087 = arith.constant 672 : index
        %parallel_loop3A_2088 = tpu.vector_load %arg6[%parallel_loop3A_2085, %parallel_loop3A_2086, %parallel_loop3A_2087] {strides = array<i32>} : memref<4x2x1024xf32, #tpu.memory_space<vmem>>, vector<1x1x16xf32>,
        %parallel_loop3A_2089 = vector.shape_cast %parallel_loop3A_2088 : vector<1x1x16xf32> to vector<16xf32>
        %parallel_loop3A_2090 = arith.index_cast %rem3A_521 : i32 to index
        %parallel_loop3A_2091 = arith.index_cast %parallel_loop3A_594 : i32 to index
        %parallel_loop3A_2092 = arith.constant 688 : index
        %parallel_loop3A_2093 = tpu.vector_load %arg6[%parallel_loop3A_2090, %parallel_loop3A_2091, %parallel_loop3A_2092] {strides = array<i32>} : memref<4x2x1024xf32, #tpu.memory_space<vmem>>, vector<1x1x16xf32>,
        %parallel_loop3A_2094 = vector.shape_cast %parallel_loop3A_2093 : vector<1x1x16xf32> to vector<16xf32>
        %parallel_loop3A_2095 = arith.index_cast %rem3A_521 : i32 to index
        %parallel_loop3A_2096 = arith.index_cast %parallel_loop3A_594 : i32 to index
        %parallel_loop3A_2097 = arith.constant 704 : index
        %parallel_loop3A_2098 = tpu.vector_load %arg6[%parallel_loop3A_2095, %parallel_loop3A_2096, %parallel_loop3A_2097] {strides = array<i32>} : memref<4x2x1024xf32, #tpu.memory_space<vmem>>, vector<1x1x16xf32>,
        %parallel_loop3A_2099 = vector.shape_cast %parallel_loop3A_2098 : vector<1x1x16xf32> to vector<16xf32>
        %parallel_loop3A_2100 = arith.index_cast %rem3A_521 : i32 to index
        %parallel_loop3A_2101 = arith.index_cast %parallel_loop3A_594 : i32 to index
        %parallel_loop3A_2102 = arith.constant 720 : index
        %parallel_loop3A_2103 = tpu.vector_load %arg6[%parallel_loop3A_2100, %parallel_loop3A_2101, %parallel_loop3A_2102] {strides = array<i32>} : memref<4x2x1024xf32, #tpu.memory_space<vmem>>, vector<1x1x16xf32>,
        %parallel_loop3A_2104 = vector.shape_cast %parallel_loop3A_2103 : vector<1x1x16xf32> to vector<16xf32>
        %parallel_loop3A_2105 = arith.index_cast %rem3A_521 : i32 to index
        %parallel_loop3A_2106 = arith.index_cast %parallel_loop3A_594 : i32 to index
        %parallel_loop3A_2107 = arith.constant 736 : index
        %parallel_loop3A_2108 = tpu.vector_load %arg6[%parallel_loop3A_2105, %parallel_loop3A_2106, %parallel_loop3A_2107] {strides = array<i32>} : memref<4x2x1024xf32, #tpu.memory_space<vmem>>, vector<1x1x16xf32>,
        %parallel_loop3A_2109 = vector.shape_cast %parallel_loop3A_2108 : vector<1x1x16xf32> to vector<16xf32>
        %parallel_loop3A_2110 = arith.index_cast %rem3A_521 : i32 to index
        %parallel_loop3A_2111 = arith.index_cast %parallel_loop3A_594 : i32 to index
        %parallel_loop3A_2112 = arith.constant 752 : index
        %parallel_loop3A_2113 = tpu.vector_load %arg6[%parallel_loop3A_2110, %parallel_loop3A_2111, %parallel_loop3A_2112] {strides = array<i32>} : memref<4x2x1024xf32, #tpu.memory_space<vmem>>, vector<1x1x16xf32>,
        %parallel_loop3A_2114 = vector.shape_cast %parallel_loop3A_2113 : vector<1x1x16xf32> to vector<16xf32>
        %parallel_loop3A_2115 = arith.constant 0 : i32
        %parallel_loop3A_2116 = arith.index_cast %rem3A_519 : i32 to index
        %parallel_loop3A_2117 = arith.index_cast %parallel_loop3A_2115 : i32 to index
        %parallel_loop3A_2118 = arith.index_cast %parallel_loop3A_594 : i32 to index
        %parallel_loop3A_2119 = arith.constant 640 : index
        %parallel_loop3A_2120 = tpu.vector_load %arg5[%parallel_loop3A_2116, %parallel_loop3A_2117, %parallel_loop3A_2118, %parallel_loop3A_2119] {strides = array<i32>} : memref<12x4x2x1024xf32, #tpu.memory_space<vmem>>, vector<1x1x1x16xf32>,
        %parallel_loop3A_2121 = vector.shape_cast %parallel_loop3A_2120 : vector<1x1x1x16xf32> to vector<16xf32>
        %parallel_loop3A_2122 = vector.shape_cast %parallel_loop3A_2079 : vector<16xf32> to vector<1x1x1x16xf32>
        tpu.vector_store %arg5[%parallel_loop3A_2116, %parallel_loop3A_2117, %parallel_loop3A_2118, %parallel_loop3A_2119], %parallel_loop3A_2122 {add = true, strides = array<i32>} : memref<12x4x2x1024xf32, #tpu.memory_space<vmem>>, vector<1x1x1x16xf32>,
        %parallel_loop3A_2123 = arith.constant 0 : i32
        %parallel_loop3A_2124 = arith.index_cast %rem3A_519 : i32 to index
        %parallel_loop3A_2125 = arith.index_cast %parallel_loop3A_2123 : i32 to index
        %parallel_loop3A_2126 = arith.index_cast %parallel_loop3A_594 : i32 to index
        %parallel_loop3A_2127 = arith.constant 656 : index
        %parallel_loop3A_2128 = tpu.vector_load %arg5[%parallel_loop3A_2124, %parallel_loop3A_2125, %parallel_loop3A_2126, %parallel_loop3A_2127] {strides = array<i32>} : memref<12x4x2x1024xf32, #tpu.memory_space<vmem>>, vector<1x1x1x16xf32>,
        %parallel_loop3A_2129 = vector.shape_cast %parallel_loop3A_2128 : vector<1x1x1x16xf32> to vector<16xf32>
        %parallel_loop3A_2130 = vector.shape_cast %parallel_loop3A_2084 : vector<16xf32> to vector<1x1x1x16xf32>
        tpu.vector_store %arg5[%parallel_loop3A_2124, %parallel_loop3A_2125, %parallel_loop3A_2126, %parallel_loop3A_2127], %parallel_loop3A_2130 {add = true, strides = array<i32>} : memref<12x4x2x1024xf32, #tpu.memory_space<vmem>>, vector<1x1x1x16xf32>,
        %parallel_loop3A_2131 = arith.constant 0 : i32
        %parallel_loop3A_2132 = arith.index_cast %rem3A_519 : i32 to index
        %parallel_loop3A_2133 = arith.index_cast %parallel_loop3A_2131 : i32 to index
        %parallel_loop3A_2134 = arith.index_cast %parallel_loop3A_594 : i32 to index
        %parallel_loop3A_2135 = arith.constant 672 : index
        %parallel_loop3A_2136 = tpu.vector_load %arg5[%parallel_loop3A_2132, %parallel_loop3A_2133, %parallel_loop3A_2134, %parallel_loop3A_2135] {strides = array<i32>} : memref<12x4x2x1024xf32, #tpu.memory_space<vmem>>, vector<1x1x1x16xf32>,
        %parallel_loop3A_2137 = vector.shape_cast %parallel_loop3A_2136 : vector<1x1x1x16xf32> to vector<16xf32>
        %parallel_loop3A_2138 = vector.shape_cast %parallel_loop3A_2089 : vector<16xf32> to vector<1x1x1x16xf32>
        tpu.vector_store %arg5[%parallel_loop3A_2132, %parallel_loop3A_2133, %parallel_loop3A_2134, %parallel_loop3A_2135], %parallel_loop3A_2138 {add = true, strides = array<i32>} : memref<12x4x2x1024xf32, #tpu.memory_space<vmem>>, vector<1x1x1x16xf32>,
        %parallel_loop3A_2139 = arith.constant 0 : i32
        %parallel_loop3A_2140 = arith.index_cast %rem3A_519 : i32 to index
        %parallel_loop3A_2141 = arith.index_cast %parallel_loop3A_2139 : i32 to index
        %parallel_loop3A_2142 = arith.index_cast %parallel_loop3A_594 : i32 to index
        %parallel_loop3A_2143 = arith.constant 688 : index
        %parallel_loop3A_2144 = tpu.vector_load %arg5[%parallel_loop3A_2140, %parallel_loop3A_2141, %parallel_loop3A_2142, %parallel_loop3A_2143] {strides = array<i32>} : memref<12x4x2x1024xf32, #tpu.memory_space<vmem>>, vector<1x1x1x16xf32>,
        %parallel_loop3A_2145 = vector.shape_cast %parallel_loop3A_2144 : vector<1x1x1x16xf32> to vector<16xf32>
        %parallel_loop3A_2146 = vector.shape_cast %parallel_loop3A_2094 : vector<16xf32> to vector<1x1x1x16xf32>
        tpu.vector_store %arg5[%parallel_loop3A_2140, %parallel_loop3A_2141, %parallel_loop3A_2142, %parallel_loop3A_2143], %parallel_loop3A_2146 {add = true, strides = array<i32>} : memref<12x4x2x1024xf32, #tpu.memory_space<vmem>>, vector<1x1x1x16xf32>,
        %parallel_loop3A_2147 = arith.constant 0 : i32
        %parallel_loop3A_2148 = arith.index_cast %rem3A_519 : i32 to index
        %parallel_loop3A_2149 = arith.index_cast %parallel_loop3A_2147 : i32 to index
        %parallel_loop3A_2150 = arith.index_cast %parallel_loop3A_594 : i32 to index
        %parallel_loop3A_2151 = arith.constant 704 : index
        %parallel_loop3A_2152 = tpu.vector_load %arg5[%parallel_loop3A_2148, %parallel_loop3A_2149, %parallel_loop3A_2150, %parallel_loop3A_2151] {strides = array<i32>} : memref<12x4x2x1024xf32, #tpu.memory_space<vmem>>, vector<1x1x1x16xf32>,
        %parallel_loop3A_2153 = vector.shape_cast %parallel_loop3A_2152 : vector<1x1x1x16xf32> to vector<16xf32>
        %parallel_loop3A_2154 = vector.shape_cast %parallel_loop3A_2099 : vector<16xf32> to vector<1x1x1x16xf32>
        tpu.vector_store %arg5[%parallel_loop3A_2148, %parallel_loop3A_2149, %parallel_loop3A_2150, %parallel_loop3A_2151], %parallel_loop3A_2154 {add = true, strides = array<i32>} : memref<12x4x2x1024xf32, #tpu.memory_space<vmem>>, vector<1x1x1x16xf32>,
        %parallel_loop3A_2155 = arith.constant 0 : i32
        %parallel_loop3A_2156 = arith.index_cast %rem3A_519 : i32 to index
        %parallel_loop3A_2157 = arith.index_cast %parallel_loop3A_2155 : i32 to index
        %parallel_loop3A_2158 = arith.index_cast %parallel_loop3A_594 : i32 to index
        %parallel_loop3A_2159 = arith.constant 720 : index
        %parallel_loop3A_2160 = tpu.vector_load %arg5[%parallel_loop3A_2156, %parallel_loop3A_2157, %parallel_loop3A_2158, %parallel_loop3A_2159] {strides = array<i32>} : memref<12x4x2x1024xf32, #tpu.memory_space<vmem>>, vector<1x1x1x16xf32>,
        %parallel_loop3A_2161 = vector.shape_cast %parallel_loop3A_2160 : vector<1x1x1x16xf32> to vector<16xf32>
        %parallel_loop3A_2162 = vector.shape_cast %parallel_loop3A_2104 : vector<16xf32> to vector<1x1x1x16xf32>
        tpu.vector_store %arg5[%parallel_loop3A_2156, %parallel_loop3A_2157, %parallel_loop3A_2158, %parallel_loop3A_2159], %parallel_loop3A_2162 {add = true, strides = array<i32>} : memref<12x4x2x1024xf32, #tpu.memory_space<vmem>>, vector<1x1x1x16xf32>,
        %parallel_loop3A_2163 = arith.constant 0 : i32
        %parallel_loop3A_2164 = arith.index_cast %rem3A_519 : i32 to index
        %parallel_loop3A_2165 = arith.index_cast %parallel_loop3A_2163 : i32 to index
        %parallel_loop3A_2166 = arith.index_cast %parallel_loop3A_594 : i32 to index
        %parallel_loop3A_2167 = arith.constant 736 : index
        %parallel_loop3A_2168 = tpu.vector_load %arg5[%parallel_loop3A_2164, %parallel_loop3A_2165, %parallel_loop3A_2166, %parallel_loop3A_2167] {strides = array<i32>} : memref<12x4x2x1024xf32, #tpu.memory_space<vmem>>, vector<1x1x1x16xf32>,
        %parallel_loop3A_2169 = vector.shape_cast %parallel_loop3A_2168 : vector<1x1x1x16xf32> to vector<16xf32>
        %parallel_loop3A_2170 = vector.shape_cast %parallel_loop3A_2109 : vector<16xf32> to vector<1x1x1x16xf32>
        tpu.vector_store %arg5[%parallel_loop3A_2164, %parallel_loop3A_2165, %parallel_loop3A_2166, %parallel_loop3A_2167], %parallel_loop3A_2170 {add = true, strides = array<i32>} : memref<12x4x2x1024xf32, #tpu.memory_space<vmem>>, vector<1x1x1x16xf32>,
        %parallel_loop3A_2171 = arith.constant 0 : i32
        %parallel_loop3A_2172 = arith.index_cast %rem3A_519 : i32 to index
        %parallel_loop3A_2173 = arith.index_cast %parallel_loop3A_2171 : i32 to index
        %parallel_loop3A_2174 = arith.index_cast %parallel_loop3A_594 : i32 to index
        %parallel_loop3A_2175 = arith.constant 752 : index
        %parallel_loop3A_2176 = tpu.vector_load %arg5[%parallel_loop3A_2172, %parallel_loop3A_2173, %parallel_loop3A_2174, %parallel_loop3A_2175] {strides = array<i32>} : memref<12x4x2x1024xf32, #tpu.memory_space<vmem>>, vector<1x1x1x16xf32>,
        %parallel_loop3A_2177 = vector.shape_cast %parallel_loop3A_2176 : vector<1x1x1x16xf32> to vector<16xf32>
        %parallel_loop3A_2178 = vector.shape_cast %parallel_loop3A_2114 : vector<16xf32> to vector<1x1x1x16xf32>
        tpu.vector_store %arg5[%parallel_loop3A_2172, %parallel_loop3A_2173, %parallel_loop3A_2174, %parallel_loop3A_2175], %parallel_loop3A_2178 {add = true, strides = array<i32>} : memref<12x4x2x1024xf32, #tpu.memory_space<vmem>>, vector<1x1x1x16xf32>,
        %parallel_loop3A_2179 = arith.constant 1 : i32
        %parallel_loop3A_2180 = arith.index_cast %rem3A_519 : i32 to index
        %parallel_loop3A_2181 = arith.index_cast %parallel_loop3A_2179 : i32 to index
        %parallel_loop3A_2182 = arith.index_cast %parallel_loop3A_594 : i32 to index
        %parallel_loop3A_2183 = arith.constant 640 : index
        %parallel_loop3A_2184 = tpu.vector_load %arg5[%parallel_loop3A_2180, %parallel_loop3A_2181, %parallel_loop3A_2182, %parallel_loop3A_2183] {strides = array<i32>} : memref<12x4x2x1024xf32, #tpu.memory_space<vmem>>, vector<1x1x1x16xf32>,
        %parallel_loop3A_2185 = vector.shape_cast %parallel_loop3A_2184 : vector<1x1x1x16xf32> to vector<16xf32>
        %parallel_loop3A_2186 = vector.shape_cast %parallel_loop3A_2079 : vector<16xf32> to vector<1x1x1x16xf32>
        tpu.vector_store %arg5[%parallel_loop3A_2180, %parallel_loop3A_2181, %parallel_loop3A_2182, %parallel_loop3A_2183], %parallel_loop3A_2186 {add = true, strides = array<i32>} : memref<12x4x2x1024xf32, #tpu.memory_space<vmem>>, vector<1x1x1x16xf32>,
        %parallel_loop3A_2187 = arith.constant 1 : i32
        %parallel_loop3A_2188 = arith.index_cast %rem3A_519 : i32 to index
        %parallel_loop3A_2189 = arith.index_cast %parallel_loop3A_2187 : i32 to index
        %parallel_loop3A_2190 = arith.index_cast %parallel_loop3A_594 : i32 to index
        %parallel_loop3A_2191 = arith.constant 656 : index
        %parallel_loop3A_2192 = tpu.vector_load %arg5[%parallel_loop3A_2188, %parallel_loop3A_2189, %parallel_loop3A_2190, %parallel_loop3A_2191] {strides = array<i32>} : memref<12x4x2x1024xf32, #tpu.memory_space<vmem>>, vector<1x1x1x16xf32>,
        %parallel_loop3A_2193 = vector.shape_cast %parallel_loop3A_2192 : vector<1x1x1x16xf32> to vector<16xf32>
        %parallel_loop3A_2194 = vector.shape_cast %parallel_loop3A_2084 : vector<16xf32> to vector<1x1x1x16xf32>
        tpu.vector_store %arg5[%parallel_loop3A_2188, %parallel_loop3A_2189, %parallel_loop3A_2190, %parallel_loop3A_2191], %parallel_loop3A_2194 {add = true, strides = array<i32>} : memref<12x4x2x1024xf32, #tpu.memory_space<vmem>>, vector<1x1x1x16xf32>,
        %parallel_loop3A_2195 = arith.constant 1 : i32
        %parallel_loop3A_2196 = arith.index_cast %rem3A_519 : i32 to index
        %parallel_loop3A_2197 = arith.index_cast %parallel_loop3A_2195 : i32 to index
        %parallel_loop3A_2198 = arith.index_cast %parallel_loop3A_594 : i32 to index
        %parallel_loop3A_2199 = arith.constant 672 : index
        %parallel_loop3A_2200 = tpu.vector_load %arg5[%parallel_loop3A_2196, %parallel_loop3A_2197, %parallel_loop3A_2198, %parallel_loop3A_2199] {strides = array<i32>} : memref<12x4x2x1024xf32, #tpu.memory_space<vmem>>, vector<1x1x1x16xf32>,
        %parallel_loop3A_2201 = vector.shape_cast %parallel_loop3A_2200 : vector<1x1x1x16xf32> to vector<16xf32>
        %parallel_loop3A_2202 = vector.shape_cast %parallel_loop3A_2089 : vector<16xf32> to vector<1x1x1x16xf32>
        tpu.vector_store %arg5[%parallel_loop3A_2196, %parallel_loop3A_2197, %parallel_loop3A_2198, %parallel_loop3A_2199], %parallel_loop3A_2202 {add = true, strides = array<i32>} : memref<12x4x2x1024xf32, #tpu.memory_space<vmem>>, vector<1x1x1x16xf32>,
        %parallel_loop3A_2203 = arith.constant 1 : i32
        %parallel_loop3A_2204 = arith.index_cast %rem3A_519 : i32 to index
        %parallel_loop3A_2205 = arith.index_cast %parallel_loop3A_2203 : i32 to index
        %parallel_loop3A_2206 = arith.index_cast %parallel_loop3A_594 : i32 to index
        %parallel_loop3A_2207 = arith.constant 688 : index
        %parallel_loop3A_2208 = tpu.vector_load %arg5[%parallel_loop3A_2204, %parallel_loop3A_2205, %parallel_loop3A_2206, %parallel_loop3A_2207] {strides = array<i32>} : memref<12x4x2x1024xf32, #tpu.memory_space<vmem>>, vector<1x1x1x16xf32>,
        %parallel_loop3A_2209 = vector.shape_cast %parallel_loop3A_2208 : vector<1x1x1x16xf32> to vector<16xf32>
        %parallel_loop3A_2210 = vector.shape_cast %parallel_loop3A_2094 : vector<16xf32> to vector<1x1x1x16xf32>
        tpu.vector_store %arg5[%parallel_loop3A_2204, %parallel_loop3A_2205, %parallel_loop3A_2206, %parallel_loop3A_2207], %parallel_loop3A_2210 {add = true, strides = array<i32>} : memref<12x4x2x1024xf32, #tpu.memory_space<vmem>>, vector<1x1x1x16xf32>,
        %parallel_loop3A_2211 = arith.constant 1 : i32
        %parallel_loop3A_2212 = arith.index_cast %rem3A_519 : i32 to index
        %parallel_loop3A_2213 = arith.index_cast %parallel_loop3A_2211 : i32 to index
        %parallel_loop3A_2214 = arith.index_cast %parallel_loop3A_594 : i32 to index
        %parallel_loop3A_2215 = arith.constant 704 : index
        %parallel_loop3A_2216 = tpu.vector_load %arg5[%parallel_loop3A_2212, %parallel_loop3A_2213, %parallel_loop3A_2214, %parallel_loop3A_2215] {strides = array<i32>} : memref<12x4x2x1024xf32, #tpu.memory_space<vmem>>, vector<1x1x1x16xf32>,
        %parallel_loop3A_2217 = vector.shape_cast %parallel_loop3A_2216 : vector<1x1x1x16xf32> to vector<16xf32>
        %parallel_loop3A_2218 = vector.shape_cast %parallel_loop3A_2099 : vector<16xf32> to vector<1x1x1x16xf32>
        tpu.vector_store %arg5[%parallel_loop3A_2212, %parallel_loop3A_2213, %parallel_loop3A_2214, %parallel_loop3A_2215], %parallel_loop3A_2218 {add = true, strides = array<i32>} : memref<12x4x2x1024xf32, #tpu.memory_space<vmem>>, vector<1x1x1x16xf32>,
        %parallel_loop3A_2219 = arith.constant 1 : i32
        %parallel_loop3A_2220 = arith.index_cast %rem3A_519 : i32 to index
        %parallel_loop3A_2221 = arith.index_cast %parallel_loop3A_2219 : i32 to index
        %parallel_loop3A_2222 = arith.index_cast %parallel_loop3A_594 : i32 to index
        %parallel_loop3A_2223 = arith.constant 720 : index
        %parallel_loop3A_2224 = tpu.vector_load %arg5[%parallel_loop3A_2220, %parallel_loop3A_2221, %parallel_loop3A_2222, %parallel_loop3A_2223] {strides = array<i32>} : memref<12x4x2x1024xf32, #tpu.memory_space<vmem>>, vector<1x1x1x16xf32>,
        %parallel_loop3A_2225 = vector.shape_cast %parallel_loop3A_2224 : vector<1x1x1x16xf32> to vector<16xf32>
        %parallel_loop3A_2226 = vector.shape_cast %parallel_loop3A_2104 : vector<16xf32> to vector<1x1x1x16xf32>
        tpu.vector_store %arg5[%parallel_loop3A_2220, %parallel_loop3A_2221, %parallel_loop3A_2222, %parallel_loop3A_2223], %parallel_loop3A_2226 {add = true, strides = array<i32>} : memref<12x4x2x1024xf32, #tpu.memory_space<vmem>>, vector<1x1x1x16xf32>,
        %parallel_loop3A_2227 = arith.constant 1 : i32
        %parallel_loop3A_2228 = arith.index_cast %rem3A_519 : i32 to index
        %parallel_loop3A_2229 = arith.index_cast %parallel_loop3A_2227 : i32 to index
        %parallel_loop3A_2230 = arith.index_cast %parallel_loop3A_594 : i32 to index
        %parallel_loop3A_2231 = arith.constant 736 : index
        %parallel_loop3A_2232 = tpu.vector_load %arg5[%parallel_loop3A_2228, %parallel_loop3A_2229, %parallel_loop3A_2230, %parallel_loop3A_2231] {strides = array<i32>} : memref<12x4x2x1024xf32, #tpu.memory_space<vmem>>, vector<1x1x1x16xf32>,
        %parallel_loop3A_2233 = vector.shape_cast %parallel_loop3A_2232 : vector<1x1x1x16xf32> to vector<16xf32>
        %parallel_loop3A_2234 = vector.shape_cast %parallel_loop3A_2109 : vector<16xf32> to vector<1x1x1x16xf32>
        tpu.vector_store %arg5[%parallel_loop3A_2228, %parallel_loop3A_2229, %parallel_loop3A_2230, %parallel_loop3A_2231], %parallel_loop3A_2234 {add = true, strides = array<i32>} : memref<12x4x2x1024xf32, #tpu.memory_space<vmem>>, vector<1x1x1x16xf32>,
        %parallel_loop3A_2235 = arith.constant 1 : i32
        %parallel_loop3A_2236 = arith.index_cast %rem3A_519 : i32 to index
        %parallel_loop3A_2237 = arith.index_cast %parallel_loop3A_2235 : i32 to index
        %parallel_loop3A_2238 = arith.index_cast %parallel_loop3A_594 : i32 to index
        %parallel_loop3A_2239 = arith.constant 752 : index
        %parallel_loop3A_2240 = tpu.vector_load %arg5[%parallel_loop3A_2236, %parallel_loop3A_2237, %parallel_loop3A_2238, %parallel_loop3A_2239] {strides = array<i32>} : memref<12x4x2x1024xf32, #tpu.memory_space<vmem>>, vector<1x1x1x16xf32>,
        %parallel_loop3A_2241 = vector.shape_cast %parallel_loop3A_2240 : vector<1x1x1x16xf32> to vector<16xf32>
        %parallel_loop3A_2242 = vector.shape_cast %parallel_loop3A_2114 : vector<16xf32> to vector<1x1x1x16xf32>
        tpu.vector_store %arg5[%parallel_loop3A_2236, %parallel_loop3A_2237, %parallel_loop3A_2238, %parallel_loop3A_2239], %parallel_loop3A_2242 {add = true, strides = array<i32>} : memref<12x4x2x1024xf32, #tpu.memory_space<vmem>>, vector<1x1x1x16xf32>,
        %parallel_loop3A_2243 = arith.constant 2 : i32
        %parallel_loop3A_2244 = arith.index_cast %rem3A_519 : i32 to index
        %parallel_loop3A_2245 = arith.index_cast %parallel_loop3A_2243 : i32 to index
        %parallel_loop3A_2246 = arith.index_cast %parallel_loop3A_594 : i32 to index
        %parallel_loop3A_2247 = arith.constant 640 : index
        %parallel_loop3A_2248 = tpu.vector_load %arg5[%parallel_loop3A_2244, %parallel_loop3A_2245, %parallel_loop3A_2246, %parallel_loop3A_2247] {strides = array<i32>} : memref<12x4x2x1024xf32, #tpu.memory_space<vmem>>, vector<1x1x1x16xf32>,
        %parallel_loop3A_2249 = vector.shape_cast %parallel_loop3A_2248 : vector<1x1x1x16xf32> to vector<16xf32>
        %parallel_loop3A_2250 = vector.shape_cast %parallel_loop3A_2079 : vector<16xf32> to vector<1x1x1x16xf32>
        tpu.vector_store %arg5[%parallel_loop3A_2244, %parallel_loop3A_2245, %parallel_loop3A_2246, %parallel_loop3A_2247], %parallel_loop3A_2250 {add = true, strides = array<i32>} : memref<12x4x2x1024xf32, #tpu.memory_space<vmem>>, vector<1x1x1x16xf32>,
        %parallel_loop3A_2251 = arith.constant 2 : i32
        %parallel_loop3A_2252 = arith.index_cast %rem3A_519 : i32 to index
        %parallel_loop3A_2253 = arith.index_cast %parallel_loop3A_2251 : i32 to index
        %parallel_loop3A_2254 = arith.index_cast %parallel_loop3A_594 : i32 to index
        %parallel_loop3A_2255 = arith.constant 656 : index
        %parallel_loop3A_2256 = tpu.vector_load %arg5[%parallel_loop3A_2252, %parallel_loop3A_2253, %parallel_loop3A_2254, %parallel_loop3A_2255] {strides = array<i32>} : memref<12x4x2x1024xf32, #tpu.memory_space<vmem>>, vector<1x1x1x16xf32>,
        %parallel_loop3A_2257 = vector.shape_cast %parallel_loop3A_2256 : vector<1x1x1x16xf32> to vector<16xf32>
        %parallel_loop3A_2258 = vector.shape_cast %parallel_loop3A_2084 : vector<16xf32> to vector<1x1x1x16xf32>
        tpu.vector_store %arg5[%parallel_loop3A_2252, %parallel_loop3A_2253, %parallel_loop3A_2254, %parallel_loop3A_2255], %parallel_loop3A_2258 {add = true, strides = array<i32>} : memref<12x4x2x1024xf32, #tpu.memory_space<vmem>>, vector<1x1x1x16xf32>,
        %parallel_loop3A_2259 = arith.constant 2 : i32
        %parallel_loop3A_2260 = arith.index_cast %rem3A_519 : i32 to index
        %parallel_loop3A_2261 = arith.index_cast %parallel_loop3A_2259 : i32 to index
        %parallel_loop3A_2262 = arith.index_cast %parallel_loop3A_594 : i32 to index
        %parallel_loop3A_2263 = arith.constant 672 : index
        %parallel_loop3A_2264 = tpu.vector_load %arg5[%parallel_loop3A_2260, %parallel_loop3A_2261, %parallel_loop3A_2262, %parallel_loop3A_2263] {strides = array<i32>} : memref<12x4x2x1024xf32, #tpu.memory_space<vmem>>, vector<1x1x1x16xf32>,
        %parallel_loop3A_2265 = vector.shape_cast %parallel_loop3A_2264 : vector<1x1x1x16xf32> to vector<16xf32>
        %parallel_loop3A_2266 = vector.shape_cast %parallel_loop3A_2089 : vector<16xf32> to vector<1x1x1x16xf32>
        tpu.vector_store %arg5[%parallel_loop3A_2260, %parallel_loop3A_2261, %parallel_loop3A_2262, %parallel_loop3A_2263], %parallel_loop3A_2266 {add = true, strides = array<i32>} : memref<12x4x2x1024xf32, #tpu.memory_space<vmem>>, vector<1x1x1x16xf32>,
        %parallel_loop3A_2267 = arith.constant 2 : i32
        %parallel_loop3A_2268 = arith.index_cast %rem3A_519 : i32 to index
        %parallel_loop3A_2269 = arith.index_cast %parallel_loop3A_2267 : i32 to index
        %parallel_loop3A_2270 = arith.index_cast %parallel_loop3A_594 : i32 to index
        %parallel_loop3A_2271 = arith.constant 688 : index
        %parallel_loop3A_2272 = tpu.vector_load %arg5[%parallel_loop3A_2268, %parallel_loop3A_2269, %parallel_loop3A_2270, %parallel_loop3A_2271] {strides = array<i32>} : memref<12x4x2x1024xf32, #tpu.memory_space<vmem>>, vector<1x1x1x16xf32>,
        %parallel_loop3A_2273 = vector.shape_cast %parallel_loop3A_2272 : vector<1x1x1x16xf32> to vector<16xf32>
        %parallel_loop3A_2274 = vector.shape_cast %parallel_loop3A_2094 : vector<16xf32> to vector<1x1x1x16xf32>
        tpu.vector_store %arg5[%parallel_loop3A_2268, %parallel_loop3A_2269, %parallel_loop3A_2270, %parallel_loop3A_2271], %parallel_loop3A_2274 {add = true, strides = array<i32>} : memref<12x4x2x1024xf32, #tpu.memory_space<vmem>>, vector<1x1x1x16xf32>,
        %parallel_loop3A_2275 = arith.constant 2 : i32
        %parallel_loop3A_2276 = arith.index_cast %rem3A_519 : i32 to index
        %parallel_loop3A_2277 = arith.index_cast %parallel_loop3A_2275 : i32 to index
        %parallel_loop3A_2278 = arith.index_cast %parallel_loop3A_594 : i32 to index
        %parallel_loop3A_2279 = arith.constant 704 : index
        %parallel_loop3A_2280 = tpu.vector_load %arg5[%parallel_loop3A_2276, %parallel_loop3A_2277, %parallel_loop3A_2278, %parallel_loop3A_2279] {strides = array<i32>} : memref<12x4x2x1024xf32, #tpu.memory_space<vmem>>, vector<1x1x1x16xf32>,
        %parallel_loop3A_2281 = vector.shape_cast %parallel_loop3A_2280 : vector<1x1x1x16xf32> to vector<16xf32>
        %parallel_loop3A_2282 = vector.shape_cast %parallel_loop3A_2099 : vector<16xf32> to vector<1x1x1x16xf32>
        tpu.vector_store %arg5[%parallel_loop3A_2276, %parallel_loop3A_2277, %parallel_loop3A_2278, %parallel_loop3A_2279], %parallel_loop3A_2282 {add = true, strides = array<i32>} : memref<12x4x2x1024xf32, #tpu.memory_space<vmem>>, vector<1x1x1x16xf32>,
        %parallel_loop3A_2283 = arith.constant 2 : i32
        %parallel_loop3A_2284 = arith.index_cast %rem3A_519 : i32 to index
        %parallel_loop3A_2285 = arith.index_cast %parallel_loop3A_2283 : i32 to index
        %parallel_loop3A_2286 = arith.index_cast %parallel_loop3A_594 : i32 to index
        %parallel_loop3A_2287 = arith.constant 720 : index
        %parallel_loop3A_2288 = tpu.vector_load %arg5[%parallel_loop3A_2284, %parallel_loop3A_2285, %parallel_loop3A_2286, %parallel_loop3A_2287] {strides = array<i32>} : memref<12x4x2x1024xf32, #tpu.memory_space<vmem>>, vector<1x1x1x16xf32>,
        %parallel_loop3A_2289 = vector.shape_cast %parallel_loop3A_2288 : vector<1x1x1x16xf32> to vector<16xf32>
        %parallel_loop3A_2290 = vector.shape_cast %parallel_loop3A_2104 : vector<16xf32> to vector<1x1x1x16xf32>
        tpu.vector_store %arg5[%parallel_loop3A_2284, %parallel_loop3A_2285, %parallel_loop3A_2286, %parallel_loop3A_2287], %parallel_loop3A_2290 {add = true, strides = array<i32>} : memref<12x4x2x1024xf32, #tpu.memory_space<vmem>>, vector<1x1x1x16xf32>,
        %parallel_loop3A_2291 = arith.constant 2 : i32
        %parallel_loop3A_2292 = arith.index_cast %rem3A_519 : i32 to index
        %parallel_loop3A_2293 = arith.index_cast %parallel_loop3A_2291 : i32 to index
        %parallel_loop3A_2294 = arith.index_cast %parallel_loop3A_594 : i32 to index
        %parallel_loop3A_2295 = arith.constant 736 : index
        %parallel_loop3A_2296 = tpu.vector_load %arg5[%parallel_loop3A_2292, %parallel_loop3A_2293, %parallel_loop3A_2294, %parallel_loop3A_2295] {strides = array<i32>} : memref<12x4x2x1024xf32, #tpu.memory_space<vmem>>, vector<1x1x1x16xf32>,
        %parallel_loop3A_2297 = vector.shape_cast %parallel_loop3A_2296 : vector<1x1x1x16xf32> to vector<16xf32>
        %parallel_loop3A_2298 = vector.shape_cast %parallel_loop3A_2109 : vector<16xf32> to vector<1x1x1x16xf32>
        tpu.vector_store %arg5[%parallel_loop3A_2292, %parallel_loop3A_2293, %parallel_loop3A_2294, %parallel_loop3A_2295], %parallel_loop3A_2298 {add = true, strides = array<i32>} : memref<12x4x2x1024xf32, #tpu.memory_space<vmem>>, vector<1x1x1x16xf32>,
        %parallel_loop3A_2299 = arith.constant 2 : i32
        %parallel_loop3A_2300 = arith.index_cast %rem3A_519 : i32 to index
        %parallel_loop3A_2301 = arith.index_cast %parallel_loop3A_2299 : i32 to index
        %parallel_loop3A_2302 = arith.index_cast %parallel_loop3A_594 : i32 to index
        %parallel_loop3A_2303 = arith.constant 752 : index
        %parallel_loop3A_2304 = tpu.vector_load %arg5[%parallel_loop3A_2300, %parallel_loop3A_2301, %parallel_loop3A_2302, %parallel_loop3A_2303] {strides = array<i32>} : memref<12x4x2x1024xf32, #tpu.memory_space<vmem>>, vector<1x1x1x16xf32>,
        %parallel_loop3A_2305 = vector.shape_cast %parallel_loop3A_2304 : vector<1x1x1x16xf32> to vector<16xf32>
        %parallel_loop3A_2306 = vector.shape_cast %parallel_loop3A_2114 : vector<16xf32> to vector<1x1x1x16xf32>
        tpu.vector_store %arg5[%parallel_loop3A_2300, %parallel_loop3A_2301, %parallel_loop3A_2302, %parallel_loop3A_2303], %parallel_loop3A_2306 {add = true, strides = array<i32>} : memref<12x4x2x1024xf32, #tpu.memory_space<vmem>>, vector<1x1x1x16xf32>,
        %parallel_loop3A_2307 = arith.constant 3 : i32
        %parallel_loop3A_2308 = arith.index_cast %rem3A_519 : i32 to index
        %parallel_loop3A_2309 = arith.index_cast %parallel_loop3A_2307 : i32 to index
        %parallel_loop3A_2310 = arith.index_cast %parallel_loop3A_594 : i32 to index
        %parallel_loop3A_2311 = arith.constant 640 : index
        %parallel_loop3A_2312 = tpu.vector_load %arg5[%parallel_loop3A_2308, %parallel_loop3A_2309, %parallel_loop3A_2310, %parallel_loop3A_2311] {strides = array<i32>} : memref<12x4x2x1024xf32, #tpu.memory_space<vmem>>, vector<1x1x1x16xf32>,
        %parallel_loop3A_2313 = vector.shape_cast %parallel_loop3A_2312 : vector<1x1x1x16xf32> to vector<16xf32>
        %parallel_loop3A_2314 = vector.shape_cast %parallel_loop3A_2079 : vector<16xf32> to vector<1x1x1x16xf32>
        tpu.vector_store %arg5[%parallel_loop3A_2308, %parallel_loop3A_2309, %parallel_loop3A_2310, %parallel_loop3A_2311], %parallel_loop3A_2314 {add = true, strides = array<i32>} : memref<12x4x2x1024xf32, #tpu.memory_space<vmem>>, vector<1x1x1x16xf32>,
        %parallel_loop3A_2315 = arith.constant 3 : i32
        %parallel_loop3A_2316 = arith.index_cast %rem3A_519 : i32 to index
        %parallel_loop3A_2317 = arith.index_cast %parallel_loop3A_2315 : i32 to index
        %parallel_loop3A_2318 = arith.index_cast %parallel_loop3A_594 : i32 to index
        %parallel_loop3A_2319 = arith.constant 656 : index
        %parallel_loop3A_2320 = tpu.vector_load %arg5[%parallel_loop3A_2316, %parallel_loop3A_2317, %parallel_loop3A_2318, %parallel_loop3A_2319] {strides = array<i32>} : memref<12x4x2x1024xf32, #tpu.memory_space<vmem>>, vector<1x1x1x16xf32>,
        %parallel_loop3A_2321 = vector.shape_cast %parallel_loop3A_2320 : vector<1x1x1x16xf32> to vector<16xf32>
        %parallel_loop3A_2322 = vector.shape_cast %parallel_loop3A_2084 : vector<16xf32> to vector<1x1x1x16xf32>
        tpu.vector_store %arg5[%parallel_loop3A_2316, %parallel_loop3A_2317, %parallel_loop3A_2318, %parallel_loop3A_2319], %parallel_loop3A_2322 {add = true, strides = array<i32>} : memref<12x4x2x1024xf32, #tpu.memory_space<vmem>>, vector<1x1x1x16xf32>,
        %parallel_loop3A_2323 = arith.constant 3 : i32
        %parallel_loop3A_2324 = arith.index_cast %rem3A_519 : i32 to index
        %parallel_loop3A_2325 = arith.index_cast %parallel_loop3A_2323 : i32 to index
        %parallel_loop3A_2326 = arith.index_cast %parallel_loop3A_594 : i32 to index
        %parallel_loop3A_2327 = arith.constant 672 : index
        %parallel_loop3A_2328 = tpu.vector_load %arg5[%parallel_loop3A_2324, %parallel_loop3A_2325, %parallel_loop3A_2326, %parallel_loop3A_2327] {strides = array<i32>} : memref<12x4x2x1024xf32, #tpu.memory_space<vmem>>, vector<1x1x1x16xf32>,
        %parallel_loop3A_2329 = vector.shape_cast %parallel_loop3A_2328 : vector<1x1x1x16xf32> to vector<16xf32>
        %parallel_loop3A_2330 = vector.shape_cast %parallel_loop3A_2089 : vector<16xf32> to vector<1x1x1x16xf32>
        tpu.vector_store %arg5[%parallel_loop3A_2324, %parallel_loop3A_2325, %parallel_loop3A_2326, %parallel_loop3A_2327], %parallel_loop3A_2330 {add = true, strides = array<i32>} : memref<12x4x2x1024xf32, #tpu.memory_space<vmem>>, vector<1x1x1x16xf32>,
        %parallel_loop3A_2331 = arith.constant 3 : i32
        %parallel_loop3A_2332 = arith.index_cast %rem3A_519 : i32 to index
        %parallel_loop3A_2333 = arith.index_cast %parallel_loop3A_2331 : i32 to index
        %parallel_loop3A_2334 = arith.index_cast %parallel_loop3A_594 : i32 to index
        %parallel_loop3A_2335 = arith.constant 688 : index
        %parallel_loop3A_2336 = tpu.vector_load %arg5[%parallel_loop3A_2332, %parallel_loop3A_2333, %parallel_loop3A_2334, %parallel_loop3A_2335] {strides = array<i32>} : memref<12x4x2x1024xf32, #tpu.memory_space<vmem>>, vector<1x1x1x16xf32>,
        %parallel_loop3A_2337 = vector.shape_cast %parallel_loop3A_2336 : vector<1x1x1x16xf32> to vector<16xf32>
        %parallel_loop3A_2338 = vector.shape_cast %parallel_loop3A_2094 : vector<16xf32> to vector<1x1x1x16xf32>
        tpu.vector_store %arg5[%parallel_loop3A_2332, %parallel_loop3A_2333, %parallel_loop3A_2334, %parallel_loop3A_2335], %parallel_loop3A_2338 {add = true, strides = array<i32>} : memref<12x4x2x1024xf32, #tpu.memory_space<vmem>>, vector<1x1x1x16xf32>,
        %parallel_loop3A_2339 = arith.constant 3 : i32
        %parallel_loop3A_2340 = arith.index_cast %rem3A_519 : i32 to index
        %parallel_loop3A_2341 = arith.index_cast %parallel_loop3A_2339 : i32 to index
        %parallel_loop3A_2342 = arith.index_cast %parallel_loop3A_594 : i32 to index
        %parallel_loop3A_2343 = arith.constant 704 : index
        %parallel_loop3A_2344 = tpu.vector_load %arg5[%parallel_loop3A_2340, %parallel_loop3A_2341, %parallel_loop3A_2342, %parallel_loop3A_2343] {strides = array<i32>} : memref<12x4x2x1024xf32, #tpu.memory_space<vmem>>, vector<1x1x1x16xf32>,
        %parallel_loop3A_2345 = vector.shape_cast %parallel_loop3A_2344 : vector<1x1x1x16xf32> to vector<16xf32>
        %parallel_loop3A_2346 = vector.shape_cast %parallel_loop3A_2099 : vector<16xf32> to vector<1x1x1x16xf32>
        tpu.vector_store %arg5[%parallel_loop3A_2340, %parallel_loop3A_2341, %parallel_loop3A_2342, %parallel_loop3A_2343], %parallel_loop3A_2346 {add = true, strides = array<i32>} : memref<12x4x2x1024xf32, #tpu.memory_space<vmem>>, vector<1x1x1x16xf32>,
        %parallel_loop3A_2347 = arith.constant 3 : i32
        %parallel_loop3A_2348 = arith.index_cast %rem3A_519 : i32 to index
        %parallel_loop3A_2349 = arith.index_cast %parallel_loop3A_2347 : i32 to index
        %parallel_loop3A_2350 = arith.index_cast %parallel_loop3A_594 : i32 to index
        %parallel_loop3A_2351 = arith.constant 720 : index
        %parallel_loop3A_2352 = tpu.vector_load %arg5[%parallel_loop3A_2348, %parallel_loop3A_2349, %parallel_loop3A_2350, %parallel_loop3A_2351] {strides = array<i32>} : memref<12x4x2x1024xf32, #tpu.memory_space<vmem>>, vector<1x1x1x16xf32>,
        %parallel_loop3A_2353 = vector.shape_cast %parallel_loop3A_2352 : vector<1x1x1x16xf32> to vector<16xf32>
        %parallel_loop3A_2354 = vector.shape_cast %parallel_loop3A_2104 : vector<16xf32> to vector<1x1x1x16xf32>
        tpu.vector_store %arg5[%parallel_loop3A_2348, %parallel_loop3A_2349, %parallel_loop3A_2350, %parallel_loop3A_2351], %parallel_loop3A_2354 {add = true, strides = array<i32>} : memref<12x4x2x1024xf32, #tpu.memory_space<vmem>>, vector<1x1x1x16xf32>,
        %parallel_loop3A_2355 = arith.constant 3 : i32
        %parallel_loop3A_2356 = arith.index_cast %rem3A_519 : i32 to index
        %parallel_loop3A_2357 = arith.index_cast %parallel_loop3A_2355 : i32 to index
        %parallel_loop3A_2358 = arith.index_cast %parallel_loop3A_594 : i32 to index
        %parallel_loop3A_2359 = arith.constant 736 : index
        %parallel_loop3A_2360 = tpu.vector_load %arg5[%parallel_loop3A_2356, %parallel_loop3A_2357, %parallel_loop3A_2358, %parallel_loop3A_2359] {strides = array<i32>} : memref<12x4x2x1024xf32, #tpu.memory_space<vmem>>, vector<1x1x1x16xf32>,
        %parallel_loop3A_2361 = vector.shape_cast %parallel_loop3A_2360 : vector<1x1x1x16xf32> to vector<16xf32>
        %parallel_loop3A_2362 = vector.shape_cast %parallel_loop3A_2109 : vector<16xf32> to vector<1x1x1x16xf32>
        tpu.vector_store %arg5[%parallel_loop3A_2356, %parallel_loop3A_2357, %parallel_loop3A_2358, %parallel_loop3A_2359], %parallel_loop3A_2362 {add = true, strides = array<i32>} : memref<12x4x2x1024xf32, #tpu.memory_space<vmem>>, vector<1x1x1x16xf32>,
        %parallel_loop3A_2363 = arith.constant 3 : i32
        %parallel_loop3A_2364 = arith.index_cast %rem3A_519 : i32 to index
        %parallel_loop3A_2365 = arith.index_cast %parallel_loop3A_2363 : i32 to index
        %parallel_loop3A_2366 = arith.index_cast %parallel_loop3A_594 : i32 to index
        %parallel_loop3A_2367 = arith.constant 752 : index
        %parallel_loop3A_2368 = tpu.vector_load %arg5[%parallel_loop3A_2364, %parallel_loop3A_2365, %parallel_loop3A_2366, %parallel_loop3A_2367] {strides = array<i32>} : memref<12x4x2x1024xf32, #tpu.memory_space<vmem>>, vector<1x1x1x16xf32>,
        %parallel_loop3A_2369 = vector.shape_cast %parallel_loop3A_2368 : vector<1x1x1x16xf32> to vector<16xf32>
        %parallel_loop3A_2370 = vector.shape_cast %parallel_loop3A_2114 : vector<16xf32> to vector<1x1x1x16xf32>
        tpu.vector_store %arg5[%parallel_loop3A_2364, %parallel_loop3A_2365, %parallel_loop3A_2366, %parallel_loop3A_2367], %parallel_loop3A_2370 {add = true, strides = array<i32>} : memref<12x4x2x1024xf32, #tpu.memory_space<vmem>>, vector<1x1x1x16xf32>,
        %parallel_loop3A_2371 = arith.index_cast %rem3A_521 : i32 to index
        %parallel_loop3A_2372 = arith.index_cast %parallel_loop3A_594 : i32 to index
        %parallel_loop3A_2373 = arith.constant 768 : index
        %parallel_loop3A_2374 = tpu.vector_load %arg6[%parallel_loop3A_2371, %parallel_loop3A_2372, %parallel_loop3A_2373] {strides = array<i32>} : memref<4x2x1024xf32, #tpu.memory_space<vmem>>, vector<1x1x16xf32>,
        %parallel_loop3A_2375 = vector.shape_cast %parallel_loop3A_2374 : vector<1x1x16xf32> to vector<16xf32>
        %parallel_loop3A_2376 = arith.index_cast %rem3A_521 : i32 to index
        %parallel_loop3A_2377 = arith.index_cast %parallel_loop3A_594 : i32 to index
        %parallel_loop3A_2378 = arith.constant 784 : index
        %parallel_loop3A_2379 = tpu.vector_load %arg6[%parallel_loop3A_2376, %parallel_loop3A_2377, %parallel_loop3A_2378] {strides = array<i32>} : memref<4x2x1024xf32, #tpu.memory_space<vmem>>, vector<1x1x16xf32>,
        %parallel_loop3A_2380 = vector.shape_cast %parallel_loop3A_2379 : vector<1x1x16xf32> to vector<16xf32>
        %parallel_loop3A_2381 = arith.index_cast %rem3A_521 : i32 to index
        %parallel_loop3A_2382 = arith.index_cast %parallel_loop3A_594 : i32 to index
        %parallel_loop3A_2383 = arith.constant 800 : index
        %parallel_loop3A_2384 = tpu.vector_load %arg6[%parallel_loop3A_2381, %parallel_loop3A_2382, %parallel_loop3A_2383] {strides = array<i32>} : memref<4x2x1024xf32, #tpu.memory_space<vmem>>, vector<1x1x16xf32>,
        %parallel_loop3A_2385 = vector.shape_cast %parallel_loop3A_2384 : vector<1x1x16xf32> to vector<16xf32>
        %parallel_loop3A_2386 = arith.index_cast %rem3A_521 : i32 to index
        %parallel_loop3A_2387 = arith.index_cast %parallel_loop3A_594 : i32 to index
        %parallel_loop3A_2388 = arith.constant 816 : index
        %parallel_loop3A_2389 = tpu.vector_load %arg6[%parallel_loop3A_2386, %parallel_loop3A_2387, %parallel_loop3A_2388] {strides = array<i32>} : memref<4x2x1024xf32, #tpu.memory_space<vmem>>, vector<1x1x16xf32>,
        %parallel_loop3A_2390 = vector.shape_cast %parallel_loop3A_2389 : vector<1x1x16xf32> to vector<16xf32>
        %parallel_loop3A_2391 = arith.index_cast %rem3A_521 : i32 to index
        %parallel_loop3A_2392 = arith.index_cast %parallel_loop3A_594 : i32 to index
        %parallel_loop3A_2393 = arith.constant 832 : index
        %parallel_loop3A_2394 = tpu.vector_load %arg6[%parallel_loop3A_2391, %parallel_loop3A_2392, %parallel_loop3A_2393] {strides = array<i32>} : memref<4x2x1024xf32, #tpu.memory_space<vmem>>, vector<1x1x16xf32>,
        %parallel_loop3A_2395 = vector.shape_cast %parallel_loop3A_2394 : vector<1x1x16xf32> to vector<16xf32>
        %parallel_loop3A_2396 = arith.index_cast %rem3A_521 : i32 to index
        %parallel_loop3A_2397 = arith.index_cast %parallel_loop3A_594 : i32 to index
        %parallel_loop3A_2398 = arith.constant 848 : index
        %parallel_loop3A_2399 = tpu.vector_load %arg6[%parallel_loop3A_2396, %parallel_loop3A_2397, %parallel_loop3A_2398] {strides = array<i32>} : memref<4x2x1024xf32, #tpu.memory_space<vmem>>, vector<1x1x16xf32>,
        %parallel_loop3A_2400 = vector.shape_cast %parallel_loop3A_2399 : vector<1x1x16xf32> to vector<16xf32>
        %parallel_loop3A_2401 = arith.index_cast %rem3A_521 : i32 to index
        %parallel_loop3A_2402 = arith.index_cast %parallel_loop3A_594 : i32 to index
        %parallel_loop3A_2403 = arith.constant 864 : index
        %parallel_loop3A_2404 = tpu.vector_load %arg6[%parallel_loop3A_2401, %parallel_loop3A_2402, %parallel_loop3A_2403] {strides = array<i32>} : memref<4x2x1024xf32, #tpu.memory_space<vmem>>, vector<1x1x16xf32>,
        %parallel_loop3A_2405 = vector.shape_cast %parallel_loop3A_2404 : vector<1x1x16xf32> to vector<16xf32>
        %parallel_loop3A_2406 = arith.index_cast %rem3A_521 : i32 to index
        %parallel_loop3A_2407 = arith.index_cast %parallel_loop3A_594 : i32 to index
        %parallel_loop3A_2408 = arith.constant 880 : index
        %parallel_loop3A_2409 = tpu.vector_load %arg6[%parallel_loop3A_2406, %parallel_loop3A_2407, %parallel_loop3A_2408] {strides = array<i32>} : memref<4x2x1024xf32, #tpu.memory_space<vmem>>, vector<1x1x16xf32>,
        %parallel_loop3A_2410 = vector.shape_cast %parallel_loop3A_2409 : vector<1x1x16xf32> to vector<16xf32>
        %parallel_loop3A_2411 = arith.constant 0 : i32
        %parallel_loop3A_2412 = arith.index_cast %rem3A_519 : i32 to index
        %parallel_loop3A_2413 = arith.index_cast %parallel_loop3A_2411 : i32 to index
        %parallel_loop3A_2414 = arith.index_cast %parallel_loop3A_594 : i32 to index
        %parallel_loop3A_2415 = arith.constant 768 : index
        %parallel_loop3A_2416 = tpu.vector_load %arg5[%parallel_loop3A_2412, %parallel_loop3A_2413, %parallel_loop3A_2414, %parallel_loop3A_2415] {strides = array<i32>} : memref<12x4x2x1024xf32, #tpu.memory_space<vmem>>, vector<1x1x1x16xf32>,
        %parallel_loop3A_2417 = vector.shape_cast %parallel_loop3A_2416 : vector<1x1x1x16xf32> to vector<16xf32>
        %parallel_loop3A_2418 = vector.shape_cast %parallel_loop3A_2375 : vector<16xf32> to vector<1x1x1x16xf32>
        tpu.vector_store %arg5[%parallel_loop3A_2412, %parallel_loop3A_2413, %parallel_loop3A_2414, %parallel_loop3A_2415], %parallel_loop3A_2418 {add = true, strides = array<i32>} : memref<12x4x2x1024xf32, #tpu.memory_space<vmem>>, vector<1x1x1x16xf32>,
        %parallel_loop3A_2419 = arith.constant 0 : i32
        %parallel_loop3A_2420 = arith.index_cast %rem3A_519 : i32 to index
        %parallel_loop3A_2421 = arith.index_cast %parallel_loop3A_2419 : i32 to index
        %parallel_loop3A_2422 = arith.index_cast %parallel_loop3A_594 : i32 to index
        %parallel_loop3A_2423 = arith.constant 784 : index
        %parallel_loop3A_2424 = tpu.vector_load %arg5[%parallel_loop3A_2420, %parallel_loop3A_2421, %parallel_loop3A_2422, %parallel_loop3A_2423] {strides = array<i32>} : memref<12x4x2x1024xf32, #tpu.memory_space<vmem>>, vector<1x1x1x16xf32>,
        %parallel_loop3A_2425 = vector.shape_cast %parallel_loop3A_2424 : vector<1x1x1x16xf32> to vector<16xf32>
        %parallel_loop3A_2426 = vector.shape_cast %parallel_loop3A_2380 : vector<16xf32> to vector<1x1x1x16xf32>
        tpu.vector_store %arg5[%parallel_loop3A_2420, %parallel_loop3A_2421, %parallel_loop3A_2422, %parallel_loop3A_2423], %parallel_loop3A_2426 {add = true, strides = array<i32>} : memref<12x4x2x1024xf32, #tpu.memory_space<vmem>>, vector<1x1x1x16xf32>,
        %parallel_loop3A_2427 = arith.constant 0 : i32
        %parallel_loop3A_2428 = arith.index_cast %rem3A_519 : i32 to index
        %parallel_loop3A_2429 = arith.index_cast %parallel_loop3A_2427 : i32 to index
        %parallel_loop3A_2430 = arith.index_cast %parallel_loop3A_594 : i32 to index
        %parallel_loop3A_2431 = arith.constant 800 : index
        %parallel_loop3A_2432 = tpu.vector_load %arg5[%parallel_loop3A_2428, %parallel_loop3A_2429, %parallel_loop3A_2430, %parallel_loop3A_2431] {strides = array<i32>} : memref<12x4x2x1024xf32, #tpu.memory_space<vmem>>, vector<1x1x1x16xf32>,
        %parallel_loop3A_2433 = vector.shape_cast %parallel_loop3A_2432 : vector<1x1x1x16xf32> to vector<16xf32>
        %parallel_loop3A_2434 = vector.shape_cast %parallel_loop3A_2385 : vector<16xf32> to vector<1x1x1x16xf32>
        tpu.vector_store %arg5[%parallel_loop3A_2428, %parallel_loop3A_2429, %parallel_loop3A_2430, %parallel_loop3A_2431], %parallel_loop3A_2434 {add = true, strides = array<i32>} : memref<12x4x2x1024xf32, #tpu.memory_space<vmem>>, vector<1x1x1x16xf32>,
        %parallel_loop3A_2435 = arith.constant 0 : i32
        %parallel_loop3A_2436 = arith.index_cast %rem3A_519 : i32 to index
        %parallel_loop3A_2437 = arith.index_cast %parallel_loop3A_2435 : i32 to index
        %parallel_loop3A_2438 = arith.index_cast %parallel_loop3A_594 : i32 to index
        %parallel_loop3A_2439 = arith.constant 816 : index
        %parallel_loop3A_2440 = tpu.vector_load %arg5[%parallel_loop3A_2436, %parallel_loop3A_2437, %parallel_loop3A_2438, %parallel_loop3A_2439] {strides = array<i32>} : memref<12x4x2x1024xf32, #tpu.memory_space<vmem>>, vector<1x1x1x16xf32>,
        %parallel_loop3A_2441 = vector.shape_cast %parallel_loop3A_2440 : vector<1x1x1x16xf32> to vector<16xf32>
        %parallel_loop3A_2442 = vector.shape_cast %parallel_loop3A_2390 : vector<16xf32> to vector<1x1x1x16xf32>
        tpu.vector_store %arg5[%parallel_loop3A_2436, %parallel_loop3A_2437, %parallel_loop3A_2438, %parallel_loop3A_2439], %parallel_loop3A_2442 {add = true, strides = array<i32>} : memref<12x4x2x1024xf32, #tpu.memory_space<vmem>>, vector<1x1x1x16xf32>,
        %parallel_loop3A_2443 = arith.constant 0 : i32
        %parallel_loop3A_2444 = arith.index_cast %rem3A_519 : i32 to index
        %parallel_loop3A_2445 = arith.index_cast %parallel_loop3A_2443 : i32 to index
        %parallel_loop3A_2446 = arith.index_cast %parallel_loop3A_594 : i32 to index
        %parallel_loop3A_2447 = arith.constant 832 : index
        %parallel_loop3A_2448 = tpu.vector_load %arg5[%parallel_loop3A_2444, %parallel_loop3A_2445, %parallel_loop3A_2446, %parallel_loop3A_2447] {strides = array<i32>} : memref<12x4x2x1024xf32, #tpu.memory_space<vmem>>, vector<1x1x1x16xf32>,
        %parallel_loop3A_2449 = vector.shape_cast %parallel_loop3A_2448 : vector<1x1x1x16xf32> to vector<16xf32>
        %parallel_loop3A_2450 = vector.shape_cast %parallel_loop3A_2395 : vector<16xf32> to vector<1x1x1x16xf32>
        tpu.vector_store %arg5[%parallel_loop3A_2444, %parallel_loop3A_2445, %parallel_loop3A_2446, %parallel_loop3A_2447], %parallel_loop3A_2450 {add = true, strides = array<i32>} : memref<12x4x2x1024xf32, #tpu.memory_space<vmem>>, vector<1x1x1x16xf32>,
        %parallel_loop3A_2451 = arith.constant 0 : i32
        %parallel_loop3A_2452 = arith.index_cast %rem3A_519 : i32 to index
        %parallel_loop3A_2453 = arith.index_cast %parallel_loop3A_2451 : i32 to index
        %parallel_loop3A_2454 = arith.index_cast %parallel_loop3A_594 : i32 to index
        %parallel_loop3A_2455 = arith.constant 848 : index
        %parallel_loop3A_2456 = tpu.vector_load %arg5[%parallel_loop3A_2452, %parallel_loop3A_2453, %parallel_loop3A_2454, %parallel_loop3A_2455] {strides = array<i32>} : memref<12x4x2x1024xf32, #tpu.memory_space<vmem>>, vector<1x1x1x16xf32>,
        %parallel_loop3A_2457 = vector.shape_cast %parallel_loop3A_2456 : vector<1x1x1x16xf32> to vector<16xf32>
        %parallel_loop3A_2458 = vector.shape_cast %parallel_loop3A_2400 : vector<16xf32> to vector<1x1x1x16xf32>
        tpu.vector_store %arg5[%parallel_loop3A_2452, %parallel_loop3A_2453, %parallel_loop3A_2454, %parallel_loop3A_2455], %parallel_loop3A_2458 {add = true, strides = array<i32>} : memref<12x4x2x1024xf32, #tpu.memory_space<vmem>>, vector<1x1x1x16xf32>,
        %parallel_loop3A_2459 = arith.constant 0 : i32
        %parallel_loop3A_2460 = arith.index_cast %rem3A_519 : i32 to index
        %parallel_loop3A_2461 = arith.index_cast %parallel_loop3A_2459 : i32 to index
        %parallel_loop3A_2462 = arith.index_cast %parallel_loop3A_594 : i32 to index
        %parallel_loop3A_2463 = arith.constant 864 : index
        %parallel_loop3A_2464 = tpu.vector_load %arg5[%parallel_loop3A_2460, %parallel_loop3A_2461, %parallel_loop3A_2462, %parallel_loop3A_2463] {strides = array<i32>} : memref<12x4x2x1024xf32, #tpu.memory_space<vmem>>, vector<1x1x1x16xf32>,
        %parallel_loop3A_2465 = vector.shape_cast %parallel_loop3A_2464 : vector<1x1x1x16xf32> to vector<16xf32>
        %parallel_loop3A_2466 = vector.shape_cast %parallel_loop3A_2405 : vector<16xf32> to vector<1x1x1x16xf32>
        tpu.vector_store %arg5[%parallel_loop3A_2460, %parallel_loop3A_2461, %parallel_loop3A_2462, %parallel_loop3A_2463], %parallel_loop3A_2466 {add = true, strides = array<i32>} : memref<12x4x2x1024xf32, #tpu.memory_space<vmem>>, vector<1x1x1x16xf32>,
        %parallel_loop3A_2467 = arith.constant 0 : i32
        %parallel_loop3A_2468 = arith.index_cast %rem3A_519 : i32 to index
        %parallel_loop3A_2469 = arith.index_cast %parallel_loop3A_2467 : i32 to index
        %parallel_loop3A_2470 = arith.index_cast %parallel_loop3A_594 : i32 to index
        %parallel_loop3A_2471 = arith.constant 880 : index
        %parallel_loop3A_2472 = tpu.vector_load %arg5[%parallel_loop3A_2468, %parallel_loop3A_2469, %parallel_loop3A_2470, %parallel_loop3A_2471] {strides = array<i32>} : memref<12x4x2x1024xf32, #tpu.memory_space<vmem>>, vector<1x1x1x16xf32>,
        %parallel_loop3A_2473 = vector.shape_cast %parallel_loop3A_2472 : vector<1x1x1x16xf32> to vector<16xf32>
        %parallel_loop3A_2474 = vector.shape_cast %parallel_loop3A_2410 : vector<16xf32> to vector<1x1x1x16xf32>
        tpu.vector_store %arg5[%parallel_loop3A_2468, %parallel_loop3A_2469, %parallel_loop3A_2470, %parallel_loop3A_2471], %parallel_loop3A_2474 {add = true, strides = array<i32>} : memref<12x4x2x1024xf32, #tpu.memory_space<vmem>>, vector<1x1x1x16xf32>,
        %parallel_loop3A_2475 = arith.constant 1 : i32
        %parallel_loop3A_2476 = arith.index_cast %rem3A_519 : i32 to index
        %parallel_loop3A_2477 = arith.index_cast %parallel_loop3A_2475 : i32 to index
        %parallel_loop3A_2478 = arith.index_cast %parallel_loop3A_594 : i32 to index
        %parallel_loop3A_2479 = arith.constant 768 : index
        %parallel_loop3A_2480 = tpu.vector_load %arg5[%parallel_loop3A_2476, %parallel_loop3A_2477, %parallel_loop3A_2478, %parallel_loop3A_2479] {strides = array<i32>} : memref<12x4x2x1024xf32, #tpu.memory_space<vmem>>, vector<1x1x1x16xf32>,
        %parallel_loop3A_2481 = vector.shape_cast %parallel_loop3A_2480 : vector<1x1x1x16xf32> to vector<16xf32>
        %parallel_loop3A_2482 = vector.shape_cast %parallel_loop3A_2375 : vector<16xf32> to vector<1x1x1x16xf32>
        tpu.vector_store %arg5[%parallel_loop3A_2476, %parallel_loop3A_2477, %parallel_loop3A_2478, %parallel_loop3A_2479], %parallel_loop3A_2482 {add = true, strides = array<i32>} : memref<12x4x2x1024xf32, #tpu.memory_space<vmem>>, vector<1x1x1x16xf32>,
        %parallel_loop3A_2483 = arith.constant 1 : i32
        %parallel_loop3A_2484 = arith.index_cast %rem3A_519 : i32 to index
        %parallel_loop3A_2485 = arith.index_cast %parallel_loop3A_2483 : i32 to index
        %parallel_loop3A_2486 = arith.index_cast %parallel_loop3A_594 : i32 to index
        %parallel_loop3A_2487 = arith.constant 784 : index
        %parallel_loop3A_2488 = tpu.vector_load %arg5[%parallel_loop3A_2484, %parallel_loop3A_2485, %parallel_loop3A_2486, %parallel_loop3A_2487] {strides = array<i32>} : memref<12x4x2x1024xf32, #tpu.memory_space<vmem>>, vector<1x1x1x16xf32>,
        %parallel_loop3A_2489 = vector.shape_cast %parallel_loop3A_2488 : vector<1x1x1x16xf32> to vector<16xf32>
        %parallel_loop3A_2490 = vector.shape_cast %parallel_loop3A_2380 : vector<16xf32> to vector<1x1x1x16xf32>
        tpu.vector_store %arg5[%parallel_loop3A_2484, %parallel_loop3A_2485, %parallel_loop3A_2486, %parallel_loop3A_2487], %parallel_loop3A_2490 {add = true, strides = array<i32>} : memref<12x4x2x1024xf32, #tpu.memory_space<vmem>>, vector<1x1x1x16xf32>,
        %parallel_loop3A_2491 = arith.constant 1 : i32
        %parallel_loop3A_2492 = arith.index_cast %rem3A_519 : i32 to index
        %parallel_loop3A_2493 = arith.index_cast %parallel_loop3A_2491 : i32 to index
        %parallel_loop3A_2494 = arith.index_cast %parallel_loop3A_594 : i32 to index
        %parallel_loop3A_2495 = arith.constant 800 : index
        %parallel_loop3A_2496 = tpu.vector_load %arg5[%parallel_loop3A_2492, %parallel_loop3A_2493, %parallel_loop3A_2494, %parallel_loop3A_2495] {strides = array<i32>} : memref<12x4x2x1024xf32, #tpu.memory_space<vmem>>, vector<1x1x1x16xf32>,
        %parallel_loop3A_2497 = vector.shape_cast %parallel_loop3A_2496 : vector<1x1x1x16xf32> to vector<16xf32>
        %parallel_loop3A_2498 = vector.shape_cast %parallel_loop3A_2385 : vector<16xf32> to vector<1x1x1x16xf32>
        tpu.vector_store %arg5[%parallel_loop3A_2492, %parallel_loop3A_2493, %parallel_loop3A_2494, %parallel_loop3A_2495], %parallel_loop3A_2498 {add = true, strides = array<i32>} : memref<12x4x2x1024xf32, #tpu.memory_space<vmem>>, vector<1x1x1x16xf32>,
        %parallel_loop3A_2499 = arith.constant 1 : i32
        %parallel_loop3A_2500 = arith.index_cast %rem3A_519 : i32 to index
        %parallel_loop3A_2501 = arith.index_cast %parallel_loop3A_2499 : i32 to index
        %parallel_loop3A_2502 = arith.index_cast %parallel_loop3A_594 : i32 to index
        %parallel_loop3A_2503 = arith.constant 816 : index
        %parallel_loop3A_2504 = tpu.vector_load %arg5[%parallel_loop3A_2500, %parallel_loop3A_2501, %parallel_loop3A_2502, %parallel_loop3A_2503] {strides = array<i32>} : memref<12x4x2x1024xf32, #tpu.memory_space<vmem>>, vector<1x1x1x16xf32>,
        %parallel_loop3A_2505 = vector.shape_cast %parallel_loop3A_2504 : vector<1x1x1x16xf32> to vector<16xf32>
        %parallel_loop3A_2506 = vector.shape_cast %parallel_loop3A_2390 : vector<16xf32> to vector<1x1x1x16xf32>
        tpu.vector_store %arg5[%parallel_loop3A_2500, %parallel_loop3A_2501, %parallel_loop3A_2502, %parallel_loop3A_2503], %parallel_loop3A_2506 {add = true, strides = array<i32>} : memref<12x4x2x1024xf32, #tpu.memory_space<vmem>>, vector<1x1x1x16xf32>,
        %parallel_loop3A_2507 = arith.constant 1 : i32
        %parallel_loop3A_2508 = arith.index_cast %rem3A_519 : i32 to index
        %parallel_loop3A_2509 = arith.index_cast %parallel_loop3A_2507 : i32 to index
        %parallel_loop3A_2510 = arith.index_cast %parallel_loop3A_594 : i32 to index
        %parallel_loop3A_2511 = arith.constant 832 : index
        %parallel_loop3A_2512 = tpu.vector_load %arg5[%parallel_loop3A_2508, %parallel_loop3A_2509, %parallel_loop3A_2510, %parallel_loop3A_2511] {strides = array<i32>} : memref<12x4x2x1024xf32, #tpu.memory_space<vmem>>, vector<1x1x1x16xf32>,
        %parallel_loop3A_2513 = vector.shape_cast %parallel_loop3A_2512 : vector<1x1x1x16xf32> to vector<16xf32>
        %parallel_loop3A_2514 = vector.shape_cast %parallel_loop3A_2395 : vector<16xf32> to vector<1x1x1x16xf32>
        tpu.vector_store %arg5[%parallel_loop3A_2508, %parallel_loop3A_2509, %parallel_loop3A_2510, %parallel_loop3A_2511], %parallel_loop3A_2514 {add = true, strides = array<i32>} : memref<12x4x2x1024xf32, #tpu.memory_space<vmem>>, vector<1x1x1x16xf32>,
        %parallel_loop3A_2515 = arith.constant 1 : i32
        %parallel_loop3A_2516 = arith.index_cast %rem3A_519 : i32 to index
        %parallel_loop3A_2517 = arith.index_cast %parallel_loop3A_2515 : i32 to index
        %parallel_loop3A_2518 = arith.index_cast %parallel_loop3A_594 : i32 to index
        %parallel_loop3A_2519 = arith.constant 848 : index
        %parallel_loop3A_2520 = tpu.vector_load %arg5[%parallel_loop3A_2516, %parallel_loop3A_2517, %parallel_loop3A_2518, %parallel_loop3A_2519] {strides = array<i32>} : memref<12x4x2x1024xf32, #tpu.memory_space<vmem>>, vector<1x1x1x16xf32>,
        %parallel_loop3A_2521 = vector.shape_cast %parallel_loop3A_2520 : vector<1x1x1x16xf32> to vector<16xf32>
        %parallel_loop3A_2522 = vector.shape_cast %parallel_loop3A_2400 : vector<16xf32> to vector<1x1x1x16xf32>
        tpu.vector_store %arg5[%parallel_loop3A_2516, %parallel_loop3A_2517, %parallel_loop3A_2518, %parallel_loop3A_2519], %parallel_loop3A_2522 {add = true, strides = array<i32>} : memref<12x4x2x1024xf32, #tpu.memory_space<vmem>>, vector<1x1x1x16xf32>,
        %parallel_loop3A_2523 = arith.constant 1 : i32
        %parallel_loop3A_2524 = arith.index_cast %rem3A_519 : i32 to index
        %parallel_loop3A_2525 = arith.index_cast %parallel_loop3A_2523 : i32 to index
        %parallel_loop3A_2526 = arith.index_cast %parallel_loop3A_594 : i32 to index
        %parallel_loop3A_2527 = arith.constant 864 : index
        %parallel_loop3A_2528 = tpu.vector_load %arg5[%parallel_loop3A_2524, %parallel_loop3A_2525, %parallel_loop3A_2526, %parallel_loop3A_2527] {strides = array<i32>} : memref<12x4x2x1024xf32, #tpu.memory_space<vmem>>, vector<1x1x1x16xf32>,
        %parallel_loop3A_2529 = vector.shape_cast %parallel_loop3A_2528 : vector<1x1x1x16xf32> to vector<16xf32>
        %parallel_loop3A_2530 = vector.shape_cast %parallel_loop3A_2405 : vector<16xf32> to vector<1x1x1x16xf32>
        tpu.vector_store %arg5[%parallel_loop3A_2524, %parallel_loop3A_2525, %parallel_loop3A_2526, %parallel_loop3A_2527], %parallel_loop3A_2530 {add = true, strides = array<i32>} : memref<12x4x2x1024xf32, #tpu.memory_space<vmem>>, vector<1x1x1x16xf32>,
        %parallel_loop3A_2531 = arith.constant 1 : i32
        %parallel_loop3A_2532 = arith.index_cast %rem3A_519 : i32 to index
        %parallel_loop3A_2533 = arith.index_cast %parallel_loop3A_2531 : i32 to index
        %parallel_loop3A_2534 = arith.index_cast %parallel_loop3A_594 : i32 to index
        %parallel_loop3A_2535 = arith.constant 880 : index
        %parallel_loop3A_2536 = tpu.vector_load %arg5[%parallel_loop3A_2532, %parallel_loop3A_2533, %parallel_loop3A_2534, %parallel_loop3A_2535] {strides = array<i32>} : memref<12x4x2x1024xf32, #tpu.memory_space<vmem>>, vector<1x1x1x16xf32>,
        %parallel_loop3A_2537 = vector.shape_cast %parallel_loop3A_2536 : vector<1x1x1x16xf32> to vector<16xf32>
        %parallel_loop3A_2538 = vector.shape_cast %parallel_loop3A_2410 : vector<16xf32> to vector<1x1x1x16xf32>
        tpu.vector_store %arg5[%parallel_loop3A_2532, %parallel_loop3A_2533, %parallel_loop3A_2534, %parallel_loop3A_2535], %parallel_loop3A_2538 {add = true, strides = array<i32>} : memref<12x4x2x1024xf32, #tpu.memory_space<vmem>>, vector<1x1x1x16xf32>,
        %parallel_loop3A_2539 = arith.constant 2 : i32
        %parallel_loop3A_2540 = arith.index_cast %rem3A_519 : i32 to index
        %parallel_loop3A_2541 = arith.index_cast %parallel_loop3A_2539 : i32 to index
        %parallel_loop3A_2542 = arith.index_cast %parallel_loop3A_594 : i32 to index
        %parallel_loop3A_2543 = arith.constant 768 : index
        %parallel_loop3A_2544 = tpu.vector_load %arg5[%parallel_loop3A_2540, %parallel_loop3A_2541, %parallel_loop3A_2542, %parallel_loop3A_2543] {strides = array<i32>} : memref<12x4x2x1024xf32, #tpu.memory_space<vmem>>, vector<1x1x1x16xf32>,
        %parallel_loop3A_2545 = vector.shape_cast %parallel_loop3A_2544 : vector<1x1x1x16xf32> to vector<16xf32>
        %parallel_loop3A_2546 = vector.shape_cast %parallel_loop3A_2375 : vector<16xf32> to vector<1x1x1x16xf32>
        tpu.vector_store %arg5[%parallel_loop3A_2540, %parallel_loop3A_2541, %parallel_loop3A_2542, %parallel_loop3A_2543], %parallel_loop3A_2546 {add = true, strides = array<i32>} : memref<12x4x2x1024xf32, #tpu.memory_space<vmem>>, vector<1x1x1x16xf32>,
        %parallel_loop3A_2547 = arith.constant 2 : i32
        %parallel_loop3A_2548 = arith.index_cast %rem3A_519 : i32 to index
        %parallel_loop3A_2549 = arith.index_cast %parallel_loop3A_2547 : i32 to index
        %parallel_loop3A_2550 = arith.index_cast %parallel_loop3A_594 : i32 to index
        %parallel_loop3A_2551 = arith.constant 784 : index
        %parallel_loop3A_2552 = tpu.vector_load %arg5[%parallel_loop3A_2548, %parallel_loop3A_2549, %parallel_loop3A_2550, %parallel_loop3A_2551] {strides = array<i32>} : memref<12x4x2x1024xf32, #tpu.memory_space<vmem>>, vector<1x1x1x16xf32>,
        %parallel_loop3A_2553 = vector.shape_cast %parallel_loop3A_2552 : vector<1x1x1x16xf32> to vector<16xf32>
        %parallel_loop3A_2554 = vector.shape_cast %parallel_loop3A_2380 : vector<16xf32> to vector<1x1x1x16xf32>
        tpu.vector_store %arg5[%parallel_loop3A_2548, %parallel_loop3A_2549, %parallel_loop3A_2550, %parallel_loop3A_2551], %parallel_loop3A_2554 {add = true, strides = array<i32>} : memref<12x4x2x1024xf32, #tpu.memory_space<vmem>>, vector<1x1x1x16xf32>,
        %parallel_loop3A_2555 = arith.constant 2 : i32
        %parallel_loop3A_2556 = arith.index_cast %rem3A_519 : i32 to index
        %parallel_loop3A_2557 = arith.index_cast %parallel_loop3A_2555 : i32 to index
        %parallel_loop3A_2558 = arith.index_cast %parallel_loop3A_594 : i32 to index
        %parallel_loop3A_2559 = arith.constant 800 : index
        %parallel_loop3A_2560 = tpu.vector_load %arg5[%parallel_loop3A_2556, %parallel_loop3A_2557, %parallel_loop3A_2558, %parallel_loop3A_2559] {strides = array<i32>} : memref<12x4x2x1024xf32, #tpu.memory_space<vmem>>, vector<1x1x1x16xf32>,
        %parallel_loop3A_2561 = vector.shape_cast %parallel_loop3A_2560 : vector<1x1x1x16xf32> to vector<16xf32>
        %parallel_loop3A_2562 = vector.shape_cast %parallel_loop3A_2385 : vector<16xf32> to vector<1x1x1x16xf32>
        tpu.vector_store %arg5[%parallel_loop3A_2556, %parallel_loop3A_2557, %parallel_loop3A_2558, %parallel_loop3A_2559], %parallel_loop3A_2562 {add = true, strides = array<i32>} : memref<12x4x2x1024xf32, #tpu.memory_space<vmem>>, vector<1x1x1x16xf32>,
        %parallel_loop3A_2563 = arith.constant 2 : i32
        %parallel_loop3A_2564 = arith.index_cast %rem3A_519 : i32 to index
        %parallel_loop3A_2565 = arith.index_cast %parallel_loop3A_2563 : i32 to index
        %parallel_loop3A_2566 = arith.index_cast %parallel_loop3A_594 : i32 to index
        %parallel_loop3A_2567 = arith.constant 816 : index
        %parallel_loop3A_2568 = tpu.vector_load %arg5[%parallel_loop3A_2564, %parallel_loop3A_2565, %parallel_loop3A_2566, %parallel_loop3A_2567] {strides = array<i32>} : memref<12x4x2x1024xf32, #tpu.memory_space<vmem>>, vector<1x1x1x16xf32>,
        %parallel_loop3A_2569 = vector.shape_cast %parallel_loop3A_2568 : vector<1x1x1x16xf32> to vector<16xf32>
        %parallel_loop3A_2570 = vector.shape_cast %parallel_loop3A_2390 : vector<16xf32> to vector<1x1x1x16xf32>
        tpu.vector_store %arg5[%parallel_loop3A_2564, %parallel_loop3A_2565, %parallel_loop3A_2566, %parallel_loop3A_2567], %parallel_loop3A_2570 {add = true, strides = array<i32>} : memref<12x4x2x1024xf32, #tpu.memory_space<vmem>>, vector<1x1x1x16xf32>,
        %parallel_loop3A_2571 = arith.constant 2 : i32
        %parallel_loop3A_2572 = arith.index_cast %rem3A_519 : i32 to index
        %parallel_loop3A_2573 = arith.index_cast %parallel_loop3A_2571 : i32 to index
        %parallel_loop3A_2574 = arith.index_cast %parallel_loop3A_594 : i32 to index
        %parallel_loop3A_2575 = arith.constant 832 : index
        %parallel_loop3A_2576 = tpu.vector_load %arg5[%parallel_loop3A_2572, %parallel_loop3A_2573, %parallel_loop3A_2574, %parallel_loop3A_2575] {strides = array<i32>} : memref<12x4x2x1024xf32, #tpu.memory_space<vmem>>, vector<1x1x1x16xf32>,
        %parallel_loop3A_2577 = vector.shape_cast %parallel_loop3A_2576 : vector<1x1x1x16xf32> to vector<16xf32>
        %parallel_loop3A_2578 = vector.shape_cast %parallel_loop3A_2395 : vector<16xf32> to vector<1x1x1x16xf32>
        tpu.vector_store %arg5[%parallel_loop3A_2572, %parallel_loop3A_2573, %parallel_loop3A_2574, %parallel_loop3A_2575], %parallel_loop3A_2578 {add = true, strides = array<i32>} : memref<12x4x2x1024xf32, #tpu.memory_space<vmem>>, vector<1x1x1x16xf32>,
        %parallel_loop3A_2579 = arith.constant 2 : i32
        %parallel_loop3A_2580 = arith.index_cast %rem3A_519 : i32 to index
        %parallel_loop3A_2581 = arith.index_cast %parallel_loop3A_2579 : i32 to index
        %parallel_loop3A_2582 = arith.index_cast %parallel_loop3A_594 : i32 to index
        %parallel_loop3A_2583 = arith.constant 848 : index
        %parallel_loop3A_2584 = tpu.vector_load %arg5[%parallel_loop3A_2580, %parallel_loop3A_2581, %parallel_loop3A_2582, %parallel_loop3A_2583] {strides = array<i32>} : memref<12x4x2x1024xf32, #tpu.memory_space<vmem>>, vector<1x1x1x16xf32>,
        %parallel_loop3A_2585 = vector.shape_cast %parallel_loop3A_2584 : vector<1x1x1x16xf32> to vector<16xf32>
        %parallel_loop3A_2586 = vector.shape_cast %parallel_loop3A_2400 : vector<16xf32> to vector<1x1x1x16xf32>
        tpu.vector_store %arg5[%parallel_loop3A_2580, %parallel_loop3A_2581, %parallel_loop3A_2582, %parallel_loop3A_2583], %parallel_loop3A_2586 {add = true, strides = array<i32>} : memref<12x4x2x1024xf32, #tpu.memory_space<vmem>>, vector<1x1x1x16xf32>,
        %parallel_loop3A_2587 = arith.constant 2 : i32
        %parallel_loop3A_2588 = arith.index_cast %rem3A_519 : i32 to index
        %parallel_loop3A_2589 = arith.index_cast %parallel_loop3A_2587 : i32 to index
        %parallel_loop3A_2590 = arith.index_cast %parallel_loop3A_594 : i32 to index
        %parallel_loop3A_2591 = arith.constant 864 : index
        %parallel_loop3A_2592 = tpu.vector_load %arg5[%parallel_loop3A_2588, %parallel_loop3A_2589, %parallel_loop3A_2590, %parallel_loop3A_2591] {strides = array<i32>} : memref<12x4x2x1024xf32, #tpu.memory_space<vmem>>, vector<1x1x1x16xf32>,
        %parallel_loop3A_2593 = vector.shape_cast %parallel_loop3A_2592 : vector<1x1x1x16xf32> to vector<16xf32>
        %parallel_loop3A_2594 = vector.shape_cast %parallel_loop3A_2405 : vector<16xf32> to vector<1x1x1x16xf32>
        tpu.vector_store %arg5[%parallel_loop3A_2588, %parallel_loop3A_2589, %parallel_loop3A_2590, %parallel_loop3A_2591], %parallel_loop3A_2594 {add = true, strides = array<i32>} : memref<12x4x2x1024xf32, #tpu.memory_space<vmem>>, vector<1x1x1x16xf32>,
        %parallel_loop3A_2595 = arith.constant 2 : i32
        %parallel_loop3A_2596 = arith.index_cast %rem3A_519 : i32 to index
        %parallel_loop3A_2597 = arith.index_cast %parallel_loop3A_2595 : i32 to index
        %parallel_loop3A_2598 = arith.index_cast %parallel_loop3A_594 : i32 to index
        %parallel_loop3A_2599 = arith.constant 880 : index
        %parallel_loop3A_2600 = tpu.vector_load %arg5[%parallel_loop3A_2596, %parallel_loop3A_2597, %parallel_loop3A_2598, %parallel_loop3A_2599] {strides = array<i32>} : memref<12x4x2x1024xf32, #tpu.memory_space<vmem>>, vector<1x1x1x16xf32>,
        %parallel_loop3A_2601 = vector.shape_cast %parallel_loop3A_2600 : vector<1x1x1x16xf32> to vector<16xf32>
        %parallel_loop3A_2602 = vector.shape_cast %parallel_loop3A_2410 : vector<16xf32> to vector<1x1x1x16xf32>
        tpu.vector_store %arg5[%parallel_loop3A_2596, %parallel_loop3A_2597, %parallel_loop3A_2598, %parallel_loop3A_2599], %parallel_loop3A_2602 {add = true, strides = array<i32>} : memref<12x4x2x1024xf32, #tpu.memory_space<vmem>>, vector<1x1x1x16xf32>,
        %parallel_loop3A_2603 = arith.constant 3 : i32
        %parallel_loop3A_2604 = arith.index_cast %rem3A_519 : i32 to index
        %parallel_loop3A_2605 = arith.index_cast %parallel_loop3A_2603 : i32 to index
        %parallel_loop3A_2606 = arith.index_cast %parallel_loop3A_594 : i32 to index
        %parallel_loop3A_2607 = arith.constant 768 : index
        %parallel_loop3A_2608 = tpu.vector_load %arg5[%parallel_loop3A_2604, %parallel_loop3A_2605, %parallel_loop3A_2606, %parallel_loop3A_2607] {strides = array<i32>} : memref<12x4x2x1024xf32, #tpu.memory_space<vmem>>, vector<1x1x1x16xf32>,
        %parallel_loop3A_2609 = vector.shape_cast %parallel_loop3A_2608 : vector<1x1x1x16xf32> to vector<16xf32>
        %parallel_loop3A_2610 = vector.shape_cast %parallel_loop3A_2375 : vector<16xf32> to vector<1x1x1x16xf32>
        tpu.vector_store %arg5[%parallel_loop3A_2604, %parallel_loop3A_2605, %parallel_loop3A_2606, %parallel_loop3A_2607], %parallel_loop3A_2610 {add = true, strides = array<i32>} : memref<12x4x2x1024xf32, #tpu.memory_space<vmem>>, vector<1x1x1x16xf32>,
        %parallel_loop3A_2611 = arith.constant 3 : i32
        %parallel_loop3A_2612 = arith.index_cast %rem3A_519 : i32 to index
        %parallel_loop3A_2613 = arith.index_cast %parallel_loop3A_2611 : i32 to index
        %parallel_loop3A_2614 = arith.index_cast %parallel_loop3A_594 : i32 to index
        %parallel_loop3A_2615 = arith.constant 784 : index
        %parallel_loop3A_2616 = tpu.vector_load %arg5[%parallel_loop3A_2612, %parallel_loop3A_2613, %parallel_loop3A_2614, %parallel_loop3A_2615] {strides = array<i32>} : memref<12x4x2x1024xf32, #tpu.memory_space<vmem>>, vector<1x1x1x16xf32>,
        %parallel_loop3A_2617 = vector.shape_cast %parallel_loop3A_2616 : vector<1x1x1x16xf32> to vector<16xf32>
        %parallel_loop3A_2618 = vector.shape_cast %parallel_loop3A_2380 : vector<16xf32> to vector<1x1x1x16xf32>
        tpu.vector_store %arg5[%parallel_loop3A_2612, %parallel_loop3A_2613, %parallel_loop3A_2614, %parallel_loop3A_2615], %parallel_loop3A_2618 {add = true, strides = array<i32>} : memref<12x4x2x1024xf32, #tpu.memory_space<vmem>>, vector<1x1x1x16xf32>,
        %parallel_loop3A_2619 = arith.constant 3 : i32
        %parallel_loop3A_2620 = arith.index_cast %rem3A_519 : i32 to index
        %parallel_loop3A_2621 = arith.index_cast %parallel_loop3A_2619 : i32 to index
        %parallel_loop3A_2622 = arith.index_cast %parallel_loop3A_594 : i32 to index
        %parallel_loop3A_2623 = arith.constant 800 : index
        %parallel_loop3A_2624 = tpu.vector_load %arg5[%parallel_loop3A_2620, %parallel_loop3A_2621, %parallel_loop3A_2622, %parallel_loop3A_2623] {strides = array<i32>} : memref<12x4x2x1024xf32, #tpu.memory_space<vmem>>, vector<1x1x1x16xf32>,
        %parallel_loop3A_2625 = vector.shape_cast %parallel_loop3A_2624 : vector<1x1x1x16xf32> to vector<16xf32>
        %parallel_loop3A_2626 = vector.shape_cast %parallel_loop3A_2385 : vector<16xf32> to vector<1x1x1x16xf32>
        tpu.vector_store %arg5[%parallel_loop3A_2620, %parallel_loop3A_2621, %parallel_loop3A_2622, %parallel_loop3A_2623], %parallel_loop3A_2626 {add = true, strides = array<i32>} : memref<12x4x2x1024xf32, #tpu.memory_space<vmem>>, vector<1x1x1x16xf32>,
        %parallel_loop3A_2627 = arith.constant 3 : i32
        %parallel_loop3A_2628 = arith.index_cast %rem3A_519 : i32 to index
        %parallel_loop3A_2629 = arith.index_cast %parallel_loop3A_2627 : i32 to index
        %parallel_loop3A_2630 = arith.index_cast %parallel_loop3A_594 : i32 to index
        %parallel_loop3A_2631 = arith.constant 816 : index
        %parallel_loop3A_2632 = tpu.vector_load %arg5[%parallel_loop3A_2628, %parallel_loop3A_2629, %parallel_loop3A_2630, %parallel_loop3A_2631] {strides = array<i32>} : memref<12x4x2x1024xf32, #tpu.memory_space<vmem>>, vector<1x1x1x16xf32>,
        %parallel_loop3A_2633 = vector.shape_cast %parallel_loop3A_2632 : vector<1x1x1x16xf32> to vector<16xf32>
        %parallel_loop3A_2634 = vector.shape_cast %parallel_loop3A_2390 : vector<16xf32> to vector<1x1x1x16xf32>
        tpu.vector_store %arg5[%parallel_loop3A_2628, %parallel_loop3A_2629, %parallel_loop3A_2630, %parallel_loop3A_2631], %parallel_loop3A_2634 {add = true, strides = array<i32>} : memref<12x4x2x1024xf32, #tpu.memory_space<vmem>>, vector<1x1x1x16xf32>,
        %parallel_loop3A_2635 = arith.constant 3 : i32
        %parallel_loop3A_2636 = arith.index_cast %rem3A_519 : i32 to index
        %parallel_loop3A_2637 = arith.index_cast %parallel_loop3A_2635 : i32 to index
        %parallel_loop3A_2638 = arith.index_cast %parallel_loop3A_594 : i32 to index
        %parallel_loop3A_2639 = arith.constant 832 : index
        %parallel_loop3A_2640 = tpu.vector_load %arg5[%parallel_loop3A_2636, %parallel_loop3A_2637, %parallel_loop3A_2638, %parallel_loop3A_2639] {strides = array<i32>} : memref<12x4x2x1024xf32, #tpu.memory_space<vmem>>, vector<1x1x1x16xf32>,
        %parallel_loop3A_2641 = vector.shape_cast %parallel_loop3A_2640 : vector<1x1x1x16xf32> to vector<16xf32>
        %parallel_loop3A_2642 = vector.shape_cast %parallel_loop3A_2395 : vector<16xf32> to vector<1x1x1x16xf32>
        tpu.vector_store %arg5[%parallel_loop3A_2636, %parallel_loop3A_2637, %parallel_loop3A_2638, %parallel_loop3A_2639], %parallel_loop3A_2642 {add = true, strides = array<i32>} : memref<12x4x2x1024xf32, #tpu.memory_space<vmem>>, vector<1x1x1x16xf32>,
        %parallel_loop3A_2643 = arith.constant 3 : i32
        %parallel_loop3A_2644 = arith.index_cast %rem3A_519 : i32 to index
        %parallel_loop3A_2645 = arith.index_cast %parallel_loop3A_2643 : i32 to index
        %parallel_loop3A_2646 = arith.index_cast %parallel_loop3A_594 : i32 to index
        %parallel_loop3A_2647 = arith.constant 848 : index
        %parallel_loop3A_2648 = tpu.vector_load %arg5[%parallel_loop3A_2644, %parallel_loop3A_2645, %parallel_loop3A_2646, %parallel_loop3A_2647] {strides = array<i32>} : memref<12x4x2x1024xf32, #tpu.memory_space<vmem>>, vector<1x1x1x16xf32>,
        %parallel_loop3A_2649 = vector.shape_cast %parallel_loop3A_2648 : vector<1x1x1x16xf32> to vector<16xf32>
        %parallel_loop3A_2650 = vector.shape_cast %parallel_loop3A_2400 : vector<16xf32> to vector<1x1x1x16xf32>
        tpu.vector_store %arg5[%parallel_loop3A_2644, %parallel_loop3A_2645, %parallel_loop3A_2646, %parallel_loop3A_2647], %parallel_loop3A_2650 {add = true, strides = array<i32>} : memref<12x4x2x1024xf32, #tpu.memory_space<vmem>>, vector<1x1x1x16xf32>,
        %parallel_loop3A_2651 = arith.constant 3 : i32
        %parallel_loop3A_2652 = arith.index_cast %rem3A_519 : i32 to index
        %parallel_loop3A_2653 = arith.index_cast %parallel_loop3A_2651 : i32 to index
        %parallel_loop3A_2654 = arith.index_cast %parallel_loop3A_594 : i32 to index
        %parallel_loop3A_2655 = arith.constant 864 : index
        %parallel_loop3A_2656 = tpu.vector_load %arg5[%parallel_loop3A_2652, %parallel_loop3A_2653, %parallel_loop3A_2654, %parallel_loop3A_2655] {strides = array<i32>} : memref<12x4x2x1024xf32, #tpu.memory_space<vmem>>, vector<1x1x1x16xf32>,
        %parallel_loop3A_2657 = vector.shape_cast %parallel_loop3A_2656 : vector<1x1x1x16xf32> to vector<16xf32>
        %parallel_loop3A_2658 = vector.shape_cast %parallel_loop3A_2405 : vector<16xf32> to vector<1x1x1x16xf32>
        tpu.vector_store %arg5[%parallel_loop3A_2652, %parallel_loop3A_2653, %parallel_loop3A_2654, %parallel_loop3A_2655], %parallel_loop3A_2658 {add = true, strides = array<i32>} : memref<12x4x2x1024xf32, #tpu.memory_space<vmem>>, vector<1x1x1x16xf32>,
        %parallel_loop3A_2659 = arith.constant 3 : i32
        %parallel_loop3A_2660 = arith.index_cast %rem3A_519 : i32 to index
        %parallel_loop3A_2661 = arith.index_cast %parallel_loop3A_2659 : i32 to index
        %parallel_loop3A_2662 = arith.index_cast %parallel_loop3A_594 : i32 to index
        %parallel_loop3A_2663 = arith.constant 880 : index
        %parallel_loop3A_2664 = tpu.vector_load %arg5[%parallel_loop3A_2660, %parallel_loop3A_2661, %parallel_loop3A_2662, %parallel_loop3A_2663] {strides = array<i32>} : memref<12x4x2x1024xf32, #tpu.memory_space<vmem>>, vector<1x1x1x16xf32>,
        %parallel_loop3A_2665 = vector.shape_cast %parallel_loop3A_2664 : vector<1x1x1x16xf32> to vector<16xf32>
        %parallel_loop3A_2666 = vector.shape_cast %parallel_loop3A_2410 : vector<16xf32> to vector<1x1x1x16xf32>
        tpu.vector_store %arg5[%parallel_loop3A_2660, %parallel_loop3A_2661, %parallel_loop3A_2662, %parallel_loop3A_2663], %parallel_loop3A_2666 {add = true, strides = array<i32>} : memref<12x4x2x1024xf32, #tpu.memory_space<vmem>>, vector<1x1x1x16xf32>,
        %parallel_loop3A_2667 = arith.index_cast %rem3A_521 : i32 to index
        %parallel_loop3A_2668 = arith.index_cast %parallel_loop3A_594 : i32 to index
        %parallel_loop3A_2669 = arith.constant 896 : index
        %parallel_loop3A_2670 = tpu.vector_load %arg6[%parallel_loop3A_2667, %parallel_loop3A_2668, %parallel_loop3A_2669] {strides = array<i32>} : memref<4x2x1024xf32, #tpu.memory_space<vmem>>, vector<1x1x16xf32>,
        %parallel_loop3A_2671 = vector.shape_cast %parallel_loop3A_2670 : vector<1x1x16xf32> to vector<16xf32>
        %parallel_loop3A_2672 = arith.index_cast %rem3A_521 : i32 to index
        %parallel_loop3A_2673 = arith.index_cast %parallel_loop3A_594 : i32 to index
        %parallel_loop3A_2674 = arith.constant 912 : index
        %parallel_loop3A_2675 = tpu.vector_load %arg6[%parallel_loop3A_2672, %parallel_loop3A_2673, %parallel_loop3A_2674] {strides = array<i32>} : memref<4x2x1024xf32, #tpu.memory_space<vmem>>, vector<1x1x16xf32>,
        %parallel_loop3A_2676 = vector.shape_cast %parallel_loop3A_2675 : vector<1x1x16xf32> to vector<16xf32>
        %parallel_loop3A_2677 = arith.index_cast %rem3A_521 : i32 to index
        %parallel_loop3A_2678 = arith.index_cast %parallel_loop3A_594 : i32 to index
        %parallel_loop3A_2679 = arith.constant 928 : index
        %parallel_loop3A_2680 = tpu.vector_load %arg6[%parallel_loop3A_2677, %parallel_loop3A_2678, %parallel_loop3A_2679] {strides = array<i32>} : memref<4x2x1024xf32, #tpu.memory_space<vmem>>, vector<1x1x16xf32>,
        %parallel_loop3A_2681 = vector.shape_cast %parallel_loop3A_2680 : vector<1x1x16xf32> to vector<16xf32>
        %parallel_loop3A_2682 = arith.index_cast %rem3A_521 : i32 to index
        %parallel_loop3A_2683 = arith.index_cast %parallel_loop3A_594 : i32 to index
        %parallel_loop3A_2684 = arith.constant 944 : index
        %parallel_loop3A_2685 = tpu.vector_load %arg6[%parallel_loop3A_2682, %parallel_loop3A_2683, %parallel_loop3A_2684] {strides = array<i32>} : memref<4x2x1024xf32, #tpu.memory_space<vmem>>, vector<1x1x16xf32>,
        %parallel_loop3A_2686 = vector.shape_cast %parallel_loop3A_2685 : vector<1x1x16xf32> to vector<16xf32>
        %parallel_loop3A_2687 = arith.index_cast %rem3A_521 : i32 to index
        %parallel_loop3A_2688 = arith.index_cast %parallel_loop3A_594 : i32 to index
        %parallel_loop3A_2689 = arith.constant 960 : index
        %parallel_loop3A_2690 = tpu.vector_load %arg6[%parallel_loop3A_2687, %parallel_loop3A_2688, %parallel_loop3A_2689] {strides = array<i32>} : memref<4x2x1024xf32, #tpu.memory_space<vmem>>, vector<1x1x16xf32>,
        %parallel_loop3A_2691 = vector.shape_cast %parallel_loop3A_2690 : vector<1x1x16xf32> to vector<16xf32>
        %parallel_loop3A_2692 = arith.index_cast %rem3A_521 : i32 to index
        %parallel_loop3A_2693 = arith.index_cast %parallel_loop3A_594 : i32 to index
        %parallel_loop3A_2694 = arith.constant 976 : index
        %parallel_loop3A_2695 = tpu.vector_load %arg6[%parallel_loop3A_2692, %parallel_loop3A_2693, %parallel_loop3A_2694] {strides = array<i32>} : memref<4x2x1024xf32, #tpu.memory_space<vmem>>, vector<1x1x16xf32>,
        %parallel_loop3A_2696 = vector.shape_cast %parallel_loop3A_2695 : vector<1x1x16xf32> to vector<16xf32>
        %parallel_loop3A_2697 = arith.index_cast %rem3A_521 : i32 to index
        %parallel_loop3A_2698 = arith.index_cast %parallel_loop3A_594 : i32 to index
        %parallel_loop3A_2699 = arith.constant 992 : index
        %parallel_loop3A_2700 = tpu.vector_load %arg6[%parallel_loop3A_2697, %parallel_loop3A_2698, %parallel_loop3A_2699] {strides = array<i32>} : memref<4x2x1024xf32, #tpu.memory_space<vmem>>, vector<1x1x16xf32>,
        %parallel_loop3A_2701 = vector.shape_cast %parallel_loop3A_2700 : vector<1x1x16xf32> to vector<16xf32>
        %parallel_loop3A_2702 = arith.index_cast %rem3A_521 : i32 to index
        %parallel_loop3A_2703 = arith.index_cast %parallel_loop3A_594 : i32 to index
        %parallel_loop3A_2704 = arith.constant 1008 : index
        %parallel_loop3A_2705 = tpu.vector_load %arg6[%parallel_loop3A_2702, %parallel_loop3A_2703, %parallel_loop3A_2704] {strides = array<i32>} : memref<4x2x1024xf32, #tpu.memory_space<vmem>>, vector<1x1x16xf32>,
        %parallel_loop3A_2706 = vector.shape_cast %parallel_loop3A_2705 : vector<1x1x16xf32> to vector<16xf32>
        %parallel_loop3A_2707 = arith.constant 0 : i32
        %parallel_loop3A_2708 = arith.index_cast %rem3A_519 : i32 to index
        %parallel_loop3A_2709 = arith.index_cast %parallel_loop3A_2707 : i32 to index
        %parallel_loop3A_2710 = arith.index_cast %parallel_loop3A_594 : i32 to index
        %parallel_loop3A_2711 = arith.constant 896 : index
        %parallel_loop3A_2712 = tpu.vector_load %arg5[%parallel_loop3A_2708, %parallel_loop3A_2709, %parallel_loop3A_2710, %parallel_loop3A_2711] {strides = array<i32>} : memref<12x4x2x1024xf32, #tpu.memory_space<vmem>>, vector<1x1x1x16xf32>,
        %parallel_loop3A_2713 = vector.shape_cast %parallel_loop3A_2712 : vector<1x1x1x16xf32> to vector<16xf32>
        %parallel_loop3A_2714 = vector.shape_cast %parallel_loop3A_2671 : vector<16xf32> to vector<1x1x1x16xf32>
        tpu.vector_store %arg5[%parallel_loop3A_2708, %parallel_loop3A_2709, %parallel_loop3A_2710, %parallel_loop3A_2711], %parallel_loop3A_2714 {add = true, strides = array<i32>} : memref<12x4x2x1024xf32, #tpu.memory_space<vmem>>, vector<1x1x1x16xf32>,
        %parallel_loop3A_2715 = arith.constant 0 : i32
        %parallel_loop3A_2716 = arith.index_cast %rem3A_519 : i32 to index
        %parallel_loop3A_2717 = arith.index_cast %parallel_loop3A_2715 : i32 to index
        %parallel_loop3A_2718 = arith.index_cast %parallel_loop3A_594 : i32 to index
        %parallel_loop3A_2719 = arith.constant 912 : index
        %parallel_loop3A_2720 = tpu.vector_load %arg5[%parallel_loop3A_2716, %parallel_loop3A_2717, %parallel_loop3A_2718, %parallel_loop3A_2719] {strides = array<i32>} : memref<12x4x2x1024xf32, #tpu.memory_space<vmem>>, vector<1x1x1x16xf32>,
        %parallel_loop3A_2721 = vector.shape_cast %parallel_loop3A_2720 : vector<1x1x1x16xf32> to vector<16xf32>
        %parallel_loop3A_2722 = vector.shape_cast %parallel_loop3A_2676 : vector<16xf32> to vector<1x1x1x16xf32>
        tpu.vector_store %arg5[%parallel_loop3A_2716, %parallel_loop3A_2717, %parallel_loop3A_2718, %parallel_loop3A_2719], %parallel_loop3A_2722 {add = true, strides = array<i32>} : memref<12x4x2x1024xf32, #tpu.memory_space<vmem>>, vector<1x1x1x16xf32>,
        %parallel_loop3A_2723 = arith.constant 0 : i32
        %parallel_loop3A_2724 = arith.index_cast %rem3A_519 : i32 to index
        %parallel_loop3A_2725 = arith.index_cast %parallel_loop3A_2723 : i32 to index
        %parallel_loop3A_2726 = arith.index_cast %parallel_loop3A_594 : i32 to index
        %parallel_loop3A_2727 = arith.constant 928 : index
        %parallel_loop3A_2728 = tpu.vector_load %arg5[%parallel_loop3A_2724, %parallel_loop3A_2725, %parallel_loop3A_2726, %parallel_loop3A_2727] {strides = array<i32>} : memref<12x4x2x1024xf32, #tpu.memory_space<vmem>>, vector<1x1x1x16xf32>,
        %parallel_loop3A_2729 = vector.shape_cast %parallel_loop3A_2728 : vector<1x1x1x16xf32> to vector<16xf32>
        %parallel_loop3A_2730 = vector.shape_cast %parallel_loop3A_2681 : vector<16xf32> to vector<1x1x1x16xf32>
        tpu.vector_store %arg5[%parallel_loop3A_2724, %parallel_loop3A_2725, %parallel_loop3A_2726, %parallel_loop3A_2727], %parallel_loop3A_2730 {add = true, strides = array<i32>} : memref<12x4x2x1024xf32, #tpu.memory_space<vmem>>, vector<1x1x1x16xf32>,
        %parallel_loop3A_2731 = arith.constant 0 : i32
        %parallel_loop3A_2732 = arith.index_cast %rem3A_519 : i32 to index
        %parallel_loop3A_2733 = arith.index_cast %parallel_loop3A_2731 : i32 to index
        %parallel_loop3A_2734 = arith.index_cast %parallel_loop3A_594 : i32 to index
        %parallel_loop3A_2735 = arith.constant 944 : index
        %parallel_loop3A_2736 = tpu.vector_load %arg5[%parallel_loop3A_2732, %parallel_loop3A_2733, %parallel_loop3A_2734, %parallel_loop3A_2735] {strides = array<i32>} : memref<12x4x2x1024xf32, #tpu.memory_space<vmem>>, vector<1x1x1x16xf32>,
        %parallel_loop3A_2737 = vector.shape_cast %parallel_loop3A_2736 : vector<1x1x1x16xf32> to vector<16xf32>
        %parallel_loop3A_2738 = vector.shape_cast %parallel_loop3A_2686 : vector<16xf32> to vector<1x1x1x16xf32>
        tpu.vector_store %arg5[%parallel_loop3A_2732, %parallel_loop3A_2733, %parallel_loop3A_2734, %parallel_loop3A_2735], %parallel_loop3A_2738 {add = true, strides = array<i32>} : memref<12x4x2x1024xf32, #tpu.memory_space<vmem>>, vector<1x1x1x16xf32>,
        %parallel_loop3A_2739 = arith.constant 0 : i32
        %parallel_loop3A_2740 = arith.index_cast %rem3A_519 : i32 to index
        %parallel_loop3A_2741 = arith.index_cast %parallel_loop3A_2739 : i32 to index
        %parallel_loop3A_2742 = arith.index_cast %parallel_loop3A_594 : i32 to index
        %parallel_loop3A_2743 = arith.constant 960 : index
        %parallel_loop3A_2744 = tpu.vector_load %arg5[%parallel_loop3A_2740, %parallel_loop3A_2741, %parallel_loop3A_2742, %parallel_loop3A_2743] {strides = array<i32>} : memref<12x4x2x1024xf32, #tpu.memory_space<vmem>>, vector<1x1x1x16xf32>,
        %parallel_loop3A_2745 = vector.shape_cast %parallel_loop3A_2744 : vector<1x1x1x16xf32> to vector<16xf32>
        %parallel_loop3A_2746 = vector.shape_cast %parallel_loop3A_2691 : vector<16xf32> to vector<1x1x1x16xf32>
        tpu.vector_store %arg5[%parallel_loop3A_2740, %parallel_loop3A_2741, %parallel_loop3A_2742, %parallel_loop3A_2743], %parallel_loop3A_2746 {add = true, strides = array<i32>} : memref<12x4x2x1024xf32, #tpu.memory_space<vmem>>, vector<1x1x1x16xf32>,
        %parallel_loop3A_2747 = arith.constant 0 : i32
        %parallel_loop3A_2748 = arith.index_cast %rem3A_519 : i32 to index
        %parallel_loop3A_2749 = arith.index_cast %parallel_loop3A_2747 : i32 to index
        %parallel_loop3A_2750 = arith.index_cast %parallel_loop3A_594 : i32 to index
        %parallel_loop3A_2751 = arith.constant 976 : index
        %parallel_loop3A_2752 = tpu.vector_load %arg5[%parallel_loop3A_2748, %parallel_loop3A_2749, %parallel_loop3A_2750, %parallel_loop3A_2751] {strides = array<i32>} : memref<12x4x2x1024xf32, #tpu.memory_space<vmem>>, vector<1x1x1x16xf32>,
        %parallel_loop3A_2753 = vector.shape_cast %parallel_loop3A_2752 : vector<1x1x1x16xf32> to vector<16xf32>
        %parallel_loop3A_2754 = vector.shape_cast %parallel_loop3A_2696 : vector<16xf32> to vector<1x1x1x16xf32>
        tpu.vector_store %arg5[%parallel_loop3A_2748, %parallel_loop3A_2749, %parallel_loop3A_2750, %parallel_loop3A_2751], %parallel_loop3A_2754 {add = true, strides = array<i32>} : memref<12x4x2x1024xf32, #tpu.memory_space<vmem>>, vector<1x1x1x16xf32>,
        %parallel_loop3A_2755 = arith.constant 0 : i32
        %parallel_loop3A_2756 = arith.index_cast %rem3A_519 : i32 to index
        %parallel_loop3A_2757 = arith.index_cast %parallel_loop3A_2755 : i32 to index
        %parallel_loop3A_2758 = arith.index_cast %parallel_loop3A_594 : i32 to index
        %parallel_loop3A_2759 = arith.constant 992 : index
        %parallel_loop3A_2760 = tpu.vector_load %arg5[%parallel_loop3A_2756, %parallel_loop3A_2757, %parallel_loop3A_2758, %parallel_loop3A_2759] {strides = array<i32>} : memref<12x4x2x1024xf32, #tpu.memory_space<vmem>>, vector<1x1x1x16xf32>,
        %parallel_loop3A_2761 = vector.shape_cast %parallel_loop3A_2760 : vector<1x1x1x16xf32> to vector<16xf32>
        %parallel_loop3A_2762 = vector.shape_cast %parallel_loop3A_2701 : vector<16xf32> to vector<1x1x1x16xf32>
        tpu.vector_store %arg5[%parallel_loop3A_2756, %parallel_loop3A_2757, %parallel_loop3A_2758, %parallel_loop3A_2759], %parallel_loop3A_2762 {add = true, strides = array<i32>} : memref<12x4x2x1024xf32, #tpu.memory_space<vmem>>, vector<1x1x1x16xf32>,
        %parallel_loop3A_2763 = arith.constant 0 : i32
        %parallel_loop3A_2764 = arith.index_cast %rem3A_519 : i32 to index
        %parallel_loop3A_2765 = arith.index_cast %parallel_loop3A_2763 : i32 to index
        %parallel_loop3A_2766 = arith.index_cast %parallel_loop3A_594 : i32 to index
        %parallel_loop3A_2767 = arith.constant 1008 : index
        %parallel_loop3A_2768 = tpu.vector_load %arg5[%parallel_loop3A_2764, %parallel_loop3A_2765, %parallel_loop3A_2766, %parallel_loop3A_2767] {strides = array<i32>} : memref<12x4x2x1024xf32, #tpu.memory_space<vmem>>, vector<1x1x1x16xf32>,
        %parallel_loop3A_2769 = vector.shape_cast %parallel_loop3A_2768 : vector<1x1x1x16xf32> to vector<16xf32>
        %parallel_loop3A_2770 = vector.shape_cast %parallel_loop3A_2706 : vector<16xf32> to vector<1x1x1x16xf32>
        tpu.vector_store %arg5[%parallel_loop3A_2764, %parallel_loop3A_2765, %parallel_loop3A_2766, %parallel_loop3A_2767], %parallel_loop3A_2770 {add = true, strides = array<i32>} : memref<12x4x2x1024xf32, #tpu.memory_space<vmem>>, vector<1x1x1x16xf32>,
        %parallel_loop3A_2771 = arith.constant 1 : i32
        %parallel_loop3A_2772 = arith.index_cast %rem3A_519 : i32 to index
        %parallel_loop3A_2773 = arith.index_cast %parallel_loop3A_2771 : i32 to index
        %parallel_loop3A_2774 = arith.index_cast %parallel_loop3A_594 : i32 to index
        %parallel_loop3A_2775 = arith.constant 896 : index
        %parallel_loop3A_2776 = tpu.vector_load %arg5[%parallel_loop3A_2772, %parallel_loop3A_2773, %parallel_loop3A_2774, %parallel_loop3A_2775] {strides = array<i32>} : memref<12x4x2x1024xf32, #tpu.memory_space<vmem>>, vector<1x1x1x16xf32>,
        %parallel_loop3A_2777 = vector.shape_cast %parallel_loop3A_2776 : vector<1x1x1x16xf32> to vector<16xf32>
        %parallel_loop3A_2778 = vector.shape_cast %parallel_loop3A_2671 : vector<16xf32> to vector<1x1x1x16xf32>
        tpu.vector_store %arg5[%parallel_loop3A_2772, %parallel_loop3A_2773, %parallel_loop3A_2774, %parallel_loop3A_2775], %parallel_loop3A_2778 {add = true, strides = array<i32>} : memref<12x4x2x1024xf32, #tpu.memory_space<vmem>>, vector<1x1x1x16xf32>,
        %parallel_loop3A_2779 = arith.constant 1 : i32
        %parallel_loop3A_2780 = arith.index_cast %rem3A_519 : i32 to index
        %parallel_loop3A_2781 = arith.index_cast %parallel_loop3A_2779 : i32 to index
        %parallel_loop3A_2782 = arith.index_cast %parallel_loop3A_594 : i32 to index
        %parallel_loop3A_2783 = arith.constant 912 : index
        %parallel_loop3A_2784 = tpu.vector_load %arg5[%parallel_loop3A_2780, %parallel_loop3A_2781, %parallel_loop3A_2782, %parallel_loop3A_2783] {strides = array<i32>} : memref<12x4x2x1024xf32, #tpu.memory_space<vmem>>, vector<1x1x1x16xf32>,
        %parallel_loop3A_2785 = vector.shape_cast %parallel_loop3A_2784 : vector<1x1x1x16xf32> to vector<16xf32>
        %parallel_loop3A_2786 = vector.shape_cast %parallel_loop3A_2676 : vector<16xf32> to vector<1x1x1x16xf32>
        tpu.vector_store %arg5[%parallel_loop3A_2780, %parallel_loop3A_2781, %parallel_loop3A_2782, %parallel_loop3A_2783], %parallel_loop3A_2786 {add = true, strides = array<i32>} : memref<12x4x2x1024xf32, #tpu.memory_space<vmem>>, vector<1x1x1x16xf32>,
        %parallel_loop3A_2787 = arith.constant 1 : i32
        %parallel_loop3A_2788 = arith.index_cast %rem3A_519 : i32 to index
        %parallel_loop3A_2789 = arith.index_cast %parallel_loop3A_2787 : i32 to index
        %parallel_loop3A_2790 = arith.index_cast %parallel_loop3A_594 : i32 to index
        %parallel_loop3A_2791 = arith.constant 928 : index
        %parallel_loop3A_2792 = tpu.vector_load %arg5[%parallel_loop3A_2788, %parallel_loop3A_2789, %parallel_loop3A_2790, %parallel_loop3A_2791] {strides = array<i32>} : memref<12x4x2x1024xf32, #tpu.memory_space<vmem>>, vector<1x1x1x16xf32>,
        %parallel_loop3A_2793 = vector.shape_cast %parallel_loop3A_2792 : vector<1x1x1x16xf32> to vector<16xf32>
        %parallel_loop3A_2794 = vector.shape_cast %parallel_loop3A_2681 : vector<16xf32> to vector<1x1x1x16xf32>
        tpu.vector_store %arg5[%parallel_loop3A_2788, %parallel_loop3A_2789, %parallel_loop3A_2790, %parallel_loop3A_2791], %parallel_loop3A_2794 {add = true, strides = array<i32>} : memref<12x4x2x1024xf32, #tpu.memory_space<vmem>>, vector<1x1x1x16xf32>,
        %parallel_loop3A_2795 = arith.constant 1 : i32
        %parallel_loop3A_2796 = arith.index_cast %rem3A_519 : i32 to index
        %parallel_loop3A_2797 = arith.index_cast %parallel_loop3A_2795 : i32 to index
        %parallel_loop3A_2798 = arith.index_cast %parallel_loop3A_594 : i32 to index
        %parallel_loop3A_2799 = arith.constant 944 : index
        %parallel_loop3A_2800 = tpu.vector_load %arg5[%parallel_loop3A_2796, %parallel_loop3A_2797, %parallel_loop3A_2798, %parallel_loop3A_2799] {strides = array<i32>} : memref<12x4x2x1024xf32, #tpu.memory_space<vmem>>, vector<1x1x1x16xf32>,
        %parallel_loop3A_2801 = vector.shape_cast %parallel_loop3A_2800 : vector<1x1x1x16xf32> to vector<16xf32>
        %parallel_loop3A_2802 = vector.shape_cast %parallel_loop3A_2686 : vector<16xf32> to vector<1x1x1x16xf32>
        tpu.vector_store %arg5[%parallel_loop3A_2796, %parallel_loop3A_2797, %parallel_loop3A_2798, %parallel_loop3A_2799], %parallel_loop3A_2802 {add = true, strides = array<i32>} : memref<12x4x2x1024xf32, #tpu.memory_space<vmem>>, vector<1x1x1x16xf32>,
        %parallel_loop3A_2803 = arith.constant 1 : i32
        %parallel_loop3A_2804 = arith.index_cast %rem3A_519 : i32 to index
        %parallel_loop3A_2805 = arith.index_cast %parallel_loop3A_2803 : i32 to index
        %parallel_loop3A_2806 = arith.index_cast %parallel_loop3A_594 : i32 to index
        %parallel_loop3A_2807 = arith.constant 960 : index
        %parallel_loop3A_2808 = tpu.vector_load %arg5[%parallel_loop3A_2804, %parallel_loop3A_2805, %parallel_loop3A_2806, %parallel_loop3A_2807] {strides = array<i32>} : memref<12x4x2x1024xf32, #tpu.memory_space<vmem>>, vector<1x1x1x16xf32>,
        %parallel_loop3A_2809 = vector.shape_cast %parallel_loop3A_2808 : vector<1x1x1x16xf32> to vector<16xf32>
        %parallel_loop3A_2810 = vector.shape_cast %parallel_loop3A_2691 : vector<16xf32> to vector<1x1x1x16xf32>
        tpu.vector_store %arg5[%parallel_loop3A_2804, %parallel_loop3A_2805, %parallel_loop3A_2806, %parallel_loop3A_2807], %parallel_loop3A_2810 {add = true, strides = array<i32>} : memref<12x4x2x1024xf32, #tpu.memory_space<vmem>>, vector<1x1x1x16xf32>,
        %parallel_loop3A_2811 = arith.constant 1 : i32
        %parallel_loop3A_2812 = arith.index_cast %rem3A_519 : i32 to index
        %parallel_loop3A_2813 = arith.index_cast %parallel_loop3A_2811 : i32 to index
        %parallel_loop3A_2814 = arith.index_cast %parallel_loop3A_594 : i32 to index
        %parallel_loop3A_2815 = arith.constant 976 : index
        %parallel_loop3A_2816 = tpu.vector_load %arg5[%parallel_loop3A_2812, %parallel_loop3A_2813, %parallel_loop3A_2814, %parallel_loop3A_2815] {strides = array<i32>} : memref<12x4x2x1024xf32, #tpu.memory_space<vmem>>, vector<1x1x1x16xf32>,
        %parallel_loop3A_2817 = vector.shape_cast %parallel_loop3A_2816 : vector<1x1x1x16xf32> to vector<16xf32>
        %parallel_loop3A_2818 = vector.shape_cast %parallel_loop3A_2696 : vector<16xf32> to vector<1x1x1x16xf32>
        tpu.vector_store %arg5[%parallel_loop3A_2812, %parallel_loop3A_2813, %parallel_loop3A_2814, %parallel_loop3A_2815], %parallel_loop3A_2818 {add = true, strides = array<i32>} : memref<12x4x2x1024xf32, #tpu.memory_space<vmem>>, vector<1x1x1x16xf32>,
        %parallel_loop3A_2819 = arith.constant 1 : i32
        %parallel_loop3A_2820 = arith.index_cast %rem3A_519 : i32 to index
        %parallel_loop3A_2821 = arith.index_cast %parallel_loop3A_2819 : i32 to index
        %parallel_loop3A_2822 = arith.index_cast %parallel_loop3A_594 : i32 to index
        %parallel_loop3A_2823 = arith.constant 992 : index
        %parallel_loop3A_2824 = tpu.vector_load %arg5[%parallel_loop3A_2820, %parallel_loop3A_2821, %parallel_loop3A_2822, %parallel_loop3A_2823] {strides = array<i32>} : memref<12x4x2x1024xf32, #tpu.memory_space<vmem>>, vector<1x1x1x16xf32>,
        %parallel_loop3A_2825 = vector.shape_cast %parallel_loop3A_2824 : vector<1x1x1x16xf32> to vector<16xf32>
        %parallel_loop3A_2826 = vector.shape_cast %parallel_loop3A_2701 : vector<16xf32> to vector<1x1x1x16xf32>
        tpu.vector_store %arg5[%parallel_loop3A_2820, %parallel_loop3A_2821, %parallel_loop3A_2822, %parallel_loop3A_2823], %parallel_loop3A_2826 {add = true, strides = array<i32>} : memref<12x4x2x1024xf32, #tpu.memory_space<vmem>>, vector<1x1x1x16xf32>,
        %parallel_loop3A_2827 = arith.constant 1 : i32
        %parallel_loop3A_2828 = arith.index_cast %rem3A_519 : i32 to index
        %parallel_loop3A_2829 = arith.index_cast %parallel_loop3A_2827 : i32 to index
        %parallel_loop3A_2830 = arith.index_cast %parallel_loop3A_594 : i32 to index
        %parallel_loop3A_2831 = arith.constant 1008 : index
        %parallel_loop3A_2832 = tpu.vector_load %arg5[%parallel_loop3A_2828, %parallel_loop3A_2829, %parallel_loop3A_2830, %parallel_loop3A_2831] {strides = array<i32>} : memref<12x4x2x1024xf32, #tpu.memory_space<vmem>>, vector<1x1x1x16xf32>,
        %parallel_loop3A_2833 = vector.shape_cast %parallel_loop3A_2832 : vector<1x1x1x16xf32> to vector<16xf32>
        %parallel_loop3A_2834 = vector.shape_cast %parallel_loop3A_2706 : vector<16xf32> to vector<1x1x1x16xf32>
        tpu.vector_store %arg5[%parallel_loop3A_2828, %parallel_loop3A_2829, %parallel_loop3A_2830, %parallel_loop3A_2831], %parallel_loop3A_2834 {add = true, strides = array<i32>} : memref<12x4x2x1024xf32, #tpu.memory_space<vmem>>, vector<1x1x1x16xf32>,
        %parallel_loop3A_2835 = arith.constant 2 : i32
        %parallel_loop3A_2836 = arith.index_cast %rem3A_519 : i32 to index
        %parallel_loop3A_2837 = arith.index_cast %parallel_loop3A_2835 : i32 to index
        %parallel_loop3A_2838 = arith.index_cast %parallel_loop3A_594 : i32 to index
        %parallel_loop3A_2839 = arith.constant 896 : index
        %parallel_loop3A_2840 = tpu.vector_load %arg5[%parallel_loop3A_2836, %parallel_loop3A_2837, %parallel_loop3A_2838, %parallel_loop3A_2839] {strides = array<i32>} : memref<12x4x2x1024xf32, #tpu.memory_space<vmem>>, vector<1x1x1x16xf32>,
        %parallel_loop3A_2841 = vector.shape_cast %parallel_loop3A_2840 : vector<1x1x1x16xf32> to vector<16xf32>
        %parallel_loop3A_2842 = vector.shape_cast %parallel_loop3A_2671 : vector<16xf32> to vector<1x1x1x16xf32>
        tpu.vector_store %arg5[%parallel_loop3A_2836, %parallel_loop3A_2837, %parallel_loop3A_2838, %parallel_loop3A_2839], %parallel_loop3A_2842 {add = true, strides = array<i32>} : memref<12x4x2x1024xf32, #tpu.memory_space<vmem>>, vector<1x1x1x16xf32>,
        %parallel_loop3A_2843 = arith.constant 2 : i32
        %parallel_loop3A_2844 = arith.index_cast %rem3A_519 : i32 to index
        %parallel_loop3A_2845 = arith.index_cast %parallel_loop3A_2843 : i32 to index
        %parallel_loop3A_2846 = arith.index_cast %parallel_loop3A_594 : i32 to index
        %parallel_loop3A_2847 = arith.constant 912 : index
        %parallel_loop3A_2848 = tpu.vector_load %arg5[%parallel_loop3A_2844, %parallel_loop3A_2845, %parallel_loop3A_2846, %parallel_loop3A_2847] {strides = array<i32>} : memref<12x4x2x1024xf32, #tpu.memory_space<vmem>>, vector<1x1x1x16xf32>,
        %parallel_loop3A_2849 = vector.shape_cast %parallel_loop3A_2848 : vector<1x1x1x16xf32> to vector<16xf32>
        %parallel_loop3A_2850 = vector.shape_cast %parallel_loop3A_2676 : vector<16xf32> to vector<1x1x1x16xf32>
        tpu.vector_store %arg5[%parallel_loop3A_2844, %parallel_loop3A_2845, %parallel_loop3A_2846, %parallel_loop3A_2847], %parallel_loop3A_2850 {add = true, strides = array<i32>} : memref<12x4x2x1024xf32, #tpu.memory_space<vmem>>, vector<1x1x1x16xf32>,
        %parallel_loop3A_2851 = arith.constant 2 : i32
        %parallel_loop3A_2852 = arith.index_cast %rem3A_519 : i32 to index
        %parallel_loop3A_2853 = arith.index_cast %parallel_loop3A_2851 : i32 to index
        %parallel_loop3A_2854 = arith.index_cast %parallel_loop3A_594 : i32 to index
        %parallel_loop3A_2855 = arith.constant 928 : index
        %parallel_loop3A_2856 = tpu.vector_load %arg5[%parallel_loop3A_2852, %parallel_loop3A_2853, %parallel_loop3A_2854, %parallel_loop3A_2855] {strides = array<i32>} : memref<12x4x2x1024xf32, #tpu.memory_space<vmem>>, vector<1x1x1x16xf32>,
        %parallel_loop3A_2857 = vector.shape_cast %parallel_loop3A_2856 : vector<1x1x1x16xf32> to vector<16xf32>
        %parallel_loop3A_2858 = vector.shape_cast %parallel_loop3A_2681 : vector<16xf32> to vector<1x1x1x16xf32>
        tpu.vector_store %arg5[%parallel_loop3A_2852, %parallel_loop3A_2853, %parallel_loop3A_2854, %parallel_loop3A_2855], %parallel_loop3A_2858 {add = true, strides = array<i32>} : memref<12x4x2x1024xf32, #tpu.memory_space<vmem>>, vector<1x1x1x16xf32>,
        %parallel_loop3A_2859 = arith.constant 2 : i32
        %parallel_loop3A_2860 = arith.index_cast %rem3A_519 : i32 to index
        %parallel_loop3A_2861 = arith.index_cast %parallel_loop3A_2859 : i32 to index
        %parallel_loop3A_2862 = arith.index_cast %parallel_loop3A_594 : i32 to index
        %parallel_loop3A_2863 = arith.constant 944 : index
        %parallel_loop3A_2864 = tpu.vector_load %arg5[%parallel_loop3A_2860, %parallel_loop3A_2861, %parallel_loop3A_2862, %parallel_loop3A_2863] {strides = array<i32>} : memref<12x4x2x1024xf32, #tpu.memory_space<vmem>>, vector<1x1x1x16xf32>,
        %parallel_loop3A_2865 = vector.shape_cast %parallel_loop3A_2864 : vector<1x1x1x16xf32> to vector<16xf32>
        %parallel_loop3A_2866 = vector.shape_cast %parallel_loop3A_2686 : vector<16xf32> to vector<1x1x1x16xf32>
        tpu.vector_store %arg5[%parallel_loop3A_2860, %parallel_loop3A_2861, %parallel_loop3A_2862, %parallel_loop3A_2863], %parallel_loop3A_2866 {add = true, strides = array<i32>} : memref<12x4x2x1024xf32, #tpu.memory_space<vmem>>, vector<1x1x1x16xf32>,
        %parallel_loop3A_2867 = arith.constant 2 : i32
        %parallel_loop3A_2868 = arith.index_cast %rem3A_519 : i32 to index
        %parallel_loop3A_2869 = arith.index_cast %parallel_loop3A_2867 : i32 to index
        %parallel_loop3A_2870 = arith.index_cast %parallel_loop3A_594 : i32 to index
        %parallel_loop3A_2871 = arith.constant 960 : index
        %parallel_loop3A_2872 = tpu.vector_load %arg5[%parallel_loop3A_2868, %parallel_loop3A_2869, %parallel_loop3A_2870, %parallel_loop3A_2871] {strides = array<i32>} : memref<12x4x2x1024xf32, #tpu.memory_space<vmem>>, vector<1x1x1x16xf32>,
        %parallel_loop3A_2873 = vector.shape_cast %parallel_loop3A_2872 : vector<1x1x1x16xf32> to vector<16xf32>
        %parallel_loop3A_2874 = vector.shape_cast %parallel_loop3A_2691 : vector<16xf32> to vector<1x1x1x16xf32>
        tpu.vector_store %arg5[%parallel_loop3A_2868, %parallel_loop3A_2869, %parallel_loop3A_2870, %parallel_loop3A_2871], %parallel_loop3A_2874 {add = true, strides = array<i32>} : memref<12x4x2x1024xf32, #tpu.memory_space<vmem>>, vector<1x1x1x16xf32>,
        %parallel_loop3A_2875 = arith.constant 2 : i32
        %parallel_loop3A_2876 = arith.index_cast %rem3A_519 : i32 to index
        %parallel_loop3A_2877 = arith.index_cast %parallel_loop3A_2875 : i32 to index
        %parallel_loop3A_2878 = arith.index_cast %parallel_loop3A_594 : i32 to index
        %parallel_loop3A_2879 = arith.constant 976 : index
        %parallel_loop3A_2880 = tpu.vector_load %arg5[%parallel_loop3A_2876, %parallel_loop3A_2877, %parallel_loop3A_2878, %parallel_loop3A_2879] {strides = array<i32>} : memref<12x4x2x1024xf32, #tpu.memory_space<vmem>>, vector<1x1x1x16xf32>,
        %parallel_loop3A_2881 = vector.shape_cast %parallel_loop3A_2880 : vector<1x1x1x16xf32> to vector<16xf32>
        %parallel_loop3A_2882 = vector.shape_cast %parallel_loop3A_2696 : vector<16xf32> to vector<1x1x1x16xf32>
        tpu.vector_store %arg5[%parallel_loop3A_2876, %parallel_loop3A_2877, %parallel_loop3A_2878, %parallel_loop3A_2879], %parallel_loop3A_2882 {add = true, strides = array<i32>} : memref<12x4x2x1024xf32, #tpu.memory_space<vmem>>, vector<1x1x1x16xf32>,
        %parallel_loop3A_2883 = arith.constant 2 : i32
        %parallel_loop3A_2884 = arith.index_cast %rem3A_519 : i32 to index
        %parallel_loop3A_2885 = arith.index_cast %parallel_loop3A_2883 : i32 to index
        %parallel_loop3A_2886 = arith.index_cast %parallel_loop3A_594 : i32 to index
        %parallel_loop3A_2887 = arith.constant 992 : index
        %parallel_loop3A_2888 = tpu.vector_load %arg5[%parallel_loop3A_2884, %parallel_loop3A_2885, %parallel_loop3A_2886, %parallel_loop3A_2887] {strides = array<i32>} : memref<12x4x2x1024xf32, #tpu.memory_space<vmem>>, vector<1x1x1x16xf32>,
        %parallel_loop3A_2889 = vector.shape_cast %parallel_loop3A_2888 : vector<1x1x1x16xf32> to vector<16xf32>
        %parallel_loop3A_2890 = vector.shape_cast %parallel_loop3A_2701 : vector<16xf32> to vector<1x1x1x16xf32>
        tpu.vector_store %arg5[%parallel_loop3A_2884, %parallel_loop3A_2885, %parallel_loop3A_2886, %parallel_loop3A_2887], %parallel_loop3A_2890 {add = true, strides = array<i32>} : memref<12x4x2x1024xf32, #tpu.memory_space<vmem>>, vector<1x1x1x16xf32>,
        %parallel_loop3A_2891 = arith.constant 2 : i32
        %parallel_loop3A_2892 = arith.index_cast %rem3A_519 : i32 to index
        %parallel_loop3A_2893 = arith.index_cast %parallel_loop3A_2891 : i32 to index
        %parallel_loop3A_2894 = arith.index_cast %parallel_loop3A_594 : i32 to index
        %parallel_loop3A_2895 = arith.constant 1008 : index
        %parallel_loop3A_2896 = tpu.vector_load %arg5[%parallel_loop3A_2892, %parallel_loop3A_2893, %parallel_loop3A_2894, %parallel_loop3A_2895] {strides = array<i32>} : memref<12x4x2x1024xf32, #tpu.memory_space<vmem>>, vector<1x1x1x16xf32>,
        %parallel_loop3A_2897 = vector.shape_cast %parallel_loop3A_2896 : vector<1x1x1x16xf32> to vector<16xf32>
        %parallel_loop3A_2898 = vector.shape_cast %parallel_loop3A_2706 : vector<16xf32> to vector<1x1x1x16xf32>
        tpu.vector_store %arg5[%parallel_loop3A_2892, %parallel_loop3A_2893, %parallel_loop3A_2894, %parallel_loop3A_2895], %parallel_loop3A_2898 {add = true, strides = array<i32>} : memref<12x4x2x1024xf32, #tpu.memory_space<vmem>>, vector<1x1x1x16xf32>,
        %parallel_loop3A_2899 = arith.constant 3 : i32
        %parallel_loop3A_2900 = arith.index_cast %rem3A_519 : i32 to index
        %parallel_loop3A_2901 = arith.index_cast %parallel_loop3A_2899 : i32 to index
        %parallel_loop3A_2902 = arith.index_cast %parallel_loop3A_594 : i32 to index
        %parallel_loop3A_2903 = arith.constant 896 : index
        %parallel_loop3A_2904 = tpu.vector_load %arg5[%parallel_loop3A_2900, %parallel_loop3A_2901, %parallel_loop3A_2902, %parallel_loop3A_2903] {strides = array<i32>} : memref<12x4x2x1024xf32, #tpu.memory_space<vmem>>, vector<1x1x1x16xf32>,
        %parallel_loop3A_2905 = vector.shape_cast %parallel_loop3A_2904 : vector<1x1x1x16xf32> to vector<16xf32>
        %parallel_loop3A_2906 = vector.shape_cast %parallel_loop3A_2671 : vector<16xf32> to vector<1x1x1x16xf32>
        tpu.vector_store %arg5[%parallel_loop3A_2900, %parallel_loop3A_2901, %parallel_loop3A_2902, %parallel_loop3A_2903], %parallel_loop3A_2906 {add = true, strides = array<i32>} : memref<12x4x2x1024xf32, #tpu.memory_space<vmem>>, vector<1x1x1x16xf32>,
        %parallel_loop3A_2907 = arith.constant 3 : i32
        %parallel_loop3A_2908 = arith.index_cast %rem3A_519 : i32 to index
        %parallel_loop3A_2909 = arith.index_cast %parallel_loop3A_2907 : i32 to index
        %parallel_loop3A_2910 = arith.index_cast %parallel_loop3A_594 : i32 to index
        %parallel_loop3A_2911 = arith.constant 912 : index
        %parallel_loop3A_2912 = tpu.vector_load %arg5[%parallel_loop3A_2908, %parallel_loop3A_2909, %parallel_loop3A_2910, %parallel_loop3A_2911] {strides = array<i32>} : memref<12x4x2x1024xf32, #tpu.memory_space<vmem>>, vector<1x1x1x16xf32>,
        %parallel_loop3A_2913 = vector.shape_cast %parallel_loop3A_2912 : vector<1x1x1x16xf32> to vector<16xf32>
        %parallel_loop3A_2914 = vector.shape_cast %parallel_loop3A_2676 : vector<16xf32> to vector<1x1x1x16xf32>
        tpu.vector_store %arg5[%parallel_loop3A_2908, %parallel_loop3A_2909, %parallel_loop3A_2910, %parallel_loop3A_2911], %parallel_loop3A_2914 {add = true, strides = array<i32>} : memref<12x4x2x1024xf32, #tpu.memory_space<vmem>>, vector<1x1x1x16xf32>,
        %parallel_loop3A_2915 = arith.constant 3 : i32
        %parallel_loop3A_2916 = arith.index_cast %rem3A_519 : i32 to index
        %parallel_loop3A_2917 = arith.index_cast %parallel_loop3A_2915 : i32 to index
        %parallel_loop3A_2918 = arith.index_cast %parallel_loop3A_594 : i32 to index
        %parallel_loop3A_2919 = arith.constant 928 : index
        %parallel_loop3A_2920 = tpu.vector_load %arg5[%parallel_loop3A_2916, %parallel_loop3A_2917, %parallel_loop3A_2918, %parallel_loop3A_2919] {strides = array<i32>} : memref<12x4x2x1024xf32, #tpu.memory_space<vmem>>, vector<1x1x1x16xf32>,
        %parallel_loop3A_2921 = vector.shape_cast %parallel_loop3A_2920 : vector<1x1x1x16xf32> to vector<16xf32>
        %parallel_loop3A_2922 = vector.shape_cast %parallel_loop3A_2681 : vector<16xf32> to vector<1x1x1x16xf32>
        tpu.vector_store %arg5[%parallel_loop3A_2916, %parallel_loop3A_2917, %parallel_loop3A_2918, %parallel_loop3A_2919], %parallel_loop3A_2922 {add = true, strides = array<i32>} : memref<12x4x2x1024xf32, #tpu.memory_space<vmem>>, vector<1x1x1x16xf32>,
        %parallel_loop3A_2923 = arith.constant 3 : i32
        %parallel_loop3A_2924 = arith.index_cast %rem3A_519 : i32 to index
        %parallel_loop3A_2925 = arith.index_cast %parallel_loop3A_2923 : i32 to index
        %parallel_loop3A_2926 = arith.index_cast %parallel_loop3A_594 : i32 to index
        %parallel_loop3A_2927 = arith.constant 944 : index
        %parallel_loop3A_2928 = tpu.vector_load %arg5[%parallel_loop3A_2924, %parallel_loop3A_2925, %parallel_loop3A_2926, %parallel_loop3A_2927] {strides = array<i32>} : memref<12x4x2x1024xf32, #tpu.memory_space<vmem>>, vector<1x1x1x16xf32>,
        %parallel_loop3A_2929 = vector.shape_cast %parallel_loop3A_2928 : vector<1x1x1x16xf32> to vector<16xf32>
        %parallel_loop3A_2930 = vector.shape_cast %parallel_loop3A_2686 : vector<16xf32> to vector<1x1x1x16xf32>
        tpu.vector_store %arg5[%parallel_loop3A_2924, %parallel_loop3A_2925, %parallel_loop3A_2926, %parallel_loop3A_2927], %parallel_loop3A_2930 {add = true, strides = array<i32>} : memref<12x4x2x1024xf32, #tpu.memory_space<vmem>>, vector<1x1x1x16xf32>,
        %parallel_loop3A_2931 = arith.constant 3 : i32
        %parallel_loop3A_2932 = arith.index_cast %rem3A_519 : i32 to index
        %parallel_loop3A_2933 = arith.index_cast %parallel_loop3A_2931 : i32 to index
        %parallel_loop3A_2934 = arith.index_cast %parallel_loop3A_594 : i32 to index
        %parallel_loop3A_2935 = arith.constant 960 : index
        %parallel_loop3A_2936 = tpu.vector_load %arg5[%parallel_loop3A_2932, %parallel_loop3A_2933, %parallel_loop3A_2934, %parallel_loop3A_2935] {strides = array<i32>} : memref<12x4x2x1024xf32, #tpu.memory_space<vmem>>, vector<1x1x1x16xf32>,
        %parallel_loop3A_2937 = vector.shape_cast %parallel_loop3A_2936 : vector<1x1x1x16xf32> to vector<16xf32>
        %parallel_loop3A_2938 = vector.shape_cast %parallel_loop3A_2691 : vector<16xf32> to vector<1x1x1x16xf32>
        tpu.vector_store %arg5[%parallel_loop3A_2932, %parallel_loop3A_2933, %parallel_loop3A_2934, %parallel_loop3A_2935], %parallel_loop3A_2938 {add = true, strides = array<i32>} : memref<12x4x2x1024xf32, #tpu.memory_space<vmem>>, vector<1x1x1x16xf32>,
        %parallel_loop3A_2939 = arith.constant 3 : i32
        %parallel_loop3A_2940 = arith.index_cast %rem3A_519 : i32 to index
        %parallel_loop3A_2941 = arith.index_cast %parallel_loop3A_2939 : i32 to index
        %parallel_loop3A_2942 = arith.index_cast %parallel_loop3A_594 : i32 to index
        %parallel_loop3A_2943 = arith.constant 976 : index
        %parallel_loop3A_2944 = tpu.vector_load %arg5[%parallel_loop3A_2940, %parallel_loop3A_2941, %parallel_loop3A_2942, %parallel_loop3A_2943] {strides = array<i32>} : memref<12x4x2x1024xf32, #tpu.memory_space<vmem>>, vector<1x1x1x16xf32>,
        %parallel_loop3A_2945 = vector.shape_cast %parallel_loop3A_2944 : vector<1x1x1x16xf32> to vector<16xf32>
        %parallel_loop3A_2946 = vector.shape_cast %parallel_loop3A_2696 : vector<16xf32> to vector<1x1x1x16xf32>
        tpu.vector_store %arg5[%parallel_loop3A_2940, %parallel_loop3A_2941, %parallel_loop3A_2942, %parallel_loop3A_2943], %parallel_loop3A_2946 {add = true, strides = array<i32>} : memref<12x4x2x1024xf32, #tpu.memory_space<vmem>>, vector<1x1x1x16xf32>,
        %parallel_loop3A_2947 = arith.constant 3 : i32
        %parallel_loop3A_2948 = arith.index_cast %rem3A_519 : i32 to index
        %parallel_loop3A_2949 = arith.index_cast %parallel_loop3A_2947 : i32 to index
        %parallel_loop3A_2950 = arith.index_cast %parallel_loop3A_594 : i32 to index
        %parallel_loop3A_2951 = arith.constant 992 : index
        %parallel_loop3A_2952 = tpu.vector_load %arg5[%parallel_loop3A_2948, %parallel_loop3A_2949, %parallel_loop3A_2950, %parallel_loop3A_2951] {strides = array<i32>} : memref<12x4x2x1024xf32, #tpu.memory_space<vmem>>, vector<1x1x1x16xf32>,
        %parallel_loop3A_2953 = vector.shape_cast %parallel_loop3A_2952 : vector<1x1x1x16xf32> to vector<16xf32>
        %parallel_loop3A_2954 = vector.shape_cast %parallel_loop3A_2701 : vector<16xf32> to vector<1x1x1x16xf32>
        tpu.vector_store %arg5[%parallel_loop3A_2948, %parallel_loop3A_2949, %parallel_loop3A_2950, %parallel_loop3A_2951], %parallel_loop3A_2954 {add = true, strides = array<i32>} : memref<12x4x2x1024xf32, #tpu.memory_space<vmem>>, vector<1x1x1x16xf32>,
        %parallel_loop3A_2955 = arith.constant 3 : i32
        %parallel_loop3A_2956 = arith.index_cast %rem3A_519 : i32 to index
        %parallel_loop3A_2957 = arith.index_cast %parallel_loop3A_2955 : i32 to index
        %parallel_loop3A_2958 = arith.index_cast %parallel_loop3A_594 : i32 to index
        %parallel_loop3A_2959 = arith.constant 1008 : index
        %parallel_loop3A_2960 = tpu.vector_load %arg5[%parallel_loop3A_2956, %parallel_loop3A_2957, %parallel_loop3A_2958, %parallel_loop3A_2959] {strides = array<i32>} : memref<12x4x2x1024xf32, #tpu.memory_space<vmem>>, vector<1x1x1x16xf32>,
        %parallel_loop3A_2961 = vector.shape_cast %parallel_loop3A_2960 : vector<1x1x1x16xf32> to vector<16xf32>
        %parallel_loop3A_2962 = vector.shape_cast %parallel_loop3A_2706 : vector<16xf32> to vector<1x1x1x16xf32>
        tpu.vector_store %arg5[%parallel_loop3A_2956, %parallel_loop3A_2957, %parallel_loop3A_2958, %parallel_loop3A_2959], %parallel_loop3A_2962 {add = true, strides = array<i32>} : memref<12x4x2x1024xf32, #tpu.memory_space<vmem>>, vector<1x1x1x16xf32>,
      } {sc.loop_unroll_factor = 1 : i64, sc.parallel_access}
      %mul3A_566 = arith.constant 2 : i32
      %mul3A_567 = arith.muli %scan3A_518, %mul3A_566 : i32
      %add3A_568 = arith.addi %mul3A_2, %mul3A_567 : i32
      %dma_start3A_569 = arith.constant 0 : i32
      %dma_start3A_570 = arith.constant 0 : i32
      %dma_start3A_571 = arith.constant 0 : i32
      %dma_start3A_572 = tpu.memref_slice %arg5[%rem3A_519, %dma_start3A_569, %dma_start3A_570, %dma_start3A_571] : memref<12x4x2x1024xf32, #tpu.memory_space<vmem>> -> memref<1x4x2x1024xf32, #tpu.memory_space<vmem>>
      %dma_start3A_573 = tpu.memref_squeeze %dma_start3A_572 : memref<1x4x2x1024xf32, #tpu.memory_space<vmem>> -> memref<4x2x1024xf32, #tpu.memory_space<vmem>>
      %dma_start3A_574 = arith.constant 0 : i32
      %dma_start3A_575 = arith.constant 0 : i32
      %dma_start3A_576 = tpu.memref_slice %arg4[%dma_start3A_574, %add3A_568, %dma_start3A_575] : memref<4x4096x1024xf32, #tpu.memory_space<hbm>> -> memref<4x2x1024xf32, #tpu.memory_space<hbm>>
      %dma_start3A_577 = tpu.memref_slice %arg8[%rem3A_519] : memref<12x!tpu.dma_semaphore, #tpu.memory_space<semaphore_mem>> -> memref<1x!tpu.dma_semaphore, #tpu.memory_space<semaphore_mem>>
      %dma_start3A_578 = tpu.memref_squeeze %dma_start3A_577 : memref<1x!tpu.dma_semaphore, #tpu.memory_space<semaphore_mem>> -> memref<!tpu.dma_semaphore, #tpu.memory_space<semaphore_mem>>
      %dma_start3A_579 = arith.constant 0 : i32
      %dma_start3A_580 = arith.constant 0 : i32
      %dma_start3A_581 = tpu.memref_slice %arg4[%dma_start3A_579, %add3A_568, %dma_start3A_580] : memref<4x4096x1024xf32, #tpu.memory_space<hbm>> -> memref<4x2x1024xf32, #tpu.memory_space<hbm>>
      %dma_start3A_582 = arith.constant 0 : i32
      %dma_start3A_583 = arith.constant 0 : i32
      %dma_start3A_584 = arith.constant 0 : i32
      %dma_start3A_585 = tpu.memref_slice %arg5[%rem3A_519, %dma_start3A_582, %dma_start3A_583, %dma_start3A_584] : memref<12x4x2x1024xf32, #tpu.memory_space<vmem>> -> memref<1x4x2x1024xf32, #tpu.memory_space<vmem>>
      %dma_start3A_586 = tpu.memref_squeeze %dma_start3A_585 : memref<1x4x2x1024xf32, #tpu.memory_space<vmem>> -> memref<4x2x1024xf32, #tpu.memory_space<vmem>>
      tpu.enqueue_dma source(%dma_start3A_586 : memref<4x2x1024xf32, #tpu.memory_space<vmem>>) target(%dma_start3A_581 : memref<4x2x1024xf32, #tpu.memory_space<hbm>>) target_semaphore(%dma_start3A_578 : memref<!tpu.dma_semaphore, #tpu.memory_space<semaphore_mem>>)
      %lt3A = arith.constant 56 : i32
      %lt3A_587 = arith.cmpi slt, %scan3A_518, %lt3A : i32
      %convert_element_type3A = arith.extui %lt3A_587 : i1 to i32
      %cond3A = arith.constant 0 : i32
      %cond3A_588 = arith.cmpi ne, %convert_element_type3A, %cond3A : i32
      scf.if %cond3A_588 {
        %gt3A = arith.constant 3 : i32
        %gt3A_594 = arith.cmpi sgt, %scan3A_518, %gt3A : i32
        %convert_element_type3A_595 = arith.extui %gt3A_594 : i1 to i32
        %cond3A_596 = arith.constant 0 : i32
        %cond3A_597 = arith.cmpi ne, %convert_element_type3A_595, %cond3A_596 : i32
        scf.if %cond3A_597 {
          %sub3A = arith.constant 4 : i32
          %sub3A_621 = arith.subi %scan3A_518, %sub3A : i32
          %mul3A_622 = arith.constant 2 : i32
          %mul3A_623 = arith.muli %sub3A_621, %mul3A_622 : i32
          %add3A_624 = arith.addi %mul3A_2, %mul3A_623 : i32
          %dma_wait3A_625 = arith.constant 0 : i32
          %dma_wait3A_626 = arith.constant 0 : i32
          %dma_wait3A_627 = arith.constant 0 : i32
          %dma_wait3A_628 = tpu.memref_slice %arg5[%rem3A_525, %dma_wait3A_625, %dma_wait3A_626, %dma_wait3A_627] : memref<12x4x2x1024xf32, #tpu.memory_space<vmem>> -> memref<1x4x2x1024xf32, #tpu.memory_space<vmem>>
          %dma_wait3A_629 = tpu.memref_squeeze %dma_wait3A_628 : memref<1x4x2x1024xf32, #tpu.memory_space<vmem>> -> memref<4x2x1024xf32, #tpu.memory_space<vmem>>
          %dma_wait3A_630 = arith.constant 0 : i32
          %dma_wait3A_631 = arith.constant 0 : i32
          %dma_wait3A_632 = tpu.memref_slice %arg4[%dma_wait3A_630, %add3A_624, %dma_wait3A_631] : memref<4x4096x1024xf32, #tpu.memory_space<hbm>> -> memref<4x2x1024xf32, #tpu.memory_space<hbm>>
          %dma_wait3A_633 = tpu.memref_slice %arg8[%rem3A_525] : memref<12x!tpu.dma_semaphore, #tpu.memory_space<semaphore_mem>> -> memref<1x!tpu.dma_semaphore, #tpu.memory_space<semaphore_mem>>
          %dma_wait3A_634 = tpu.memref_squeeze %dma_wait3A_633 : memref<1x!tpu.dma_semaphore, #tpu.memory_space<semaphore_mem>> -> memref<!tpu.dma_semaphore, #tpu.memory_space<semaphore_mem>>
          %dma_wait3A_635 = arith.constant 0 : i32
          %dma_wait3A_636 = arith.constant 0 : i32
          %dma_wait3A_637 = tpu.memref_slice %arg4[%dma_wait3A_635, %add3A_624, %dma_wait3A_636] : memref<4x4096x1024xf32, #tpu.memory_space<hbm>> -> memref<4x2x1024xf32, #tpu.memory_space<hbm>>
          %dma_wait3A_638 = arith.constant 0 : i32
          %dma_wait3A_639 = arith.constant 0 : i32
          %dma_wait3A_640 = arith.constant 0 : i32
          %dma_wait3A_641 = tpu.memref_slice %arg5[%rem3A_525, %dma_wait3A_638, %dma_wait3A_639, %dma_wait3A_640] : memref<12x4x2x1024xf32, #tpu.memory_space<vmem>> -> memref<1x4x2x1024xf32, #tpu.memory_space<vmem>>
          %dma_wait3A_642 = tpu.memref_squeeze %dma_wait3A_641 : memref<1x4x2x1024xf32, #tpu.memory_space<vmem>> -> memref<4x2x1024xf32, #tpu.memory_space<vmem>>
          tpu.wait_dma2 semaphore(%dma_wait3A_634 : memref<!tpu.dma_semaphore, #tpu.memory_space<semaphore_mem>>) src(%dma_wait3A_642 : memref<4x2x1024xf32, #tpu.memory_space<vmem>>) dst(%dma_wait3A_637 : memref<4x2x1024xf32, #tpu.memory_space<hbm>>)
        } else {
        }
        %add3A_598 = arith.constant 8 : i32
        %add3A_599 = arith.addi %scan3A_518, %add3A_598 : i32
        %mul3A_600 = arith.constant 2 : i32
        %mul3A_601 = arith.muli %add3A_599, %mul3A_600 : i32
        %add3A_602 = arith.addi %mul3A_2, %mul3A_601 : i32
        %dma_start3A_603 = arith.constant 0 : i32
        %dma_start3A_604 = arith.constant 0 : i32
        %dma_start3A_605 = arith.constant 0 : i32
        %dma_start3A_606 = tpu.memref_slice %arg5[%rem3A_525, %dma_start3A_603, %dma_start3A_604, %dma_start3A_605] : memref<12x4x2x1024xf32, #tpu.memory_space<vmem>> -> memref<1x4x2x1024xf32, #tpu.memory_space<vmem>>
        %dma_start3A_607 = tpu.memref_squeeze %dma_start3A_606 : memref<1x4x2x1024xf32, #tpu.memory_space<vmem>> -> memref<4x2x1024xf32, #tpu.memory_space<vmem>>
        %dma_start3A_608 = arith.constant 0 : i32
        %dma_start3A_609 = arith.constant 0 : i32
        %dma_start3A_610 = tpu.memref_slice %arg2[%dma_start3A_608, %add3A_602, %dma_start3A_609] : memref<4x4096x1024xf32, #tpu.memory_space<hbm>> -> memref<4x2x1024xf32, #tpu.memory_space<hbm>>
        %dma_start3A_611 = tpu.memref_slice %arg7[%rem3A_525] : memref<12x!tpu.dma_semaphore, #tpu.memory_space<semaphore_mem>> -> memref<1x!tpu.dma_semaphore, #tpu.memory_space<semaphore_mem>>
        %dma_start3A_612 = tpu.memref_squeeze %dma_start3A_611 : memref<1x!tpu.dma_semaphore, #tpu.memory_space<semaphore_mem>> -> memref<!tpu.dma_semaphore, #tpu.memory_space<semaphore_mem>>
        %dma_start3A_613 = arith.constant 0 : i32
        %dma_start3A_614 = arith.constant 0 : i32
        %dma_start3A_615 = arith.constant 0 : i32
        %dma_start3A_616 = tpu.memref_slice %arg5[%rem3A_525, %dma_start3A_613, %dma_start3A_614, %dma_start3A_615] : memref<12x4x2x1024xf32, #tpu.memory_space<vmem>> -> memref<1x4x2x1024xf32, #tpu.memory_space<vmem>>
        %dma_start3A_617 = tpu.memref_squeeze %dma_start3A_616 : memref<1x4x2x1024xf32, #tpu.memory_space<vmem>> -> memref<4x2x1024xf32, #tpu.memory_space<vmem>>
        %dma_start3A_618 = arith.constant 0 : i32
        %dma_start3A_619 = arith.constant 0 : i32
        %dma_start3A_620 = tpu.memref_slice %arg2[%dma_start3A_618, %add3A_602, %dma_start3A_619] : memref<4x4096x1024xf32, #tpu.memory_space<hbm>> -> memref<4x2x1024xf32, #tpu.memory_space<hbm>>
        tpu.enqueue_dma source(%dma_start3A_620 : memref<4x2x1024xf32, #tpu.memory_space<hbm>>) target(%dma_start3A_617 : memref<4x2x1024xf32, #tpu.memory_space<vmem>>) target_semaphore(%dma_start3A_612 : memref<!tpu.dma_semaphore, #tpu.memory_space<semaphore_mem>>)
      } else {
      }
      %lt3A_589 = arith.constant 60 : i32
      %lt3A_590 = arith.cmpi slt, %scan3A_518, %lt3A_589 : i32
      %convert_element_type3A_591 = arith.extui %lt3A_590 : i1 to i32
      %cond3A_592 = arith.constant 0 : i32
      %cond3A_593 = arith.cmpi ne, %convert_element_type3A_591, %cond3A_592 : i32
      scf.if %cond3A_593 {
        %add3A_594 = arith.constant 4 : i32
        %add3A_595 = arith.addi %scan3A_518, %add3A_594 : i32
        %mul3A_596 = arith.constant 2 : i32
        %mul3A_597 = arith.muli %add3A_595, %mul3A_596 : i32
        %add3A_598 = arith.addi %mul3A_2, %mul3A_597 : i32
        %dma_start3A_599 = arith.constant 0 : i32
        %dma_start3A_600 = arith.constant 0 : i32
        %dma_start3A_601 = tpu.memref_slice %arg6[%rem3A_521, %dma_start3A_599, %dma_start3A_600] : memref<4x2x1024xf32, #tpu.memory_space<vmem>> -> memref<1x2x1024xf32, #tpu.memory_space<vmem>>
        %dma_start3A_602 = tpu.memref_squeeze %dma_start3A_601 : memref<1x2x1024xf32, #tpu.memory_space<vmem>> -> memref<2x1024xf32, #tpu.memory_space<vmem>>
        %dma_start3A_603 = arith.constant 0 : i32
        %dma_start3A_604 = tpu.memref_slice %arg3[%add3A_598, %dma_start3A_603] : memref<4096x1024xf32, #tpu.memory_space<hbm>> -> memref<2x1024xf32, #tpu.memory_space<hbm>>
        %dma_start3A_605 = tpu.memref_slice %arg9[%rem3A_521] : memref<4x!tpu.dma_semaphore, #tpu.memory_space<semaphore_mem>> -> memref<1x!tpu.dma_semaphore, #tpu.memory_space<semaphore_mem>>
        %dma_start3A_606 = tpu.memref_squeeze %dma_start3A_605 : memref<1x!tpu.dma_semaphore, #tpu.memory_space<semaphore_mem>> -> memref<!tpu.dma_semaphore, #tpu.memory_space<semaphore_mem>>
        %dma_start3A_607 = arith.constant 0 : i32
        %dma_start3A_608 = arith.constant 0 : i32
        %dma_start3A_609 = tpu.memref_slice %arg6[%rem3A_521, %dma_start3A_607, %dma_start3A_608] : memref<4x2x1024xf32, #tpu.memory_space<vmem>> -> memref<1x2x1024xf32, #tpu.memory_space<vmem>>
        %dma_start3A_610 = tpu.memref_squeeze %dma_start3A_609 : memref<1x2x1024xf32, #tpu.memory_space<vmem>> -> memref<2x1024xf32, #tpu.memory_space<vmem>>
        %dma_start3A_611 = arith.constant 0 : i32
        %dma_start3A_612 = tpu.memref_slice %arg3[%add3A_598, %dma_start3A_611] : memref<4096x1024xf32, #tpu.memory_space<hbm>> -> memref<2x1024xf32, #tpu.memory_space<hbm>>
        tpu.enqueue_dma source(%dma_start3A_612 : memref<2x1024xf32, #tpu.memory_space<hbm>>) target(%dma_start3A_610 : memref<2x1024xf32, #tpu.memory_space<vmem>>) target_semaphore(%dma_start3A_606 : memref<!tpu.dma_semaphore, #tpu.memory_space<semaphore_mem>>)
      } else {
      }
    }
    %scan3A_254 = arith.constant 64 : i32
    %add3A_255 = arith.constant 104 : i32
    %add3A_256 = arith.addi %mul3A_2, %add3A_255 : i32
    %dma_wait3A = arith.constant 4 : i32
    %dma_wait3A_257 = arith.constant 4 : i32
    %dma_wait3A_258 = arith.constant 0 : i32
    %dma_wait3A_259 = arith.constant 0 : i32
    %dma_wait3A_260 = arith.constant 0 : i32
    %dma_wait3A_261 = tpu.memref_slice %arg5[%dma_wait3A, %dma_wait3A_258, %dma_wait3A_259, %dma_wait3A_260] : memref<12x4x2x1024xf32, #tpu.memory_space<vmem>> -> memref<1x4x2x1024xf32, #tpu.memory_space<vmem>>
    %dma_wait3A_262 = tpu.memref_squeeze %dma_wait3A_261 : memref<1x4x2x1024xf32, #tpu.memory_space<vmem>> -> memref<4x2x1024xf32, #tpu.memory_space<vmem>>
    %dma_wait3A_263 = arith.constant 0 : i32
    %dma_wait3A_264 = arith.constant 0 : i32
    %dma_wait3A_265 = tpu.memref_slice %arg4[%dma_wait3A_263, %add3A_256, %dma_wait3A_264] : memref<4x4096x1024xf32, #tpu.memory_space<hbm>> -> memref<4x2x1024xf32, #tpu.memory_space<hbm>>
    %dma_wait3A_266 = tpu.memref_slice %arg8[%dma_wait3A_257] : memref<12x!tpu.dma_semaphore, #tpu.memory_space<semaphore_mem>> -> memref<1x!tpu.dma_semaphore, #tpu.memory_space<semaphore_mem>>
    %dma_wait3A_267 = tpu.memref_squeeze %dma_wait3A_266 : memref<1x!tpu.dma_semaphore, #tpu.memory_space<semaphore_mem>> -> memref<!tpu.dma_semaphore, #tpu.memory_space<semaphore_mem>>
    %dma_wait3A_268 = arith.constant 0 : i32
    %dma_wait3A_269 = arith.constant 0 : i32
    %dma_wait3A_270 = tpu.memref_slice %arg4[%dma_wait3A_268, %add3A_256, %dma_wait3A_269] : memref<4x4096x1024xf32, #tpu.memory_space<hbm>> -> memref<4x2x1024xf32, #tpu.memory_space<hbm>>
    %dma_wait3A_271 = arith.constant 0 : i32
    %dma_wait3A_272 = arith.constant 0 : i32
    %dma_wait3A_273 = arith.constant 0 : i32
    %dma_wait3A_274 = tpu.memref_slice %arg5[%dma_wait3A, %dma_wait3A_271, %dma_wait3A_272, %dma_wait3A_273] : memref<12x4x2x1024xf32, #tpu.memory_space<vmem>> -> memref<1x4x2x1024xf32, #tpu.memory_space<vmem>>
    %dma_wait3A_275 = tpu.memref_squeeze %dma_wait3A_274 : memref<1x4x2x1024xf32, #tpu.memory_space<vmem>> -> memref<4x2x1024xf32, #tpu.memory_space<vmem>>
    tpu.wait_dma2 semaphore(%dma_wait3A_267 : memref<!tpu.dma_semaphore, #tpu.memory_space<semaphore_mem>>) src(%dma_wait3A_275 : memref<4x2x1024xf32, #tpu.memory_space<vmem>>) dst(%dma_wait3A_270 : memref<4x2x1024xf32, #tpu.memory_space<hbm>>)
    %add3A_276 = arith.constant 106 : i32
    %add3A_277 = arith.addi %mul3A_2, %add3A_276 : i32
    %dma_wait3A_278 = arith.constant 5 : i32
    %dma_wait3A_279 = arith.constant 5 : i32
    %dma_wait3A_280 = arith.constant 0 : i32
    %dma_wait3A_281 = arith.constant 0 : i32
    %dma_wait3A_282 = arith.constant 0 : i32
    %dma_wait3A_283 = tpu.memref_slice %arg5[%dma_wait3A_278, %dma_wait3A_280, %dma_wait3A_281, %dma_wait3A_282] : memref<12x4x2x1024xf32, #tpu.memory_space<vmem>> -> memref<1x4x2x1024xf32, #tpu.memory_space<vmem>>
    %dma_wait3A_284 = tpu.memref_squeeze %dma_wait3A_283 : memref<1x4x2x1024xf32, #tpu.memory_space<vmem>> -> memref<4x2x1024xf32, #tpu.memory_space<vmem>>
    %dma_wait3A_285 = arith.constant 0 : i32
    %dma_wait3A_286 = arith.constant 0 : i32
    %dma_wait3A_287 = tpu.memref_slice %arg4[%dma_wait3A_285, %add3A_277, %dma_wait3A_286] : memref<4x4096x1024xf32, #tpu.memory_space<hbm>> -> memref<4x2x1024xf32, #tpu.memory_space<hbm>>
    %dma_wait3A_288 = tpu.memref_slice %arg8[%dma_wait3A_279] : memref<12x!tpu.dma_semaphore, #tpu.memory_space<semaphore_mem>> -> memref<1x!tpu.dma_semaphore, #tpu.memory_space<semaphore_mem>>
    %dma_wait3A_289 = tpu.memref_squeeze %dma_wait3A_288 : memref<1x!tpu.dma_semaphore, #tpu.memory_space<semaphore_mem>> -> memref<!tpu.dma_semaphore, #tpu.memory_space<semaphore_mem>>
    %dma_wait3A_290 = arith.constant 0 : i32
    %dma_wait3A_291 = arith.constant 0 : i32
    %dma_wait3A_292 = tpu.memref_slice %arg4[%dma_wait3A_290, %add3A_277, %dma_wait3A_291] : memref<4x4096x1024xf32, #tpu.memory_space<hbm>> -> memref<4x2x1024xf32, #tpu.memory_space<hbm>>
    %dma_wait3A_293 = arith.constant 0 : i32
    %dma_wait3A_294 = arith.constant 0 : i32
    %dma_wait3A_295 = arith.constant 0 : i32
    %dma_wait3A_296 = tpu.memref_slice %arg5[%dma_wait3A_278, %dma_wait3A_293, %dma_wait3A_294, %dma_wait3A_295] : memref<12x4x2x1024xf32, #tpu.memory_space<vmem>> -> memref<1x4x2x1024xf32, #tpu.memory_space<vmem>>
    %dma_wait3A_297 = tpu.memref_squeeze %dma_wait3A_296 : memref<1x4x2x1024xf32, #tpu.memory_space<vmem>> -> memref<4x2x1024xf32, #tpu.memory_space<vmem>>
    tpu.wait_dma2 semaphore(%dma_wait3A_289 : memref<!tpu.dma_semaphore, #tpu.memory_space<semaphore_mem>>) src(%dma_wait3A_297 : memref<4x2x1024xf32, #tpu.memory_space<vmem>>) dst(%dma_wait3A_292 : memref<4x2x1024xf32, #tpu.memory_space<hbm>>)
    %add3A_298 = arith.constant 108 : i32
    %add3A_299 = arith.addi %mul3A_2, %add3A_298 : i32
    %dma_wait3A_300 = arith.constant 6 : i32
    %dma_wait3A_301 = arith.constant 6 : i32
    %dma_wait3A_302 = arith.constant 0 : i32
    %dma_wait3A_303 = arith.constant 0 : i32
    %dma_wait3A_304 = arith.constant 0 : i32
    %dma_wait3A_305 = tpu.memref_slice %arg5[%dma_wait3A_300, %dma_wait3A_302, %dma_wait3A_303, %dma_wait3A_304] : memref<12x4x2x1024xf32, #tpu.memory_space<vmem>> -> memref<1x4x2x1024xf32, #tpu.memory_space<vmem>>
    %dma_wait3A_306 = tpu.memref_squeeze %dma_wait3A_305 : memref<1x4x2x1024xf32, #tpu.memory_space<vmem>> -> memref<4x2x1024xf32, #tpu.memory_space<vmem>>
    %dma_wait3A_307 = arith.constant 0 : i32
    %dma_wait3A_308 = arith.constant 0 : i32
    %dma_wait3A_309 = tpu.memref_slice %arg4[%dma_wait3A_307, %add3A_299, %dma_wait3A_308] : memref<4x4096x1024xf32, #tpu.memory_space<hbm>> -> memref<4x2x1024xf32, #tpu.memory_space<hbm>>
    %dma_wait3A_310 = tpu.memref_slice %arg8[%dma_wait3A_301] : memref<12x!tpu.dma_semaphore, #tpu.memory_space<semaphore_mem>> -> memref<1x!tpu.dma_semaphore, #tpu.memory_space<semaphore_mem>>
    %dma_wait3A_311 = tpu.memref_squeeze %dma_wait3A_310 : memref<1x!tpu.dma_semaphore, #tpu.memory_space<semaphore_mem>> -> memref<!tpu.dma_semaphore, #tpu.memory_space<semaphore_mem>>
    %dma_wait3A_312 = arith.constant 0 : i32
    %dma_wait3A_313 = arith.constant 0 : i32
    %dma_wait3A_314 = tpu.memref_slice %arg4[%dma_wait3A_312, %add3A_299, %dma_wait3A_313] : memref<4x4096x1024xf32, #tpu.memory_space<hbm>> -> memref<4x2x1024xf32, #tpu.memory_space<hbm>>
    %dma_wait3A_315 = arith.constant 0 : i32
    %dma_wait3A_316 = arith.constant 0 : i32
    %dma_wait3A_317 = arith.constant 0 : i32
    %dma_wait3A_318 = tpu.memref_slice %arg5[%dma_wait3A_300, %dma_wait3A_315, %dma_wait3A_316, %dma_wait3A_317] : memref<12x4x2x1024xf32, #tpu.memory_space<vmem>> -> memref<1x4x2x1024xf32, #tpu.memory_space<vmem>>
    %dma_wait3A_319 = tpu.memref_squeeze %dma_wait3A_318 : memref<1x4x2x1024xf32, #tpu.memory_space<vmem>> -> memref<4x2x1024xf32, #tpu.memory_space<vmem>>
    tpu.wait_dma2 semaphore(%dma_wait3A_311 : memref<!tpu.dma_semaphore, #tpu.memory_space<semaphore_mem>>) src(%dma_wait3A_319 : memref<4x2x1024xf32, #tpu.memory_space<vmem>>) dst(%dma_wait3A_314 : memref<4x2x1024xf32, #tpu.memory_space<hbm>>)
    %add3A_320 = arith.constant 110 : i32
    %add3A_321 = arith.addi %mul3A_2, %add3A_320 : i32
    %dma_wait3A_322 = arith.constant 7 : i32
    %dma_wait3A_323 = arith.constant 7 : i32
    %dma_wait3A_324 = arith.constant 0 : i32
    %dma_wait3A_325 = arith.constant 0 : i32
    %dma_wait3A_326 = arith.constant 0 : i32
    %dma_wait3A_327 = tpu.memref_slice %arg5[%dma_wait3A_322, %dma_wait3A_324, %dma_wait3A_325, %dma_wait3A_326] : memref<12x4x2x1024xf32, #tpu.memory_space<vmem>> -> memref<1x4x2x1024xf32, #tpu.memory_space<vmem>>
    %dma_wait3A_328 = tpu.memref_squeeze %dma_wait3A_327 : memref<1x4x2x1024xf32, #tpu.memory_space<vmem>> -> memref<4x2x1024xf32, #tpu.memory_space<vmem>>
    %dma_wait3A_329 = arith.constant 0 : i32
    %dma_wait3A_330 = arith.constant 0 : i32
    %dma_wait3A_331 = tpu.memref_slice %arg4[%dma_wait3A_329, %add3A_321, %dma_wait3A_330] : memref<4x4096x1024xf32, #tpu.memory_space<hbm>> -> memref<4x2x1024xf32, #tpu.memory_space<hbm>>
    %dma_wait3A_332 = tpu.memref_slice %arg8[%dma_wait3A_323] : memref<12x!tpu.dma_semaphore, #tpu.memory_space<semaphore_mem>> -> memref<1x!tpu.dma_semaphore, #tpu.memory_space<semaphore_mem>>
    %dma_wait3A_333 = tpu.memref_squeeze %dma_wait3A_332 : memref<1x!tpu.dma_semaphore, #tpu.memory_space<semaphore_mem>> -> memref<!tpu.dma_semaphore, #tpu.memory_space<semaphore_mem>>
    %dma_wait3A_334 = arith.constant 0 : i32
    %dma_wait3A_335 = arith.constant 0 : i32
    %dma_wait3A_336 = tpu.memref_slice %arg4[%dma_wait3A_334, %add3A_321, %dma_wait3A_335] : memref<4x4096x1024xf32, #tpu.memory_space<hbm>> -> memref<4x2x1024xf32, #tpu.memory_space<hbm>>
    %dma_wait3A_337 = arith.constant 0 : i32
    %dma_wait3A_338 = arith.constant 0 : i32
    %dma_wait3A_339 = arith.constant 0 : i32
    %dma_wait3A_340 = tpu.memref_slice %arg5[%dma_wait3A_322, %dma_wait3A_337, %dma_wait3A_338, %dma_wait3A_339] : memref<12x4x2x1024xf32, #tpu.memory_space<vmem>> -> memref<1x4x2x1024xf32, #tpu.memory_space<vmem>>
    %dma_wait3A_341 = tpu.memref_squeeze %dma_wait3A_340 : memref<1x4x2x1024xf32, #tpu.memory_space<vmem>> -> memref<4x2x1024xf32, #tpu.memory_space<vmem>>
    tpu.wait_dma2 semaphore(%dma_wait3A_333 : memref<!tpu.dma_semaphore, #tpu.memory_space<semaphore_mem>>) src(%dma_wait3A_341 : memref<4x2x1024xf32, #tpu.memory_space<vmem>>) dst(%dma_wait3A_336 : memref<4x2x1024xf32, #tpu.memory_space<hbm>>)
    %add3A_342 = arith.constant 112 : i32
    %add3A_343 = arith.addi %mul3A_2, %add3A_342 : i32
    %dma_wait3A_344 = arith.constant 8 : i32
    %dma_wait3A_345 = arith.constant 8 : i32
    %dma_wait3A_346 = arith.constant 0 : i32
    %dma_wait3A_347 = arith.constant 0 : i32
    %dma_wait3A_348 = arith.constant 0 : i32
    %dma_wait3A_349 = tpu.memref_slice %arg5[%dma_wait3A_344, %dma_wait3A_346, %dma_wait3A_347, %dma_wait3A_348] : memref<12x4x2x1024xf32, #tpu.memory_space<vmem>> -> memref<1x4x2x1024xf32, #tpu.memory_space<vmem>>
    %dma_wait3A_350 = tpu.memref_squeeze %dma_wait3A_349 : memref<1x4x2x1024xf32, #tpu.memory_space<vmem>> -> memref<4x2x1024xf32, #tpu.memory_space<vmem>>
    %dma_wait3A_351 = arith.constant 0 : i32
    %dma_wait3A_352 = arith.constant 0 : i32
    %dma_wait3A_353 = tpu.memref_slice %arg4[%dma_wait3A_351, %add3A_343, %dma_wait3A_352] : memref<4x4096x1024xf32, #tpu.memory_space<hbm>> -> memref<4x2x1024xf32, #tpu.memory_space<hbm>>
    %dma_wait3A_354 = tpu.memref_slice %arg8[%dma_wait3A_345] : memref<12x!tpu.dma_semaphore, #tpu.memory_space<semaphore_mem>> -> memref<1x!tpu.dma_semaphore, #tpu.memory_space<semaphore_mem>>
    %dma_wait3A_355 = tpu.memref_squeeze %dma_wait3A_354 : memref<1x!tpu.dma_semaphore, #tpu.memory_space<semaphore_mem>> -> memref<!tpu.dma_semaphore, #tpu.memory_space<semaphore_mem>>
    %dma_wait3A_356 = arith.constant 0 : i32
    %dma_wait3A_357 = arith.constant 0 : i32
    %dma_wait3A_358 = tpu.memref_slice %arg4[%dma_wait3A_356, %add3A_343, %dma_wait3A_357] : memref<4x4096x1024xf32, #tpu.memory_space<hbm>> -> memref<4x2x1024xf32, #tpu.memory_space<hbm>>
    %dma_wait3A_359 = arith.constant 0 : i32
    %dma_wait3A_360 = arith.constant 0 : i32
    %dma_wait3A_361 = arith.constant 0 : i32
    %dma_wait3A_362 = tpu.memref_slice %arg5[%dma_wait3A_344, %dma_wait3A_359, %dma_wait3A_360, %dma_wait3A_361] : memref<12x4x2x1024xf32, #tpu.memory_space<vmem>> -> memref<1x4x2x1024xf32, #tpu.memory_space<vmem>>
    %dma_wait3A_363 = tpu.memref_squeeze %dma_wait3A_362 : memref<1x4x2x1024xf32, #tpu.memory_space<vmem>> -> memref<4x2x1024xf32, #tpu.memory_space<vmem>>
    tpu.wait_dma2 semaphore(%dma_wait3A_355 : memref<!tpu.dma_semaphore, #tpu.memory_space<semaphore_mem>>) src(%dma_wait3A_363 : memref<4x2x1024xf32, #tpu.memory_space<vmem>>) dst(%dma_wait3A_358 : memref<4x2x1024xf32, #tpu.memory_space<hbm>>)
    %add3A_364 = arith.constant 114 : i32
    %add3A_365 = arith.addi %mul3A_2, %add3A_364 : i32
    %dma_wait3A_366 = arith.constant 9 : i32
    %dma_wait3A_367 = arith.constant 9 : i32
    %dma_wait3A_368 = arith.constant 0 : i32
    %dma_wait3A_369 = arith.constant 0 : i32
    %dma_wait3A_370 = arith.constant 0 : i32
    %dma_wait3A_371 = tpu.memref_slice %arg5[%dma_wait3A_366, %dma_wait3A_368, %dma_wait3A_369, %dma_wait3A_370] : memref<12x4x2x1024xf32, #tpu.memory_space<vmem>> -> memref<1x4x2x1024xf32, #tpu.memory_space<vmem>>
    %dma_wait3A_372 = tpu.memref_squeeze %dma_wait3A_371 : memref<1x4x2x1024xf32, #tpu.memory_space<vmem>> -> memref<4x2x1024xf32, #tpu.memory_space<vmem>>
    %dma_wait3A_373 = arith.constant 0 : i32
    %dma_wait3A_374 = arith.constant 0 : i32
    %dma_wait3A_375 = tpu.memref_slice %arg4[%dma_wait3A_373, %add3A_365, %dma_wait3A_374] : memref<4x4096x1024xf32, #tpu.memory_space<hbm>> -> memref<4x2x1024xf32, #tpu.memory_space<hbm>>
    %dma_wait3A_376 = tpu.memref_slice %arg8[%dma_wait3A_367] : memref<12x!tpu.dma_semaphore, #tpu.memory_space<semaphore_mem>> -> memref<1x!tpu.dma_semaphore, #tpu.memory_space<semaphore_mem>>
    %dma_wait3A_377 = tpu.memref_squeeze %dma_wait3A_376 : memref<1x!tpu.dma_semaphore, #tpu.memory_space<semaphore_mem>> -> memref<!tpu.dma_semaphore, #tpu.memory_space<semaphore_mem>>
    %dma_wait3A_378 = arith.constant 0 : i32
    %dma_wait3A_379 = arith.constant 0 : i32
    %dma_wait3A_380 = tpu.memref_slice %arg4[%dma_wait3A_378, %add3A_365, %dma_wait3A_379] : memref<4x4096x1024xf32, #tpu.memory_space<hbm>> -> memref<4x2x1024xf32, #tpu.memory_space<hbm>>
    %dma_wait3A_381 = arith.constant 0 : i32
    %dma_wait3A_382 = arith.constant 0 : i32
    %dma_wait3A_383 = arith.constant 0 : i32
    %dma_wait3A_384 = tpu.memref_slice %arg5[%dma_wait3A_366, %dma_wait3A_381, %dma_wait3A_382, %dma_wait3A_383] : memref<12x4x2x1024xf32, #tpu.memory_space<vmem>> -> memref<1x4x2x1024xf32, #tpu.memory_space<vmem>>
    %dma_wait3A_385 = tpu.memref_squeeze %dma_wait3A_384 : memref<1x4x2x1024xf32, #tpu.memory_space<vmem>> -> memref<4x2x1024xf32, #tpu.memory_space<vmem>>
    tpu.wait_dma2 semaphore(%dma_wait3A_377 : memref<!tpu.dma_semaphore, #tpu.memory_space<semaphore_mem>>) src(%dma_wait3A_385 : memref<4x2x1024xf32, #tpu.memory_space<vmem>>) dst(%dma_wait3A_380 : memref<4x2x1024xf32, #tpu.memory_space<hbm>>)
    %add3A_386 = arith.constant 116 : i32
    %add3A_387 = arith.addi %mul3A_2, %add3A_386 : i32
    %dma_wait3A_388 = arith.constant 10 : i32
    %dma_wait3A_389 = arith.constant 10 : i32
    %dma_wait3A_390 = arith.constant 0 : i32
    %dma_wait3A_391 = arith.constant 0 : i32
    %dma_wait3A_392 = arith.constant 0 : i32
    %dma_wait3A_393 = tpu.memref_slice %arg5[%dma_wait3A_388, %dma_wait3A_390, %dma_wait3A_391, %dma_wait3A_392] : memref<12x4x2x1024xf32, #tpu.memory_space<vmem>> -> memref<1x4x2x1024xf32, #tpu.memory_space<vmem>>
    %dma_wait3A_394 = tpu.memref_squeeze %dma_wait3A_393 : memref<1x4x2x1024xf32, #tpu.memory_space<vmem>> -> memref<4x2x1024xf32, #tpu.memory_space<vmem>>
    %dma_wait3A_395 = arith.constant 0 : i32
    %dma_wait3A_396 = arith.constant 0 : i32
    %dma_wait3A_397 = tpu.memref_slice %arg4[%dma_wait3A_395, %add3A_387, %dma_wait3A_396] : memref<4x4096x1024xf32, #tpu.memory_space<hbm>> -> memref<4x2x1024xf32, #tpu.memory_space<hbm>>
    %dma_wait3A_398 = tpu.memref_slice %arg8[%dma_wait3A_389] : memref<12x!tpu.dma_semaphore, #tpu.memory_space<semaphore_mem>> -> memref<1x!tpu.dma_semaphore, #tpu.memory_space<semaphore_mem>>
    %dma_wait3A_399 = tpu.memref_squeeze %dma_wait3A_398 : memref<1x!tpu.dma_semaphore, #tpu.memory_space<semaphore_mem>> -> memref<!tpu.dma_semaphore, #tpu.memory_space<semaphore_mem>>
    %dma_wait3A_400 = arith.constant 0 : i32
    %dma_wait3A_401 = arith.constant 0 : i32
    %dma_wait3A_402 = tpu.memref_slice %arg4[%dma_wait3A_400, %add3A_387, %dma_wait3A_401] : memref<4x4096x1024xf32, #tpu.memory_space<hbm>> -> memref<4x2x1024xf32, #tpu.memory_space<hbm>>
    %dma_wait3A_403 = arith.constant 0 : i32
    %dma_wait3A_404 = arith.constant 0 : i32
    %dma_wait3A_405 = arith.constant 0 : i32
    %dma_wait3A_406 = tpu.memref_slice %arg5[%dma_wait3A_388, %dma_wait3A_403, %dma_wait3A_404, %dma_wait3A_405] : memref<12x4x2x1024xf32, #tpu.memory_space<vmem>> -> memref<1x4x2x1024xf32, #tpu.memory_space<vmem>>
    %dma_wait3A_407 = tpu.memref_squeeze %dma_wait3A_406 : memref<1x4x2x1024xf32, #tpu.memory_space<vmem>> -> memref<4x2x1024xf32, #tpu.memory_space<vmem>>
    tpu.wait_dma2 semaphore(%dma_wait3A_399 : memref<!tpu.dma_semaphore, #tpu.memory_space<semaphore_mem>>) src(%dma_wait3A_407 : memref<4x2x1024xf32, #tpu.memory_space<vmem>>) dst(%dma_wait3A_402 : memref<4x2x1024xf32, #tpu.memory_space<hbm>>)
    %add3A_408 = arith.constant 118 : i32
    %add3A_409 = arith.addi %mul3A_2, %add3A_408 : i32
    %dma_wait3A_410 = arith.constant 11 : i32
    %dma_wait3A_411 = arith.constant 11 : i32
    %dma_wait3A_412 = arith.constant 0 : i32
    %dma_wait3A_413 = arith.constant 0 : i32
    %dma_wait3A_414 = arith.constant 0 : i32
    %dma_wait3A_415 = tpu.memref_slice %arg5[%dma_wait3A_410, %dma_wait3A_412, %dma_wait3A_413, %dma_wait3A_414] : memref<12x4x2x1024xf32, #tpu.memory_space<vmem>> -> memref<1x4x2x1024xf32, #tpu.memory_space<vmem>>
    %dma_wait3A_416 = tpu.memref_squeeze %dma_wait3A_415 : memref<1x4x2x1024xf32, #tpu.memory_space<vmem>> -> memref<4x2x1024xf32, #tpu.memory_space<vmem>>
    %dma_wait3A_417 = arith.constant 0 : i32
    %dma_wait3A_418 = arith.constant 0 : i32
    %dma_wait3A_419 = tpu.memref_slice %arg4[%dma_wait3A_417, %add3A_409, %dma_wait3A_418] : memref<4x4096x1024xf32, #tpu.memory_space<hbm>> -> memref<4x2x1024xf32, #tpu.memory_space<hbm>>
    %dma_wait3A_420 = tpu.memref_slice %arg8[%dma_wait3A_411] : memref<12x!tpu.dma_semaphore, #tpu.memory_space<semaphore_mem>> -> memref<1x!tpu.dma_semaphore, #tpu.memory_space<semaphore_mem>>
    %dma_wait3A_421 = tpu.memref_squeeze %dma_wait3A_420 : memref<1x!tpu.dma_semaphore, #tpu.memory_space<semaphore_mem>> -> memref<!tpu.dma_semaphore, #tpu.memory_space<semaphore_mem>>
    %dma_wait3A_422 = arith.constant 0 : i32
    %dma_wait3A_423 = arith.constant 0 : i32
    %dma_wait3A_424 = tpu.memref_slice %arg4[%dma_wait3A_422, %add3A_409, %dma_wait3A_423] : memref<4x4096x1024xf32, #tpu.memory_space<hbm>> -> memref<4x2x1024xf32, #tpu.memory_space<hbm>>
    %dma_wait3A_425 = arith.constant 0 : i32
    %dma_wait3A_426 = arith.constant 0 : i32
    %dma_wait3A_427 = arith.constant 0 : i32
    %dma_wait3A_428 = tpu.memref_slice %arg5[%dma_wait3A_410, %dma_wait3A_425, %dma_wait3A_426, %dma_wait3A_427] : memref<12x4x2x1024xf32, #tpu.memory_space<vmem>> -> memref<1x4x2x1024xf32, #tpu.memory_space<vmem>>
    %dma_wait3A_429 = tpu.memref_squeeze %dma_wait3A_428 : memref<1x4x2x1024xf32, #tpu.memory_space<vmem>> -> memref<4x2x1024xf32, #tpu.memory_space<vmem>>
    tpu.wait_dma2 semaphore(%dma_wait3A_421 : memref<!tpu.dma_semaphore, #tpu.memory_space<semaphore_mem>>) src(%dma_wait3A_429 : memref<4x2x1024xf32, #tpu.memory_space<vmem>>) dst(%dma_wait3A_424 : memref<4x2x1024xf32, #tpu.memory_space<hbm>>)
    %add3A_430 = arith.constant 120 : i32
    %add3A_431 = arith.addi %mul3A_2, %add3A_430 : i32
    %dma_wait3A_432 = arith.constant 0 : i32
    %dma_wait3A_433 = arith.constant 0 : i32
    %dma_wait3A_434 = arith.constant 0 : i32
    %dma_wait3A_435 = arith.constant 0 : i32
    %dma_wait3A_436 = arith.constant 0 : i32
    %dma_wait3A_437 = tpu.memref_slice %arg5[%dma_wait3A_432, %dma_wait3A_434, %dma_wait3A_435, %dma_wait3A_436] : memref<12x4x2x1024xf32, #tpu.memory_space<vmem>> -> memref<1x4x2x1024xf32, #tpu.memory_space<vmem>>
    %dma_wait3A_438 = tpu.memref_squeeze %dma_wait3A_437 : memref<1x4x2x1024xf32, #tpu.memory_space<vmem>> -> memref<4x2x1024xf32, #tpu.memory_space<vmem>>
    %dma_wait3A_439 = arith.constant 0 : i32
    %dma_wait3A_440 = arith.constant 0 : i32
    %dma_wait3A_441 = tpu.memref_slice %arg4[%dma_wait3A_439, %add3A_431, %dma_wait3A_440] : memref<4x4096x1024xf32, #tpu.memory_space<hbm>> -> memref<4x2x1024xf32, #tpu.memory_space<hbm>>
    %dma_wait3A_442 = tpu.memref_slice %arg8[%dma_wait3A_433] : memref<12x!tpu.dma_semaphore, #tpu.memory_space<semaphore_mem>> -> memref<1x!tpu.dma_semaphore, #tpu.memory_space<semaphore_mem>>
    %dma_wait3A_443 = tpu.memref_squeeze %dma_wait3A_442 : memref<1x!tpu.dma_semaphore, #tpu.memory_space<semaphore_mem>> -> memref<!tpu.dma_semaphore, #tpu.memory_space<semaphore_mem>>
    %dma_wait3A_444 = arith.constant 0 : i32
    %dma_wait3A_445 = arith.constant 0 : i32
    %dma_wait3A_446 = tpu.memref_slice %arg4[%dma_wait3A_444, %add3A_431, %dma_wait3A_445] : memref<4x4096x1024xf32, #tpu.memory_space<hbm>> -> memref<4x2x1024xf32, #tpu.memory_space<hbm>>
    %dma_wait3A_447 = arith.constant 0 : i32
    %dma_wait3A_448 = arith.constant 0 : i32
    %dma_wait3A_449 = arith.constant 0 : i32
    %dma_wait3A_450 = tpu.memref_slice %arg5[%dma_wait3A_432, %dma_wait3A_447, %dma_wait3A_448, %dma_wait3A_449] : memref<12x4x2x1024xf32, #tpu.memory_space<vmem>> -> memref<1x4x2x1024xf32, #tpu.memory_space<vmem>>
    %dma_wait3A_451 = tpu.memref_squeeze %dma_wait3A_450 : memref<1x4x2x1024xf32, #tpu.memory_space<vmem>> -> memref<4x2x1024xf32, #tpu.memory_space<vmem>>
    tpu.wait_dma2 semaphore(%dma_wait3A_443 : memref<!tpu.dma_semaphore, #tpu.memory_space<semaphore_mem>>) src(%dma_wait3A_451 : memref<4x2x1024xf32, #tpu.memory_space<vmem>>) dst(%dma_wait3A_446 : memref<4x2x1024xf32, #tpu.memory_space<hbm>>)
    %add3A_452 = arith.constant 122 : i32
    %add3A_453 = arith.addi %mul3A_2, %add3A_452 : i32
    %dma_wait3A_454 = arith.constant 1 : i32
    %dma_wait3A_455 = arith.constant 1 : i32
    %dma_wait3A_456 = arith.constant 0 : i32
    %dma_wait3A_457 = arith.constant 0 : i32
    %dma_wait3A_458 = arith.constant 0 : i32
    %dma_wait3A_459 = tpu.memref_slice %arg5[%dma_wait3A_454, %dma_wait3A_456, %dma_wait3A_457, %dma_wait3A_458] : memref<12x4x2x1024xf32, #tpu.memory_space<vmem>> -> memref<1x4x2x1024xf32, #tpu.memory_space<vmem>>
    %dma_wait3A_460 = tpu.memref_squeeze %dma_wait3A_459 : memref<1x4x2x1024xf32, #tpu.memory_space<vmem>> -> memref<4x2x1024xf32, #tpu.memory_space<vmem>>
    %dma_wait3A_461 = arith.constant 0 : i32
    %dma_wait3A_462 = arith.constant 0 : i32
    %dma_wait3A_463 = tpu.memref_slice %arg4[%dma_wait3A_461, %add3A_453, %dma_wait3A_462] : memref<4x4096x1024xf32, #tpu.memory_space<hbm>> -> memref<4x2x1024xf32, #tpu.memory_space<hbm>>
    %dma_wait3A_464 = tpu.memref_slice %arg8[%dma_wait3A_455] : memref<12x!tpu.dma_semaphore, #tpu.memory_space<semaphore_mem>> -> memref<1x!tpu.dma_semaphore, #tpu.memory_space<semaphore_mem>>
    %dma_wait3A_465 = tpu.memref_squeeze %dma_wait3A_464 : memref<1x!tpu.dma_semaphore, #tpu.memory_space<semaphore_mem>> -> memref<!tpu.dma_semaphore, #tpu.memory_space<semaphore_mem>>
    %dma_wait3A_466 = arith.constant 0 : i32
    %dma_wait3A_467 = arith.constant 0 : i32
    %dma_wait3A_468 = tpu.memref_slice %arg4[%dma_wait3A_466, %add3A_453, %dma_wait3A_467] : memref<4x4096x1024xf32, #tpu.memory_space<hbm>> -> memref<4x2x1024xf32, #tpu.memory_space<hbm>>
    %dma_wait3A_469 = arith.constant 0 : i32
    %dma_wait3A_470 = arith.constant 0 : i32
    %dma_wait3A_471 = arith.constant 0 : i32
    %dma_wait3A_472 = tpu.memref_slice %arg5[%dma_wait3A_454, %dma_wait3A_469, %dma_wait3A_470, %dma_wait3A_471] : memref<12x4x2x1024xf32, #tpu.memory_space<vmem>> -> memref<1x4x2x1024xf32, #tpu.memory_space<vmem>>
    %dma_wait3A_473 = tpu.memref_squeeze %dma_wait3A_472 : memref<1x4x2x1024xf32, #tpu.memory_space<vmem>> -> memref<4x2x1024xf32, #tpu.memory_space<vmem>>
    tpu.wait_dma2 semaphore(%dma_wait3A_465 : memref<!tpu.dma_semaphore, #tpu.memory_space<semaphore_mem>>) src(%dma_wait3A_473 : memref<4x2x1024xf32, #tpu.memory_space<vmem>>) dst(%dma_wait3A_468 : memref<4x2x1024xf32, #tpu.memory_space<hbm>>)
    %add3A_474 = arith.constant 124 : i32
    %add3A_475 = arith.addi %mul3A_2, %add3A_474 : i32
    %dma_wait3A_476 = arith.constant 2 : i32
    %dma_wait3A_477 = arith.constant 2 : i32
    %dma_wait3A_478 = arith.constant 0 : i32
    %dma_wait3A_479 = arith.constant 0 : i32
    %dma_wait3A_480 = arith.constant 0 : i32
    %dma_wait3A_481 = tpu.memref_slice %arg5[%dma_wait3A_476, %dma_wait3A_478, %dma_wait3A_479, %dma_wait3A_480] : memref<12x4x2x1024xf32, #tpu.memory_space<vmem>> -> memref<1x4x2x1024xf32, #tpu.memory_space<vmem>>
    %dma_wait3A_482 = tpu.memref_squeeze %dma_wait3A_481 : memref<1x4x2x1024xf32, #tpu.memory_space<vmem>> -> memref<4x2x1024xf32, #tpu.memory_space<vmem>>
    %dma_wait3A_483 = arith.constant 0 : i32
    %dma_wait3A_484 = arith.constant 0 : i32
    %dma_wait3A_485 = tpu.memref_slice %arg4[%dma_wait3A_483, %add3A_475, %dma_wait3A_484] : memref<4x4096x1024xf32, #tpu.memory_space<hbm>> -> memref<4x2x1024xf32, #tpu.memory_space<hbm>>
    %dma_wait3A_486 = tpu.memref_slice %arg8[%dma_wait3A_477] : memref<12x!tpu.dma_semaphore, #tpu.memory_space<semaphore_mem>> -> memref<1x!tpu.dma_semaphore, #tpu.memory_space<semaphore_mem>>
    %dma_wait3A_487 = tpu.memref_squeeze %dma_wait3A_486 : memref<1x!tpu.dma_semaphore, #tpu.memory_space<semaphore_mem>> -> memref<!tpu.dma_semaphore, #tpu.memory_space<semaphore_mem>>
    %dma_wait3A_488 = arith.constant 0 : i32
    %dma_wait3A_489 = arith.constant 0 : i32
    %dma_wait3A_490 = tpu.memref_slice %arg4[%dma_wait3A_488, %add3A_475, %dma_wait3A_489] : memref<4x4096x1024xf32, #tpu.memory_space<hbm>> -> memref<4x2x1024xf32, #tpu.memory_space<hbm>>
    %dma_wait3A_491 = arith.constant 0 : i32
    %dma_wait3A_492 = arith.constant 0 : i32
    %dma_wait3A_493 = arith.constant 0 : i32
    %dma_wait3A_494 = tpu.memref_slice %arg5[%dma_wait3A_476, %dma_wait3A_491, %dma_wait3A_492, %dma_wait3A_493] : memref<12x4x2x1024xf32, #tpu.memory_space<vmem>> -> memref<1x4x2x1024xf32, #tpu.memory_space<vmem>>
    %dma_wait3A_495 = tpu.memref_squeeze %dma_wait3A_494 : memref<1x4x2x1024xf32, #tpu.memory_space<vmem>> -> memref<4x2x1024xf32, #tpu.memory_space<vmem>>
    tpu.wait_dma2 semaphore(%dma_wait3A_487 : memref<!tpu.dma_semaphore, #tpu.memory_space<semaphore_mem>>) src(%dma_wait3A_495 : memref<4x2x1024xf32, #tpu.memory_space<vmem>>) dst(%dma_wait3A_490 : memref<4x2x1024xf32, #tpu.memory_space<hbm>>)
    %add3A_496 = arith.constant 126 : i32
    %add3A_497 = arith.addi %mul3A_2, %add3A_496 : i32
    %dma_wait3A_498 = arith.constant 3 : i32
    %dma_wait3A_499 = arith.constant 3 : i32
    %dma_wait3A_500 = arith.constant 0 : i32
    %dma_wait3A_501 = arith.constant 0 : i32
    %dma_wait3A_502 = arith.constant 0 : i32
    %dma_wait3A_503 = tpu.memref_slice %arg5[%dma_wait3A_498, %dma_wait3A_500, %dma_wait3A_501, %dma_wait3A_502] : memref<12x4x2x1024xf32, #tpu.memory_space<vmem>> -> memref<1x4x2x1024xf32, #tpu.memory_space<vmem>>
    %dma_wait3A_504 = tpu.memref_squeeze %dma_wait3A_503 : memref<1x4x2x1024xf32, #tpu.memory_space<vmem>> -> memref<4x2x1024xf32, #tpu.memory_space<vmem>>
    %dma_wait3A_505 = arith.constant 0 : i32
    %dma_wait3A_506 = arith.constant 0 : i32
    %dma_wait3A_507 = tpu.memref_slice %arg4[%dma_wait3A_505, %add3A_497, %dma_wait3A_506] : memref<4x4096x1024xf32, #tpu.memory_space<hbm>> -> memref<4x2x1024xf32, #tpu.memory_space<hbm>>
    %dma_wait3A_508 = tpu.memref_slice %arg8[%dma_wait3A_499] : memref<12x!tpu.dma_semaphore, #tpu.memory_space<semaphore_mem>> -> memref<1x!tpu.dma_semaphore, #tpu.memory_space<semaphore_mem>>
    %dma_wait3A_509 = tpu.memref_squeeze %dma_wait3A_508 : memref<1x!tpu.dma_semaphore, #tpu.memory_space<semaphore_mem>> -> memref<!tpu.dma_semaphore, #tpu.memory_space<semaphore_mem>>
    %dma_wait3A_510 = arith.constant 0 : i32
    %dma_wait3A_511 = arith.constant 0 : i32
    %dma_wait3A_512 = tpu.memref_slice %arg4[%dma_wait3A_510, %add3A_497, %dma_wait3A_511] : memref<4x4096x1024xf32, #tpu.memory_space<hbm>> -> memref<4x2x1024xf32, #tpu.memory_space<hbm>>
    %dma_wait3A_513 = arith.constant 0 : i32
    %dma_wait3A_514 = arith.constant 0 : i32
    %dma_wait3A_515 = arith.constant 0 : i32
    %dma_wait3A_516 = tpu.memref_slice %arg5[%dma_wait3A_498, %dma_wait3A_513, %dma_wait3A_514, %dma_wait3A_515] : memref<12x4x2x1024xf32, #tpu.memory_space<vmem>> -> memref<1x4x2x1024xf32, #tpu.memory_space<vmem>>
    %dma_wait3A_517 = tpu.memref_squeeze %dma_wait3A_516 : memref<1x4x2x1024xf32, #tpu.memory_space<vmem>> -> memref<4x2x1024xf32, #tpu.memory_space<vmem>>
    tpu.wait_dma2 semaphore(%dma_wait3A_509 : memref<!tpu.dma_semaphore, #tpu.memory_space<semaphore_mem>>) src(%dma_wait3A_517 : memref<4x2x1024xf32, #tpu.memory_space<vmem>>) dst(%dma_wait3A_512 : memref<4x2x1024xf32, #tpu.memory_space<hbm>>)
    return
  }
}

</mosaic_0001>

<sc_bundles>
// kernel: kernel.3.cloned.1.call-start
scs
__scs_entry_jumppad:
0x0: {  	(pc) =	sbr.rel $0x88, $3  }
0x1: {  	(tag) =	ssettag $0x0;
	lr =	simm.s32 $0x1  }
0x2: {  	[smem:$0x3F9F] =	sst lr;
	_ =	strace $0xD0000000  }
0x3: {  	_ = 	snop  }
0x4: {  	_ = 	snop  }
0x5: {  	_ = 	snop  }
0x6: {  	_ = 	snop  }
0x7: {  	_ = 	snop  }
__scs_overlays_trampoline_lowered:
0x8: {  	[smem:$0x3FAE] =	sst s0  }
0x9: {  	[smem:$0x3FAF] =	sst s1  }
0xa: {  	[smem:$0x3FB0] =	sst s2  }
0xb: {  	[smem:$0x3FB1] =	sst s3  }
0xc: {  	[smem:$0x3FB2] =	sst s4  }
0xd: {  	[smem:$0x3FB3] =	sst s5  }
0xe: {  	[smem:$0x3FB4] =	sst s6  }
0xf: {  	[smem:$0x3FB5] =	sst s7  }
0x10: {  	[smem:$0x3FB6] =	sst s8  }
0x11: {  	[smem:$0x3FB7] =	sst s9;
	s0 =	simm.s32 @!p0 $0x0  }
0x12: {  	s1 =	sld [smem:$0x3F9D];
	s0 =	simm.s32 @p0 $0x1  }
0x13: {  	[smem:$0x3FB8] =	sst s0;
	s0 =	simm.s32 @!p1 $0x0  }
0x14: {  	s2 =	sld [smem:$0x3F9C];
	s0 =	simm.s32 @p1 $0x1  }
0x15: {  	[smem:$0x3FB9] =	sst s0;
	s0 =	simm.s32 @!p2 $0x0  }
0x16: {  	s3 =	sld [smem:$0x3FDB];
	s0 =	simm.s32 @p2 $0x1  }
0x17: {  	s4 =	simm.s32 $0x1BF5;
	[smem:$0x3FBB] =	sst s0  }
0x18: {  	s0 =	sld [smem:$0x3F9E];
	_ =	swait.ge [sflag:s4], $0x0  }
0x19: {  	s7 =	sld [smem:$0x3F9F]  }
0x1a: {  	s8 =	sadd.s32 $0xFFFFE003, lr  }
0x1b: {  	s9 =	sadd.s32 $0xFFFFFEF7, lr;
	s5 =	simm.s32 $0xFFFFFFFF;
	p2 =	slt.u32 s8, $0xFFFFF086  }
0x1c: {  	p1 =	slt.u32 s9, $0xF7A;
	s5 =	simm.s32 @!p2 $0x0  }
0x1d: {  	s5 =	simm.s32 @p1 $0x1;
	p0 =	seq.s32 s7, s2  }
0x1e: {  	s7 =	smul.u32 @!p0 $0xF7A, s2;
	p2 =	seq.s32 @!p0 s5, $0x0  }
0x1f: {  	s9 =	smul.u32 $0xF7A, s1;
	s8 =	simm.s32 @!p0 $0x1BF5;
	p2 =	por !p2, p0  }
0x20: {  	[sflag:s8] =	ssyncset.s32 @!p0 $0xFFFFF086;
	s6 =	sadd.s32 @!p0 s3, s7;
	s7 =	simm.s32 @!p0 $0x108  }
0x21: {  	s3 =	sadd.s32 s3, s9;
	s6 =	sadd.s32 @!p0 $0x88, s6;
	s7 =	simm.s32 @p2 $0x1082  }
0x22: {  	[simem:s7], [sflag:s8] =	dma.local @!p0 [hbm:s6], $0xF7A  }
0x23: {  	s9 =	sor.u32 $0xD0000000, s2;
	s6 =	simm.s32 $0x108;
	_ =	swait.ge @!p0 [sflag:s8], $0x0  }
0x24: {  	s3 =	sadd.s32 $0x88, s3;
	s6 =	simm.s32 @!p1 $0x1082;
	[sflag:s4] =	ssyncset.s32 $0xFFFFF086  }
0x25: {  	[simem:s6], [sflag:s4] =	dma.local [hbm:s3], $0xF7A  }
0x26: {  	[smem:$0x3F9F] =	sst s1;
	(tag) =	ssettag s2;
	_ =	strace s9  }
0x27: {  	s1 =	sld [smem:$0x3FAF]  }
0x28: {  	s2 =	sld [smem:$0x3FB0]  }
0x29: {  	s4 =	sld [smem:$0x3FB2]  }
0x2a: {  	p0 =	seq.s32 s5, $0x0;
	s5 =	sld [smem:$0x3FB3]  }
0x2b: {  	s6 =	sld [smem:$0x3FB4]  }
0x2c: {  	s7 =	sld [smem:$0x3FB5]  }
0x2d: {  	s3 =	simm.s32 $0x108;
	s8 =	sld [smem:$0x3FB6]  }
0x2e: {  	s3 =	simm.s32 @!p0 $0x1082;
	s9 =	sld [smem:$0x3FB7]  }
0x2f: {  	lr =	sadd.s32 s0, s3;
	s0 =	sld [smem:$0x3FAE]  }
0x30: {  	s3 =	sld [smem:$0x3FB1]  }
0x31: {  	[smem:$0x3FBA] =	sst s10  }
0x32: {  	s10 =	sld [smem:$0x3FB8];
	_ =	sdelay $0x3  }
0x33: {  	p0 =	seq.s32 s10, $0x1;
	s10 =	sld [smem:$0x3FBA];
	_ =	sdelay $0x3  }
0x34: {  	[smem:$0x3FBA] =	sst s10  }
0x35: {  	s10 =	sld [smem:$0x3FB9];
	_ =	sdelay $0x3  }
0x36: {  	p1 =	seq.s32 s10, $0x1;
	s10 =	sld [smem:$0x3FBA];
	_ =	sdelay $0x3  }
0x37: {  	[smem:$0x3FBA] =	sst s10  }
0x38: {  	s10 =	sld [smem:$0x3FBB]  }
0x39: {  	_ = 	snop;
	(pc) =	sbr.ind lr, $3  }
0x3a: {  	_ = 	snop  }
0x3b: {  	_ = 	snop  }
0x3c: {  	p2 =	seq.s32 s10, $0x1;
	s10 =	sld [smem:$0x3FBA]  }
0x3d: {  	_ =	shalt  }
0x3e: {  	_ =	shalt  }
0x3f: {  	_ =	shalt  }
0x40: {  	_ =	shalt  }
0x41: {  	_ =	shalt  }
0x42: {  	_ =	shalt  }
0x43: {  	_ =	shalt  }
0x44: {  	_ =	shalt  }
0x45: {  	_ =	shalt  }
0x46: {  	_ =	shalt  }
0x47: {  	_ =	shalt  }
0x48: {  	_ =	shalt  }
0x49: {  	_ =	shalt  }
0x4a: {  	_ =	shalt  }
0x4b: {  	_ =	shalt  }
0x4c: {  	_ =	shalt  }
0x4d: {  	_ =	shalt  }
0x4e: {  	_ =	shalt  }
0x4f: {  	_ =	shalt  }
0x50: {  	_ =	shalt  }
0x51: {  	_ =	shalt  }
0x52: {  	_ =	shalt  }
0x53: {  	_ =	shalt  }
0x54: {  	_ =	shalt  }
0x55: {  	_ =	shalt  }
0x56: {  	_ =	shalt  }
0x57: {  	_ =	shalt  }
0x58: {  	_ =	shalt  }
0x59: {  	_ =	shalt  }
0x5a: {  	_ =	shalt  }
0x5b: {  	_ =	shalt  }
0x5c: {  	_ =	shalt  }
0x5d: {  	_ =	shalt  }
0x5e: {  	_ =	shalt  }
0x5f: {  	_ =	shalt  }
0x60: {  	_ =	shalt  }
0x61: {  	_ =	shalt  }
0x62: {  	_ =	shalt  }
0x63: {  	_ =	shalt  }
0x64: {  	_ =	shalt  }
0x65: {  	_ =	shalt  }
0x66: {  	_ =	shalt  }
0x67: {  	_ =	shalt  }
0x68: {  	_ =	shalt  }
0x69: {  	_ =	shalt  }
0x6a: {  	_ =	shalt  }
0x6b: {  	_ =	shalt  }
0x6c: {  	_ =	shalt  }
0x6d: {  	_ =	shalt  }
0x6e: {  	_ =	shalt  }
0x6f: {  	_ =	shalt  }
0x70: {  	_ =	shalt  }
0x71: {  	_ =	shalt  }
0x72: {  	_ =	shalt  }
0x73: {  	_ =	shalt  }
0x74: {  	_ =	shalt  }
0x75: {  	_ =	shalt  }
0x76: {  	_ =	shalt  }
0x77: {  	_ =	shalt  }
0x78: {  	_ =	shalt  }
0x79: {  	_ =	shalt  }
0x7a: {  	_ =	shalt  }
0x7b: {  	_ =	shalt  }
0x7c: {  	_ =	shalt  }
0x7d: {  	_ =	shalt  }
0x7e: {  	_ =	shalt  }
0x7f: {  	_ =	shalt  }
0x80: {  	_ =	shalt  }
0x81: {  	_ =	shalt  }
0x82: {  	_ =	shalt  }
0x83: {  	_ =	shalt  }
0x84: {  	_ =	shalt  }
0x85: {  	_ =	shalt  }
0x86: {  	_ =	shalt  }
0x87: {  	_ =	shalt  }
.Lfunc_end0:
.L_simem_size_0:
called_computation_lowered:
.L_overlay_start_0:
0x88: {  	s2 =	sld [smem:$0x3FD9]  }
0x89: {  	s3 =	sld [smem:$0x3FFE];
	_ =	sdelay $0x1  }
0x8a: {  	s1 =	srdreg.scid  }
0x8b: {  	s0 =	sand.u32 $0x1, s1  }
0x8c: {  	s18 =	sshll.u32 s0, $0xA;
	s2 =	sadd.s32 s3, s2  }
0x8d: {  	s2 =	sadd.s32 s2, s18  }
0x8e: {  	[smem:$0x3FC6] =	sst s2  }
0x8f: {  	_ = 	snop  }
0x90: {  	s2 =	sld [smem:$0x3FC9]  }
0x91: {  	s19 =	sld [smem:$0x3FC8]  }
0x92: {  	s4 =	sld [smem:$0x3FD0];
	(tm) =	ssettm $0x1  }
0x93: {  	s5 =	sld [smem:$0x3FFB];
	_ =	sdelay $0x3  }
0x94: {  	_ =	strace s5  }
0x95: {  	s5 =	sld [smem:$0x3FFC];
	_ =	sdelay $0x3  }
0x96: {  	_ =	strace s5  }
0x97: {  	s5 =	sld [smem:$0x3FFD];
	_ =	sdelay $0x3  }
0x98: {  	_ =	strace s5  }
0x99: {  	_ =	strace $0x8FFFFFFF  }
0x9a: {  	s20 =	sld [smem:$0x3FDB];
	_ =	sdelay $0x1  }
0x9b: {  	s6 =	simm.s32 $_scs_section_size  }
0x9c: {  	s7 =	simm.s32 $_size__tile_overlayer_lowered;
	s8 =	simm.s32 $_tile_overlayer_lowered  }
0x9d: {  	s23 =	simm.s32 $0x1BFF;
	s22 =	sshll.u32 s8, $0x1;
	s5 =	sadd.s32 s6, s20  }
0x9e: {  	s9 =	simm.s32 $0x0;
	s21 =	sshll.u32 s7, $0x1;
	s7 =	sadd.s32 s22, s5  }
0x9f: {  	[timem:s9], [sflag:s23] =	dma.local [hbm:s7], s21  }
0xa0: {  	_ =	swait.ge [sflag:s23], s21  }
0xa1: {  	s6 =	ssub.s32 $0x0, s21;
	[sflag:s23] =	ssyncset.done $0x0  }
0xa2: {  	[sflag:s23] =	ssyncadd.s32 s6;
	_ =	sdelay $0x1  }
0xa3: {  	s24 =	simm.s32 $0x1B8B  }
0xa4: {  	_ =	swait.ge [sflag:s24], $0x1  }
0xa5: {  	[sflag:s24] =	ssyncset.done $0x0  }
0xa6: {  	s25 =	simm.s32 $0x1B8E;
	[sflag:s24] =	ssyncadd.s32 $0xFFFFFFFF  }
0xa7: {  	s26 =	simm.s32 $execute0_lowered;
	[smem:$0x3FD2] =	sst s25  }
0xa8: {  	s6 =	sshll.u32 s26, $0x1;
	_ =	strace $0x80000046;
	[dreg:$0x1] =	wrdreg $0xFFFFFFFF  }
0xa9: {  	s28 =	simm.s32 $_size_execute0_lowered;
	s5 =	sadd.s32 s5, s6;
	[dreg:$0x0] =	wrdreg $0x0  }
0xaa: {  	s6 =	sshll.u32 s28, $0x1;
	[dreg:$0x2] =	wrdreg s5  }
0xab: {  	[dreg:$0x3] =	wrdreg s6  }
0xac: {  	[dreg:$0x4] =	wrdreg $0xC0  }
0xad: {  	_ =	task [dreg:s9], $0x5FFFF  }
0xae: {  	[dreg:$0x1] =	wrdreg $0xFFFFFFFF  }
0xaf: {  	[dreg:$0x0] =	wrdreg $0x60  }
0xb0: {  	[dreg:$0x2] =	wrdreg s2  }
0xb1: {  	[dreg:$0x3] =	wrdreg s19  }
0xb2: {  	[dreg:$0x4] =	wrdreg s4  }
0xb3: {  	[dreg:$0x5] =	wrdreg $0x9  }
0xb4: {  	_ =	task.clear_ibuf [dreg:s9], $0x6FFFF;
	_ =	strace $0x90000046  }
0xb5: {  	s29 =	simm.s32 $0x9;
	_ =	strace $0x80000048  }
0xb6: {  	_ =	swait.ge [sflag:s29], $0x1  }
0xb7: {  	[sflag:s29] =	ssyncadd.s32 $0xFFFFFFFF  }
0xb8: {  	_ =	strace $0x90000048  }
0xb9: {  	_ =	sfence  }
0xba: {  	s30 =	sld [smem:$0x0];
	_ =	sdelay $0x2  }
0xbb: {  	s31 =	sshll.u32 s1, $0xD;
	s1 =	sshrl.u32 s1, $0x2  }
0xbc: {  	s3 =	sand.u32 $0x4000, s31;
	s1 =	sadd.s32 s1, s30  }
0xbd: {  	s0 =	sor.u32 s3, s0;
	s1 =	sshll.u32 s1, $0x11  }
0xbe: {  	s0 =	sor.u32 s1, s0  }
0xbf: {  	s0 =	sadd.s32 $0x8F2B, s0  }
0xc0: {  	[sflag:s0] =	ssyncadd.remote.s32 $0x1  }
0xc1: {  	_ =	sfence.sel $0xFFFF  }
0xc2: {  	[dreg:$0x0] =	wrdreg $0xFFFFFFFF;
	(pc) =	sbr.abs _section_cstart, $3  }
0xc3: {  	[dreg:$0x1] =	wrdreg $0xFFFFFFFF  }
0xc4: {  	_ =	task.clear_ibuf [dreg:s9], $0x2FFFF;
	_ =	strace $0x9FFFFFFF  }
0xc5: {  	(tm) =	ssettm $0x7FFFFFFF  }
tec
execute0_lowered:
.L_overlay_start_1:
0x0: {  	(tag) =	ssettag $0x1  }
0x1: {  	s1 =	rddreg [dreg:$0x0]  }
0x2: {  	s2 =	rddreg [dreg:$0x1]  }
0x3: {  	s0 =	srdreg.scid;
	s5 =	stileid.u32  }
0x4: {  	s6 =	simm.s32 $0x0;
	s0 =	sand.u32 $0x1, s0;
	s5 =	sshll.u32 s5, $0xF  }
0x5: {  	[smem:$0x7FF] =	sst s6;
	s3 =	ssub.s32 $0x2, s0;
	s0 =	sshll.u32 s0, $0xE  }
0x6: {  	s4 =	rddreg [dreg:$0x2];
	_ =	strace $0x80000047;
	s6 =	sor.u32 s0, s5  }
0x7: {  	s7 =	sshrl.u32 s3, $0x1;
	s12 =	sor.u32 $0x20, s6;
	s5 =	sadd.s32 s2, s6  }
0x8: {  	s15 =	sor.u32 $0x40, s6;
	[dreg:$0x4] =	wrdreg s5;
	s13 =	sadd.s32 s2, s12  }
0x9: {  	s16 =	sor.u32 $0x60, s6;
	s9 =	sadd.s32 s2, s15;
	[dreg:$0x5] =	wrdreg s13  }
0xa: {  	s8 =	sadd.s32 s1, s6;
	s17 =	sadd.s32 s2, s16;
	[dreg:$0x7] =	wrdreg s9  }
0xb: {  	s11 =	ssub.s32 s3, s7;
	s18 =	sadd.s32 $0x420, s8;
	[dreg:$0x9] =	wrdreg s17  }
0xc: {  	s0 =	smax.u32 s11, $0x1;
	[dreg:$0xb] =	wrdreg s18  }
0xd: {  	s19 =	sadd.s32 $0x80000, s8;
	[dreg:$0xc] =	wrdreg s0  }
0xe: {  	s20 =	sadd.s32 $0x100000, s8;
	[dreg:$0xd] =	wrdreg s19  }
0xf: {  	s21 =	sadd.s32 $0x180000, s8;
	[dreg:$0xe] =	wrdreg s20  }
0x10: {  	s14 =	sadd.s32 s1, s12;
	[dreg:$0xf] =	wrdreg s21  }
0x11: {  	s3 =	sadd.s32 s1, s15;
	[dreg:$0x6] =	wrdreg s14  }
0x12: {  	s5 =	sadd.s32 s1, s16;
	[dreg:$0x8] =	wrdreg s3  }
0x13: {  	s12 =	sadd.s32 $0x400, s8;
	[dreg:$0xa] =	wrdreg s5  }
0x14: {  	s15 =	sadd.s32 $0x80400, s8;
	[dreg:$0x19] =	wrdreg s12  }
0x15: {  	s16 =	sadd.s32 $0x80420, s8;
	[dreg:$0x1c] =	wrdreg s15  }
0x16: {  	s22 =	sadd.s32 $0x80000, s14;
	[dreg:$0x1d] =	wrdreg s16  }
0x17: {  	s23 =	sadd.s32 $0x100000, s14;
	[dreg:$0x10] =	wrdreg s22  }
0x18: {  	s24 =	sadd.s32 $0x180000, s14;
	[dreg:$0x11] =	wrdreg s23  }
0x19: {  	s25 =	sadd.s32 $0x80000, s3;
	[dreg:$0x12] =	wrdreg s24  }
0x1a: {  	s26 =	sadd.s32 $0x100000, s3;
	[dreg:$0x13] =	wrdreg s25  }
0x1b: {  	s7 =	sadd.s32 $0x180000, s3;
	[dreg:$0x14] =	wrdreg s26  }
0x1c: {  	s9 =	sadd.s32 $0x80000, s5;
	[dreg:$0x15] =	wrdreg s7  }
0x1d: {  	s10 =	sadd.s32 $0x100000, s5;
	[dreg:$0x16] =	wrdreg s9  }
0x1e: {  	s11 =	sadd.s32 $0x180000, s5;
	[dreg:$0x17] =	wrdreg s10  }
0x1f: {  	s28 =	simm.s32 $0x14;
	s13 =	sadd.s32 $0x100400, s8;
	[dreg:$0x18] =	wrdreg s11  }
0x20: {  	s29 =	simm.s32 $0x15;
	s14 =	sadd.s32 $0x180400, s8;
	[dreg:$0x1a] =	wrdreg s13  }
0x21: {  	s30 =	simm.s32 $0x16;
	s17 =	sadd.s32 $0x100420, s8;
	[dreg:$0x1b] =	wrdreg s14  }
0x22: {  	s31 =	simm.s32 $0x17;
	s18 =	sadd.s32 $0x440, s8;
	[dreg:$0x1e] =	wrdreg s17  }
0x23: {  	s19 =	sadd.s32 $0x180420, s8;
	s20 =	sadd.s32 $0x100440, s8;
	[dreg:$0x1f] =	wrdreg s18  }
0x24: {  	s21 =	sadd.s32 $0x80440, s8;
	s0 =	simm.s32 $0x18;
	[smem:$0x7F6] =	sst s19  }
0x25: {  	s3 =	simm.s32 $0xD;
	s5 =	simm.s32 $0xE;
	[smem:$0x7F7] =	sst s20  }
0x26: {  	[smem:$0x7F8] =	sst s21;
	s22 =	sadd.s32 $0x180440, s8;
	s23 =	sadd.s32 $0x80460, s8  }
0x27: {  	s24 =	sadd.s32 $0x460, s8;
	s25 =	sadd.s32 $0x100460, s8;
	[smem:$0x7F9] =	sst s22  }
.Ltmp0:
0x28: {  	s26 =	sadd.s32 $0x180460, s8;
	[smem:$0x7FA] =	sst s23;
	(pc) =	sbr.rel .LBB2_1-.Ltmp0, $4  }
0x29: {  	s21 =	sor.u32 $0x400, s6;
	s7 =	simm.s32 $0xF;
	[smem:$0x7FB] =	sst s24  }
0x2a: {  	s9 =	simm.s32 $0x10;
	s11 =	simm.s32 $0x0;
	[smem:$0x7FC] =	sst s25  }
0x2b: {  	[smem:$0x7FD] =	sst s26;
	s22 =	simm.s32 $0x100;
	s23 =	simm.s32 $0x400  }
0x2c: {  	s24 =	simm.s32 $0x11;
	s25 =	simm.s32 $0x12;
	s26 =	simm.s32 $0x13  }
.LBB2_9:
0x2d: {  	_ =	swait.ge [sflag:s24], $0x2000  }
0x2e: {  	[sflag:s24] =	ssyncset.done $0x0  }
0x2f: {  	[sflag:s24] =	ssyncadd.s32 $0xFFFFE000  }
0x30: {  	_ =	swait.ge [sflag:s25], $0x2000  }
0x31: {  	[sflag:s25] =	ssyncset.done $0x0  }
0x32: {  	[sflag:s25] =	ssyncadd.s32 $0xFFFFE000  }
0x33: {  	_ =	swait.ge [sflag:s26], $0x2000  }
0x34: {  	[sflag:s26] =	ssyncset.done $0x0  }
0x35: {  	[sflag:s26] =	ssyncadd.s32 $0xFFFFE000  }
0x36: {  	_ =	swait.ge [sflag:s28], $0x2000  }
0x37: {  	[sflag:s28] =	ssyncset.done $0x0  }
0x38: {  	[sflag:s28] =	ssyncadd.s32 $0xFFFFE000  }
0x39: {  	_ =	swait.ge [sflag:s29], $0x2000  }
0x3a: {  	[sflag:s29] =	ssyncset.done $0x0  }
0x3b: {  	[sflag:s29] =	ssyncadd.s32 $0xFFFFE000  }
0x3c: {  	_ =	swait.ge [sflag:s30], $0x2000  }
0x3d: {  	[sflag:s30] =	ssyncset.done $0x0  }
0x3e: {  	[sflag:s30] =	ssyncadd.s32 $0xFFFFE000  }
0x3f: {  	_ =	swait.ge [sflag:s31], $0x2000  }
0x40: {  	[sflag:s31] =	ssyncset.done $0x0  }
0x41: {  	[sflag:s31] =	ssyncadd.s32 $0xFFFFE000  }
0x42: {  	_ =	swait.ge [sflag:s0], $0x2000  }
0x43: {  	[sflag:s0] =	ssyncset.done $0x0  }
0x44: {  	[sflag:s0] =	ssyncadd.s32 $0xFFFFE000  }
0x45: {  	_ =	swait.ge [sflag:s3], $0x2000  }
0x46: {  	[sflag:s3] =	ssyncset.done $0x0  }
0x47: {  	[sflag:s3] =	ssyncadd.s32 $0xFFFFE000  }
0x48: {  	_ =	swait.ge [sflag:s5], $0x2000  }
0x49: {  	[sflag:s5] =	ssyncset.done $0x0  }
0x4a: {  	[sflag:s5] =	ssyncadd.s32 $0xFFFFE000  }
0x4b: {  	_ =	swait.ge [sflag:s7], $0x2000  }
0x4c: {  	[sflag:s7] =	ssyncset.done $0x0  }
0x4d: {  	[sflag:s7] =	ssyncadd.s32 $0xFFFFE000  }
0x4e: {  	_ =	swait.ge [sflag:s9], $0x2000  }
0x4f: {  	s11 =	sadd.s32 $0x1, s11;
	s10 =	rddreg [dreg:$0xc]  }
0x50: {  	p0 =	sne.s32 s11, s10  }
.Ltmp1:
0x51: {  	_ = 	snop;
	(pc) =	sbr.rel @!p0 .LBB2_10-.Ltmp1, $3  }
0x52: {  	_ =	sdelay $0x1  }
0x53: {  	[sflag:s9] =	ssyncset.done $0x0  }
0x54: {  	[sflag:s9] =	ssyncadd.s32 $0xFFFFE000  }
.LBB2_1:
0x55: {  	s10 =	rddreg [dreg:$0x4];
	s12 =	simm.s32 $0x18000  }
0x56: {  	[tilespmem:s12], [sflag:$0x19] =	stream.strided.gather [hbm4b:s10+s22], $0x800, s23, s22, $0x38;
	[tilespmem:$0x1A000] =	vst v63  }
0x57: {  	s16 =	simm.s32 $0x0;
	s17 =	rddreg [dreg:$0xd]  }
0x58: {  	[tilespmem:s16], [sflag:$0x1] =	stream.strided.gather [hbm4b:s8+s22], $0x800, s23, s22, $0x38;
	[tilespmem:$0x1A000] =	vst v63  }
0x59: {  	s18 =	simm.s32 $0x800;
	s19 =	rddreg [dreg:$0xe]  }
0x5a: {  	[tilespmem:s18], [sflag:$0x1] =	stream.strided.gather [hbm4b:s17+s22], $0x800, s23, s22, $0x38;
	[tilespmem:$0x1A000] =	vst v63  }
0x5b: {  	s20 =	simm.s32 $0x1000;
	s13 =	rddreg [dreg:$0xf]  }
0x5c: {  	[tilespmem:s20], [sflag:$0x1] =	stream.strided.gather [hbm4b:s19+s22], $0x800, s23, s22, $0x38;
	[tilespmem:$0x1A000] =	vst v63  }
0x5d: {  	s14 =	simm.s32 $0x1800;
	s15 =	rddreg [dreg:$0x5]  }
0x5e: {  	[tilespmem:s14], [sflag:$0x1] =	stream.strided.gather [hbm4b:s13+s22], $0x800, s23, s22, $0x38;
	[tilespmem:$0x1A000] =	vst v63  }
0x5f: {  	s16 =	simm.s32 $0x18800;
	s17 =	rddreg [dreg:$0x6]  }
0x60: {  	[tilespmem:s16], [sflag:$0x1A] =	stream.strided.gather [hbm4b:s15+s22], $0x800, s23, s22, $0x38;
	[tilespmem:$0x1A000] =	vst v63  }
0x61: {  	s18 =	simm.s32 $0x2000;
	s19 =	rddreg [dreg:$0x10]  }
0x62: {  	[tilespmem:s18], [sflag:$0x2] =	stream.strided.gather [hbm4b:s17+s22], $0x800, s23, s22, $0x38;
	[tilespmem:$0x1A000] =	vst v63  }
0x63: {  	s20 =	simm.s32 $0x2800;
	s13 =	rddreg [dreg:$0x11]  }
0x64: {  	[tilespmem:s20], [sflag:$0x2] =	stream.strided.gather [hbm4b:s19+s22], $0x800, s23, s22, $0x38;
	[tilespmem:$0x1A000] =	vst v63  }
0x65: {  	s14 =	simm.s32 $0x3000;
	s15 =	rddreg [dreg:$0x12]  }
0x66: {  	[tilespmem:s14], [sflag:$0x2] =	stream.strided.gather [hbm4b:s13+s22], $0x800, s23, s22, $0x38;
	[tilespmem:$0x1A000] =	vst v63  }
0x67: {  	s16 =	simm.s32 $0x3800;
	s17 =	rddreg [dreg:$0x7]  }
0x68: {  	[tilespmem:s16], [sflag:$0x2] =	stream.strided.gather [hbm4b:s15+s22], $0x800, s23, s22, $0x38;
	[tilespmem:$0x1A000] =	vst v63  }
0x69: {  	s18 =	simm.s32 $0x19000;
	s19 =	rddreg [dreg:$0x8]  }
0x6a: {  	[tilespmem:s18], [sflag:$0x1B] =	stream.strided.gather [hbm4b:s17+s22], $0x800, s23, s22, $0x38;
	[tilespmem:$0x1A000] =	vst v63  }
0x6b: {  	s20 =	simm.s32 $0x4000;
	s13 =	rddreg [dreg:$0x13]  }
0x6c: {  	[tilespmem:s20], [sflag:$0x3] =	stream.strided.gather [hbm4b:s19+s22], $0x800, s23, s22, $0x38;
	[tilespmem:$0x1A000] =	vst v63  }
0x6d: {  	s14 =	simm.s32 $0x4800;
	s15 =	rddreg [dreg:$0x14]  }
0x6e: {  	[tilespmem:s14], [sflag:$0x3] =	stream.strided.gather [hbm4b:s13+s22], $0x800, s23, s22, $0x38;
	[tilespmem:$0x1A000] =	vst v63  }
0x6f: {  	s16 =	simm.s32 $0x5000;
	s17 =	rddreg [dreg:$0x15]  }
0x70: {  	[tilespmem:s16], [sflag:$0x3] =	stream.strided.gather [hbm4b:s15+s22], $0x800, s23, s22, $0x38;
	[tilespmem:$0x1A000] =	vst v63  }
0x71: {  	s18 =	simm.s32 $0x5800;
	s19 =	rddreg [dreg:$0x9]  }
0x72: {  	[tilespmem:s18], [sflag:$0x3] =	stream.strided.gather [hbm4b:s17+s22], $0x800, s23, s22, $0x38;
	[tilespmem:$0x1A000] =	vst v63  }
0x73: {  	s20 =	simm.s32 $0x19800;
	s13 =	rddreg [dreg:$0xa]  }
0x74: {  	[tilespmem:s20], [sflag:$0x1C] =	stream.strided.gather [hbm4b:s19+s22], $0x800, s23, s22, $0x38;
	[tilespmem:$0x1A000] =	vst v63  }
0x75: {  	s14 =	simm.s32 $0x6000;
	s15 =	rddreg [dreg:$0x16]  }
0x76: {  	[tilespmem:s14], [sflag:$0x4] =	stream.strided.gather [hbm4b:s13+s22], $0x800, s23, s22, $0x38;
	[tilespmem:$0x1A000] =	vst v63  }
0x77: {  	s16 =	simm.s32 $0x6800;
	s17 =	rddreg [dreg:$0x17]  }
0x78: {  	[tilespmem:s16], [sflag:$0x4] =	stream.strided.gather [hbm4b:s15+s22], $0x800, s23, s22, $0x38;
	[tilespmem:$0x1A000] =	vst v63  }
0x79: {  	s18 =	simm.s32 $0x7000;
	s19 =	rddreg [dreg:$0x18]  }
0x7a: {  	[tilespmem:s18], [sflag:$0x4] =	stream.strided.gather [hbm4b:s17+s22], $0x800, s23, s22, $0x38;
	[tilespmem:$0x1A000] =	vst v63  }
0x7b: {  	s20 =	simm.s32 $0x7800;
	s13 =	rddreg [dreg:$0x19]  }
0x7c: {  	[tilespmem:s20], [sflag:$0x4] =	stream.strided.gather [hbm4b:s19+s22], $0x800, s23, s22, $0x38;
	[tilespmem:$0x1A000] =	vst v63  }
0x7d: {  	s14 =	simm.s32 $0x8000;
	s15 =	rddreg [dreg:$0x1c]  }
0x7e: {  	[tilespmem:s14], [sflag:$0x5] =	stream.strided.gather [hbm4b:s13+s22], $0x800, s23, s22, $0x38;
	[tilespmem:$0x1A000] =	vst v63  }
0x7f: {  	s16 =	simm.s32 $0x8800;
	s17 =	rddreg [dreg:$0x1a]  }
0x80: {  	[tilespmem:s16], [sflag:$0x5] =	stream.strided.gather [hbm4b:s15+s22], $0x800, s23, s22, $0x38;
	[tilespmem:$0x1A000] =	vst v63  }
0x81: {  	s18 =	simm.s32 $0x9000;
	s19 =	rddreg [dreg:$0x1b]  }
0x82: {  	[tilespmem:s18], [sflag:$0x5] =	stream.strided.gather [hbm4b:s17+s22], $0x800, s23, s22, $0x38;
	[tilespmem:$0x1A000] =	vst v63  }
0x83: {  	s20 =	simm.s32 $0x9800;
	s13 =	rddreg [dreg:$0xb]  }
0x84: {  	[tilespmem:s20], [sflag:$0x5] =	stream.strided.gather [hbm4b:s19+s22], $0x800, s23, s22, $0x38;
	[tilespmem:$0x1A000] =	vst v63  }
0x85: {  	s14 =	simm.s32 $0xA000;
	s15 =	rddreg [dreg:$0x1d]  }
0x86: {  	[tilespmem:s14], [sflag:$0x6] =	stream.strided.gather [hbm4b:s13+s22], $0x800, s23, s22, $0x38;
	[tilespmem:$0x1A000] =	vst v63  }
0x87: {  	s16 =	simm.s32 $0xA800;
	s17 =	rddreg [dreg:$0x1e]  }
0x88: {  	[tilespmem:s16], [sflag:$0x6] =	stream.strided.gather [hbm4b:s15+s22], $0x800, s23, s22, $0x38;
	[tilespmem:$0x1A000] =	vst v63  }
0x89: {  	s18 =	simm.s32 $0xB000;
	s19 =	sld [smem:$0x7F6]  }
0x8a: {  	[tilespmem:s18], [sflag:$0x6] =	stream.strided.gather [hbm4b:s17+s22], $0x800, s23, s22, $0x38;
	[tilespmem:$0x1A000] =	vst v63  }
0x8b: {  	s20 =	simm.s32 $0xB800;
	s13 =	rddreg [dreg:$0x1f]  }
0x8c: {  	[tilespmem:s20], [sflag:$0x6] =	stream.strided.gather [hbm4b:s19+s22], $0x800, s23, s22, $0x38;
	[tilespmem:$0x1A000] =	vst v63  }
0x8d: {  	s14 =	simm.s32 $0xC000;
	s15 =	sld [smem:$0x7F8]  }
0x8e: {  	[tilespmem:s14], [sflag:$0x7] =	stream.strided.gather [hbm4b:s13+s22], $0x800, s23, s22, $0x38;
	[tilespmem:$0x1A000] =	vst v63  }
0x8f: {  	s16 =	simm.s32 $0xC800;
	s17 =	sld [smem:$0x7F7]  }
0x90: {  	[tilespmem:s16], [sflag:$0x7] =	stream.strided.gather [hbm4b:s15+s22], $0x800, s23, s22, $0x38;
	[tilespmem:$0x1A000] =	vst v63  }
0x91: {  	s18 =	simm.s32 $0xD000;
	s19 =	sld [smem:$0x7F9]  }
0x92: {  	[tilespmem:s18], [sflag:$0x7] =	stream.strided.gather [hbm4b:s17+s22], $0x800, s23, s22, $0x38;
	[tilespmem:$0x1A000] =	vst v63  }
0x93: {  	s20 =	simm.s32 $0xD800;
	s13 =	sld [smem:$0x7FB]  }
0x94: {  	[tilespmem:s20], [sflag:$0x7] =	stream.strided.gather [hbm4b:s19+s22], $0x800, s23, s22, $0x38;
	[tilespmem:$0x1A000] =	vst v63  }
0x95: {  	s14 =	simm.s32 $0xE000;
	s15 =	sld [smem:$0x7FA]  }
0x96: {  	[tilespmem:s14], [sflag:$0x8] =	stream.strided.gather [hbm4b:s13+s22], $0x800, s23, s22, $0x38;
	[tilespmem:$0x1A000] =	vst v63  }
0x97: {  	s16 =	simm.s32 $0xE800;
	s17 =	sld [smem:$0x7FC]  }
0x98: {  	[tilespmem:s16], [sflag:$0x8] =	stream.strided.gather [hbm4b:s15+s22], $0x800, s23, s22, $0x38;
	[tilespmem:$0x1A000] =	vst v63  }
.Ltmp2:
0x99: {  	_ = 	snop;
	(pc) =	sbr.rel .LBB2_2-.Ltmp2, $4  }
0x9a: {  	s18 =	simm.s32 $0xF000;
	s19 =	sld [smem:$0x7FD]  }
0x9b: {  	[tilespmem:s18], [sflag:$0x8] =	stream.strided.gather [hbm4b:s17+s22], $0x800, s23, s22, $0x38;
	[tilespmem:$0x1A000] =	vst v63  }
0x9c: {  	s20 =	simm.s32 $0xF800;
	s13 =	simm.s32 $0x0  }
0x9d: {  	[tilespmem:s20], [sflag:$0x8] =	stream.strided.gather [hbm4b:s19+s22], $0x800, s23, s22, $0x38;
	[tilespmem:$0x1A000] =	vst v63  }
.LBB2_5:
0x9e: {  	s10 =	sadd.s32 $0x8, s13  }
0x9f: {  	s12 =	smul.u32 $0xAB, s10;
	_ =	sdelay $0x1  }
0xa0: {  	s12 =	sshrl.u32 s12, $0xB  }
0xa1: {  	s12 =	sand.u32 $0x1F, s12  }
0xa2: {  	s12 =	smul.u32 $0xC, s12;
	_ =	sdelay $0x1  }
0xa3: {  	s12 =	ssub.s32 s10, s12  }
0xa4: {  	p0 =	slt.u32 s13, $0x4;
	s12 =	sand.u32 $0xFF, s12  }
0xa5: {  	s10 =	sshll.u32 s10, $0x8;
	s14 =	sadd.s32 @!p0 $0xD, s12  }
0xa6: {  	s18 =	sadd.s32 s1, s20;
	s10 =	sadd.s32 s6, s10;
	_ =	swait.ge @!p0 [sflag:s14], $0x2000  }
0xa7: {  	s10 =	sand.u32 $0xFFC00, s10;
	s17 =	sadd.s32 $0x1, s12;
	[sflag:s14] =	ssyncset.done @!p0 $0x0  }
0xa8: {  	s12 =	sshll.u32 s12, $0xD;
	s10 =	sadd.s32 s10, s18;
	[sflag:s14] =	ssyncadd.s32 @!p0 $0xFFFFE000  }
0xa9: {  	[tilespmem:s12], [sflag:s17] =	stream.strided.gather [hbm4b:s10+s22], $0x800, s23, s22, $0x38;
	[tilespmem:$0x1A000] =	vst v63  }
0xaa: {  	s18 =	sor.u32 $0x800, s12;
	s14 =	sadd.s32 $0x80000, s10  }
0xab: {  	[tilespmem:s18], [sflag:s17] =	stream.strided.gather [hbm4b:s14+s22], $0x800, s23, s22, $0x38;
	[tilespmem:$0x1A000] =	vst v63  }
0xac: {  	s14 =	sadd.s32 $0x100000, s10;
	s18 =	sor.u32 $0x1000, s12  }
0xad: {  	[tilespmem:s18], [sflag:s17] =	stream.strided.gather [hbm4b:s14+s22], $0x800, s23, s22, $0x38;
	[tilespmem:$0x1A000] =	vst v63  }
0xae: {  	s10 =	sadd.s32 $0x180000, s10;
	s12 =	sor.u32 $0x1800, s12  }
0xaf: {  	[tilespmem:s12], [sflag:s17] =	stream.strided.gather [hbm4b:s10+s22], $0x800, s23, s22, $0x38;
	[tilespmem:$0x1A000] =	vst v63  }
.LBB2_7:
0xb0: {  	s10 =	sadd.s32 s21, s19  }
0xb1: {  	s12 =	sadd.s32 s2, s20;
	s10 =	sand.u32 $0xFFC00, s10  }
0xb2: {  	s10 =	sadd.s32 s10, s12  }
0xb3: {  	[tilespmem:s16], [sflag:s15] =	stream.strided.gather [hbm4b:s10+s22], $0x800, s23, s22, $0x38;
	[tilespmem:$0x1A000] =	vst v63  }
.LBB2_8:
0xb4: {  	s13 =	sadd.s32 $0x1, s13  }
0xb5: {  	p0 =	sne.s32 s13, $0x40  }
.Ltmp3:
0xb6: {  	_ = 	snop;
	(pc) =	sbr.rel @!p0 .LBB2_9-.Ltmp3, $1  }
0xb7: {  	_ =	sdelay $0x3  }
.LBB2_2:
0xb8: {  	s15 =	smul.u32 $0xAB, s13;
	_ =	sdelay $0x1  }
0xb9: {  	s15 =	sshrl.u32 s15, $0xB  }
0xba: {  	s15 =	sand.u32 $0x1F, s15  }
0xbb: {  	s18 =	sand.u32 $0x3, s13;
	s16 =	smul.u32 $0xC, s15  }
0xbc: {  	s15 =	sadd.s32 $0x19, s18  }
0xbd: {  	_ =	swait.ge [sflag:s15], $0x800;
	s16 =	ssub.s32 s13, s16  }
0xbe: {  	[sflag:s15] =	ssyncset.done $0x0;
	s17 =	sand.u32 $0xFF, s16  }
0xbf: {  	[sflag:s15] =	ssyncadd.s32 $0xFFFFF800;
	s16 =	sadd.s32 $0x1, s17  }
0xc0: {  	_ =	swait.ge [sflag:s16], $0x2000  }
0xc1: {  	s18 =	sshll.u32 s18, $0xB;
	[sflag:s16] =	ssyncset.done $0x0  }
0xc2: {  	[sflag:s16] =	ssyncadd.s32 $0xFFFFE000;
	s16 =	sor.u32 $0x18000, s18  }
0xc3: {  	v0 =	vmov s16;
	_ =	sdelay $0x3  }
0xc4: {  	s20 =	simm.s32 $0x0;
	p0 =	por $0x1, $0x1;
	s18 =	sshll.u32 s17, $0xD  }
.LBB2_3:
0xc5: {  	v1 =	vld.idx.msk [tilespmem:v0+s20+$0x0 ss:$0x1], $0xffff  }
0xc6: {  	v2 =	vld.idx.msk [tilespmem:v0+s20+$0x10 ss:$0x1], $0xffff  }
0xc7: {  	v3 =	vld.idx.msk [tilespmem:v0+s20+$0x20 ss:$0x1], $0xffff  }
0xc8: {  	v4 =	vld.idx.msk [tilespmem:v0+s20+$0x30 ss:$0x1], $0xffff  }
0xc9: {  	v5 =	vld.idx.msk [tilespmem:v0+s20+$0x40 ss:$0x1], $0xffff  }
0xca: {  	v6 =	vld.idx.msk [tilespmem:v0+s20+$0x50 ss:$0x1], $0xffff  }
0xcb: {  	v7 =	vld.idx.msk [tilespmem:v0+s20+$0x60 ss:$0x1], $0xffff  }
0xcc: {  	v8 =	vld.idx.msk [tilespmem:v0+s20+$0x70 ss:$0x1], $0xffff;
	s19 =	sadd.s32 s20, s18  }
0xcd: {  	[tilespmem:s19+$0x0] =	vst.add.f32.msk $0xffff, v1  }
0xce: {  	[tilespmem:s19+$0x10] =	vst.add.f32.msk $0xffff, v2  }
0xcf: {  	[tilespmem:s19+$0x20] =	vst.add.f32.msk $0xffff, v3  }
0xd0: {  	[tilespmem:s19+$0x30] =	vst.add.f32.msk $0xffff, v4  }
0xd1: {  	[tilespmem:s19+$0x40] =	vst.add.f32.msk $0xffff, v5  }
0xd2: {  	[tilespmem:s19+$0x50] =	vst.add.f32.msk $0xffff, v6  }
0xd3: {  	[tilespmem:s19+$0x60] =	vst.add.f32.msk $0xffff, v7  }
0xd4: {  	[tilespmem:s19+$0x70] =	vst.add.f32.msk $0xffff, v8  }
0xd5: {  	[tilespmem:s19+$0x800] =	vst.add.f32.msk $0xffff, v1  }
0xd6: {  	[tilespmem:s19+$0x810] =	vst.add.f32.msk $0xffff, v2  }
0xd7: {  	[tilespmem:s19+$0x820] =	vst.add.f32.msk $0xffff, v3  }
0xd8: {  	[tilespmem:s19+$0x830] =	vst.add.f32.msk $0xffff, v4  }
0xd9: {  	[tilespmem:s19+$0x840] =	vst.add.f32.msk $0xffff, v5  }
0xda: {  	[tilespmem:s19+$0x850] =	vst.add.f32.msk $0xffff, v6  }
0xdb: {  	[tilespmem:s19+$0x860] =	vst.add.f32.msk $0xffff, v7  }
0xdc: {  	[tilespmem:s19+$0x870] =	vst.add.f32.msk $0xffff, v8  }
0xdd: {  	[tilespmem:s19+$0x1000] =	vst.add.f32.msk $0xffff, v1  }
0xde: {  	[tilespmem:s19+$0x1010] =	vst.add.f32.msk $0xffff, v2  }
0xdf: {  	[tilespmem:s19+$0x1020] =	vst.add.f32.msk $0xffff, v3  }
0xe0: {  	[tilespmem:s19+$0x1030] =	vst.add.f32.msk $0xffff, v4  }
0xe1: {  	[tilespmem:s19+$0x1040] =	vst.add.f32.msk $0xffff, v5  }
0xe2: {  	[tilespmem:s19+$0x1050] =	vst.add.f32.msk $0xffff, v6  }
0xe3: {  	[tilespmem:s19+$0x1060] =	vst.add.f32.msk $0xffff, v7  }
0xe4: {  	[tilespmem:s19+$0x1070] =	vst.add.f32.msk $0xffff, v8  }
0xe5: {  	[tilespmem:s19+$0x1800] =	vst.add.f32.msk $0xffff, v1  }
0xe6: {  	[tilespmem:s19+$0x1810] =	vst.add.f32.msk $0xffff, v2  }
0xe7: {  	[tilespmem:s19+$0x1820] =	vst.add.f32.msk $0xffff, v3  }
0xe8: {  	[tilespmem:s19+$0x1830] =	vst.add.f32.msk $0xffff, v4  }
0xe9: {  	[tilespmem:s19+$0x1840] =	vst.add.f32.msk $0xffff, v5  }
0xea: {  	[tilespmem:s19+$0x1850] =	vst.add.f32.msk $0xffff, v6  }
0xeb: {  	[tilespmem:s19+$0x1860] =	vst.add.f32.msk $0xffff, v7  }
0xec: {  	[tilespmem:s19+$0x1870] =	vst.add.f32.msk $0xffff, v8  }
0xed: {  	v1 =	vld.idx.msk [tilespmem:v0+s20+$0x100 ss:$0x1], $0xffff  }
0xee: {  	v2 =	vld.idx.msk [tilespmem:v0+s20+$0x110 ss:$0x1], $0xffff  }
0xef: {  	v3 =	vld.idx.msk [tilespmem:v0+s20+$0x120 ss:$0x1], $0xffff  }
0xf0: {  	v4 =	vld.idx.msk [tilespmem:v0+s20+$0x130 ss:$0x1], $0xffff  }
0xf1: {  	v5 =	vld.idx.msk [tilespmem:v0+s20+$0x140 ss:$0x1], $0xffff  }
0xf2: {  	v6 =	vld.idx.msk [tilespmem:v0+s20+$0x150 ss:$0x1], $0xffff  }
0xf3: {  	v7 =	vld.idx.msk [tilespmem:v0+s20+$0x160 ss:$0x1], $0xffff  }
0xf4: {  	v8 =	vld.idx.msk [tilespmem:v0+s20+$0x170 ss:$0x1], $0xffff  }
0xf5: {  	[tilespmem:s19+$0x100] =	vst.add.f32.msk $0xffff, v1  }
0xf6: {  	[tilespmem:s19+$0x110] =	vst.add.f32.msk $0xffff, v2  }
0xf7: {  	[tilespmem:s19+$0x120] =	vst.add.f32.msk $0xffff, v3  }
0xf8: {  	[tilespmem:s19+$0x130] =	vst.add.f32.msk $0xffff, v4  }
0xf9: {  	[tilespmem:s19+$0x140] =	vst.add.f32.msk $0xffff, v5  }
0xfa: {  	[tilespmem:s19+$0x150] =	vst.add.f32.msk $0xffff, v6  }
0xfb: {  	[tilespmem:s19+$0x160] =	vst.add.f32.msk $0xffff, v7  }
0xfc: {  	[tilespmem:s19+$0x170] =	vst.add.f32.msk $0xffff, v8  }
0xfd: {  	[tilespmem:s19+$0x900] =	vst.add.f32.msk $0xffff, v1  }
0xfe: {  	[tilespmem:s19+$0x910] =	vst.add.f32.msk $0xffff, v2  }
0xff: {  	[tilespmem:s19+$0x920] =	vst.add.f32.msk $0xffff, v3  }
0x100: {  	[tilespmem:s19+$0x930] =	vst.add.f32.msk $0xffff, v4  }
0x101: {  	[tilespmem:s19+$0x940] =	vst.add.f32.msk $0xffff, v5  }
0x102: {  	[tilespmem:s19+$0x950] =	vst.add.f32.msk $0xffff, v6  }
0x103: {  	[tilespmem:s19+$0x960] =	vst.add.f32.msk $0xffff, v7  }
0x104: {  	[tilespmem:s19+$0x970] =	vst.add.f32.msk $0xffff, v8  }
0x105: {  	[tilespmem:s19+$0x1100] =	vst.add.f32.msk $0xffff, v1  }
0x106: {  	[tilespmem:s19+$0x1110] =	vst.add.f32.msk $0xffff, v2  }
0x107: {  	[tilespmem:s19+$0x1120] =	vst.add.f32.msk $0xffff, v3  }
0x108: {  	[tilespmem:s19+$0x1130] =	vst.add.f32.msk $0xffff, v4  }
0x109: {  	[tilespmem:s19+$0x1140] =	vst.add.f32.msk $0xffff, v5  }
0x10a: {  	[tilespmem:s19+$0x1150] =	vst.add.f32.msk $0xffff, v6  }
0x10b: {  	[tilespmem:s19+$0x1160] =	vst.add.f32.msk $0xffff, v7  }
0x10c: {  	[tilespmem:s19+$0x1170] =	vst.add.f32.msk $0xffff, v8  }
0x10d: {  	[tilespmem:s19+$0x1900] =	vst.add.f32.msk $0xffff, v1  }
0x10e: {  	[tilespmem:s19+$0x1910] =	vst.add.f32.msk $0xffff, v2  }
0x10f: {  	[tilespmem:s19+$0x1920] =	vst.add.f32.msk $0xffff, v3  }
0x110: {  	[tilespmem:s19+$0x1930] =	vst.add.f32.msk $0xffff, v4  }
0x111: {  	[tilespmem:s19+$0x1940] =	vst.add.f32.msk $0xffff, v5  }
0x112: {  	[tilespmem:s19+$0x1950] =	vst.add.f32.msk $0xffff, v6  }
0x113: {  	[tilespmem:s19+$0x1960] =	vst.add.f32.msk $0xffff, v7  }
0x114: {  	[tilespmem:s19+$0x1970] =	vst.add.f32.msk $0xffff, v8  }
0x115: {  	v1 =	vld.idx.msk [tilespmem:v0+s20+$0x200 ss:$0x1], $0xffff  }
0x116: {  	v2 =	vld.idx.msk [tilespmem:v0+s20+$0x210 ss:$0x1], $0xffff  }
0x117: {  	v3 =	vld.idx.msk [tilespmem:v0+s20+$0x220 ss:$0x1], $0xffff  }
0x118: {  	v4 =	vld.idx.msk [tilespmem:v0+s20+$0x230 ss:$0x1], $0xffff  }
0x119: {  	v5 =	vld.idx.msk [tilespmem:v0+s20+$0x240 ss:$0x1], $0xffff  }
0x11a: {  	v6 =	vld.idx.msk [tilespmem:v0+s20+$0x250 ss:$0x1], $0xffff  }
0x11b: {  	v7 =	vld.idx.msk [tilespmem:v0+s20+$0x260 ss:$0x1], $0xffff  }
0x11c: {  	v8 =	vld.idx.msk [tilespmem:v0+s20+$0x270 ss:$0x1], $0xffff  }
0x11d: {  	[tilespmem:s19+$0x200] =	vst.add.f32.msk $0xffff, v1  }
0x11e: {  	[tilespmem:s19+$0x210] =	vst.add.f32.msk $0xffff, v2  }
0x11f: {  	[tilespmem:s19+$0x220] =	vst.add.f32.msk $0xffff, v3  }
0x120: {  	[tilespmem:s19+$0x230] =	vst.add.f32.msk $0xffff, v4  }
0x121: {  	[tilespmem:s19+$0x240] =	vst.add.f32.msk $0xffff, v5  }
0x122: {  	[tilespmem:s19+$0x250] =	vst.add.f32.msk $0xffff, v6  }
0x123: {  	[tilespmem:s19+$0x260] =	vst.add.f32.msk $0xffff, v7  }
0x124: {  	[tilespmem:s19+$0x270] =	vst.add.f32.msk $0xffff, v8  }
0x125: {  	[tilespmem:s19+$0xA00] =	vst.add.f32.msk $0xffff, v1  }
0x126: {  	[tilespmem:s19+$0xA10] =	vst.add.f32.msk $0xffff, v2  }
0x127: {  	[tilespmem:s19+$0xA20] =	vst.add.f32.msk $0xffff, v3  }
0x128: {  	[tilespmem:s19+$0xA30] =	vst.add.f32.msk $0xffff, v4  }
0x129: {  	[tilespmem:s19+$0xA40] =	vst.add.f32.msk $0xffff, v5  }
0x12a: {  	[tilespmem:s19+$0xA50] =	vst.add.f32.msk $0xffff, v6  }
0x12b: {  	[tilespmem:s19+$0xA60] =	vst.add.f32.msk $0xffff, v7  }
0x12c: {  	[tilespmem:s19+$0xA70] =	vst.add.f32.msk $0xffff, v8  }
0x12d: {  	[tilespmem:s19+$0x1200] =	vst.add.f32.msk $0xffff, v1  }
0x12e: {  	[tilespmem:s19+$0x1210] =	vst.add.f32.msk $0xffff, v2  }
0x12f: {  	[tilespmem:s19+$0x1220] =	vst.add.f32.msk $0xffff, v3  }
0x130: {  	[tilespmem:s19+$0x1230] =	vst.add.f32.msk $0xffff, v4  }
0x131: {  	[tilespmem:s19+$0x1240] =	vst.add.f32.msk $0xffff, v5  }
0x132: {  	[tilespmem:s19+$0x1250] =	vst.add.f32.msk $0xffff, v6  }
0x133: {  	[tilespmem:s19+$0x1260] =	vst.add.f32.msk $0xffff, v7  }
0x134: {  	[tilespmem:s19+$0x1270] =	vst.add.f32.msk $0xffff, v8  }
0x135: {  	[tilespmem:s19+$0x1A00] =	vst.add.f32.msk $0xffff, v1  }
0x136: {  	[tilespmem:s19+$0x1A10] =	vst.add.f32.msk $0xffff, v2  }
0x137: {  	[tilespmem:s19+$0x1A20] =	vst.add.f32.msk $0xffff, v3  }
0x138: {  	[tilespmem:s19+$0x1A30] =	vst.add.f32.msk $0xffff, v4  }
0x139: {  	[tilespmem:s19+$0x1A40] =	vst.add.f32.msk $0xffff, v5  }
0x13a: {  	[tilespmem:s19+$0x1A50] =	vst.add.f32.msk $0xffff, v6  }
0x13b: {  	[tilespmem:s19+$0x1A60] =	vst.add.f32.msk $0xffff, v7  }
0x13c: {  	[tilespmem:s19+$0x1A70] =	vst.add.f32.msk $0xffff, v8  }
0x13d: {  	v1 =	vld.idx.msk [tilespmem:v0+s20+$0x300 ss:$0x1], $0xffff  }
0x13e: {  	v2 =	vld.idx.msk [tilespmem:v0+s20+$0x310 ss:$0x1], $0xffff  }
0x13f: {  	v3 =	vld.idx.msk [tilespmem:v0+s20+$0x320 ss:$0x1], $0xffff  }
0x140: {  	v4 =	vld.idx.msk [tilespmem:v0+s20+$0x330 ss:$0x1], $0xffff  }
0x141: {  	v5 =	vld.idx.msk [tilespmem:v0+s20+$0x340 ss:$0x1], $0xffff  }
0x142: {  	v6 =	vld.idx.msk [tilespmem:v0+s20+$0x350 ss:$0x1], $0xffff  }
0x143: {  	v7 =	vld.idx.msk [tilespmem:v0+s20+$0x360 ss:$0x1], $0xffff  }
0x144: {  	v8 =	vld.idx.msk [tilespmem:v0+s20+$0x370 ss:$0x1], $0xffff  }
0x145: {  	[tilespmem:s19+$0x300] =	vst.add.f32.msk $0xffff, v1  }
0x146: {  	[tilespmem:s19+$0x310] =	vst.add.f32.msk $0xffff, v2  }
0x147: {  	[tilespmem:s19+$0x320] =	vst.add.f32.msk $0xffff, v3  }
0x148: {  	[tilespmem:s19+$0x330] =	vst.add.f32.msk $0xffff, v4  }
0x149: {  	[tilespmem:s19+$0x340] =	vst.add.f32.msk $0xffff, v5  }
0x14a: {  	[tilespmem:s19+$0x350] =	vst.add.f32.msk $0xffff, v6  }
0x14b: {  	[tilespmem:s19+$0x360] =	vst.add.f32.msk $0xffff, v7  }
0x14c: {  	[tilespmem:s19+$0x370] =	vst.add.f32.msk $0xffff, v8  }
0x14d: {  	[tilespmem:s19+$0xB00] =	vst.add.f32.msk $0xffff, v1  }
0x14e: {  	[tilespmem:s19+$0xB10] =	vst.add.f32.msk $0xffff, v2  }
0x14f: {  	[tilespmem:s19+$0xB20] =	vst.add.f32.msk $0xffff, v3  }
0x150: {  	[tilespmem:s19+$0xB30] =	vst.add.f32.msk $0xffff, v4  }
0x151: {  	[tilespmem:s19+$0xB40] =	vst.add.f32.msk $0xffff, v5  }
0x152: {  	[tilespmem:s19+$0xB50] =	vst.add.f32.msk $0xffff, v6  }
0x153: {  	[tilespmem:s19+$0xB60] =	vst.add.f32.msk $0xffff, v7  }
0x154: {  	[tilespmem:s19+$0xB70] =	vst.add.f32.msk $0xffff, v8  }
0x155: {  	[tilespmem:s19+$0x1300] =	vst.add.f32.msk $0xffff, v1  }
0x156: {  	[tilespmem:s19+$0x1310] =	vst.add.f32.msk $0xffff, v2  }
0x157: {  	[tilespmem:s19+$0x1320] =	vst.add.f32.msk $0xffff, v3  }
0x158: {  	[tilespmem:s19+$0x1330] =	vst.add.f32.msk $0xffff, v4  }
0x159: {  	[tilespmem:s19+$0x1340] =	vst.add.f32.msk $0xffff, v5  }
0x15a: {  	[tilespmem:s19+$0x1350] =	vst.add.f32.msk $0xffff, v6  }
0x15b: {  	[tilespmem:s19+$0x1360] =	vst.add.f32.msk $0xffff, v7  }
0x15c: {  	[tilespmem:s19+$0x1370] =	vst.add.f32.msk $0xffff, v8  }
0x15d: {  	[tilespmem:s19+$0x1B00] =	vst.add.f32.msk $0xffff, v1  }
0x15e: {  	[tilespmem:s19+$0x1B10] =	vst.add.f32.msk $0xffff, v2  }
0x15f: {  	[tilespmem:s19+$0x1B20] =	vst.add.f32.msk $0xffff, v3  }
0x160: {  	[tilespmem:s19+$0x1B30] =	vst.add.f32.msk $0xffff, v4  }
0x161: {  	[tilespmem:s19+$0x1B40] =	vst.add.f32.msk $0xffff, v5  }
0x162: {  	[tilespmem:s19+$0x1B50] =	vst.add.f32.msk $0xffff, v6  }
0x163: {  	[tilespmem:s19+$0x1B60] =	vst.add.f32.msk $0xffff, v7  }
0x164: {  	[tilespmem:s19+$0x1B70] =	vst.add.f32.msk $0xffff, v8  }
0x165: {  	v1 =	vld.idx.msk [tilespmem:v0+s20+$0x400 ss:$0x1], $0xffff  }
0x166: {  	v2 =	vld.idx.msk [tilespmem:v0+s20+$0x410 ss:$0x1], $0xffff  }
0x167: {  	v3 =	vld.idx.msk [tilespmem:v0+s20+$0x420 ss:$0x1], $0xffff  }
0x168: {  	v4 =	vld.idx.msk [tilespmem:v0+s20+$0x430 ss:$0x1], $0xffff  }
0x169: {  	v5 =	vld.idx.msk [tilespmem:v0+s20+$0x440 ss:$0x1], $0xffff  }
0x16a: {  	v6 =	vld.idx.msk [tilespmem:v0+s20+$0x450 ss:$0x1], $0xffff  }
0x16b: {  	v7 =	vld.idx.msk [tilespmem:v0+s20+$0x460 ss:$0x1], $0xffff  }
0x16c: {  	v8 =	vld.idx.msk [tilespmem:v0+s20+$0x470 ss:$0x1], $0xffff  }
0x16d: {  	[tilespmem:s19+$0x400] =	vst.add.f32.msk $0xffff, v1  }
0x16e: {  	[tilespmem:s19+$0x410] =	vst.add.f32.msk $0xffff, v2  }
0x16f: {  	[tilespmem:s19+$0x420] =	vst.add.f32.msk $0xffff, v3  }
0x170: {  	[tilespmem:s19+$0x430] =	vst.add.f32.msk $0xffff, v4  }
0x171: {  	[tilespmem:s19+$0x440] =	vst.add.f32.msk $0xffff, v5  }
0x172: {  	[tilespmem:s19+$0x450] =	vst.add.f32.msk $0xffff, v6  }
0x173: {  	[tilespmem:s19+$0x460] =	vst.add.f32.msk $0xffff, v7  }
0x174: {  	[tilespmem:s19+$0x470] =	vst.add.f32.msk $0xffff, v8  }
0x175: {  	[tilespmem:s19+$0xC00] =	vst.add.f32.msk $0xffff, v1  }
0x176: {  	[tilespmem:s19+$0xC10] =	vst.add.f32.msk $0xffff, v2  }
0x177: {  	[tilespmem:s19+$0xC20] =	vst.add.f32.msk $0xffff, v3  }
0x178: {  	[tilespmem:s19+$0xC30] =	vst.add.f32.msk $0xffff, v4  }
0x179: {  	[tilespmem:s19+$0xC40] =	vst.add.f32.msk $0xffff, v5  }
0x17a: {  	[tilespmem:s19+$0xC50] =	vst.add.f32.msk $0xffff, v6  }
0x17b: {  	[tilespmem:s19+$0xC60] =	vst.add.f32.msk $0xffff, v7  }
0x17c: {  	[tilespmem:s19+$0xC70] =	vst.add.f32.msk $0xffff, v8  }
0x17d: {  	[tilespmem:s19+$0x1400] =	vst.add.f32.msk $0xffff, v1  }
0x17e: {  	[tilespmem:s19+$0x1410] =	vst.add.f32.msk $0xffff, v2  }
0x17f: {  	[tilespmem:s19+$0x1420] =	vst.add.f32.msk $0xffff, v3  }
0x180: {  	[tilespmem:s19+$0x1430] =	vst.add.f32.msk $0xffff, v4  }
0x181: {  	[tilespmem:s19+$0x1440] =	vst.add.f32.msk $0xffff, v5  }
0x182: {  	[tilespmem:s19+$0x1450] =	vst.add.f32.msk $0xffff, v6  }
0x183: {  	[tilespmem:s19+$0x1460] =	vst.add.f32.msk $0xffff, v7  }
0x184: {  	[tilespmem:s19+$0x1470] =	vst.add.f32.msk $0xffff, v8  }
0x185: {  	[tilespmem:s19+$0x1C00] =	vst.add.f32.msk $0xffff, v1  }
0x186: {  	[tilespmem:s19+$0x1C10] =	vst.add.f32.msk $0xffff, v2  }
0x187: {  	[tilespmem:s19+$0x1C20] =	vst.add.f32.msk $0xffff, v3  }
0x188: {  	[tilespmem:s19+$0x1C30] =	vst.add.f32.msk $0xffff, v4  }
0x189: {  	[tilespmem:s19+$0x1C40] =	vst.add.f32.msk $0xffff, v5  }
0x18a: {  	[tilespmem:s19+$0x1C50] =	vst.add.f32.msk $0xffff, v6  }
0x18b: {  	[tilespmem:s19+$0x1C60] =	vst.add.f32.msk $0xffff, v7  }
0x18c: {  	[tilespmem:s19+$0x1C70] =	vst.add.f32.msk $0xffff, v8  }
0x18d: {  	v1 =	vld.idx.msk [tilespmem:v0+s20+$0x500 ss:$0x1], $0xffff  }
0x18e: {  	v2 =	vld.idx.msk [tilespmem:v0+s20+$0x510 ss:$0x1], $0xffff  }
0x18f: {  	v3 =	vld.idx.msk [tilespmem:v0+s20+$0x520 ss:$0x1], $0xffff  }
0x190: {  	v4 =	vld.idx.msk [tilespmem:v0+s20+$0x530 ss:$0x1], $0xffff  }
0x191: {  	v5 =	vld.idx.msk [tilespmem:v0+s20+$0x540 ss:$0x1], $0xffff  }
0x192: {  	v6 =	vld.idx.msk [tilespmem:v0+s20+$0x550 ss:$0x1], $0xffff  }
0x193: {  	v7 =	vld.idx.msk [tilespmem:v0+s20+$0x560 ss:$0x1], $0xffff  }
0x194: {  	v8 =	vld.idx.msk [tilespmem:v0+s20+$0x570 ss:$0x1], $0xffff  }
0x195: {  	[tilespmem:s19+$0x500] =	vst.add.f32.msk $0xffff, v1  }
0x196: {  	[tilespmem:s19+$0x510] =	vst.add.f32.msk $0xffff, v2  }
0x197: {  	[tilespmem:s19+$0x520] =	vst.add.f32.msk $0xffff, v3  }
0x198: {  	[tilespmem:s19+$0x530] =	vst.add.f32.msk $0xffff, v4  }
0x199: {  	[tilespmem:s19+$0x540] =	vst.add.f32.msk $0xffff, v5  }
0x19a: {  	[tilespmem:s19+$0x550] =	vst.add.f32.msk $0xffff, v6  }
0x19b: {  	[tilespmem:s19+$0x560] =	vst.add.f32.msk $0xffff, v7  }
0x19c: {  	[tilespmem:s19+$0x570] =	vst.add.f32.msk $0xffff, v8  }
0x19d: {  	[tilespmem:s19+$0xD00] =	vst.add.f32.msk $0xffff, v1  }
0x19e: {  	[tilespmem:s19+$0xD10] =	vst.add.f32.msk $0xffff, v2  }
0x19f: {  	[tilespmem:s19+$0xD20] =	vst.add.f32.msk $0xffff, v3  }
0x1a0: {  	[tilespmem:s19+$0xD30] =	vst.add.f32.msk $0xffff, v4  }
0x1a1: {  	[tilespmem:s19+$0xD40] =	vst.add.f32.msk $0xffff, v5  }
0x1a2: {  	[tilespmem:s19+$0xD50] =	vst.add.f32.msk $0xffff, v6  }
0x1a3: {  	[tilespmem:s19+$0xD60] =	vst.add.f32.msk $0xffff, v7  }
0x1a4: {  	[tilespmem:s19+$0xD70] =	vst.add.f32.msk $0xffff, v8  }
0x1a5: {  	[tilespmem:s19+$0x1500] =	vst.add.f32.msk $0xffff, v1  }
0x1a6: {  	[tilespmem:s19+$0x1510] =	vst.add.f32.msk $0xffff, v2  }
0x1a7: {  	[tilespmem:s19+$0x1520] =	vst.add.f32.msk $0xffff, v3  }
0x1a8: {  	[tilespmem:s19+$0x1530] =	vst.add.f32.msk $0xffff, v4  }
0x1a9: {  	[tilespmem:s19+$0x1540] =	vst.add.f32.msk $0xffff, v5  }
0x1aa: {  	[tilespmem:s19+$0x1550] =	vst.add.f32.msk $0xffff, v6  }
0x1ab: {  	[tilespmem:s19+$0x1560] =	vst.add.f32.msk $0xffff, v7  }
0x1ac: {  	[tilespmem:s19+$0x1570] =	vst.add.f32.msk $0xffff, v8  }
0x1ad: {  	[tilespmem:s19+$0x1D00] =	vst.add.f32.msk $0xffff, v1  }
0x1ae: {  	[tilespmem:s19+$0x1D10] =	vst.add.f32.msk $0xffff, v2  }
0x1af: {  	[tilespmem:s19+$0x1D20] =	vst.add.f32.msk $0xffff, v3  }
0x1b0: {  	[tilespmem:s19+$0x1D30] =	vst.add.f32.msk $0xffff, v4  }
0x1b1: {  	[tilespmem:s19+$0x1D40] =	vst.add.f32.msk $0xffff, v5  }
0x1b2: {  	[tilespmem:s19+$0x1D50] =	vst.add.f32.msk $0xffff, v6  }
0x1b3: {  	[tilespmem:s19+$0x1D60] =	vst.add.f32.msk $0xffff, v7  }
0x1b4: {  	[tilespmem:s19+$0x1D70] =	vst.add.f32.msk $0xffff, v8  }
0x1b5: {  	v1 =	vld.idx.msk [tilespmem:v0+s20+$0x600 ss:$0x1], $0xffff  }
0x1b6: {  	v2 =	vld.idx.msk [tilespmem:v0+s20+$0x610 ss:$0x1], $0xffff  }
0x1b7: {  	v3 =	vld.idx.msk [tilespmem:v0+s20+$0x620 ss:$0x1], $0xffff  }
0x1b8: {  	v4 =	vld.idx.msk [tilespmem:v0+s20+$0x630 ss:$0x1], $0xffff  }
0x1b9: {  	v5 =	vld.idx.msk [tilespmem:v0+s20+$0x640 ss:$0x1], $0xffff  }
0x1ba: {  	v6 =	vld.idx.msk [tilespmem:v0+s20+$0x650 ss:$0x1], $0xffff  }
0x1bb: {  	v7 =	vld.idx.msk [tilespmem:v0+s20+$0x660 ss:$0x1], $0xffff  }
0x1bc: {  	v8 =	vld.idx.msk [tilespmem:v0+s20+$0x670 ss:$0x1], $0xffff  }
0x1bd: {  	[tilespmem:s19+$0x600] =	vst.add.f32.msk $0xffff, v1  }
0x1be: {  	[tilespmem:s19+$0x610] =	vst.add.f32.msk $0xffff, v2  }
0x1bf: {  	[tilespmem:s19+$0x620] =	vst.add.f32.msk $0xffff, v3  }
0x1c0: {  	[tilespmem:s19+$0x630] =	vst.add.f32.msk $0xffff, v4  }
0x1c1: {  	[tilespmem:s19+$0x640] =	vst.add.f32.msk $0xffff, v5  }
0x1c2: {  	[tilespmem:s19+$0x650] =	vst.add.f32.msk $0xffff, v6  }
0x1c3: {  	[tilespmem:s19+$0x660] =	vst.add.f32.msk $0xffff, v7  }
0x1c4: {  	[tilespmem:s19+$0x670] =	vst.add.f32.msk $0xffff, v8  }
0x1c5: {  	[tilespmem:s19+$0xE00] =	vst.add.f32.msk $0xffff, v1  }
0x1c6: {  	[tilespmem:s19+$0xE10] =	vst.add.f32.msk $0xffff, v2  }
0x1c7: {  	[tilespmem:s19+$0xE20] =	vst.add.f32.msk $0xffff, v3  }
0x1c8: {  	[tilespmem:s19+$0xE30] =	vst.add.f32.msk $0xffff, v4  }
0x1c9: {  	[tilespmem:s19+$0xE40] =	vst.add.f32.msk $0xffff, v5  }
0x1ca: {  	[tilespmem:s19+$0xE50] =	vst.add.f32.msk $0xffff, v6  }
0x1cb: {  	[tilespmem:s19+$0xE60] =	vst.add.f32.msk $0xffff, v7  }
0x1cc: {  	[tilespmem:s19+$0xE70] =	vst.add.f32.msk $0xffff, v8  }
0x1cd: {  	[tilespmem:s19+$0x1600] =	vst.add.f32.msk $0xffff, v1  }
0x1ce: {  	[tilespmem:s19+$0x1610] =	vst.add.f32.msk $0xffff, v2  }
0x1cf: {  	[tilespmem:s19+$0x1620] =	vst.add.f32.msk $0xffff, v3  }
0x1d0: {  	[tilespmem:s19+$0x1630] =	vst.add.f32.msk $0xffff, v4  }
0x1d1: {  	[tilespmem:s19+$0x1640] =	vst.add.f32.msk $0xffff, v5  }
0x1d2: {  	[tilespmem:s19+$0x1650] =	vst.add.f32.msk $0xffff, v6  }
0x1d3: {  	[tilespmem:s19+$0x1660] =	vst.add.f32.msk $0xffff, v7  }
0x1d4: {  	[tilespmem:s19+$0x1670] =	vst.add.f32.msk $0xffff, v8  }
0x1d5: {  	[tilespmem:s19+$0x1E00] =	vst.add.f32.msk $0xffff, v1  }
0x1d6: {  	[tilespmem:s19+$0x1E10] =	vst.add.f32.msk $0xffff, v2  }
0x1d7: {  	[tilespmem:s19+$0x1E20] =	vst.add.f32.msk $0xffff, v3  }
0x1d8: {  	[tilespmem:s19+$0x1E30] =	vst.add.f32.msk $0xffff, v4  }
0x1d9: {  	[tilespmem:s19+$0x1E40] =	vst.add.f32.msk $0xffff, v5  }
0x1da: {  	[tilespmem:s19+$0x1E50] =	vst.add.f32.msk $0xffff, v6  }
0x1db: {  	[tilespmem:s19+$0x1E60] =	vst.add.f32.msk $0xffff, v7  }
0x1dc: {  	[tilespmem:s19+$0x1E70] =	vst.add.f32.msk $0xffff, v8  }
0x1dd: {  	v1 =	vld.idx.msk [tilespmem:v0+s20+$0x700 ss:$0x1], $0xffff  }
0x1de: {  	v2 =	vld.idx.msk [tilespmem:v0+s20+$0x710 ss:$0x1], $0xffff  }
0x1df: {  	v3 =	vld.idx.msk [tilespmem:v0+s20+$0x720 ss:$0x1], $0xffff  }
0x1e0: {  	v4 =	vld.idx.msk [tilespmem:v0+s20+$0x730 ss:$0x1], $0xffff  }
0x1e1: {  	v5 =	vld.idx.msk [tilespmem:v0+s20+$0x740 ss:$0x1], $0xffff  }
0x1e2: {  	v6 =	vld.idx.msk [tilespmem:v0+s20+$0x750 ss:$0x1], $0xffff  }
0x1e3: {  	v7 =	vld.idx.msk [tilespmem:v0+s20+$0x760 ss:$0x1], $0xffff  }
0x1e4: {  	v8 =	vld.idx.msk [tilespmem:v0+s20+$0x770 ss:$0x1], $0xffff  }
0x1e5: {  	[tilespmem:s19+$0x700] =	vst.add.f32.msk $0xffff, v1  }
0x1e6: {  	[tilespmem:s19+$0x710] =	vst.add.f32.msk $0xffff, v2  }
0x1e7: {  	[tilespmem:s19+$0x720] =	vst.add.f32.msk $0xffff, v3  }
0x1e8: {  	[tilespmem:s19+$0x730] =	vst.add.f32.msk $0xffff, v4  }
0x1e9: {  	[tilespmem:s19+$0x740] =	vst.add.f32.msk $0xffff, v5  }
0x1ea: {  	[tilespmem:s19+$0x750] =	vst.add.f32.msk $0xffff, v6  }
0x1eb: {  	[tilespmem:s19+$0x760] =	vst.add.f32.msk $0xffff, v7  }
0x1ec: {  	[tilespmem:s19+$0x770] =	vst.add.f32.msk $0xffff, v8  }
0x1ed: {  	[tilespmem:s19+$0xF00] =	vst.add.f32.msk $0xffff, v1  }
0x1ee: {  	[tilespmem:s19+$0xF10] =	vst.add.f32.msk $0xffff, v2  }
0x1ef: {  	[tilespmem:s19+$0xF20] =	vst.add.f32.msk $0xffff, v3  }
0x1f0: {  	[tilespmem:s19+$0xF30] =	vst.add.f32.msk $0xffff, v4  }
0x1f1: {  	[tilespmem:s19+$0xF40] =	vst.add.f32.msk $0xffff, v5  }
0x1f2: {  	[tilespmem:s19+$0xF50] =	vst.add.f32.msk $0xffff, v6  }
0x1f3: {  	[tilespmem:s19+$0xF60] =	vst.add.f32.msk $0xffff, v7  }
0x1f4: {  	[tilespmem:s19+$0xF70] =	vst.add.f32.msk $0xffff, v8  }
0x1f5: {  	[tilespmem:s19+$0x1700] =	vst.add.f32.msk $0xffff, v1  }
0x1f6: {  	[tilespmem:s19+$0x1710] =	vst.add.f32.msk $0xffff, v2  }
0x1f7: {  	[tilespmem:s19+$0x1720] =	vst.add.f32.msk $0xffff, v3  }
0x1f8: {  	[tilespmem:s19+$0x1730] =	vst.add.f32.msk $0xffff, v4  }
0x1f9: {  	[tilespmem:s19+$0x1740] =	vst.add.f32.msk $0xffff, v5  }
0x1fa: {  	[tilespmem:s19+$0x1750] =	vst.add.f32.msk $0xffff, v6  }
0x1fb: {  	[tilespmem:s19+$0x1760] =	vst.add.f32.msk $0xffff, v7  }
0x1fc: {  	[tilespmem:s19+$0x1770] =	vst.add.f32.msk $0xffff, v8  }
0x1fd: {  	[tilespmem:s19+$0x1F00] =	vst.add.f32.msk $0xffff, v1  }
0x1fe: {  	[tilespmem:s19+$0x1F10] =	vst.add.f32.msk $0xffff, v2  }
0x1ff: {  	p1 =	por p0, p0;
	[tilespmem:s19+$0x1F20] =	vst.add.f32.msk $0xffff, v3  }
.Ltmp4:
0x200: {  	[tilespmem:s19+$0x1F30] =	vst.add.f32.msk $0xffff, v4;
	(pc) =	sbr.rel @p1 .LBB2_3-.Ltmp4, $4  }
0x201: {  	[tilespmem:s19+$0x1F40] =	vst.add.f32.msk $0xffff, v5  }
0x202: {  	[tilespmem:s19+$0x1F50] =	vst.add.f32.msk $0xffff, v6  }
0x203: {  	[tilespmem:s19+$0x1F60] =	vst.add.f32.msk $0xffff, v7  }
0x204: {  	p0 =	por $0x0, $0x0;
	s20 =	simm.s32 $0x80;
	[tilespmem:s19+$0x1F70] =	vst.add.f32.msk $0xffff, v8  }
0x205: {  	s19 =	sshll.u32 s13, $0x8;
	s20 =	sshll.u32 s13, $0x5  }
0x206: {  	s10 =	sand.u32 $0x3C00, s19;
	s20 =	sand.u32 $0x60, s20  }
0x207: {  	s10 =	sor.u32 s10, s6;
	s12 =	sadd.s32 s4, s20  }
0x208: {  	s17 =	sadd.s32 $0xD, s17;
	s10 =	sadd.s32 s10, s12  }
0x209: {  	[hbm4b:s10+s22] =	stream.strided.scatter [tilespmem:s18], [sflag:s17], $0x800, s23, s22, $0x38;
	[tilespmem:$0x1A000] =	vst v63  }
0x20a: {  	p0 =	sgt.u32 s13, $0x37;
	s12 =	sadd.s32 $0x800, s18;
	s14 =	sadd.s32 $0x80000, s10  }
0x20b: {  	[hbm4b:s14+s22] =	stream.strided.scatter [tilespmem:s12], [sflag:s17], $0x800, s23, s22, $0x38;
	[tilespmem:$0x1A000] =	vst v63  }
.Ltmp5:
0x20c: {  	_ = 	snop;
	(pc) =	sbr.rel @!p0 .LBB2_5-.Ltmp5, $4  }
0x20d: {  	s12 =	sadd.s32 $0x1000, s18;
	s14 =	sadd.s32 $0x100000, s10  }
0x20e: {  	[hbm4b:s14+s22] =	stream.strided.scatter [tilespmem:s12], [sflag:s17], $0x800, s23, s22, $0x38;
	[tilespmem:$0x1A000] =	vst v63  }
0x20f: {  	s18 =	sadd.s32 $0x1800, s18;
	s10 =	sadd.s32 $0x180000, s10  }
0x210: {  	[hbm4b:s10+s22] =	stream.strided.scatter [tilespmem:s18], [sflag:s17], $0x800, s23, s22, $0x38;
	[tilespmem:$0x1A000] =	vst v63  }
0x211: {  	p0 =	sgt.u32 s13, $0x3B  }
.Ltmp6:
0x212: {  	_ = 	snop;
	(pc) =	sbr.rel @p0 .LBB2_8-.Ltmp6, $4  }
.Ltmp7:
0x213: {  	_ = 	snop;
	(pc) =	sbr.rel @!p0 .LBB2_7-.Ltmp7, $4  }
0x214: {  	_ = 	snop  }
0x215: {  	_ = 	snop  }
0x216: {  	_ = 	snop  }
0x217: {  	_ = 	snop  }
.LBB2_10:
0x218: {  	_ =	sfence.sel $0x180000  }
0x219: {  	[bflag:$0x0] =	sbarrier.arrive $0xFFFF  }
0x21a: {  	_ =	strace $0x90000047  }
0x21b: {  	s0 =	stileid.u32;
	[bflag:$0x2] =	sbarrier.arrive $0xFFFF  }
0x21c: {  	p0 =	sne.s32 s0, $0x0;
	s0 =	rddreg [dreg:$0x3]  }
0x21d: {  	s0 =	sadd.s32 @!p0 $0x100000, s0  }
0x21e: {  	[sflag:s0] =	ssyncadd.tile.s32 @!p0 $0x1;
	_ =	shalt  }
.Lfunc_end2:
_tile_overlayer_lowered:
.L_overlay_start_2:
0x21f: {  	(tag) =	ssettag $0x2  }
0x220: {  	s0 =	rddreg [dreg:$0x0];
	s2 =	stileid.u32  }
0x221: {  	s1 =	rddreg [dreg:$0x1];
	p0 =	sne.s32 s2, $0x0  }
0x222: {  	s3 =	rddreg [dreg:$0x2];
	[bflag:$0x3] =	sbarrier.arrive $0xFFFF;
	s2 =	simm.s32 @!p0 $0x1C1D  }
0x223: {  	[timem:s3], [sflag:s2] =	dma.local @!p0 [hbm:s0], s1  }
0x224: {  	s0 =	simm.s32 @!p0 $0x1D  }
0x225: {  	_ =	swait.ge @!p0 [sflag:s0], s1  }
0x226: {  	s1 =	ssub.s32 @!p0 $0x0, s1;
	[sflag:s0] =	ssyncset.done @!p0 $0x0  }
0x227: {  	[sflag:s0] =	ssyncadd.s32 @!p0 s1  }
0x228: {  	[bflag:$0x3] =	sbarrier.arrive $0xFFFF  }
0x229: {  	_ =	shalt  }

</sc_bundles>
